<compile_context>
chip_gen: v7x
topology: tpu7x:2x2x1
jax: 0.10.2.dev20260603
libtpu: 0.0.44.dev20260713+nightly
codegen_flags: <defaults>
</compile_context>

<pallas_src>
import functools

import jax
import jax.numpy as jnp
from jax import lax
from jax.experimental import pallas as pl
from jax.experimental.pallas import tpu as pltpu
from jax.experimental.pallas import tpu_sc as plsc

D = 1024
L = 16
NW = 32
B = 4
ROWS = 32768
S_LEN = 8192
S_PER_W = S_LEN // NW
K = 8
NSC = S_PER_W // K
GR = B * K
NG = 3
NPB = 2
NQ = 4
QV = D // L // NQ

_mesh = plsc.VectorSubcoreMesh(core_axis_name="c", subcore_axis_name="s")


@functools.partial(
    pl.kernel,
    mesh=_mesh,
    out_type=jax.ShapeDtypeStruct((ROWS, D), jnp.float32),
    scratch_types=[
        pltpu.VMEM((NSC, GR), jnp.int32),
        pltpu.VMEM((NG, GR, D), jnp.float32),
        pltpu.VMEM((NPB, K, D), jnp.float32),
        pltpu.SemaphoreType.DMA((NG,)),
        pltpu.SemaphoreType.DMA((NPB,)),
        pltpu.SemaphoreType.DMA((NG * B,)),
    ],
)
def _emb_kernel(idx_hbm, tok_hbm, pos_hbm, out_hbm,
                idx_v, rows_v, pos_v, sem_g, sem_p, sem_o):
    cid = lax.axis_index("c")
    sid = lax.axis_index("s")
    wid = sid * 2 + cid
    w_s0 = wid * S_PER_W

    pltpu.sync_copy(idx_hbm.at[pl.ds(wid * NSC, NSC)], idx_v)

    def gather(sc, g):
        pltpu.async_copy(tok_hbm.at[idx_v.at[sc]], rows_v.at[g], sem_g.at[g])

    def wait_gather(sc, g):
        pltpu.make_async_copy(tok_hbm.at[idx_v.at[sc]], rows_v.at[g],
                              sem_g.at[g]).wait()

    def posload(sc, slot):
        pltpu.async_copy(pos_hbm.at[pl.ds(w_s0 + sc * K, K)], pos_v.at[slot],
                         sem_p.at[slot])

    def wait_pos(sc, slot):
        pltpu.make_async_copy(pos_hbm.at[pl.ds(w_s0 + sc * K, K)],
                              pos_v.at[slot], sem_p.at[slot]).wait()

    def outwrite(sc, b, g):
        pltpu.async_copy(rows_v.at[g, pl.ds(b * K, K)],
                         out_hbm.at[pl.ds(b * S_LEN + w_s0 + sc * K, K)],
                         sem_o.at[g * B + b])

    def wait_out(sc, b, g):
        pltpu.make_async_copy(rows_v.at[g, pl.ds(b * K, K)],
                              out_hbm.at[pl.ds(b * S_LEN + w_s0 + sc * K, K)],
                              sem_o.at[g * B + b]).wait()

    gather(0, 0)
    gather(1, 1)
    posload(0, 0)

    def body(sc, carry):
        g = lax.rem(sc, NG)
        gp = lax.rem(sc, NPB)
        gt = lax.rem(sc + 2, NG)

        @pl.when((sc >= 1) & (sc < NSC - 2))
        def _():
            for b in range(B):
                wait_out(sc - 1, b, gt)
            gather(sc + 2, gt)

        @pl.when(sc == 0)
        def _():
            gather(2, gt)

        @pl.when(sc < NSC - 1)
        def _():
            posload(sc + 1, lax.rem(sc + 1, NPB))

        wait_gather(sc, g)
        wait_pos(sc, gp)

        def row_body(i, c2):
            for q in range(NQ):
                pv = [pos_v[gp, i, pl.ds((q * QV + j) * L, L)]
                      for j in range(QV)]
                for b in range(B):
                    for j in range(QV):
                        plsc.addupdate(
                            rows_v.at[g, b * K + i,
                                      pl.ds((q * QV + j) * L, L)],
                            pv[j])
            return c2

        lax.fori_loop(0, K, row_body, 0)

        for b in range(B):
            outwrite(sc, b, g)
        return carry

    lax.fori_loop(0, NSC, body, 0)

    for sc in (NSC - 3, NSC - 2, NSC - 1):
        for b in range(B):
            wait_out(sc, b, sc % NG)


def kernel(x, token_table, pos_table):
    b, s = x.shape
    idx = (x.astype(jnp.int32)
           .reshape(B, NW, NSC, K)
           .transpose(1, 2, 0, 3)
           .reshape(NW * NSC, GR))
    out = _emb_kernel(idx, token_table, pos_table)
    return out.reshape(b, s, D)

# --- scband reference (transcript-rebuilt; emitter-appended) ---
"""Pipeline reference for scband-embedding-91182155694763 (READ-ONLY COPY).

The authoritative reference and input builder live on the scoring server;
editing this copy changes nothing except your own understanding.
"""

import jax, jax.numpy as jnp
import numpy as np

VOCAB = 100000
D_MODEL = 1024
MAX_SEQ_LEN = 8192
B = 4
S = 8192

def setup_inputs(seed: int = 0) -> dict:
    key = jax.random.key(seed)
    k1, k2, k3 = jax.random.split(key, 3)
    x = jax.random.randint(k1, (B, S), 0, VOCAB, dtype=jnp.int64 if jax.config.jax_enable_x64 else jnp.int32)
    token_table = jax.random.normal(k2, (VOCAB, D_MODEL), dtype=jnp.float32) * 0.02
    pos_table = jax.random.normal(k3, (MAX_SEQ_LEN, D_MODEL), dtype=jnp.float32) * 0.02
    return {"x": x, "token_table": token_table, "pos_table": pos_table}

def reference(x, token_table, pos_table):
    # token embedding lookup: gather rows
    t_emb = jnp.take(token_table, x, axis=0)            # [B, S, D]
    # learnable positional embedding: lookup positions 0..S-1
    seq_len = x.shape[1]
    p_emb = jnp.take(pos_table, jnp.arange(seq_len), axis=0)  # [S, D]
    return t_emb + p_emb[None, :, :]

if __name__ == "__main__":
    import jax
    _d = setup_inputs()
    print(jax.jit(kernel)(*tuple(_d.values())))

</pallas_src>

<mosaic_0001>
#map = affine_map<(d0, d1) -> (0, 0)>
module attributes {stable_mosaic.version = 14 : i64} {
  func.func @_emb_kernel(%arg0: i32, %arg1: i32, %arg2: memref<1024x32xi32, #tpu.memory_space<hbm>>, %arg3: memref<100000x1024xf32, #tpu.memory_space<hbm>>, %arg4: memref<8192x1024xf32, #tpu.memory_space<hbm>>, %arg5: memref<32768x1024xf32, #tpu.memory_space<hbm>>, %arg6: memref<32x32xi32, #tpu.memory_space<vmem>>, %arg7: memref<3x32x1024xf32, #tpu.memory_space<vmem>>, %arg8: memref<2x8x1024xf32, #tpu.memory_space<vmem>>, %arg9: memref<3x!tpu.dma_semaphore, #tpu.memory_space<semaphore_mem>>, %arg10: memref<2x!tpu.dma_semaphore, #tpu.memory_space<semaphore_mem>>, %arg11: memref<12x!tpu.dma_semaphore, #tpu.memory_space<semaphore_mem>>) attributes {dimension_semantics = [#tpu.dimension_semantics<core_parallel>, #tpu.dimension_semantics<subcore_parallel>], iteration_bounds = array<i64: 2, 16>, scalar_prefetch = 0 : i64, scratch_operands = 6 : i64, tpu.core_type = #tpu.core_type<sc_vector_subcore>, window_params = [{transform_indices = #map}, {transform_indices = #map}, {transform_indices = #map}, {transform_indices = #map}]} {
    %mul3A = arith.constant 2 : i32
    %mul3A_0 = arith.muli %arg1, %mul3A : i32
    %add3A = arith.addi %mul3A_0, %arg0 : i32
    %mul3A_1 = arith.constant 256 : i32
    %mul3A_2 = arith.muli %add3A, %mul3A_1 : i32
    %mul3A_3 = arith.constant 32 : i32
    %mul3A_4 = arith.muli %add3A, %mul3A_3 : i32
    "tpu.region"() ({
      %run_scoped3A = tpu.sem_alloc : memref<!tpu.dma_semaphore, #tpu.memory_space<semaphore_mem>>
      %dma_start3A_296 = arith.constant 0 : i32
      %dma_start3A_297 = tpu.memref_slice %arg2[%mul3A_4, %dma_start3A_296] : memref<1024x32xi32, #tpu.memory_space<hbm>> -> memref<32x32xi32, #tpu.memory_space<hbm>>
      %dma_start3A_298 = arith.constant 0 : i32
      %dma_start3A_299 = tpu.memref_slice %arg2[%mul3A_4, %dma_start3A_298] : memref<1024x32xi32, #tpu.memory_space<hbm>> -> memref<32x32xi32, #tpu.memory_space<hbm>>
      tpu.enqueue_dma source(%dma_start3A_299 : memref<32x32xi32, #tpu.memory_space<hbm>>) target(%arg6 : memref<32x32xi32, #tpu.memory_space<vmem>>) target_semaphore(%run_scoped3A : memref<!tpu.dma_semaphore, #tpu.memory_space<semaphore_mem>>)
      %dma_wait3A_300 = arith.constant 0 : i32
      %dma_wait3A_301 = tpu.memref_slice %arg2[%mul3A_4, %dma_wait3A_300] : memref<1024x32xi32, #tpu.memory_space<hbm>> -> memref<32x32xi32, #tpu.memory_space<hbm>>
      %dma_wait3A_302 = arith.constant 0 : i32
      %dma_wait3A_303 = tpu.memref_slice %arg2[%mul3A_4, %dma_wait3A_302] : memref<1024x32xi32, #tpu.memory_space<hbm>> -> memref<32x32xi32, #tpu.memory_space<hbm>>
      tpu.wait_dma2 semaphore(%run_scoped3A : memref<!tpu.dma_semaphore, #tpu.memory_space<semaphore_mem>>) src(%dma_wait3A_303 : memref<32x32xi32, #tpu.memory_space<hbm>>) dst(%arg6 : memref<32x32xi32, #tpu.memory_space<vmem>>)
      tpu.yield
    }) : () -> ()
    %dma_start3A = arith.constant 0 : i32
    %dma_start3A_5 = arith.constant 0 : i32
    %dma_start3A_6 = arith.constant 0 : i32
    %dma_start3A_7 = arith.constant 0 : i32
    %dma_start3A_8 = arith.constant 0 : i32
    %dma_start3A_9 = tpu.memref_slice %arg7[%dma_start3A_5, %dma_start3A_7, %dma_start3A_8] : memref<3x32x1024xf32, #tpu.memory_space<vmem>> -> memref<1x32x1024xf32, #tpu.memory_space<vmem>>
    %dma_start3A_10 = tpu.memref_squeeze %dma_start3A_9 : memref<1x32x1024xf32, #tpu.memory_space<vmem>> -> memref<32x1024xf32, #tpu.memory_space<vmem>>
    %dma_start3A_11 = arith.constant 0 : i32
    %dma_start3A_12 = tpu.memref_slice %arg6[%dma_start3A, %dma_start3A_11] : memref<32x32xi32, #tpu.memory_space<vmem>> -> memref<1x32xi32, #tpu.memory_space<vmem>>
    %dma_start3A_13 = tpu.memref_squeeze %dma_start3A_12 : memref<1x32xi32, #tpu.memory_space<vmem>> -> memref<32xi32, #tpu.memory_space<vmem>>
    %dma_start3A_14 = arith.constant 0 : i32
    %dma_start3A_15 = arith.constant 0 : i32
    %dma_start3A_16 = tpu.memref_slice %arg3[%dma_start3A_14, %dma_start3A_15] : memref<100000x1024xf32, #tpu.memory_space<hbm>> -> memref<100000x1024xf32, #tpu.memory_space<hbm>>
    %dma_start3A_17 = tpu.memref_slice %arg9[%dma_start3A_6] : memref<3x!tpu.dma_semaphore, #tpu.memory_space<semaphore_mem>> -> memref<1x!tpu.dma_semaphore, #tpu.memory_space<semaphore_mem>>
    %dma_start3A_18 = tpu.memref_squeeze %dma_start3A_17 : memref<1x!tpu.dma_semaphore, #tpu.memory_space<semaphore_mem>> -> memref<!tpu.dma_semaphore, #tpu.memory_space<semaphore_mem>>
    tpu.enqueue_indirect_dma source(%dma_start3A_16 : memref<100000x1024xf32, #tpu.memory_space<hbm>>) target(%dma_start3A_10 : memref<32x1024xf32, #tpu.memory_space<vmem>>) offsets(%dma_start3A_13 : memref<32xi32, #tpu.memory_space<vmem>>) semaphore(%dma_start3A_18 : memref<!tpu.dma_semaphore, #tpu.memory_space<semaphore_mem>>)
    %dma_start3A_19 = arith.constant 1 : i32
    %dma_start3A_20 = arith.constant 1 : i32
    %dma_start3A_21 = arith.constant 1 : i32
    %dma_start3A_22 = arith.constant 0 : i32
    %dma_start3A_23 = arith.constant 0 : i32
    %dma_start3A_24 = tpu.memref_slice %arg7[%dma_start3A_20, %dma_start3A_22, %dma_start3A_23] : memref<3x32x1024xf32, #tpu.memory_space<vmem>> -> memref<1x32x1024xf32, #tpu.memory_space<vmem>>
    %dma_start3A_25 = tpu.memref_squeeze %dma_start3A_24 : memref<1x32x1024xf32, #tpu.memory_space<vmem>> -> memref<32x1024xf32, #tpu.memory_space<vmem>>
    %dma_start3A_26 = arith.constant 0 : i32
    %dma_start3A_27 = tpu.memref_slice %arg6[%dma_start3A_19, %dma_start3A_26] : memref<32x32xi32, #tpu.memory_space<vmem>> -> memref<1x32xi32, #tpu.memory_space<vmem>>
    %dma_start3A_28 = tpu.memref_squeeze %dma_start3A_27 : memref<1x32xi32, #tpu.memory_space<vmem>> -> memref<32xi32, #tpu.memory_space<vmem>>
    %dma_start3A_29 = arith.constant 0 : i32
    %dma_start3A_30 = arith.constant 0 : i32
    %dma_start3A_31 = tpu.memref_slice %arg3[%dma_start3A_29, %dma_start3A_30] : memref<100000x1024xf32, #tpu.memory_space<hbm>> -> memref<100000x1024xf32, #tpu.memory_space<hbm>>
    %dma_start3A_32 = tpu.memref_slice %arg9[%dma_start3A_21] : memref<3x!tpu.dma_semaphore, #tpu.memory_space<semaphore_mem>> -> memref<1x!tpu.dma_semaphore, #tpu.memory_space<semaphore_mem>>
    %dma_start3A_33 = tpu.memref_squeeze %dma_start3A_32 : memref<1x!tpu.dma_semaphore, #tpu.memory_space<semaphore_mem>> -> memref<!tpu.dma_semaphore, #tpu.memory_space<semaphore_mem>>
    tpu.enqueue_indirect_dma source(%dma_start3A_31 : memref<100000x1024xf32, #tpu.memory_space<hbm>>) target(%dma_start3A_25 : memref<32x1024xf32, #tpu.memory_space<vmem>>) offsets(%dma_start3A_28 : memref<32xi32, #tpu.memory_space<vmem>>) semaphore(%dma_start3A_33 : memref<!tpu.dma_semaphore, #tpu.memory_space<semaphore_mem>>)
    %add3A_34 = arith.constant 0 : i32
    %add3A_35 = arith.addi %mul3A_2, %add3A_34 : i32
    %dma_start3A_36 = arith.constant 0 : i32
    %dma_start3A_37 = arith.constant 0 : i32
    %dma_start3A_38 = arith.constant 0 : i32
    %dma_start3A_39 = arith.constant 0 : i32
    %dma_start3A_40 = tpu.memref_slice %arg8[%dma_start3A_36, %dma_start3A_38, %dma_start3A_39] : memref<2x8x1024xf32, #tpu.memory_space<vmem>> -> memref<1x8x1024xf32, #tpu.memory_space<vmem>>
    %dma_start3A_41 = tpu.memref_squeeze %dma_start3A_40 : memref<1x8x1024xf32, #tpu.memory_space<vmem>> -> memref<8x1024xf32, #tpu.memory_space<vmem>>
    %dma_start3A_42 = arith.constant 0 : i32
    %dma_start3A_43 = tpu.memref_slice %arg4[%add3A_35, %dma_start3A_42] : memref<8192x1024xf32, #tpu.memory_space<hbm>> -> memref<8x1024xf32, #tpu.memory_space<hbm>>
    %dma_start3A_44 = tpu.memref_slice %arg10[%dma_start3A_37] : memref<2x!tpu.dma_semaphore, #tpu.memory_space<semaphore_mem>> -> memref<1x!tpu.dma_semaphore, #tpu.memory_space<semaphore_mem>>
    %dma_start3A_45 = tpu.memref_squeeze %dma_start3A_44 : memref<1x!tpu.dma_semaphore, #tpu.memory_space<semaphore_mem>> -> memref<!tpu.dma_semaphore, #tpu.memory_space<semaphore_mem>>
    %dma_start3A_46 = arith.constant 0 : i32
    %dma_start3A_47 = arith.constant 0 : i32
    %dma_start3A_48 = tpu.memref_slice %arg8[%dma_start3A_36, %dma_start3A_46, %dma_start3A_47] : memref<2x8x1024xf32, #tpu.memory_space<vmem>> -> memref<1x8x1024xf32, #tpu.memory_space<vmem>>
    %dma_start3A_49 = tpu.memref_squeeze %dma_start3A_48 : memref<1x8x1024xf32, #tpu.memory_space<vmem>> -> memref<8x1024xf32, #tpu.memory_space<vmem>>
    %dma_start3A_50 = arith.constant 0 : i32
    %dma_start3A_51 = tpu.memref_slice %arg4[%add3A_35, %dma_start3A_50] : memref<8192x1024xf32, #tpu.memory_space<hbm>> -> memref<8x1024xf32, #tpu.memory_space<hbm>>
    tpu.enqueue_dma source(%dma_start3A_51 : memref<8x1024xf32, #tpu.memory_space<hbm>>) target(%dma_start3A_49 : memref<8x1024xf32, #tpu.memory_space<vmem>>) target_semaphore(%dma_start3A_45 : memref<!tpu.dma_semaphore, #tpu.memory_space<semaphore_mem>>)
    %scan3A = arith.constant 0 : i32
    %scan3A_52 = arith.constant 0 : i32
    %scan3A_53 = arith.constant 32 : i32
    %scan3A_54 = arith.addi %scan3A_52, %scan3A_53 : i32
    %scan3A_55 = arith.constant 1 : i32
    scf.for %scan3A_296 = %scan3A_52 to %scan3A_54 step %scan3A_55  : i32 {
      %rem3A = arith.constant 3 : i32
      %rem3A_297 = arith.remsi %scan3A_296, %rem3A : i32
      %rem3A_298 = arith.constant 2 : i32
      %rem3A_299 = arith.remsi %scan3A_296, %rem3A_298 : i32
      %add3A_300 = arith.constant 2 : i32
      %add3A_301 = arith.addi %scan3A_296, %add3A_300 : i32
      %rem3A_302 = arith.constant 3 : i32
      %rem3A_303 = arith.remsi %add3A_301, %rem3A_302 : i32
      %ge3A = arith.constant 1 : i32
      %ge3A_304 = arith.cmpi sge, %scan3A_296, %ge3A : i32
      %lt3A = arith.constant 30 : i32
      %lt3A_305 = arith.cmpi slt, %scan3A_296, %lt3A : i32
      %and3A = arith.andi %ge3A_304, %lt3A_305 : i1
      %convert_element_type3A = arith.extui %and3A : i1 to i32
      %cond3A = arith.constant 0 : i32
      %cond3A_306 = arith.cmpi ne, %convert_element_type3A, %cond3A : i32
      scf.if %cond3A_306 {
        %sub3A = arith.constant 1 : i32
        %sub3A_443 = arith.subi %scan3A_296, %sub3A : i32
        %add3A_444 = arith.constant 0 : i32
        %add3A_445 = arith.addi %add3A_444, %mul3A_2 : i32
        %mul3A_446 = arith.constant 8 : i32
        %mul3A_447 = arith.muli %sub3A_443, %mul3A_446 : i32
        %add3A_448 = arith.addi %add3A_445, %mul3A_447 : i32
        %mul3A_449 = arith.constant 4 : i32
        %mul3A_450 = arith.muli %rem3A_303, %mul3A_449 : i32
        %add3A_451 = arith.constant 0 : i32
        %add3A_452 = arith.addi %mul3A_450, %add3A_451 : i32
        %dma_wait3A_453 = arith.constant 0 : i32
        %dma_wait3A_454 = arith.constant 0 : i32
        %dma_wait3A_455 = tpu.memref_slice %arg7[%rem3A_303, %dma_wait3A_453, %dma_wait3A_454] : memref<3x32x1024xf32, #tpu.memory_space<vmem>> -> memref<1x8x1024xf32, #tpu.memory_space<vmem>>
        %dma_wait3A_456 = tpu.memref_squeeze %dma_wait3A_455 : memref<1x8x1024xf32, #tpu.memory_space<vmem>> -> memref<8x1024xf32, #tpu.memory_space<vmem>>
        %dma_wait3A_457 = arith.constant 0 : i32
        %dma_wait3A_458 = tpu.memref_slice %arg5[%add3A_448, %dma_wait3A_457] : memref<32768x1024xf32, #tpu.memory_space<hbm>> -> memref<8x1024xf32, #tpu.memory_space<hbm>>
        %dma_wait3A_459 = tpu.memref_slice %arg11[%add3A_452] : memref<12x!tpu.dma_semaphore, #tpu.memory_space<semaphore_mem>> -> memref<1x!tpu.dma_semaphore, #tpu.memory_space<semaphore_mem>>
        %dma_wait3A_460 = tpu.memref_squeeze %dma_wait3A_459 : memref<1x!tpu.dma_semaphore, #tpu.memory_space<semaphore_mem>> -> memref<!tpu.dma_semaphore, #tpu.memory_space<semaphore_mem>>
        %dma_wait3A_461 = arith.constant 0 : i32
        %dma_wait3A_462 = tpu.memref_slice %arg5[%add3A_448, %dma_wait3A_461] : memref<32768x1024xf32, #tpu.memory_space<hbm>> -> memref<8x1024xf32, #tpu.memory_space<hbm>>
        %dma_wait3A_463 = arith.constant 0 : i32
        %dma_wait3A_464 = arith.constant 0 : i32
        %dma_wait3A_465 = tpu.memref_slice %arg7[%rem3A_303, %dma_wait3A_463, %dma_wait3A_464] : memref<3x32x1024xf32, #tpu.memory_space<vmem>> -> memref<1x8x1024xf32, #tpu.memory_space<vmem>>
        %dma_wait3A_466 = tpu.memref_squeeze %dma_wait3A_465 : memref<1x8x1024xf32, #tpu.memory_space<vmem>> -> memref<8x1024xf32, #tpu.memory_space<vmem>>
        tpu.wait_dma2 semaphore(%dma_wait3A_460 : memref<!tpu.dma_semaphore, #tpu.memory_space<semaphore_mem>>) src(%dma_wait3A_466 : memref<8x1024xf32, #tpu.memory_space<vmem>>) dst(%dma_wait3A_462 : memref<8x1024xf32, #tpu.memory_space<hbm>>)
        %sub3A_467 = arith.constant 1 : i32
        %sub3A_468 = arith.subi %scan3A_296, %sub3A_467 : i32
        %add3A_469 = arith.constant 8192 : i32
        %add3A_470 = arith.addi %add3A_469, %mul3A_2 : i32
        %mul3A_471 = arith.constant 8 : i32
        %mul3A_472 = arith.muli %sub3A_468, %mul3A_471 : i32
        %add3A_473 = arith.addi %add3A_470, %mul3A_472 : i32
        %mul3A_474 = arith.constant 4 : i32
        %mul3A_475 = arith.muli %rem3A_303, %mul3A_474 : i32
        %add3A_476 = arith.constant 1 : i32
        %add3A_477 = arith.addi %mul3A_475, %add3A_476 : i32
        %dma_wait3A_478 = arith.constant 8 : i32
        %dma_wait3A_479 = arith.constant 0 : i32
        %dma_wait3A_480 = tpu.memref_slice %arg7[%rem3A_303, %dma_wait3A_478, %dma_wait3A_479] : memref<3x32x1024xf32, #tpu.memory_space<vmem>> -> memref<1x8x1024xf32, #tpu.memory_space<vmem>>
        %dma_wait3A_481 = tpu.memref_squeeze %dma_wait3A_480 : memref<1x8x1024xf32, #tpu.memory_space<vmem>> -> memref<8x1024xf32, #tpu.memory_space<vmem>>
        %dma_wait3A_482 = arith.constant 0 : i32
        %dma_wait3A_483 = tpu.memref_slice %arg5[%add3A_473, %dma_wait3A_482] : memref<32768x1024xf32, #tpu.memory_space<hbm>> -> memref<8x1024xf32, #tpu.memory_space<hbm>>
        %dma_wait3A_484 = tpu.memref_slice %arg11[%add3A_477] : memref<12x!tpu.dma_semaphore, #tpu.memory_space<semaphore_mem>> -> memref<1x!tpu.dma_semaphore, #tpu.memory_space<semaphore_mem>>
        %dma_wait3A_485 = tpu.memref_squeeze %dma_wait3A_484 : memref<1x!tpu.dma_semaphore, #tpu.memory_space<semaphore_mem>> -> memref<!tpu.dma_semaphore, #tpu.memory_space<semaphore_mem>>
        %dma_wait3A_486 = arith.constant 0 : i32
        %dma_wait3A_487 = tpu.memref_slice %arg5[%add3A_473, %dma_wait3A_486] : memref<32768x1024xf32, #tpu.memory_space<hbm>> -> memref<8x1024xf32, #tpu.memory_space<hbm>>
        %dma_wait3A_488 = arith.constant 8 : i32
        %dma_wait3A_489 = arith.constant 0 : i32
        %dma_wait3A_490 = tpu.memref_slice %arg7[%rem3A_303, %dma_wait3A_488, %dma_wait3A_489] : memref<3x32x1024xf32, #tpu.memory_space<vmem>> -> memref<1x8x1024xf32, #tpu.memory_space<vmem>>
        %dma_wait3A_491 = tpu.memref_squeeze %dma_wait3A_490 : memref<1x8x1024xf32, #tpu.memory_space<vmem>> -> memref<8x1024xf32, #tpu.memory_space<vmem>>
        tpu.wait_dma2 semaphore(%dma_wait3A_485 : memref<!tpu.dma_semaphore, #tpu.memory_space<semaphore_mem>>) src(%dma_wait3A_491 : memref<8x1024xf32, #tpu.memory_space<vmem>>) dst(%dma_wait3A_487 : memref<8x1024xf32, #tpu.memory_space<hbm>>)
        %sub3A_492 = arith.constant 1 : i32
        %sub3A_493 = arith.subi %scan3A_296, %sub3A_492 : i32
        %add3A_494 = arith.constant 16384 : i32
        %add3A_495 = arith.addi %add3A_494, %mul3A_2 : i32
        %mul3A_496 = arith.constant 8 : i32
        %mul3A_497 = arith.muli %sub3A_493, %mul3A_496 : i32
        %add3A_498 = arith.addi %add3A_495, %mul3A_497 : i32
        %mul3A_499 = arith.constant 4 : i32
        %mul3A_500 = arith.muli %rem3A_303, %mul3A_499 : i32
        %add3A_501 = arith.constant 2 : i32
        %add3A_502 = arith.addi %mul3A_500, %add3A_501 : i32
        %dma_wait3A_503 = arith.constant 16 : i32
        %dma_wait3A_504 = arith.constant 0 : i32
        %dma_wait3A_505 = tpu.memref_slice %arg7[%rem3A_303, %dma_wait3A_503, %dma_wait3A_504] : memref<3x32x1024xf32, #tpu.memory_space<vmem>> -> memref<1x8x1024xf32, #tpu.memory_space<vmem>>
        %dma_wait3A_506 = tpu.memref_squeeze %dma_wait3A_505 : memref<1x8x1024xf32, #tpu.memory_space<vmem>> -> memref<8x1024xf32, #tpu.memory_space<vmem>>
        %dma_wait3A_507 = arith.constant 0 : i32
        %dma_wait3A_508 = tpu.memref_slice %arg5[%add3A_498, %dma_wait3A_507] : memref<32768x1024xf32, #tpu.memory_space<hbm>> -> memref<8x1024xf32, #tpu.memory_space<hbm>>
        %dma_wait3A_509 = tpu.memref_slice %arg11[%add3A_502] : memref<12x!tpu.dma_semaphore, #tpu.memory_space<semaphore_mem>> -> memref<1x!tpu.dma_semaphore, #tpu.memory_space<semaphore_mem>>
        %dma_wait3A_510 = tpu.memref_squeeze %dma_wait3A_509 : memref<1x!tpu.dma_semaphore, #tpu.memory_space<semaphore_mem>> -> memref<!tpu.dma_semaphore, #tpu.memory_space<semaphore_mem>>
        %dma_wait3A_511 = arith.constant 0 : i32
        %dma_wait3A_512 = tpu.memref_slice %arg5[%add3A_498, %dma_wait3A_511] : memref<32768x1024xf32, #tpu.memory_space<hbm>> -> memref<8x1024xf32, #tpu.memory_space<hbm>>
        %dma_wait3A_513 = arith.constant 16 : i32
        %dma_wait3A_514 = arith.constant 0 : i32
        %dma_wait3A_515 = tpu.memref_slice %arg7[%rem3A_303, %dma_wait3A_513, %dma_wait3A_514] : memref<3x32x1024xf32, #tpu.memory_space<vmem>> -> memref<1x8x1024xf32, #tpu.memory_space<vmem>>
        %dma_wait3A_516 = tpu.memref_squeeze %dma_wait3A_515 : memref<1x8x1024xf32, #tpu.memory_space<vmem>> -> memref<8x1024xf32, #tpu.memory_space<vmem>>
        tpu.wait_dma2 semaphore(%dma_wait3A_510 : memref<!tpu.dma_semaphore, #tpu.memory_space<semaphore_mem>>) src(%dma_wait3A_516 : memref<8x1024xf32, #tpu.memory_space<vmem>>) dst(%dma_wait3A_512 : memref<8x1024xf32, #tpu.memory_space<hbm>>)
        %sub3A_517 = arith.constant 1 : i32
        %sub3A_518 = arith.subi %scan3A_296, %sub3A_517 : i32
        %add3A_519 = arith.constant 24576 : i32
        %add3A_520 = arith.addi %add3A_519, %mul3A_2 : i32
        %mul3A_521 = arith.constant 8 : i32
        %mul3A_522 = arith.muli %sub3A_518, %mul3A_521 : i32
        %add3A_523 = arith.addi %add3A_520, %mul3A_522 : i32
        %mul3A_524 = arith.constant 4 : i32
        %mul3A_525 = arith.muli %rem3A_303, %mul3A_524 : i32
        %add3A_526 = arith.constant 3 : i32
        %add3A_527 = arith.addi %mul3A_525, %add3A_526 : i32
        %dma_wait3A_528 = arith.constant 24 : i32
        %dma_wait3A_529 = arith.constant 0 : i32
        %dma_wait3A_530 = tpu.memref_slice %arg7[%rem3A_303, %dma_wait3A_528, %dma_wait3A_529] : memref<3x32x1024xf32, #tpu.memory_space<vmem>> -> memref<1x8x1024xf32, #tpu.memory_space<vmem>>
        %dma_wait3A_531 = tpu.memref_squeeze %dma_wait3A_530 : memref<1x8x1024xf32, #tpu.memory_space<vmem>> -> memref<8x1024xf32, #tpu.memory_space<vmem>>
        %dma_wait3A_532 = arith.constant 0 : i32
        %dma_wait3A_533 = tpu.memref_slice %arg5[%add3A_523, %dma_wait3A_532] : memref<32768x1024xf32, #tpu.memory_space<hbm>> -> memref<8x1024xf32, #tpu.memory_space<hbm>>
        %dma_wait3A_534 = tpu.memref_slice %arg11[%add3A_527] : memref<12x!tpu.dma_semaphore, #tpu.memory_space<semaphore_mem>> -> memref<1x!tpu.dma_semaphore, #tpu.memory_space<semaphore_mem>>
        %dma_wait3A_535 = tpu.memref_squeeze %dma_wait3A_534 : memref<1x!tpu.dma_semaphore, #tpu.memory_space<semaphore_mem>> -> memref<!tpu.dma_semaphore, #tpu.memory_space<semaphore_mem>>
        %dma_wait3A_536 = arith.constant 0 : i32
        %dma_wait3A_537 = tpu.memref_slice %arg5[%add3A_523, %dma_wait3A_536] : memref<32768x1024xf32, #tpu.memory_space<hbm>> -> memref<8x1024xf32, #tpu.memory_space<hbm>>
        %dma_wait3A_538 = arith.constant 24 : i32
        %dma_wait3A_539 = arith.constant 0 : i32
        %dma_wait3A_540 = tpu.memref_slice %arg7[%rem3A_303, %dma_wait3A_538, %dma_wait3A_539] : memref<3x32x1024xf32, #tpu.memory_space<vmem>> -> memref<1x8x1024xf32, #tpu.memory_space<vmem>>
        %dma_wait3A_541 = tpu.memref_squeeze %dma_wait3A_540 : memref<1x8x1024xf32, #tpu.memory_space<vmem>> -> memref<8x1024xf32, #tpu.memory_space<vmem>>
        tpu.wait_dma2 semaphore(%dma_wait3A_535 : memref<!tpu.dma_semaphore, #tpu.memory_space<semaphore_mem>>) src(%dma_wait3A_541 : memref<8x1024xf32, #tpu.memory_space<vmem>>) dst(%dma_wait3A_537 : memref<8x1024xf32, #tpu.memory_space<hbm>>)
        %add3A_542 = arith.constant 2 : i32
        %add3A_543 = arith.addi %scan3A_296, %add3A_542 : i32
        %dma_start3A_544 = arith.constant 0 : i32
        %dma_start3A_545 = arith.constant 0 : i32
        %dma_start3A_546 = tpu.memref_slice %arg7[%rem3A_303, %dma_start3A_544, %dma_start3A_545] : memref<3x32x1024xf32, #tpu.memory_space<vmem>> -> memref<1x32x1024xf32, #tpu.memory_space<vmem>>
        %dma_start3A_547 = tpu.memref_squeeze %dma_start3A_546 : memref<1x32x1024xf32, #tpu.memory_space<vmem>> -> memref<32x1024xf32, #tpu.memory_space<vmem>>
        %dma_start3A_548 = arith.constant 0 : i32
        %dma_start3A_549 = tpu.memref_slice %arg6[%add3A_543, %dma_start3A_548] : memref<32x32xi32, #tpu.memory_space<vmem>> -> memref<1x32xi32, #tpu.memory_space<vmem>>
        %dma_start3A_550 = tpu.memref_squeeze %dma_start3A_549 : memref<1x32xi32, #tpu.memory_space<vmem>> -> memref<32xi32, #tpu.memory_space<vmem>>
        %dma_start3A_551 = arith.constant 0 : i32
        %dma_start3A_552 = arith.constant 0 : i32
        %dma_start3A_553 = tpu.memref_slice %arg3[%dma_start3A_551, %dma_start3A_552] : memref<100000x1024xf32, #tpu.memory_space<hbm>> -> memref<100000x1024xf32, #tpu.memory_space<hbm>>
        %dma_start3A_554 = tpu.memref_slice %arg9[%rem3A_303] : memref<3x!tpu.dma_semaphore, #tpu.memory_space<semaphore_mem>> -> memref<1x!tpu.dma_semaphore, #tpu.memory_space<semaphore_mem>>
        %dma_start3A_555 = tpu.memref_squeeze %dma_start3A_554 : memref<1x!tpu.dma_semaphore, #tpu.memory_space<semaphore_mem>> -> memref<!tpu.dma_semaphore, #tpu.memory_space<semaphore_mem>>
        tpu.enqueue_indirect_dma source(%dma_start3A_553 : memref<100000x1024xf32, #tpu.memory_space<hbm>>) target(%dma_start3A_547 : memref<32x1024xf32, #tpu.memory_space<vmem>>) offsets(%dma_start3A_550 : memref<32xi32, #tpu.memory_space<vmem>>) semaphore(%dma_start3A_555 : memref<!tpu.dma_semaphore, #tpu.memory_space<semaphore_mem>>)
      } else {
      }
      %eq3A = arith.constant 0 : i32
      %eq3A_307 = arith.cmpi eq, %scan3A_296, %eq3A : i32
      %convert_element_type3A_308 = arith.extui %eq3A_307 : i1 to i32
      %cond3A_309 = arith.constant 0 : i32
      %cond3A_310 = arith.cmpi ne, %convert_element_type3A_308, %cond3A_309 : i32
      scf.if %cond3A_310 {
        %dma_start3A_443 = arith.constant 2 : i32
        %dma_start3A_444 = arith.constant 0 : i32
        %dma_start3A_445 = arith.constant 0 : i32
        %dma_start3A_446 = tpu.memref_slice %arg7[%rem3A_303, %dma_start3A_444, %dma_start3A_445] : memref<3x32x1024xf32, #tpu.memory_space<vmem>> -> memref<1x32x1024xf32, #tpu.memory_space<vmem>>
        %dma_start3A_447 = tpu.memref_squeeze %dma_start3A_446 : memref<1x32x1024xf32, #tpu.memory_space<vmem>> -> memref<32x1024xf32, #tpu.memory_space<vmem>>
        %dma_start3A_448 = arith.constant 0 : i32
        %dma_start3A_449 = tpu.memref_slice %arg6[%dma_start3A_443, %dma_start3A_448] : memref<32x32xi32, #tpu.memory_space<vmem>> -> memref<1x32xi32, #tpu.memory_space<vmem>>
        %dma_start3A_450 = tpu.memref_squeeze %dma_start3A_449 : memref<1x32xi32, #tpu.memory_space<vmem>> -> memref<32xi32, #tpu.memory_space<vmem>>
        %dma_start3A_451 = arith.constant 0 : i32
        %dma_start3A_452 = arith.constant 0 : i32
        %dma_start3A_453 = tpu.memref_slice %arg3[%dma_start3A_451, %dma_start3A_452] : memref<100000x1024xf32, #tpu.memory_space<hbm>> -> memref<100000x1024xf32, #tpu.memory_space<hbm>>
        %dma_start3A_454 = tpu.memref_slice %arg9[%rem3A_303] : memref<3x!tpu.dma_semaphore, #tpu.memory_space<semaphore_mem>> -> memref<1x!tpu.dma_semaphore, #tpu.memory_space<semaphore_mem>>
        %dma_start3A_455 = tpu.memref_squeeze %dma_start3A_454 : memref<1x!tpu.dma_semaphore, #tpu.memory_space<semaphore_mem>> -> memref<!tpu.dma_semaphore, #tpu.memory_space<semaphore_mem>>
        tpu.enqueue_indirect_dma source(%dma_start3A_453 : memref<100000x1024xf32, #tpu.memory_space<hbm>>) target(%dma_start3A_447 : memref<32x1024xf32, #tpu.memory_space<vmem>>) offsets(%dma_start3A_450 : memref<32xi32, #tpu.memory_space<vmem>>) semaphore(%dma_start3A_455 : memref<!tpu.dma_semaphore, #tpu.memory_space<semaphore_mem>>)
      } else {
      }
      %lt3A_311 = arith.constant 31 : i32
      %lt3A_312 = arith.cmpi slt, %scan3A_296, %lt3A_311 : i32
      %convert_element_type3A_313 = arith.extui %lt3A_312 : i1 to i32
      %cond3A_314 = arith.constant 0 : i32
      %cond3A_315 = arith.cmpi ne, %convert_element_type3A_313, %cond3A_314 : i32
      scf.if %cond3A_315 {
        %add3A_443 = arith.constant 1 : i32
        %add3A_444 = arith.addi %scan3A_296, %add3A_443 : i32
        %add3A_445 = arith.constant 1 : i32
        %add3A_446 = arith.addi %scan3A_296, %add3A_445 : i32
        %rem3A_447 = arith.constant 2 : i32
        %rem3A_448 = arith.remsi %add3A_446, %rem3A_447 : i32
        %mul3A_449 = arith.constant 8 : i32
        %mul3A_450 = arith.muli %add3A_444, %mul3A_449 : i32
        %add3A_451 = arith.addi %mul3A_2, %mul3A_450 : i32
        %dma_start3A_452 = arith.constant 0 : i32
        %dma_start3A_453 = arith.constant 0 : i32
        %dma_start3A_454 = tpu.memref_slice %arg8[%rem3A_448, %dma_start3A_452, %dma_start3A_453] : memref<2x8x1024xf32, #tpu.memory_space<vmem>> -> memref<1x8x1024xf32, #tpu.memory_space<vmem>>
        %dma_start3A_455 = tpu.memref_squeeze %dma_start3A_454 : memref<1x8x1024xf32, #tpu.memory_space<vmem>> -> memref<8x1024xf32, #tpu.memory_space<vmem>>
        %dma_start3A_456 = arith.constant 0 : i32
        %dma_start3A_457 = tpu.memref_slice %arg4[%add3A_451, %dma_start3A_456] : memref<8192x1024xf32, #tpu.memory_space<hbm>> -> memref<8x1024xf32, #tpu.memory_space<hbm>>
        %dma_start3A_458 = tpu.memref_slice %arg10[%rem3A_448] : memref<2x!tpu.dma_semaphore, #tpu.memory_space<semaphore_mem>> -> memref<1x!tpu.dma_semaphore, #tpu.memory_space<semaphore_mem>>
        %dma_start3A_459 = tpu.memref_squeeze %dma_start3A_458 : memref<1x!tpu.dma_semaphore, #tpu.memory_space<semaphore_mem>> -> memref<!tpu.dma_semaphore, #tpu.memory_space<semaphore_mem>>
        %dma_start3A_460 = arith.constant 0 : i32
        %dma_start3A_461 = arith.constant 0 : i32
        %dma_start3A_462 = tpu.memref_slice %arg8[%rem3A_448, %dma_start3A_460, %dma_start3A_461] : memref<2x8x1024xf32, #tpu.memory_space<vmem>> -> memref<1x8x1024xf32, #tpu.memory_space<vmem>>
        %dma_start3A_463 = tpu.memref_squeeze %dma_start3A_462 : memref<1x8x1024xf32, #tpu.memory_space<vmem>> -> memref<8x1024xf32, #tpu.memory_space<vmem>>
        %dma_start3A_464 = arith.constant 0 : i32
        %dma_start3A_465 = tpu.memref_slice %arg4[%add3A_451, %dma_start3A_464] : memref<8192x1024xf32, #tpu.memory_space<hbm>> -> memref<8x1024xf32, #tpu.memory_space<hbm>>
        tpu.enqueue_dma source(%dma_start3A_465 : memref<8x1024xf32, #tpu.memory_space<hbm>>) target(%dma_start3A_463 : memref<8x1024xf32, #tpu.memory_space<vmem>>) target_semaphore(%dma_start3A_459 : memref<!tpu.dma_semaphore, #tpu.memory_space<semaphore_mem>>)
      } else {
      }
      %dma_wait3A_316 = arith.constant 0 : i32
      %dma_wait3A_317 = arith.constant 0 : i32
      %dma_wait3A_318 = tpu.memref_slice %arg7[%rem3A_297, %dma_wait3A_316, %dma_wait3A_317] : memref<3x32x1024xf32, #tpu.memory_space<vmem>> -> memref<1x32x1024xf32, #tpu.memory_space<vmem>>
      %dma_wait3A_319 = tpu.memref_squeeze %dma_wait3A_318 : memref<1x32x1024xf32, #tpu.memory_space<vmem>> -> memref<32x1024xf32, #tpu.memory_space<vmem>>
      %dma_wait3A_320 = arith.constant 0 : i32
      %dma_wait3A_321 = tpu.memref_slice %arg6[%scan3A_296, %dma_wait3A_320] : memref<32x32xi32, #tpu.memory_space<vmem>> -> memref<1x32xi32, #tpu.memory_space<vmem>>
      %dma_wait3A_322 = tpu.memref_squeeze %dma_wait3A_321 : memref<1x32xi32, #tpu.memory_space<vmem>> -> memref<32xi32, #tpu.memory_space<vmem>>
      %dma_wait3A_323 = arith.constant 0 : i32
      %dma_wait3A_324 = arith.constant 0 : i32
      %dma_wait3A_325 = tpu.memref_slice %arg3[%dma_wait3A_323, %dma_wait3A_324] : memref<100000x1024xf32, #tpu.memory_space<hbm>> -> memref<100000x1024xf32, #tpu.memory_space<hbm>>
      %dma_wait3A_326 = tpu.memref_slice %arg9[%rem3A_297] : memref<3x!tpu.dma_semaphore, #tpu.memory_space<semaphore_mem>> -> memref<1x!tpu.dma_semaphore, #tpu.memory_space<semaphore_mem>>
      %dma_wait3A_327 = tpu.memref_squeeze %dma_wait3A_326 : memref<1x!tpu.dma_semaphore, #tpu.memory_space<semaphore_mem>> -> memref<!tpu.dma_semaphore, #tpu.memory_space<semaphore_mem>>
      tpu.wait_indirect_dma semaphore(%dma_wait3A_327 : memref<!tpu.dma_semaphore, #tpu.memory_space<semaphore_mem>>) src(%dma_wait3A_325 : memref<100000x1024xf32, #tpu.memory_space<hbm>>) dst(%dma_wait3A_319 : memref<32x1024xf32, #tpu.memory_space<vmem>>)
      %mul3A_328 = arith.constant 8 : i32
      %mul3A_329 = arith.muli %scan3A_296, %mul3A_328 : i32
      %add3A_330 = arith.addi %mul3A_2, %mul3A_329 : i32
      %dma_wait3A_331 = arith.constant 0 : i32
      %dma_wait3A_332 = arith.constant 0 : i32
      %dma_wait3A_333 = tpu.memref_slice %arg8[%rem3A_299, %dma_wait3A_331, %dma_wait3A_332] : memref<2x8x1024xf32, #tpu.memory_space<vmem>> -> memref<1x8x1024xf32, #tpu.memory_space<vmem>>
      %dma_wait3A_334 = tpu.memref_squeeze %dma_wait3A_333 : memref<1x8x1024xf32, #tpu.memory_space<vmem>> -> memref<8x1024xf32, #tpu.memory_space<vmem>>
      %dma_wait3A_335 = arith.constant 0 : i32
      %dma_wait3A_336 = tpu.memref_slice %arg4[%add3A_330, %dma_wait3A_335] : memref<8192x1024xf32, #tpu.memory_space<hbm>> -> memref<8x1024xf32, #tpu.memory_space<hbm>>
      %dma_wait3A_337 = tpu.memref_slice %arg10[%rem3A_299] : memref<2x!tpu.dma_semaphore, #tpu.memory_space<semaphore_mem>> -> memref<1x!tpu.dma_semaphore, #tpu.memory_space<semaphore_mem>>
      %dma_wait3A_338 = tpu.memref_squeeze %dma_wait3A_337 : memref<1x!tpu.dma_semaphore, #tpu.memory_space<semaphore_mem>> -> memref<!tpu.dma_semaphore, #tpu.memory_space<semaphore_mem>>
      %dma_wait3A_339 = arith.constant 0 : i32
      %dma_wait3A_340 = arith.constant 0 : i32
      %dma_wait3A_341 = tpu.memref_slice %arg8[%rem3A_299, %dma_wait3A_339, %dma_wait3A_340] : memref<2x8x1024xf32, #tpu.memory_space<vmem>> -> memref<1x8x1024xf32, #tpu.memory_space<vmem>>
      %dma_wait3A_342 = tpu.memref_squeeze %dma_wait3A_341 : memref<1x8x1024xf32, #tpu.memory_space<vmem>> -> memref<8x1024xf32, #tpu.memory_space<vmem>>
      %dma_wait3A_343 = arith.constant 0 : i32
      %dma_wait3A_344 = tpu.memref_slice %arg4[%add3A_330, %dma_wait3A_343] : memref<8192x1024xf32, #tpu.memory_space<hbm>> -> memref<8x1024xf32, #tpu.memory_space<hbm>>
      tpu.wait_dma2 semaphore(%dma_wait3A_338 : memref<!tpu.dma_semaphore, #tpu.memory_space<semaphore_mem>>) src(%dma_wait3A_344 : memref<8x1024xf32, #tpu.memory_space<hbm>>) dst(%dma_wait3A_342 : memref<8x1024xf32, #tpu.memory_space<vmem>>)
      %scan3A_345 = arith.constant 0 : i32
      %scan3A_346 = arith.constant 0 : i32
      %scan3A_347 = arith.constant 8 : i32
      %scan3A_348 = arith.addi %scan3A_346, %scan3A_347 : i32
      %scan3A_349 = arith.constant 1 : i32
      scf.for %scan3A_443 = %scan3A_346 to %scan3A_348 step %scan3A_349  : i32 {
        %get3A = arith.index_cast %rem3A_299 : i32 to index
        %get3A_444 = arith.index_cast %scan3A_443 : i32 to index
        %get3A_445 = arith.constant 0 : index
        %get3A_446 = tpu.vector_load %arg8[%get3A, %get3A_444, %get3A_445] {strides = array<i32>} : memref<2x8x1024xf32, #tpu.memory_space<vmem>>, vector<1x1x16xf32>,
        %get3A_447 = vector.shape_cast %get3A_446 : vector<1x1x16xf32> to vector<16xf32>
        %get3A_448 = arith.index_cast %rem3A_299 : i32 to index
        %get3A_449 = arith.index_cast %scan3A_443 : i32 to index
        %get3A_450 = arith.constant 16 : index
        %get3A_451 = tpu.vector_load %arg8[%get3A_448, %get3A_449, %get3A_450] {strides = array<i32>} : memref<2x8x1024xf32, #tpu.memory_space<vmem>>, vector<1x1x16xf32>,
        %get3A_452 = vector.shape_cast %get3A_451 : vector<1x1x16xf32> to vector<16xf32>
        %get3A_453 = arith.index_cast %rem3A_299 : i32 to index
        %get3A_454 = arith.index_cast %scan3A_443 : i32 to index
        %get3A_455 = arith.constant 32 : index
        %get3A_456 = tpu.vector_load %arg8[%get3A_453, %get3A_454, %get3A_455] {strides = array<i32>} : memref<2x8x1024xf32, #tpu.memory_space<vmem>>, vector<1x1x16xf32>,
        %get3A_457 = vector.shape_cast %get3A_456 : vector<1x1x16xf32> to vector<16xf32>
        %get3A_458 = arith.index_cast %rem3A_299 : i32 to index
        %get3A_459 = arith.index_cast %scan3A_443 : i32 to index
        %get3A_460 = arith.constant 48 : index
        %get3A_461 = tpu.vector_load %arg8[%get3A_458, %get3A_459, %get3A_460] {strides = array<i32>} : memref<2x8x1024xf32, #tpu.memory_space<vmem>>, vector<1x1x16xf32>,
        %get3A_462 = vector.shape_cast %get3A_461 : vector<1x1x16xf32> to vector<16xf32>
        %get3A_463 = arith.index_cast %rem3A_299 : i32 to index
        %get3A_464 = arith.index_cast %scan3A_443 : i32 to index
        %get3A_465 = arith.constant 64 : index
        %get3A_466 = tpu.vector_load %arg8[%get3A_463, %get3A_464, %get3A_465] {strides = array<i32>} : memref<2x8x1024xf32, #tpu.memory_space<vmem>>, vector<1x1x16xf32>,
        %get3A_467 = vector.shape_cast %get3A_466 : vector<1x1x16xf32> to vector<16xf32>
        %get3A_468 = arith.index_cast %rem3A_299 : i32 to index
        %get3A_469 = arith.index_cast %scan3A_443 : i32 to index
        %get3A_470 = arith.constant 80 : index
        %get3A_471 = tpu.vector_load %arg8[%get3A_468, %get3A_469, %get3A_470] {strides = array<i32>} : memref<2x8x1024xf32, #tpu.memory_space<vmem>>, vector<1x1x16xf32>,
        %get3A_472 = vector.shape_cast %get3A_471 : vector<1x1x16xf32> to vector<16xf32>
        %get3A_473 = arith.index_cast %rem3A_299 : i32 to index
        %get3A_474 = arith.index_cast %scan3A_443 : i32 to index
        %get3A_475 = arith.constant 96 : index
        %get3A_476 = tpu.vector_load %arg8[%get3A_473, %get3A_474, %get3A_475] {strides = array<i32>} : memref<2x8x1024xf32, #tpu.memory_space<vmem>>, vector<1x1x16xf32>,
        %get3A_477 = vector.shape_cast %get3A_476 : vector<1x1x16xf32> to vector<16xf32>
        %get3A_478 = arith.index_cast %rem3A_299 : i32 to index
        %get3A_479 = arith.index_cast %scan3A_443 : i32 to index
        %get3A_480 = arith.constant 112 : index
        %get3A_481 = tpu.vector_load %arg8[%get3A_478, %get3A_479, %get3A_480] {strides = array<i32>} : memref<2x8x1024xf32, #tpu.memory_space<vmem>>, vector<1x1x16xf32>,
        %get3A_482 = vector.shape_cast %get3A_481 : vector<1x1x16xf32> to vector<16xf32>
        %get3A_483 = arith.index_cast %rem3A_299 : i32 to index
        %get3A_484 = arith.index_cast %scan3A_443 : i32 to index
        %get3A_485 = arith.constant 128 : index
        %get3A_486 = tpu.vector_load %arg8[%get3A_483, %get3A_484, %get3A_485] {strides = array<i32>} : memref<2x8x1024xf32, #tpu.memory_space<vmem>>, vector<1x1x16xf32>,
        %get3A_487 = vector.shape_cast %get3A_486 : vector<1x1x16xf32> to vector<16xf32>
        %get3A_488 = arith.index_cast %rem3A_299 : i32 to index
        %get3A_489 = arith.index_cast %scan3A_443 : i32 to index
        %get3A_490 = arith.constant 144 : index
        %get3A_491 = tpu.vector_load %arg8[%get3A_488, %get3A_489, %get3A_490] {strides = array<i32>} : memref<2x8x1024xf32, #tpu.memory_space<vmem>>, vector<1x1x16xf32>,
        %get3A_492 = vector.shape_cast %get3A_491 : vector<1x1x16xf32> to vector<16xf32>
        %get3A_493 = arith.index_cast %rem3A_299 : i32 to index
        %get3A_494 = arith.index_cast %scan3A_443 : i32 to index
        %get3A_495 = arith.constant 160 : index
        %get3A_496 = tpu.vector_load %arg8[%get3A_493, %get3A_494, %get3A_495] {strides = array<i32>} : memref<2x8x1024xf32, #tpu.memory_space<vmem>>, vector<1x1x16xf32>,
        %get3A_497 = vector.shape_cast %get3A_496 : vector<1x1x16xf32> to vector<16xf32>
        %get3A_498 = arith.index_cast %rem3A_299 : i32 to index
        %get3A_499 = arith.index_cast %scan3A_443 : i32 to index
        %get3A_500 = arith.constant 176 : index
        %get3A_501 = tpu.vector_load %arg8[%get3A_498, %get3A_499, %get3A_500] {strides = array<i32>} : memref<2x8x1024xf32, #tpu.memory_space<vmem>>, vector<1x1x16xf32>,
        %get3A_502 = vector.shape_cast %get3A_501 : vector<1x1x16xf32> to vector<16xf32>
        %get3A_503 = arith.index_cast %rem3A_299 : i32 to index
        %get3A_504 = arith.index_cast %scan3A_443 : i32 to index
        %get3A_505 = arith.constant 192 : index
        %get3A_506 = tpu.vector_load %arg8[%get3A_503, %get3A_504, %get3A_505] {strides = array<i32>} : memref<2x8x1024xf32, #tpu.memory_space<vmem>>, vector<1x1x16xf32>,
        %get3A_507 = vector.shape_cast %get3A_506 : vector<1x1x16xf32> to vector<16xf32>
        %get3A_508 = arith.index_cast %rem3A_299 : i32 to index
        %get3A_509 = arith.index_cast %scan3A_443 : i32 to index
        %get3A_510 = arith.constant 208 : index
        %get3A_511 = tpu.vector_load %arg8[%get3A_508, %get3A_509, %get3A_510] {strides = array<i32>} : memref<2x8x1024xf32, #tpu.memory_space<vmem>>, vector<1x1x16xf32>,
        %get3A_512 = vector.shape_cast %get3A_511 : vector<1x1x16xf32> to vector<16xf32>
        %get3A_513 = arith.index_cast %rem3A_299 : i32 to index
        %get3A_514 = arith.index_cast %scan3A_443 : i32 to index
        %get3A_515 = arith.constant 224 : index
        %get3A_516 = tpu.vector_load %arg8[%get3A_513, %get3A_514, %get3A_515] {strides = array<i32>} : memref<2x8x1024xf32, #tpu.memory_space<vmem>>, vector<1x1x16xf32>,
        %get3A_517 = vector.shape_cast %get3A_516 : vector<1x1x16xf32> to vector<16xf32>
        %get3A_518 = arith.index_cast %rem3A_299 : i32 to index
        %get3A_519 = arith.index_cast %scan3A_443 : i32 to index
        %get3A_520 = arith.constant 240 : index
        %get3A_521 = tpu.vector_load %arg8[%get3A_518, %get3A_519, %get3A_520] {strides = array<i32>} : memref<2x8x1024xf32, #tpu.memory_space<vmem>>, vector<1x1x16xf32>,
        %get3A_522 = vector.shape_cast %get3A_521 : vector<1x1x16xf32> to vector<16xf32>
        %add3A_523 = arith.constant 0 : i32
        %add3A_524 = arith.addi %add3A_523, %scan3A_443 : i32
        %swap3A = arith.index_cast %rem3A_297 : i32 to index
        %swap3A_525 = arith.index_cast %add3A_524 : i32 to index
        %swap3A_526 = arith.constant 0 : index
        %swap3A_527 = tpu.vector_load %arg7[%swap3A, %swap3A_525, %swap3A_526] {strides = array<i32>} : memref<3x32x1024xf32, #tpu.memory_space<vmem>>, vector<1x1x16xf32>,
        %swap3A_528 = vector.shape_cast %swap3A_527 : vector<1x1x16xf32> to vector<16xf32>
        %swap3A_529 = vector.shape_cast %get3A_447 : vector<16xf32> to vector<1x1x16xf32>
        tpu.vector_store %arg7[%swap3A, %swap3A_525, %swap3A_526], %swap3A_529 {add = true, strides = array<i32>} : memref<3x32x1024xf32, #tpu.memory_space<vmem>>, vector<1x1x16xf32>,
        %add3A_530 = arith.constant 0 : i32
        %add3A_531 = arith.addi %add3A_530, %scan3A_443 : i32
        %swap3A_532 = arith.index_cast %rem3A_297 : i32 to index
        %swap3A_533 = arith.index_cast %add3A_531 : i32 to index
        %swap3A_534 = arith.constant 16 : index
        %swap3A_535 = tpu.vector_load %arg7[%swap3A_532, %swap3A_533, %swap3A_534] {strides = array<i32>} : memref<3x32x1024xf32, #tpu.memory_space<vmem>>, vector<1x1x16xf32>,
        %swap3A_536 = vector.shape_cast %swap3A_535 : vector<1x1x16xf32> to vector<16xf32>
        %swap3A_537 = vector.shape_cast %get3A_452 : vector<16xf32> to vector<1x1x16xf32>
        tpu.vector_store %arg7[%swap3A_532, %swap3A_533, %swap3A_534], %swap3A_537 {add = true, strides = array<i32>} : memref<3x32x1024xf32, #tpu.memory_space<vmem>>, vector<1x1x16xf32>,
        %add3A_538 = arith.constant 0 : i32
        %add3A_539 = arith.addi %add3A_538, %scan3A_443 : i32
        %swap3A_540 = arith.index_cast %rem3A_297 : i32 to index
        %swap3A_541 = arith.index_cast %add3A_539 : i32 to index
        %swap3A_542 = arith.constant 32 : index
        %swap3A_543 = tpu.vector_load %arg7[%swap3A_540, %swap3A_541, %swap3A_542] {strides = array<i32>} : memref<3x32x1024xf32, #tpu.memory_space<vmem>>, vector<1x1x16xf32>,
        %swap3A_544 = vector.shape_cast %swap3A_543 : vector<1x1x16xf32> to vector<16xf32>
        %swap3A_545 = vector.shape_cast %get3A_457 : vector<16xf32> to vector<1x1x16xf32>
        tpu.vector_store %arg7[%swap3A_540, %swap3A_541, %swap3A_542], %swap3A_545 {add = true, strides = array<i32>} : memref<3x32x1024xf32, #tpu.memory_space<vmem>>, vector<1x1x16xf32>,
        %add3A_546 = arith.constant 0 : i32
        %add3A_547 = arith.addi %add3A_546, %scan3A_443 : i32
        %swap3A_548 = arith.index_cast %rem3A_297 : i32 to index
        %swap3A_549 = arith.index_cast %add3A_547 : i32 to index
        %swap3A_550 = arith.constant 48 : index
        %swap3A_551 = tpu.vector_load %arg7[%swap3A_548, %swap3A_549, %swap3A_550] {strides = array<i32>} : memref<3x32x1024xf32, #tpu.memory_space<vmem>>, vector<1x1x16xf32>,
        %swap3A_552 = vector.shape_cast %swap3A_551 : vector<1x1x16xf32> to vector<16xf32>
        %swap3A_553 = vector.shape_cast %get3A_462 : vector<16xf32> to vector<1x1x16xf32>
        tpu.vector_store %arg7[%swap3A_548, %swap3A_549, %swap3A_550], %swap3A_553 {add = true, strides = array<i32>} : memref<3x32x1024xf32, #tpu.memory_space<vmem>>, vector<1x1x16xf32>,
        %add3A_554 = arith.constant 0 : i32
        %add3A_555 = arith.addi %add3A_554, %scan3A_443 : i32
        %swap3A_556 = arith.index_cast %rem3A_297 : i32 to index
        %swap3A_557 = arith.index_cast %add3A_555 : i32 to index
        %swap3A_558 = arith.constant 64 : index
        %swap3A_559 = tpu.vector_load %arg7[%swap3A_556, %swap3A_557, %swap3A_558] {strides = array<i32>} : memref<3x32x1024xf32, #tpu.memory_space<vmem>>, vector<1x1x16xf32>,
        %swap3A_560 = vector.shape_cast %swap3A_559 : vector<1x1x16xf32> to vector<16xf32>
        %swap3A_561 = vector.shape_cast %get3A_467 : vector<16xf32> to vector<1x1x16xf32>
        tpu.vector_store %arg7[%swap3A_556, %swap3A_557, %swap3A_558], %swap3A_561 {add = true, strides = array<i32>} : memref<3x32x1024xf32, #tpu.memory_space<vmem>>, vector<1x1x16xf32>,
        %add3A_562 = arith.constant 0 : i32
        %add3A_563 = arith.addi %add3A_562, %scan3A_443 : i32
        %swap3A_564 = arith.index_cast %rem3A_297 : i32 to index
        %swap3A_565 = arith.index_cast %add3A_563 : i32 to index
        %swap3A_566 = arith.constant 80 : index
        %swap3A_567 = tpu.vector_load %arg7[%swap3A_564, %swap3A_565, %swap3A_566] {strides = array<i32>} : memref<3x32x1024xf32, #tpu.memory_space<vmem>>, vector<1x1x16xf32>,
        %swap3A_568 = vector.shape_cast %swap3A_567 : vector<1x1x16xf32> to vector<16xf32>
        %swap3A_569 = vector.shape_cast %get3A_472 : vector<16xf32> to vector<1x1x16xf32>
        tpu.vector_store %arg7[%swap3A_564, %swap3A_565, %swap3A_566], %swap3A_569 {add = true, strides = array<i32>} : memref<3x32x1024xf32, #tpu.memory_space<vmem>>, vector<1x1x16xf32>,
        %add3A_570 = arith.constant 0 : i32
        %add3A_571 = arith.addi %add3A_570, %scan3A_443 : i32
        %swap3A_572 = arith.index_cast %rem3A_297 : i32 to index
        %swap3A_573 = arith.index_cast %add3A_571 : i32 to index
        %swap3A_574 = arith.constant 96 : index
        %swap3A_575 = tpu.vector_load %arg7[%swap3A_572, %swap3A_573, %swap3A_574] {strides = array<i32>} : memref<3x32x1024xf32, #tpu.memory_space<vmem>>, vector<1x1x16xf32>,
        %swap3A_576 = vector.shape_cast %swap3A_575 : vector<1x1x16xf32> to vector<16xf32>
        %swap3A_577 = vector.shape_cast %get3A_477 : vector<16xf32> to vector<1x1x16xf32>
        tpu.vector_store %arg7[%swap3A_572, %swap3A_573, %swap3A_574], %swap3A_577 {add = true, strides = array<i32>} : memref<3x32x1024xf32, #tpu.memory_space<vmem>>, vector<1x1x16xf32>,
        %add3A_578 = arith.constant 0 : i32
        %add3A_579 = arith.addi %add3A_578, %scan3A_443 : i32
        %swap3A_580 = arith.index_cast %rem3A_297 : i32 to index
        %swap3A_581 = arith.index_cast %add3A_579 : i32 to index
        %swap3A_582 = arith.constant 112 : index
        %swap3A_583 = tpu.vector_load %arg7[%swap3A_580, %swap3A_581, %swap3A_582] {strides = array<i32>} : memref<3x32x1024xf32, #tpu.memory_space<vmem>>, vector<1x1x16xf32>,
        %swap3A_584 = vector.shape_cast %swap3A_583 : vector<1x1x16xf32> to vector<16xf32>
        %swap3A_585 = vector.shape_cast %get3A_482 : vector<16xf32> to vector<1x1x16xf32>
        tpu.vector_store %arg7[%swap3A_580, %swap3A_581, %swap3A_582], %swap3A_585 {add = true, strides = array<i32>} : memref<3x32x1024xf32, #tpu.memory_space<vmem>>, vector<1x1x16xf32>,
        %add3A_586 = arith.constant 0 : i32
        %add3A_587 = arith.addi %add3A_586, %scan3A_443 : i32
        %swap3A_588 = arith.index_cast %rem3A_297 : i32 to index
        %swap3A_589 = arith.index_cast %add3A_587 : i32 to index
        %swap3A_590 = arith.constant 128 : index
        %swap3A_591 = tpu.vector_load %arg7[%swap3A_588, %swap3A_589, %swap3A_590] {strides = array<i32>} : memref<3x32x1024xf32, #tpu.memory_space<vmem>>, vector<1x1x16xf32>,
        %swap3A_592 = vector.shape_cast %swap3A_591 : vector<1x1x16xf32> to vector<16xf32>
        %swap3A_593 = vector.shape_cast %get3A_487 : vector<16xf32> to vector<1x1x16xf32>
        tpu.vector_store %arg7[%swap3A_588, %swap3A_589, %swap3A_590], %swap3A_593 {add = true, strides = array<i32>} : memref<3x32x1024xf32, #tpu.memory_space<vmem>>, vector<1x1x16xf32>,
        %add3A_594 = arith.constant 0 : i32
        %add3A_595 = arith.addi %add3A_594, %scan3A_443 : i32
        %swap3A_596 = arith.index_cast %rem3A_297 : i32 to index
        %swap3A_597 = arith.index_cast %add3A_595 : i32 to index
        %swap3A_598 = arith.constant 144 : index
        %swap3A_599 = tpu.vector_load %arg7[%swap3A_596, %swap3A_597, %swap3A_598] {strides = array<i32>} : memref<3x32x1024xf32, #tpu.memory_space<vmem>>, vector<1x1x16xf32>,
        %swap3A_600 = vector.shape_cast %swap3A_599 : vector<1x1x16xf32> to vector<16xf32>
        %swap3A_601 = vector.shape_cast %get3A_492 : vector<16xf32> to vector<1x1x16xf32>
        tpu.vector_store %arg7[%swap3A_596, %swap3A_597, %swap3A_598], %swap3A_601 {add = true, strides = array<i32>} : memref<3x32x1024xf32, #tpu.memory_space<vmem>>, vector<1x1x16xf32>,
        %add3A_602 = arith.constant 0 : i32
        %add3A_603 = arith.addi %add3A_602, %scan3A_443 : i32
        %swap3A_604 = arith.index_cast %rem3A_297 : i32 to index
        %swap3A_605 = arith.index_cast %add3A_603 : i32 to index
        %swap3A_606 = arith.constant 160 : index
        %swap3A_607 = tpu.vector_load %arg7[%swap3A_604, %swap3A_605, %swap3A_606] {strides = array<i32>} : memref<3x32x1024xf32, #tpu.memory_space<vmem>>, vector<1x1x16xf32>,
        %swap3A_608 = vector.shape_cast %swap3A_607 : vector<1x1x16xf32> to vector<16xf32>
        %swap3A_609 = vector.shape_cast %get3A_497 : vector<16xf32> to vector<1x1x16xf32>
        tpu.vector_store %arg7[%swap3A_604, %swap3A_605, %swap3A_606], %swap3A_609 {add = true, strides = array<i32>} : memref<3x32x1024xf32, #tpu.memory_space<vmem>>, vector<1x1x16xf32>,
        %add3A_610 = arith.constant 0 : i32
        %add3A_611 = arith.addi %add3A_610, %scan3A_443 : i32
        %swap3A_612 = arith.index_cast %rem3A_297 : i32 to index
        %swap3A_613 = arith.index_cast %add3A_611 : i32 to index
        %swap3A_614 = arith.constant 176 : index
        %swap3A_615 = tpu.vector_load %arg7[%swap3A_612, %swap3A_613, %swap3A_614] {strides = array<i32>} : memref<3x32x1024xf32, #tpu.memory_space<vmem>>, vector<1x1x16xf32>,
        %swap3A_616 = vector.shape_cast %swap3A_615 : vector<1x1x16xf32> to vector<16xf32>
        %swap3A_617 = vector.shape_cast %get3A_502 : vector<16xf32> to vector<1x1x16xf32>
        tpu.vector_store %arg7[%swap3A_612, %swap3A_613, %swap3A_614], %swap3A_617 {add = true, strides = array<i32>} : memref<3x32x1024xf32, #tpu.memory_space<vmem>>, vector<1x1x16xf32>,
        %add3A_618 = arith.constant 0 : i32
        %add3A_619 = arith.addi %add3A_618, %scan3A_443 : i32
        %swap3A_620 = arith.index_cast %rem3A_297 : i32 to index
        %swap3A_621 = arith.index_cast %add3A_619 : i32 to index
        %swap3A_622 = arith.constant 192 : index
        %swap3A_623 = tpu.vector_load %arg7[%swap3A_620, %swap3A_621, %swap3A_622] {strides = array<i32>} : memref<3x32x1024xf32, #tpu.memory_space<vmem>>, vector<1x1x16xf32>,
        %swap3A_624 = vector.shape_cast %swap3A_623 : vector<1x1x16xf32> to vector<16xf32>
        %swap3A_625 = vector.shape_cast %get3A_507 : vector<16xf32> to vector<1x1x16xf32>
        tpu.vector_store %arg7[%swap3A_620, %swap3A_621, %swap3A_622], %swap3A_625 {add = true, strides = array<i32>} : memref<3x32x1024xf32, #tpu.memory_space<vmem>>, vector<1x1x16xf32>,
        %add3A_626 = arith.constant 0 : i32
        %add3A_627 = arith.addi %add3A_626, %scan3A_443 : i32
        %swap3A_628 = arith.index_cast %rem3A_297 : i32 to index
        %swap3A_629 = arith.index_cast %add3A_627 : i32 to index
        %swap3A_630 = arith.constant 208 : index
        %swap3A_631 = tpu.vector_load %arg7[%swap3A_628, %swap3A_629, %swap3A_630] {strides = array<i32>} : memref<3x32x1024xf32, #tpu.memory_space<vmem>>, vector<1x1x16xf32>,
        %swap3A_632 = vector.shape_cast %swap3A_631 : vector<1x1x16xf32> to vector<16xf32>
        %swap3A_633 = vector.shape_cast %get3A_512 : vector<16xf32> to vector<1x1x16xf32>
        tpu.vector_store %arg7[%swap3A_628, %swap3A_629, %swap3A_630], %swap3A_633 {add = true, strides = array<i32>} : memref<3x32x1024xf32, #tpu.memory_space<vmem>>, vector<1x1x16xf32>,
        %add3A_634 = arith.constant 0 : i32
        %add3A_635 = arith.addi %add3A_634, %scan3A_443 : i32
        %swap3A_636 = arith.index_cast %rem3A_297 : i32 to index
        %swap3A_637 = arith.index_cast %add3A_635 : i32 to index
        %swap3A_638 = arith.constant 224 : index
        %swap3A_639 = tpu.vector_load %arg7[%swap3A_636, %swap3A_637, %swap3A_638] {strides = array<i32>} : memref<3x32x1024xf32, #tpu.memory_space<vmem>>, vector<1x1x16xf32>,
        %swap3A_640 = vector.shape_cast %swap3A_639 : vector<1x1x16xf32> to vector<16xf32>
        %swap3A_641 = vector.shape_cast %get3A_517 : vector<16xf32> to vector<1x1x16xf32>
        tpu.vector_store %arg7[%swap3A_636, %swap3A_637, %swap3A_638], %swap3A_641 {add = true, strides = array<i32>} : memref<3x32x1024xf32, #tpu.memory_space<vmem>>, vector<1x1x16xf32>,
        %add3A_642 = arith.constant 0 : i32
        %add3A_643 = arith.addi %add3A_642, %scan3A_443 : i32
        %swap3A_644 = arith.index_cast %rem3A_297 : i32 to index
        %swap3A_645 = arith.index_cast %add3A_643 : i32 to index
        %swap3A_646 = arith.constant 240 : index
        %swap3A_647 = tpu.vector_load %arg7[%swap3A_644, %swap3A_645, %swap3A_646] {strides = array<i32>} : memref<3x32x1024xf32, #tpu.memory_space<vmem>>, vector<1x1x16xf32>,
        %swap3A_648 = vector.shape_cast %swap3A_647 : vector<1x1x16xf32> to vector<16xf32>
        %swap3A_649 = vector.shape_cast %get3A_522 : vector<16xf32> to vector<1x1x16xf32>
        tpu.vector_store %arg7[%swap3A_644, %swap3A_645, %swap3A_646], %swap3A_649 {add = true, strides = array<i32>} : memref<3x32x1024xf32, #tpu.memory_space<vmem>>, vector<1x1x16xf32>,
        %add3A_650 = arith.constant 8 : i32
        %add3A_651 = arith.addi %add3A_650, %scan3A_443 : i32
        %swap3A_652 = arith.index_cast %rem3A_297 : i32 to index
        %swap3A_653 = arith.index_cast %add3A_651 : i32 to index
        %swap3A_654 = arith.constant 0 : index
        %swap3A_655 = tpu.vector_load %arg7[%swap3A_652, %swap3A_653, %swap3A_654] {strides = array<i32>} : memref<3x32x1024xf32, #tpu.memory_space<vmem>>, vector<1x1x16xf32>,
        %swap3A_656 = vector.shape_cast %swap3A_655 : vector<1x1x16xf32> to vector<16xf32>
        %swap3A_657 = vector.shape_cast %get3A_447 : vector<16xf32> to vector<1x1x16xf32>
        tpu.vector_store %arg7[%swap3A_652, %swap3A_653, %swap3A_654], %swap3A_657 {add = true, strides = array<i32>} : memref<3x32x1024xf32, #tpu.memory_space<vmem>>, vector<1x1x16xf32>,
        %add3A_658 = arith.constant 8 : i32
        %add3A_659 = arith.addi %add3A_658, %scan3A_443 : i32
        %swap3A_660 = arith.index_cast %rem3A_297 : i32 to index
        %swap3A_661 = arith.index_cast %add3A_659 : i32 to index
        %swap3A_662 = arith.constant 16 : index
        %swap3A_663 = tpu.vector_load %arg7[%swap3A_660, %swap3A_661, %swap3A_662] {strides = array<i32>} : memref<3x32x1024xf32, #tpu.memory_space<vmem>>, vector<1x1x16xf32>,
        %swap3A_664 = vector.shape_cast %swap3A_663 : vector<1x1x16xf32> to vector<16xf32>
        %swap3A_665 = vector.shape_cast %get3A_452 : vector<16xf32> to vector<1x1x16xf32>
        tpu.vector_store %arg7[%swap3A_660, %swap3A_661, %swap3A_662], %swap3A_665 {add = true, strides = array<i32>} : memref<3x32x1024xf32, #tpu.memory_space<vmem>>, vector<1x1x16xf32>,
        %add3A_666 = arith.constant 8 : i32
        %add3A_667 = arith.addi %add3A_666, %scan3A_443 : i32
        %swap3A_668 = arith.index_cast %rem3A_297 : i32 to index
        %swap3A_669 = arith.index_cast %add3A_667 : i32 to index
        %swap3A_670 = arith.constant 32 : index
        %swap3A_671 = tpu.vector_load %arg7[%swap3A_668, %swap3A_669, %swap3A_670] {strides = array<i32>} : memref<3x32x1024xf32, #tpu.memory_space<vmem>>, vector<1x1x16xf32>,
        %swap3A_672 = vector.shape_cast %swap3A_671 : vector<1x1x16xf32> to vector<16xf32>
        %swap3A_673 = vector.shape_cast %get3A_457 : vector<16xf32> to vector<1x1x16xf32>
        tpu.vector_store %arg7[%swap3A_668, %swap3A_669, %swap3A_670], %swap3A_673 {add = true, strides = array<i32>} : memref<3x32x1024xf32, #tpu.memory_space<vmem>>, vector<1x1x16xf32>,
        %add3A_674 = arith.constant 8 : i32
        %add3A_675 = arith.addi %add3A_674, %scan3A_443 : i32
        %swap3A_676 = arith.index_cast %rem3A_297 : i32 to index
        %swap3A_677 = arith.index_cast %add3A_675 : i32 to index
        %swap3A_678 = arith.constant 48 : index
        %swap3A_679 = tpu.vector_load %arg7[%swap3A_676, %swap3A_677, %swap3A_678] {strides = array<i32>} : memref<3x32x1024xf32, #tpu.memory_space<vmem>>, vector<1x1x16xf32>,
        %swap3A_680 = vector.shape_cast %swap3A_679 : vector<1x1x16xf32> to vector<16xf32>
        %swap3A_681 = vector.shape_cast %get3A_462 : vector<16xf32> to vector<1x1x16xf32>
        tpu.vector_store %arg7[%swap3A_676, %swap3A_677, %swap3A_678], %swap3A_681 {add = true, strides = array<i32>} : memref<3x32x1024xf32, #tpu.memory_space<vmem>>, vector<1x1x16xf32>,
        %add3A_682 = arith.constant 8 : i32
        %add3A_683 = arith.addi %add3A_682, %scan3A_443 : i32
        %swap3A_684 = arith.index_cast %rem3A_297 : i32 to index
        %swap3A_685 = arith.index_cast %add3A_683 : i32 to index
        %swap3A_686 = arith.constant 64 : index
        %swap3A_687 = tpu.vector_load %arg7[%swap3A_684, %swap3A_685, %swap3A_686] {strides = array<i32>} : memref<3x32x1024xf32, #tpu.memory_space<vmem>>, vector<1x1x16xf32>,
        %swap3A_688 = vector.shape_cast %swap3A_687 : vector<1x1x16xf32> to vector<16xf32>
        %swap3A_689 = vector.shape_cast %get3A_467 : vector<16xf32> to vector<1x1x16xf32>
        tpu.vector_store %arg7[%swap3A_684, %swap3A_685, %swap3A_686], %swap3A_689 {add = true, strides = array<i32>} : memref<3x32x1024xf32, #tpu.memory_space<vmem>>, vector<1x1x16xf32>,
        %add3A_690 = arith.constant 8 : i32
        %add3A_691 = arith.addi %add3A_690, %scan3A_443 : i32
        %swap3A_692 = arith.index_cast %rem3A_297 : i32 to index
        %swap3A_693 = arith.index_cast %add3A_691 : i32 to index
        %swap3A_694 = arith.constant 80 : index
        %swap3A_695 = tpu.vector_load %arg7[%swap3A_692, %swap3A_693, %swap3A_694] {strides = array<i32>} : memref<3x32x1024xf32, #tpu.memory_space<vmem>>, vector<1x1x16xf32>,
        %swap3A_696 = vector.shape_cast %swap3A_695 : vector<1x1x16xf32> to vector<16xf32>
        %swap3A_697 = vector.shape_cast %get3A_472 : vector<16xf32> to vector<1x1x16xf32>
        tpu.vector_store %arg7[%swap3A_692, %swap3A_693, %swap3A_694], %swap3A_697 {add = true, strides = array<i32>} : memref<3x32x1024xf32, #tpu.memory_space<vmem>>, vector<1x1x16xf32>,
        %add3A_698 = arith.constant 8 : i32
        %add3A_699 = arith.addi %add3A_698, %scan3A_443 : i32
        %swap3A_700 = arith.index_cast %rem3A_297 : i32 to index
        %swap3A_701 = arith.index_cast %add3A_699 : i32 to index
        %swap3A_702 = arith.constant 96 : index
        %swap3A_703 = tpu.vector_load %arg7[%swap3A_700, %swap3A_701, %swap3A_702] {strides = array<i32>} : memref<3x32x1024xf32, #tpu.memory_space<vmem>>, vector<1x1x16xf32>,
        %swap3A_704 = vector.shape_cast %swap3A_703 : vector<1x1x16xf32> to vector<16xf32>
        %swap3A_705 = vector.shape_cast %get3A_477 : vector<16xf32> to vector<1x1x16xf32>
        tpu.vector_store %arg7[%swap3A_700, %swap3A_701, %swap3A_702], %swap3A_705 {add = true, strides = array<i32>} : memref<3x32x1024xf32, #tpu.memory_space<vmem>>, vector<1x1x16xf32>,
        %add3A_706 = arith.constant 8 : i32
        %add3A_707 = arith.addi %add3A_706, %scan3A_443 : i32
        %swap3A_708 = arith.index_cast %rem3A_297 : i32 to index
        %swap3A_709 = arith.index_cast %add3A_707 : i32 to index
        %swap3A_710 = arith.constant 112 : index
        %swap3A_711 = tpu.vector_load %arg7[%swap3A_708, %swap3A_709, %swap3A_710] {strides = array<i32>} : memref<3x32x1024xf32, #tpu.memory_space<vmem>>, vector<1x1x16xf32>,
        %swap3A_712 = vector.shape_cast %swap3A_711 : vector<1x1x16xf32> to vector<16xf32>
        %swap3A_713 = vector.shape_cast %get3A_482 : vector<16xf32> to vector<1x1x16xf32>
        tpu.vector_store %arg7[%swap3A_708, %swap3A_709, %swap3A_710], %swap3A_713 {add = true, strides = array<i32>} : memref<3x32x1024xf32, #tpu.memory_space<vmem>>, vector<1x1x16xf32>,
        %add3A_714 = arith.constant 8 : i32
        %add3A_715 = arith.addi %add3A_714, %scan3A_443 : i32
        %swap3A_716 = arith.index_cast %rem3A_297 : i32 to index
        %swap3A_717 = arith.index_cast %add3A_715 : i32 to index
        %swap3A_718 = arith.constant 128 : index
        %swap3A_719 = tpu.vector_load %arg7[%swap3A_716, %swap3A_717, %swap3A_718] {strides = array<i32>} : memref<3x32x1024xf32, #tpu.memory_space<vmem>>, vector<1x1x16xf32>,
        %swap3A_720 = vector.shape_cast %swap3A_719 : vector<1x1x16xf32> to vector<16xf32>
        %swap3A_721 = vector.shape_cast %get3A_487 : vector<16xf32> to vector<1x1x16xf32>
        tpu.vector_store %arg7[%swap3A_716, %swap3A_717, %swap3A_718], %swap3A_721 {add = true, strides = array<i32>} : memref<3x32x1024xf32, #tpu.memory_space<vmem>>, vector<1x1x16xf32>,
        %add3A_722 = arith.constant 8 : i32
        %add3A_723 = arith.addi %add3A_722, %scan3A_443 : i32
        %swap3A_724 = arith.index_cast %rem3A_297 : i32 to index
        %swap3A_725 = arith.index_cast %add3A_723 : i32 to index
        %swap3A_726 = arith.constant 144 : index
        %swap3A_727 = tpu.vector_load %arg7[%swap3A_724, %swap3A_725, %swap3A_726] {strides = array<i32>} : memref<3x32x1024xf32, #tpu.memory_space<vmem>>, vector<1x1x16xf32>,
        %swap3A_728 = vector.shape_cast %swap3A_727 : vector<1x1x16xf32> to vector<16xf32>
        %swap3A_729 = vector.shape_cast %get3A_492 : vector<16xf32> to vector<1x1x16xf32>
        tpu.vector_store %arg7[%swap3A_724, %swap3A_725, %swap3A_726], %swap3A_729 {add = true, strides = array<i32>} : memref<3x32x1024xf32, #tpu.memory_space<vmem>>, vector<1x1x16xf32>,
        %add3A_730 = arith.constant 8 : i32
        %add3A_731 = arith.addi %add3A_730, %scan3A_443 : i32
        %swap3A_732 = arith.index_cast %rem3A_297 : i32 to index
        %swap3A_733 = arith.index_cast %add3A_731 : i32 to index
        %swap3A_734 = arith.constant 160 : index
        %swap3A_735 = tpu.vector_load %arg7[%swap3A_732, %swap3A_733, %swap3A_734] {strides = array<i32>} : memref<3x32x1024xf32, #tpu.memory_space<vmem>>, vector<1x1x16xf32>,
        %swap3A_736 = vector.shape_cast %swap3A_735 : vector<1x1x16xf32> to vector<16xf32>
        %swap3A_737 = vector.shape_cast %get3A_497 : vector<16xf32> to vector<1x1x16xf32>
        tpu.vector_store %arg7[%swap3A_732, %swap3A_733, %swap3A_734], %swap3A_737 {add = true, strides = array<i32>} : memref<3x32x1024xf32, #tpu.memory_space<vmem>>, vector<1x1x16xf32>,
        %add3A_738 = arith.constant 8 : i32
        %add3A_739 = arith.addi %add3A_738, %scan3A_443 : i32
        %swap3A_740 = arith.index_cast %rem3A_297 : i32 to index
        %swap3A_741 = arith.index_cast %add3A_739 : i32 to index
        %swap3A_742 = arith.constant 176 : index
        %swap3A_743 = tpu.vector_load %arg7[%swap3A_740, %swap3A_741, %swap3A_742] {strides = array<i32>} : memref<3x32x1024xf32, #tpu.memory_space<vmem>>, vector<1x1x16xf32>,
        %swap3A_744 = vector.shape_cast %swap3A_743 : vector<1x1x16xf32> to vector<16xf32>
        %swap3A_745 = vector.shape_cast %get3A_502 : vector<16xf32> to vector<1x1x16xf32>
        tpu.vector_store %arg7[%swap3A_740, %swap3A_741, %swap3A_742], %swap3A_745 {add = true, strides = array<i32>} : memref<3x32x1024xf32, #tpu.memory_space<vmem>>, vector<1x1x16xf32>,
        %add3A_746 = arith.constant 8 : i32
        %add3A_747 = arith.addi %add3A_746, %scan3A_443 : i32
        %swap3A_748 = arith.index_cast %rem3A_297 : i32 to index
        %swap3A_749 = arith.index_cast %add3A_747 : i32 to index
        %swap3A_750 = arith.constant 192 : index
        %swap3A_751 = tpu.vector_load %arg7[%swap3A_748, %swap3A_749, %swap3A_750] {strides = array<i32>} : memref<3x32x1024xf32, #tpu.memory_space<vmem>>, vector<1x1x16xf32>,
        %swap3A_752 = vector.shape_cast %swap3A_751 : vector<1x1x16xf32> to vector<16xf32>
        %swap3A_753 = vector.shape_cast %get3A_507 : vector<16xf32> to vector<1x1x16xf32>
        tpu.vector_store %arg7[%swap3A_748, %swap3A_749, %swap3A_750], %swap3A_753 {add = true, strides = array<i32>} : memref<3x32x1024xf32, #tpu.memory_space<vmem>>, vector<1x1x16xf32>,
        %add3A_754 = arith.constant 8 : i32
        %add3A_755 = arith.addi %add3A_754, %scan3A_443 : i32
        %swap3A_756 = arith.index_cast %rem3A_297 : i32 to index
        %swap3A_757 = arith.index_cast %add3A_755 : i32 to index
        %swap3A_758 = arith.constant 208 : index
        %swap3A_759 = tpu.vector_load %arg7[%swap3A_756, %swap3A_757, %swap3A_758] {strides = array<i32>} : memref<3x32x1024xf32, #tpu.memory_space<vmem>>, vector<1x1x16xf32>,
        %swap3A_760 = vector.shape_cast %swap3A_759 : vector<1x1x16xf32> to vector<16xf32>
        %swap3A_761 = vector.shape_cast %get3A_512 : vector<16xf32> to vector<1x1x16xf32>
        tpu.vector_store %arg7[%swap3A_756, %swap3A_757, %swap3A_758], %swap3A_761 {add = true, strides = array<i32>} : memref<3x32x1024xf32, #tpu.memory_space<vmem>>, vector<1x1x16xf32>,
        %add3A_762 = arith.constant 8 : i32
        %add3A_763 = arith.addi %add3A_762, %scan3A_443 : i32
        %swap3A_764 = arith.index_cast %rem3A_297 : i32 to index
        %swap3A_765 = arith.index_cast %add3A_763 : i32 to index
        %swap3A_766 = arith.constant 224 : index
        %swap3A_767 = tpu.vector_load %arg7[%swap3A_764, %swap3A_765, %swap3A_766] {strides = array<i32>} : memref<3x32x1024xf32, #tpu.memory_space<vmem>>, vector<1x1x16xf32>,
        %swap3A_768 = vector.shape_cast %swap3A_767 : vector<1x1x16xf32> to vector<16xf32>
        %swap3A_769 = vector.shape_cast %get3A_517 : vector<16xf32> to vector<1x1x16xf32>
        tpu.vector_store %arg7[%swap3A_764, %swap3A_765, %swap3A_766], %swap3A_769 {add = true, strides = array<i32>} : memref<3x32x1024xf32, #tpu.memory_space<vmem>>, vector<1x1x16xf32>,
        %add3A_770 = arith.constant 8 : i32
        %add3A_771 = arith.addi %add3A_770, %scan3A_443 : i32
        %swap3A_772 = arith.index_cast %rem3A_297 : i32 to index
        %swap3A_773 = arith.index_cast %add3A_771 : i32 to index
        %swap3A_774 = arith.constant 240 : index
        %swap3A_775 = tpu.vector_load %arg7[%swap3A_772, %swap3A_773, %swap3A_774] {strides = array<i32>} : memref<3x32x1024xf32, #tpu.memory_space<vmem>>, vector<1x1x16xf32>,
        %swap3A_776 = vector.shape_cast %swap3A_775 : vector<1x1x16xf32> to vector<16xf32>
        %swap3A_777 = vector.shape_cast %get3A_522 : vector<16xf32> to vector<1x1x16xf32>
        tpu.vector_store %arg7[%swap3A_772, %swap3A_773, %swap3A_774], %swap3A_777 {add = true, strides = array<i32>} : memref<3x32x1024xf32, #tpu.memory_space<vmem>>, vector<1x1x16xf32>,
        %add3A_778 = arith.constant 16 : i32
        %add3A_779 = arith.addi %add3A_778, %scan3A_443 : i32
        %swap3A_780 = arith.index_cast %rem3A_297 : i32 to index
        %swap3A_781 = arith.index_cast %add3A_779 : i32 to index
        %swap3A_782 = arith.constant 0 : index
        %swap3A_783 = tpu.vector_load %arg7[%swap3A_780, %swap3A_781, %swap3A_782] {strides = array<i32>} : memref<3x32x1024xf32, #tpu.memory_space<vmem>>, vector<1x1x16xf32>,
        %swap3A_784 = vector.shape_cast %swap3A_783 : vector<1x1x16xf32> to vector<16xf32>
        %swap3A_785 = vector.shape_cast %get3A_447 : vector<16xf32> to vector<1x1x16xf32>
        tpu.vector_store %arg7[%swap3A_780, %swap3A_781, %swap3A_782], %swap3A_785 {add = true, strides = array<i32>} : memref<3x32x1024xf32, #tpu.memory_space<vmem>>, vector<1x1x16xf32>,
        %add3A_786 = arith.constant 16 : i32
        %add3A_787 = arith.addi %add3A_786, %scan3A_443 : i32
        %swap3A_788 = arith.index_cast %rem3A_297 : i32 to index
        %swap3A_789 = arith.index_cast %add3A_787 : i32 to index
        %swap3A_790 = arith.constant 16 : index
        %swap3A_791 = tpu.vector_load %arg7[%swap3A_788, %swap3A_789, %swap3A_790] {strides = array<i32>} : memref<3x32x1024xf32, #tpu.memory_space<vmem>>, vector<1x1x16xf32>,
        %swap3A_792 = vector.shape_cast %swap3A_791 : vector<1x1x16xf32> to vector<16xf32>
        %swap3A_793 = vector.shape_cast %get3A_452 : vector<16xf32> to vector<1x1x16xf32>
        tpu.vector_store %arg7[%swap3A_788, %swap3A_789, %swap3A_790], %swap3A_793 {add = true, strides = array<i32>} : memref<3x32x1024xf32, #tpu.memory_space<vmem>>, vector<1x1x16xf32>,
        %add3A_794 = arith.constant 16 : i32
        %add3A_795 = arith.addi %add3A_794, %scan3A_443 : i32
        %swap3A_796 = arith.index_cast %rem3A_297 : i32 to index
        %swap3A_797 = arith.index_cast %add3A_795 : i32 to index
        %swap3A_798 = arith.constant 32 : index
        %swap3A_799 = tpu.vector_load %arg7[%swap3A_796, %swap3A_797, %swap3A_798] {strides = array<i32>} : memref<3x32x1024xf32, #tpu.memory_space<vmem>>, vector<1x1x16xf32>,
        %swap3A_800 = vector.shape_cast %swap3A_799 : vector<1x1x16xf32> to vector<16xf32>
        %swap3A_801 = vector.shape_cast %get3A_457 : vector<16xf32> to vector<1x1x16xf32>
        tpu.vector_store %arg7[%swap3A_796, %swap3A_797, %swap3A_798], %swap3A_801 {add = true, strides = array<i32>} : memref<3x32x1024xf32, #tpu.memory_space<vmem>>, vector<1x1x16xf32>,
        %add3A_802 = arith.constant 16 : i32
        %add3A_803 = arith.addi %add3A_802, %scan3A_443 : i32
        %swap3A_804 = arith.index_cast %rem3A_297 : i32 to index
        %swap3A_805 = arith.index_cast %add3A_803 : i32 to index
        %swap3A_806 = arith.constant 48 : index
        %swap3A_807 = tpu.vector_load %arg7[%swap3A_804, %swap3A_805, %swap3A_806] {strides = array<i32>} : memref<3x32x1024xf32, #tpu.memory_space<vmem>>, vector<1x1x16xf32>,
        %swap3A_808 = vector.shape_cast %swap3A_807 : vector<1x1x16xf32> to vector<16xf32>
        %swap3A_809 = vector.shape_cast %get3A_462 : vector<16xf32> to vector<1x1x16xf32>
        tpu.vector_store %arg7[%swap3A_804, %swap3A_805, %swap3A_806], %swap3A_809 {add = true, strides = array<i32>} : memref<3x32x1024xf32, #tpu.memory_space<vmem>>, vector<1x1x16xf32>,
        %add3A_810 = arith.constant 16 : i32
        %add3A_811 = arith.addi %add3A_810, %scan3A_443 : i32
        %swap3A_812 = arith.index_cast %rem3A_297 : i32 to index
        %swap3A_813 = arith.index_cast %add3A_811 : i32 to index
        %swap3A_814 = arith.constant 64 : index
        %swap3A_815 = tpu.vector_load %arg7[%swap3A_812, %swap3A_813, %swap3A_814] {strides = array<i32>} : memref<3x32x1024xf32, #tpu.memory_space<vmem>>, vector<1x1x16xf32>,
        %swap3A_816 = vector.shape_cast %swap3A_815 : vector<1x1x16xf32> to vector<16xf32>
        %swap3A_817 = vector.shape_cast %get3A_467 : vector<16xf32> to vector<1x1x16xf32>
        tpu.vector_store %arg7[%swap3A_812, %swap3A_813, %swap3A_814], %swap3A_817 {add = true, strides = array<i32>} : memref<3x32x1024xf32, #tpu.memory_space<vmem>>, vector<1x1x16xf32>,
        %add3A_818 = arith.constant 16 : i32
        %add3A_819 = arith.addi %add3A_818, %scan3A_443 : i32
        %swap3A_820 = arith.index_cast %rem3A_297 : i32 to index
        %swap3A_821 = arith.index_cast %add3A_819 : i32 to index
        %swap3A_822 = arith.constant 80 : index
        %swap3A_823 = tpu.vector_load %arg7[%swap3A_820, %swap3A_821, %swap3A_822] {strides = array<i32>} : memref<3x32x1024xf32, #tpu.memory_space<vmem>>, vector<1x1x16xf32>,
        %swap3A_824 = vector.shape_cast %swap3A_823 : vector<1x1x16xf32> to vector<16xf32>
        %swap3A_825 = vector.shape_cast %get3A_472 : vector<16xf32> to vector<1x1x16xf32>
        tpu.vector_store %arg7[%swap3A_820, %swap3A_821, %swap3A_822], %swap3A_825 {add = true, strides = array<i32>} : memref<3x32x1024xf32, #tpu.memory_space<vmem>>, vector<1x1x16xf32>,
        %add3A_826 = arith.constant 16 : i32
        %add3A_827 = arith.addi %add3A_826, %scan3A_443 : i32
        %swap3A_828 = arith.index_cast %rem3A_297 : i32 to index
        %swap3A_829 = arith.index_cast %add3A_827 : i32 to index
        %swap3A_830 = arith.constant 96 : index
        %swap3A_831 = tpu.vector_load %arg7[%swap3A_828, %swap3A_829, %swap3A_830] {strides = array<i32>} : memref<3x32x1024xf32, #tpu.memory_space<vmem>>, vector<1x1x16xf32>,
        %swap3A_832 = vector.shape_cast %swap3A_831 : vector<1x1x16xf32> to vector<16xf32>
        %swap3A_833 = vector.shape_cast %get3A_477 : vector<16xf32> to vector<1x1x16xf32>
        tpu.vector_store %arg7[%swap3A_828, %swap3A_829, %swap3A_830], %swap3A_833 {add = true, strides = array<i32>} : memref<3x32x1024xf32, #tpu.memory_space<vmem>>, vector<1x1x16xf32>,
        %add3A_834 = arith.constant 16 : i32
        %add3A_835 = arith.addi %add3A_834, %scan3A_443 : i32
        %swap3A_836 = arith.index_cast %rem3A_297 : i32 to index
        %swap3A_837 = arith.index_cast %add3A_835 : i32 to index
        %swap3A_838 = arith.constant 112 : index
        %swap3A_839 = tpu.vector_load %arg7[%swap3A_836, %swap3A_837, %swap3A_838] {strides = array<i32>} : memref<3x32x1024xf32, #tpu.memory_space<vmem>>, vector<1x1x16xf32>,
        %swap3A_840 = vector.shape_cast %swap3A_839 : vector<1x1x16xf32> to vector<16xf32>
        %swap3A_841 = vector.shape_cast %get3A_482 : vector<16xf32> to vector<1x1x16xf32>
        tpu.vector_store %arg7[%swap3A_836, %swap3A_837, %swap3A_838], %swap3A_841 {add = true, strides = array<i32>} : memref<3x32x1024xf32, #tpu.memory_space<vmem>>, vector<1x1x16xf32>,
        %add3A_842 = arith.constant 16 : i32
        %add3A_843 = arith.addi %add3A_842, %scan3A_443 : i32
        %swap3A_844 = arith.index_cast %rem3A_297 : i32 to index
        %swap3A_845 = arith.index_cast %add3A_843 : i32 to index
        %swap3A_846 = arith.constant 128 : index
        %swap3A_847 = tpu.vector_load %arg7[%swap3A_844, %swap3A_845, %swap3A_846] {strides = array<i32>} : memref<3x32x1024xf32, #tpu.memory_space<vmem>>, vector<1x1x16xf32>,
        %swap3A_848 = vector.shape_cast %swap3A_847 : vector<1x1x16xf32> to vector<16xf32>
        %swap3A_849 = vector.shape_cast %get3A_487 : vector<16xf32> to vector<1x1x16xf32>
        tpu.vector_store %arg7[%swap3A_844, %swap3A_845, %swap3A_846], %swap3A_849 {add = true, strides = array<i32>} : memref<3x32x1024xf32, #tpu.memory_space<vmem>>, vector<1x1x16xf32>,
        %add3A_850 = arith.constant 16 : i32
        %add3A_851 = arith.addi %add3A_850, %scan3A_443 : i32
        %swap3A_852 = arith.index_cast %rem3A_297 : i32 to index
        %swap3A_853 = arith.index_cast %add3A_851 : i32 to index
        %swap3A_854 = arith.constant 144 : index
        %swap3A_855 = tpu.vector_load %arg7[%swap3A_852, %swap3A_853, %swap3A_854] {strides = array<i32>} : memref<3x32x1024xf32, #tpu.memory_space<vmem>>, vector<1x1x16xf32>,
        %swap3A_856 = vector.shape_cast %swap3A_855 : vector<1x1x16xf32> to vector<16xf32>
        %swap3A_857 = vector.shape_cast %get3A_492 : vector<16xf32> to vector<1x1x16xf32>
        tpu.vector_store %arg7[%swap3A_852, %swap3A_853, %swap3A_854], %swap3A_857 {add = true, strides = array<i32>} : memref<3x32x1024xf32, #tpu.memory_space<vmem>>, vector<1x1x16xf32>,
        %add3A_858 = arith.constant 16 : i32
        %add3A_859 = arith.addi %add3A_858, %scan3A_443 : i32
        %swap3A_860 = arith.index_cast %rem3A_297 : i32 to index
        %swap3A_861 = arith.index_cast %add3A_859 : i32 to index
        %swap3A_862 = arith.constant 160 : index
        %swap3A_863 = tpu.vector_load %arg7[%swap3A_860, %swap3A_861, %swap3A_862] {strides = array<i32>} : memref<3x32x1024xf32, #tpu.memory_space<vmem>>, vector<1x1x16xf32>,
        %swap3A_864 = vector.shape_cast %swap3A_863 : vector<1x1x16xf32> to vector<16xf32>
        %swap3A_865 = vector.shape_cast %get3A_497 : vector<16xf32> to vector<1x1x16xf32>
        tpu.vector_store %arg7[%swap3A_860, %swap3A_861, %swap3A_862], %swap3A_865 {add = true, strides = array<i32>} : memref<3x32x1024xf32, #tpu.memory_space<vmem>>, vector<1x1x16xf32>,
        %add3A_866 = arith.constant 16 : i32
        %add3A_867 = arith.addi %add3A_866, %scan3A_443 : i32
        %swap3A_868 = arith.index_cast %rem3A_297 : i32 to index
        %swap3A_869 = arith.index_cast %add3A_867 : i32 to index
        %swap3A_870 = arith.constant 176 : index
        %swap3A_871 = tpu.vector_load %arg7[%swap3A_868, %swap3A_869, %swap3A_870] {strides = array<i32>} : memref<3x32x1024xf32, #tpu.memory_space<vmem>>, vector<1x1x16xf32>,
        %swap3A_872 = vector.shape_cast %swap3A_871 : vector<1x1x16xf32> to vector<16xf32>
        %swap3A_873 = vector.shape_cast %get3A_502 : vector<16xf32> to vector<1x1x16xf32>
        tpu.vector_store %arg7[%swap3A_868, %swap3A_869, %swap3A_870], %swap3A_873 {add = true, strides = array<i32>} : memref<3x32x1024xf32, #tpu.memory_space<vmem>>, vector<1x1x16xf32>,
        %add3A_874 = arith.constant 16 : i32
        %add3A_875 = arith.addi %add3A_874, %scan3A_443 : i32
        %swap3A_876 = arith.index_cast %rem3A_297 : i32 to index
        %swap3A_877 = arith.index_cast %add3A_875 : i32 to index
        %swap3A_878 = arith.constant 192 : index
        %swap3A_879 = tpu.vector_load %arg7[%swap3A_876, %swap3A_877, %swap3A_878] {strides = array<i32>} : memref<3x32x1024xf32, #tpu.memory_space<vmem>>, vector<1x1x16xf32>,
        %swap3A_880 = vector.shape_cast %swap3A_879 : vector<1x1x16xf32> to vector<16xf32>
        %swap3A_881 = vector.shape_cast %get3A_507 : vector<16xf32> to vector<1x1x16xf32>
        tpu.vector_store %arg7[%swap3A_876, %swap3A_877, %swap3A_878], %swap3A_881 {add = true, strides = array<i32>} : memref<3x32x1024xf32, #tpu.memory_space<vmem>>, vector<1x1x16xf32>,
        %add3A_882 = arith.constant 16 : i32
        %add3A_883 = arith.addi %add3A_882, %scan3A_443 : i32
        %swap3A_884 = arith.index_cast %rem3A_297 : i32 to index
        %swap3A_885 = arith.index_cast %add3A_883 : i32 to index
        %swap3A_886 = arith.constant 208 : index
        %swap3A_887 = tpu.vector_load %arg7[%swap3A_884, %swap3A_885, %swap3A_886] {strides = array<i32>} : memref<3x32x1024xf32, #tpu.memory_space<vmem>>, vector<1x1x16xf32>,
        %swap3A_888 = vector.shape_cast %swap3A_887 : vector<1x1x16xf32> to vector<16xf32>
        %swap3A_889 = vector.shape_cast %get3A_512 : vector<16xf32> to vector<1x1x16xf32>
        tpu.vector_store %arg7[%swap3A_884, %swap3A_885, %swap3A_886], %swap3A_889 {add = true, strides = array<i32>} : memref<3x32x1024xf32, #tpu.memory_space<vmem>>, vector<1x1x16xf32>,
        %add3A_890 = arith.constant 16 : i32
        %add3A_891 = arith.addi %add3A_890, %scan3A_443 : i32
        %swap3A_892 = arith.index_cast %rem3A_297 : i32 to index
        %swap3A_893 = arith.index_cast %add3A_891 : i32 to index
        %swap3A_894 = arith.constant 224 : index
        %swap3A_895 = tpu.vector_load %arg7[%swap3A_892, %swap3A_893, %swap3A_894] {strides = array<i32>} : memref<3x32x1024xf32, #tpu.memory_space<vmem>>, vector<1x1x16xf32>,
        %swap3A_896 = vector.shape_cast %swap3A_895 : vector<1x1x16xf32> to vector<16xf32>
        %swap3A_897 = vector.shape_cast %get3A_517 : vector<16xf32> to vector<1x1x16xf32>
        tpu.vector_store %arg7[%swap3A_892, %swap3A_893, %swap3A_894], %swap3A_897 {add = true, strides = array<i32>} : memref<3x32x1024xf32, #tpu.memory_space<vmem>>, vector<1x1x16xf32>,
        %add3A_898 = arith.constant 16 : i32
        %add3A_899 = arith.addi %add3A_898, %scan3A_443 : i32
        %swap3A_900 = arith.index_cast %rem3A_297 : i32 to index
        %swap3A_901 = arith.index_cast %add3A_899 : i32 to index
        %swap3A_902 = arith.constant 240 : index
        %swap3A_903 = tpu.vector_load %arg7[%swap3A_900, %swap3A_901, %swap3A_902] {strides = array<i32>} : memref<3x32x1024xf32, #tpu.memory_space<vmem>>, vector<1x1x16xf32>,
        %swap3A_904 = vector.shape_cast %swap3A_903 : vector<1x1x16xf32> to vector<16xf32>
        %swap3A_905 = vector.shape_cast %get3A_522 : vector<16xf32> to vector<1x1x16xf32>
        tpu.vector_store %arg7[%swap3A_900, %swap3A_901, %swap3A_902], %swap3A_905 {add = true, strides = array<i32>} : memref<3x32x1024xf32, #tpu.memory_space<vmem>>, vector<1x1x16xf32>,
        %add3A_906 = arith.constant 24 : i32
        %add3A_907 = arith.addi %add3A_906, %scan3A_443 : i32
        %swap3A_908 = arith.index_cast %rem3A_297 : i32 to index
        %swap3A_909 = arith.index_cast %add3A_907 : i32 to index
        %swap3A_910 = arith.constant 0 : index
        %swap3A_911 = tpu.vector_load %arg7[%swap3A_908, %swap3A_909, %swap3A_910] {strides = array<i32>} : memref<3x32x1024xf32, #tpu.memory_space<vmem>>, vector<1x1x16xf32>,
        %swap3A_912 = vector.shape_cast %swap3A_911 : vector<1x1x16xf32> to vector<16xf32>
        %swap3A_913 = vector.shape_cast %get3A_447 : vector<16xf32> to vector<1x1x16xf32>
        tpu.vector_store %arg7[%swap3A_908, %swap3A_909, %swap3A_910], %swap3A_913 {add = true, strides = array<i32>} : memref<3x32x1024xf32, #tpu.memory_space<vmem>>, vector<1x1x16xf32>,
        %add3A_914 = arith.constant 24 : i32
        %add3A_915 = arith.addi %add3A_914, %scan3A_443 : i32
        %swap3A_916 = arith.index_cast %rem3A_297 : i32 to index
        %swap3A_917 = arith.index_cast %add3A_915 : i32 to index
        %swap3A_918 = arith.constant 16 : index
        %swap3A_919 = tpu.vector_load %arg7[%swap3A_916, %swap3A_917, %swap3A_918] {strides = array<i32>} : memref<3x32x1024xf32, #tpu.memory_space<vmem>>, vector<1x1x16xf32>,
        %swap3A_920 = vector.shape_cast %swap3A_919 : vector<1x1x16xf32> to vector<16xf32>
        %swap3A_921 = vector.shape_cast %get3A_452 : vector<16xf32> to vector<1x1x16xf32>
        tpu.vector_store %arg7[%swap3A_916, %swap3A_917, %swap3A_918], %swap3A_921 {add = true, strides = array<i32>} : memref<3x32x1024xf32, #tpu.memory_space<vmem>>, vector<1x1x16xf32>,
        %add3A_922 = arith.constant 24 : i32
        %add3A_923 = arith.addi %add3A_922, %scan3A_443 : i32
        %swap3A_924 = arith.index_cast %rem3A_297 : i32 to index
        %swap3A_925 = arith.index_cast %add3A_923 : i32 to index
        %swap3A_926 = arith.constant 32 : index
        %swap3A_927 = tpu.vector_load %arg7[%swap3A_924, %swap3A_925, %swap3A_926] {strides = array<i32>} : memref<3x32x1024xf32, #tpu.memory_space<vmem>>, vector<1x1x16xf32>,
        %swap3A_928 = vector.shape_cast %swap3A_927 : vector<1x1x16xf32> to vector<16xf32>
        %swap3A_929 = vector.shape_cast %get3A_457 : vector<16xf32> to vector<1x1x16xf32>
        tpu.vector_store %arg7[%swap3A_924, %swap3A_925, %swap3A_926], %swap3A_929 {add = true, strides = array<i32>} : memref<3x32x1024xf32, #tpu.memory_space<vmem>>, vector<1x1x16xf32>,
        %add3A_930 = arith.constant 24 : i32
        %add3A_931 = arith.addi %add3A_930, %scan3A_443 : i32
        %swap3A_932 = arith.index_cast %rem3A_297 : i32 to index
        %swap3A_933 = arith.index_cast %add3A_931 : i32 to index
        %swap3A_934 = arith.constant 48 : index
        %swap3A_935 = tpu.vector_load %arg7[%swap3A_932, %swap3A_933, %swap3A_934] {strides = array<i32>} : memref<3x32x1024xf32, #tpu.memory_space<vmem>>, vector<1x1x16xf32>,
        %swap3A_936 = vector.shape_cast %swap3A_935 : vector<1x1x16xf32> to vector<16xf32>
        %swap3A_937 = vector.shape_cast %get3A_462 : vector<16xf32> to vector<1x1x16xf32>
        tpu.vector_store %arg7[%swap3A_932, %swap3A_933, %swap3A_934], %swap3A_937 {add = true, strides = array<i32>} : memref<3x32x1024xf32, #tpu.memory_space<vmem>>, vector<1x1x16xf32>,
        %add3A_938 = arith.constant 24 : i32
        %add3A_939 = arith.addi %add3A_938, %scan3A_443 : i32
        %swap3A_940 = arith.index_cast %rem3A_297 : i32 to index
        %swap3A_941 = arith.index_cast %add3A_939 : i32 to index
        %swap3A_942 = arith.constant 64 : index
        %swap3A_943 = tpu.vector_load %arg7[%swap3A_940, %swap3A_941, %swap3A_942] {strides = array<i32>} : memref<3x32x1024xf32, #tpu.memory_space<vmem>>, vector<1x1x16xf32>,
        %swap3A_944 = vector.shape_cast %swap3A_943 : vector<1x1x16xf32> to vector<16xf32>
        %swap3A_945 = vector.shape_cast %get3A_467 : vector<16xf32> to vector<1x1x16xf32>
        tpu.vector_store %arg7[%swap3A_940, %swap3A_941, %swap3A_942], %swap3A_945 {add = true, strides = array<i32>} : memref<3x32x1024xf32, #tpu.memory_space<vmem>>, vector<1x1x16xf32>,
        %add3A_946 = arith.constant 24 : i32
        %add3A_947 = arith.addi %add3A_946, %scan3A_443 : i32
        %swap3A_948 = arith.index_cast %rem3A_297 : i32 to index
        %swap3A_949 = arith.index_cast %add3A_947 : i32 to index
        %swap3A_950 = arith.constant 80 : index
        %swap3A_951 = tpu.vector_load %arg7[%swap3A_948, %swap3A_949, %swap3A_950] {strides = array<i32>} : memref<3x32x1024xf32, #tpu.memory_space<vmem>>, vector<1x1x16xf32>,
        %swap3A_952 = vector.shape_cast %swap3A_951 : vector<1x1x16xf32> to vector<16xf32>
        %swap3A_953 = vector.shape_cast %get3A_472 : vector<16xf32> to vector<1x1x16xf32>
        tpu.vector_store %arg7[%swap3A_948, %swap3A_949, %swap3A_950], %swap3A_953 {add = true, strides = array<i32>} : memref<3x32x1024xf32, #tpu.memory_space<vmem>>, vector<1x1x16xf32>,
        %add3A_954 = arith.constant 24 : i32
        %add3A_955 = arith.addi %add3A_954, %scan3A_443 : i32
        %swap3A_956 = arith.index_cast %rem3A_297 : i32 to index
        %swap3A_957 = arith.index_cast %add3A_955 : i32 to index
        %swap3A_958 = arith.constant 96 : index
        %swap3A_959 = tpu.vector_load %arg7[%swap3A_956, %swap3A_957, %swap3A_958] {strides = array<i32>} : memref<3x32x1024xf32, #tpu.memory_space<vmem>>, vector<1x1x16xf32>,
        %swap3A_960 = vector.shape_cast %swap3A_959 : vector<1x1x16xf32> to vector<16xf32>
        %swap3A_961 = vector.shape_cast %get3A_477 : vector<16xf32> to vector<1x1x16xf32>
        tpu.vector_store %arg7[%swap3A_956, %swap3A_957, %swap3A_958], %swap3A_961 {add = true, strides = array<i32>} : memref<3x32x1024xf32, #tpu.memory_space<vmem>>, vector<1x1x16xf32>,
        %add3A_962 = arith.constant 24 : i32
        %add3A_963 = arith.addi %add3A_962, %scan3A_443 : i32
        %swap3A_964 = arith.index_cast %rem3A_297 : i32 to index
        %swap3A_965 = arith.index_cast %add3A_963 : i32 to index
        %swap3A_966 = arith.constant 112 : index
        %swap3A_967 = tpu.vector_load %arg7[%swap3A_964, %swap3A_965, %swap3A_966] {strides = array<i32>} : memref<3x32x1024xf32, #tpu.memory_space<vmem>>, vector<1x1x16xf32>,
        %swap3A_968 = vector.shape_cast %swap3A_967 : vector<1x1x16xf32> to vector<16xf32>
        %swap3A_969 = vector.shape_cast %get3A_482 : vector<16xf32> to vector<1x1x16xf32>
        tpu.vector_store %arg7[%swap3A_964, %swap3A_965, %swap3A_966], %swap3A_969 {add = true, strides = array<i32>} : memref<3x32x1024xf32, #tpu.memory_space<vmem>>, vector<1x1x16xf32>,
        %add3A_970 = arith.constant 24 : i32
        %add3A_971 = arith.addi %add3A_970, %scan3A_443 : i32
        %swap3A_972 = arith.index_cast %rem3A_297 : i32 to index
        %swap3A_973 = arith.index_cast %add3A_971 : i32 to index
        %swap3A_974 = arith.constant 128 : index
        %swap3A_975 = tpu.vector_load %arg7[%swap3A_972, %swap3A_973, %swap3A_974] {strides = array<i32>} : memref<3x32x1024xf32, #tpu.memory_space<vmem>>, vector<1x1x16xf32>,
        %swap3A_976 = vector.shape_cast %swap3A_975 : vector<1x1x16xf32> to vector<16xf32>
        %swap3A_977 = vector.shape_cast %get3A_487 : vector<16xf32> to vector<1x1x16xf32>
        tpu.vector_store %arg7[%swap3A_972, %swap3A_973, %swap3A_974], %swap3A_977 {add = true, strides = array<i32>} : memref<3x32x1024xf32, #tpu.memory_space<vmem>>, vector<1x1x16xf32>,
        %add3A_978 = arith.constant 24 : i32
        %add3A_979 = arith.addi %add3A_978, %scan3A_443 : i32
        %swap3A_980 = arith.index_cast %rem3A_297 : i32 to index
        %swap3A_981 = arith.index_cast %add3A_979 : i32 to index
        %swap3A_982 = arith.constant 144 : index
        %swap3A_983 = tpu.vector_load %arg7[%swap3A_980, %swap3A_981, %swap3A_982] {strides = array<i32>} : memref<3x32x1024xf32, #tpu.memory_space<vmem>>, vector<1x1x16xf32>,
        %swap3A_984 = vector.shape_cast %swap3A_983 : vector<1x1x16xf32> to vector<16xf32>
        %swap3A_985 = vector.shape_cast %get3A_492 : vector<16xf32> to vector<1x1x16xf32>
        tpu.vector_store %arg7[%swap3A_980, %swap3A_981, %swap3A_982], %swap3A_985 {add = true, strides = array<i32>} : memref<3x32x1024xf32, #tpu.memory_space<vmem>>, vector<1x1x16xf32>,
        %add3A_986 = arith.constant 24 : i32
        %add3A_987 = arith.addi %add3A_986, %scan3A_443 : i32
        %swap3A_988 = arith.index_cast %rem3A_297 : i32 to index
        %swap3A_989 = arith.index_cast %add3A_987 : i32 to index
        %swap3A_990 = arith.constant 160 : index
        %swap3A_991 = tpu.vector_load %arg7[%swap3A_988, %swap3A_989, %swap3A_990] {strides = array<i32>} : memref<3x32x1024xf32, #tpu.memory_space<vmem>>, vector<1x1x16xf32>,
        %swap3A_992 = vector.shape_cast %swap3A_991 : vector<1x1x16xf32> to vector<16xf32>
        %swap3A_993 = vector.shape_cast %get3A_497 : vector<16xf32> to vector<1x1x16xf32>
        tpu.vector_store %arg7[%swap3A_988, %swap3A_989, %swap3A_990], %swap3A_993 {add = true, strides = array<i32>} : memref<3x32x1024xf32, #tpu.memory_space<vmem>>, vector<1x1x16xf32>,
        %add3A_994 = arith.constant 24 : i32
        %add3A_995 = arith.addi %add3A_994, %scan3A_443 : i32
        %swap3A_996 = arith.index_cast %rem3A_297 : i32 to index
        %swap3A_997 = arith.index_cast %add3A_995 : i32 to index
        %swap3A_998 = arith.constant 176 : index
        %swap3A_999 = tpu.vector_load %arg7[%swap3A_996, %swap3A_997, %swap3A_998] {strides = array<i32>} : memref<3x32x1024xf32, #tpu.memory_space<vmem>>, vector<1x1x16xf32>,
        %swap3A_1000 = vector.shape_cast %swap3A_999 : vector<1x1x16xf32> to vector<16xf32>
        %swap3A_1001 = vector.shape_cast %get3A_502 : vector<16xf32> to vector<1x1x16xf32>
        tpu.vector_store %arg7[%swap3A_996, %swap3A_997, %swap3A_998], %swap3A_1001 {add = true, strides = array<i32>} : memref<3x32x1024xf32, #tpu.memory_space<vmem>>, vector<1x1x16xf32>,
        %add3A_1002 = arith.constant 24 : i32
        %add3A_1003 = arith.addi %add3A_1002, %scan3A_443 : i32
        %swap3A_1004 = arith.index_cast %rem3A_297 : i32 to index
        %swap3A_1005 = arith.index_cast %add3A_1003 : i32 to index
        %swap3A_1006 = arith.constant 192 : index
        %swap3A_1007 = tpu.vector_load %arg7[%swap3A_1004, %swap3A_1005, %swap3A_1006] {strides = array<i32>} : memref<3x32x1024xf32, #tpu.memory_space<vmem>>, vector<1x1x16xf32>,
        %swap3A_1008 = vector.shape_cast %swap3A_1007 : vector<1x1x16xf32> to vector<16xf32>
        %swap3A_1009 = vector.shape_cast %get3A_507 : vector<16xf32> to vector<1x1x16xf32>
        tpu.vector_store %arg7[%swap3A_1004, %swap3A_1005, %swap3A_1006], %swap3A_1009 {add = true, strides = array<i32>} : memref<3x32x1024xf32, #tpu.memory_space<vmem>>, vector<1x1x16xf32>,
        %add3A_1010 = arith.constant 24 : i32
        %add3A_1011 = arith.addi %add3A_1010, %scan3A_443 : i32
        %swap3A_1012 = arith.index_cast %rem3A_297 : i32 to index
        %swap3A_1013 = arith.index_cast %add3A_1011 : i32 to index
        %swap3A_1014 = arith.constant 208 : index
        %swap3A_1015 = tpu.vector_load %arg7[%swap3A_1012, %swap3A_1013, %swap3A_1014] {strides = array<i32>} : memref<3x32x1024xf32, #tpu.memory_space<vmem>>, vector<1x1x16xf32>,
        %swap3A_1016 = vector.shape_cast %swap3A_1015 : vector<1x1x16xf32> to vector<16xf32>
        %swap3A_1017 = vector.shape_cast %get3A_512 : vector<16xf32> to vector<1x1x16xf32>
        tpu.vector_store %arg7[%swap3A_1012, %swap3A_1013, %swap3A_1014], %swap3A_1017 {add = true, strides = array<i32>} : memref<3x32x1024xf32, #tpu.memory_space<vmem>>, vector<1x1x16xf32>,
        %add3A_1018 = arith.constant 24 : i32
        %add3A_1019 = arith.addi %add3A_1018, %scan3A_443 : i32
        %swap3A_1020 = arith.index_cast %rem3A_297 : i32 to index
        %swap3A_1021 = arith.index_cast %add3A_1019 : i32 to index
        %swap3A_1022 = arith.constant 224 : index
        %swap3A_1023 = tpu.vector_load %arg7[%swap3A_1020, %swap3A_1021, %swap3A_1022] {strides = array<i32>} : memref<3x32x1024xf32, #tpu.memory_space<vmem>>, vector<1x1x16xf32>,
        %swap3A_1024 = vector.shape_cast %swap3A_1023 : vector<1x1x16xf32> to vector<16xf32>
        %swap3A_1025 = vector.shape_cast %get3A_517 : vector<16xf32> to vector<1x1x16xf32>
        tpu.vector_store %arg7[%swap3A_1020, %swap3A_1021, %swap3A_1022], %swap3A_1025 {add = true, strides = array<i32>} : memref<3x32x1024xf32, #tpu.memory_space<vmem>>, vector<1x1x16xf32>,
        %add3A_1026 = arith.constant 24 : i32
        %add3A_1027 = arith.addi %add3A_1026, %scan3A_443 : i32
        %swap3A_1028 = arith.index_cast %rem3A_297 : i32 to index
        %swap3A_1029 = arith.index_cast %add3A_1027 : i32 to index
        %swap3A_1030 = arith.constant 240 : index
        %swap3A_1031 = tpu.vector_load %arg7[%swap3A_1028, %swap3A_1029, %swap3A_1030] {strides = array<i32>} : memref<3x32x1024xf32, #tpu.memory_space<vmem>>, vector<1x1x16xf32>,
        %swap3A_1032 = vector.shape_cast %swap3A_1031 : vector<1x1x16xf32> to vector<16xf32>
        %swap3A_1033 = vector.shape_cast %get3A_522 : vector<16xf32> to vector<1x1x16xf32>
        tpu.vector_store %arg7[%swap3A_1028, %swap3A_1029, %swap3A_1030], %swap3A_1033 {add = true, strides = array<i32>} : memref<3x32x1024xf32, #tpu.memory_space<vmem>>, vector<1x1x16xf32>,
        %get3A_1034 = arith.index_cast %rem3A_299 : i32 to index
        %get3A_1035 = arith.index_cast %scan3A_443 : i32 to index
        %get3A_1036 = arith.constant 256 : index
        %get3A_1037 = tpu.vector_load %arg8[%get3A_1034, %get3A_1035, %get3A_1036] {strides = array<i32>} : memref<2x8x1024xf32, #tpu.memory_space<vmem>>, vector<1x1x16xf32>,
        %get3A_1038 = vector.shape_cast %get3A_1037 : vector<1x1x16xf32> to vector<16xf32>
        %get3A_1039 = arith.index_cast %rem3A_299 : i32 to index
        %get3A_1040 = arith.index_cast %scan3A_443 : i32 to index
        %get3A_1041 = arith.constant 272 : index
        %get3A_1042 = tpu.vector_load %arg8[%get3A_1039, %get3A_1040, %get3A_1041] {strides = array<i32>} : memref<2x8x1024xf32, #tpu.memory_space<vmem>>, vector<1x1x16xf32>,
        %get3A_1043 = vector.shape_cast %get3A_1042 : vector<1x1x16xf32> to vector<16xf32>
        %get3A_1044 = arith.index_cast %rem3A_299 : i32 to index
        %get3A_1045 = arith.index_cast %scan3A_443 : i32 to index
        %get3A_1046 = arith.constant 288 : index
        %get3A_1047 = tpu.vector_load %arg8[%get3A_1044, %get3A_1045, %get3A_1046] {strides = array<i32>} : memref<2x8x1024xf32, #tpu.memory_space<vmem>>, vector<1x1x16xf32>,
        %get3A_1048 = vector.shape_cast %get3A_1047 : vector<1x1x16xf32> to vector<16xf32>
        %get3A_1049 = arith.index_cast %rem3A_299 : i32 to index
        %get3A_1050 = arith.index_cast %scan3A_443 : i32 to index
        %get3A_1051 = arith.constant 304 : index
        %get3A_1052 = tpu.vector_load %arg8[%get3A_1049, %get3A_1050, %get3A_1051] {strides = array<i32>} : memref<2x8x1024xf32, #tpu.memory_space<vmem>>, vector<1x1x16xf32>,
        %get3A_1053 = vector.shape_cast %get3A_1052 : vector<1x1x16xf32> to vector<16xf32>
        %get3A_1054 = arith.index_cast %rem3A_299 : i32 to index
        %get3A_1055 = arith.index_cast %scan3A_443 : i32 to index
        %get3A_1056 = arith.constant 320 : index
        %get3A_1057 = tpu.vector_load %arg8[%get3A_1054, %get3A_1055, %get3A_1056] {strides = array<i32>} : memref<2x8x1024xf32, #tpu.memory_space<vmem>>, vector<1x1x16xf32>,
        %get3A_1058 = vector.shape_cast %get3A_1057 : vector<1x1x16xf32> to vector<16xf32>
        %get3A_1059 = arith.index_cast %rem3A_299 : i32 to index
        %get3A_1060 = arith.index_cast %scan3A_443 : i32 to index
        %get3A_1061 = arith.constant 336 : index
        %get3A_1062 = tpu.vector_load %arg8[%get3A_1059, %get3A_1060, %get3A_1061] {strides = array<i32>} : memref<2x8x1024xf32, #tpu.memory_space<vmem>>, vector<1x1x16xf32>,
        %get3A_1063 = vector.shape_cast %get3A_1062 : vector<1x1x16xf32> to vector<16xf32>
        %get3A_1064 = arith.index_cast %rem3A_299 : i32 to index
        %get3A_1065 = arith.index_cast %scan3A_443 : i32 to index
        %get3A_1066 = arith.constant 352 : index
        %get3A_1067 = tpu.vector_load %arg8[%get3A_1064, %get3A_1065, %get3A_1066] {strides = array<i32>} : memref<2x8x1024xf32, #tpu.memory_space<vmem>>, vector<1x1x16xf32>,
        %get3A_1068 = vector.shape_cast %get3A_1067 : vector<1x1x16xf32> to vector<16xf32>
        %get3A_1069 = arith.index_cast %rem3A_299 : i32 to index
        %get3A_1070 = arith.index_cast %scan3A_443 : i32 to index
        %get3A_1071 = arith.constant 368 : index
        %get3A_1072 = tpu.vector_load %arg8[%get3A_1069, %get3A_1070, %get3A_1071] {strides = array<i32>} : memref<2x8x1024xf32, #tpu.memory_space<vmem>>, vector<1x1x16xf32>,
        %get3A_1073 = vector.shape_cast %get3A_1072 : vector<1x1x16xf32> to vector<16xf32>
        %get3A_1074 = arith.index_cast %rem3A_299 : i32 to index
        %get3A_1075 = arith.index_cast %scan3A_443 : i32 to index
        %get3A_1076 = arith.constant 384 : index
        %get3A_1077 = tpu.vector_load %arg8[%get3A_1074, %get3A_1075, %get3A_1076] {strides = array<i32>} : memref<2x8x1024xf32, #tpu.memory_space<vmem>>, vector<1x1x16xf32>,
        %get3A_1078 = vector.shape_cast %get3A_1077 : vector<1x1x16xf32> to vector<16xf32>
        %get3A_1079 = arith.index_cast %rem3A_299 : i32 to index
        %get3A_1080 = arith.index_cast %scan3A_443 : i32 to index
        %get3A_1081 = arith.constant 400 : index
        %get3A_1082 = tpu.vector_load %arg8[%get3A_1079, %get3A_1080, %get3A_1081] {strides = array<i32>} : memref<2x8x1024xf32, #tpu.memory_space<vmem>>, vector<1x1x16xf32>,
        %get3A_1083 = vector.shape_cast %get3A_1082 : vector<1x1x16xf32> to vector<16xf32>
        %get3A_1084 = arith.index_cast %rem3A_299 : i32 to index
        %get3A_1085 = arith.index_cast %scan3A_443 : i32 to index
        %get3A_1086 = arith.constant 416 : index
        %get3A_1087 = tpu.vector_load %arg8[%get3A_1084, %get3A_1085, %get3A_1086] {strides = array<i32>} : memref<2x8x1024xf32, #tpu.memory_space<vmem>>, vector<1x1x16xf32>,
        %get3A_1088 = vector.shape_cast %get3A_1087 : vector<1x1x16xf32> to vector<16xf32>
        %get3A_1089 = arith.index_cast %rem3A_299 : i32 to index
        %get3A_1090 = arith.index_cast %scan3A_443 : i32 to index
        %get3A_1091 = arith.constant 432 : index
        %get3A_1092 = tpu.vector_load %arg8[%get3A_1089, %get3A_1090, %get3A_1091] {strides = array<i32>} : memref<2x8x1024xf32, #tpu.memory_space<vmem>>, vector<1x1x16xf32>,
        %get3A_1093 = vector.shape_cast %get3A_1092 : vector<1x1x16xf32> to vector<16xf32>
        %get3A_1094 = arith.index_cast %rem3A_299 : i32 to index
        %get3A_1095 = arith.index_cast %scan3A_443 : i32 to index
        %get3A_1096 = arith.constant 448 : index
        %get3A_1097 = tpu.vector_load %arg8[%get3A_1094, %get3A_1095, %get3A_1096] {strides = array<i32>} : memref<2x8x1024xf32, #tpu.memory_space<vmem>>, vector<1x1x16xf32>,
        %get3A_1098 = vector.shape_cast %get3A_1097 : vector<1x1x16xf32> to vector<16xf32>
        %get3A_1099 = arith.index_cast %rem3A_299 : i32 to index
        %get3A_1100 = arith.index_cast %scan3A_443 : i32 to index
        %get3A_1101 = arith.constant 464 : index
        %get3A_1102 = tpu.vector_load %arg8[%get3A_1099, %get3A_1100, %get3A_1101] {strides = array<i32>} : memref<2x8x1024xf32, #tpu.memory_space<vmem>>, vector<1x1x16xf32>,
        %get3A_1103 = vector.shape_cast %get3A_1102 : vector<1x1x16xf32> to vector<16xf32>
        %get3A_1104 = arith.index_cast %rem3A_299 : i32 to index
        %get3A_1105 = arith.index_cast %scan3A_443 : i32 to index
        %get3A_1106 = arith.constant 480 : index
        %get3A_1107 = tpu.vector_load %arg8[%get3A_1104, %get3A_1105, %get3A_1106] {strides = array<i32>} : memref<2x8x1024xf32, #tpu.memory_space<vmem>>, vector<1x1x16xf32>,
        %get3A_1108 = vector.shape_cast %get3A_1107 : vector<1x1x16xf32> to vector<16xf32>
        %get3A_1109 = arith.index_cast %rem3A_299 : i32 to index
        %get3A_1110 = arith.index_cast %scan3A_443 : i32 to index
        %get3A_1111 = arith.constant 496 : index
        %get3A_1112 = tpu.vector_load %arg8[%get3A_1109, %get3A_1110, %get3A_1111] {strides = array<i32>} : memref<2x8x1024xf32, #tpu.memory_space<vmem>>, vector<1x1x16xf32>,
        %get3A_1113 = vector.shape_cast %get3A_1112 : vector<1x1x16xf32> to vector<16xf32>
        %add3A_1114 = arith.constant 0 : i32
        %add3A_1115 = arith.addi %add3A_1114, %scan3A_443 : i32
        %swap3A_1116 = arith.index_cast %rem3A_297 : i32 to index
        %swap3A_1117 = arith.index_cast %add3A_1115 : i32 to index
        %swap3A_1118 = arith.constant 256 : index
        %swap3A_1119 = tpu.vector_load %arg7[%swap3A_1116, %swap3A_1117, %swap3A_1118] {strides = array<i32>} : memref<3x32x1024xf32, #tpu.memory_space<vmem>>, vector<1x1x16xf32>,
        %swap3A_1120 = vector.shape_cast %swap3A_1119 : vector<1x1x16xf32> to vector<16xf32>
        %swap3A_1121 = vector.shape_cast %get3A_1038 : vector<16xf32> to vector<1x1x16xf32>
        tpu.vector_store %arg7[%swap3A_1116, %swap3A_1117, %swap3A_1118], %swap3A_1121 {add = true, strides = array<i32>} : memref<3x32x1024xf32, #tpu.memory_space<vmem>>, vector<1x1x16xf32>,
        %add3A_1122 = arith.constant 0 : i32
        %add3A_1123 = arith.addi %add3A_1122, %scan3A_443 : i32
        %swap3A_1124 = arith.index_cast %rem3A_297 : i32 to index
        %swap3A_1125 = arith.index_cast %add3A_1123 : i32 to index
        %swap3A_1126 = arith.constant 272 : index
        %swap3A_1127 = tpu.vector_load %arg7[%swap3A_1124, %swap3A_1125, %swap3A_1126] {strides = array<i32>} : memref<3x32x1024xf32, #tpu.memory_space<vmem>>, vector<1x1x16xf32>,
        %swap3A_1128 = vector.shape_cast %swap3A_1127 : vector<1x1x16xf32> to vector<16xf32>
        %swap3A_1129 = vector.shape_cast %get3A_1043 : vector<16xf32> to vector<1x1x16xf32>
        tpu.vector_store %arg7[%swap3A_1124, %swap3A_1125, %swap3A_1126], %swap3A_1129 {add = true, strides = array<i32>} : memref<3x32x1024xf32, #tpu.memory_space<vmem>>, vector<1x1x16xf32>,
        %add3A_1130 = arith.constant 0 : i32
        %add3A_1131 = arith.addi %add3A_1130, %scan3A_443 : i32
        %swap3A_1132 = arith.index_cast %rem3A_297 : i32 to index
        %swap3A_1133 = arith.index_cast %add3A_1131 : i32 to index
        %swap3A_1134 = arith.constant 288 : index
        %swap3A_1135 = tpu.vector_load %arg7[%swap3A_1132, %swap3A_1133, %swap3A_1134] {strides = array<i32>} : memref<3x32x1024xf32, #tpu.memory_space<vmem>>, vector<1x1x16xf32>,
        %swap3A_1136 = vector.shape_cast %swap3A_1135 : vector<1x1x16xf32> to vector<16xf32>
        %swap3A_1137 = vector.shape_cast %get3A_1048 : vector<16xf32> to vector<1x1x16xf32>
        tpu.vector_store %arg7[%swap3A_1132, %swap3A_1133, %swap3A_1134], %swap3A_1137 {add = true, strides = array<i32>} : memref<3x32x1024xf32, #tpu.memory_space<vmem>>, vector<1x1x16xf32>,
        %add3A_1138 = arith.constant 0 : i32
        %add3A_1139 = arith.addi %add3A_1138, %scan3A_443 : i32
        %swap3A_1140 = arith.index_cast %rem3A_297 : i32 to index
        %swap3A_1141 = arith.index_cast %add3A_1139 : i32 to index
        %swap3A_1142 = arith.constant 304 : index
        %swap3A_1143 = tpu.vector_load %arg7[%swap3A_1140, %swap3A_1141, %swap3A_1142] {strides = array<i32>} : memref<3x32x1024xf32, #tpu.memory_space<vmem>>, vector<1x1x16xf32>,
        %swap3A_1144 = vector.shape_cast %swap3A_1143 : vector<1x1x16xf32> to vector<16xf32>
        %swap3A_1145 = vector.shape_cast %get3A_1053 : vector<16xf32> to vector<1x1x16xf32>
        tpu.vector_store %arg7[%swap3A_1140, %swap3A_1141, %swap3A_1142], %swap3A_1145 {add = true, strides = array<i32>} : memref<3x32x1024xf32, #tpu.memory_space<vmem>>, vector<1x1x16xf32>,
        %add3A_1146 = arith.constant 0 : i32
        %add3A_1147 = arith.addi %add3A_1146, %scan3A_443 : i32
        %swap3A_1148 = arith.index_cast %rem3A_297 : i32 to index
        %swap3A_1149 = arith.index_cast %add3A_1147 : i32 to index
        %swap3A_1150 = arith.constant 320 : index
        %swap3A_1151 = tpu.vector_load %arg7[%swap3A_1148, %swap3A_1149, %swap3A_1150] {strides = array<i32>} : memref<3x32x1024xf32, #tpu.memory_space<vmem>>, vector<1x1x16xf32>,
        %swap3A_1152 = vector.shape_cast %swap3A_1151 : vector<1x1x16xf32> to vector<16xf32>
        %swap3A_1153 = vector.shape_cast %get3A_1058 : vector<16xf32> to vector<1x1x16xf32>
        tpu.vector_store %arg7[%swap3A_1148, %swap3A_1149, %swap3A_1150], %swap3A_1153 {add = true, strides = array<i32>} : memref<3x32x1024xf32, #tpu.memory_space<vmem>>, vector<1x1x16xf32>,
        %add3A_1154 = arith.constant 0 : i32
        %add3A_1155 = arith.addi %add3A_1154, %scan3A_443 : i32
        %swap3A_1156 = arith.index_cast %rem3A_297 : i32 to index
        %swap3A_1157 = arith.index_cast %add3A_1155 : i32 to index
        %swap3A_1158 = arith.constant 336 : index
        %swap3A_1159 = tpu.vector_load %arg7[%swap3A_1156, %swap3A_1157, %swap3A_1158] {strides = array<i32>} : memref<3x32x1024xf32, #tpu.memory_space<vmem>>, vector<1x1x16xf32>,
        %swap3A_1160 = vector.shape_cast %swap3A_1159 : vector<1x1x16xf32> to vector<16xf32>
        %swap3A_1161 = vector.shape_cast %get3A_1063 : vector<16xf32> to vector<1x1x16xf32>
        tpu.vector_store %arg7[%swap3A_1156, %swap3A_1157, %swap3A_1158], %swap3A_1161 {add = true, strides = array<i32>} : memref<3x32x1024xf32, #tpu.memory_space<vmem>>, vector<1x1x16xf32>,
        %add3A_1162 = arith.constant 0 : i32
        %add3A_1163 = arith.addi %add3A_1162, %scan3A_443 : i32
        %swap3A_1164 = arith.index_cast %rem3A_297 : i32 to index
        %swap3A_1165 = arith.index_cast %add3A_1163 : i32 to index
        %swap3A_1166 = arith.constant 352 : index
        %swap3A_1167 = tpu.vector_load %arg7[%swap3A_1164, %swap3A_1165, %swap3A_1166] {strides = array<i32>} : memref<3x32x1024xf32, #tpu.memory_space<vmem>>, vector<1x1x16xf32>,
        %swap3A_1168 = vector.shape_cast %swap3A_1167 : vector<1x1x16xf32> to vector<16xf32>
        %swap3A_1169 = vector.shape_cast %get3A_1068 : vector<16xf32> to vector<1x1x16xf32>
        tpu.vector_store %arg7[%swap3A_1164, %swap3A_1165, %swap3A_1166], %swap3A_1169 {add = true, strides = array<i32>} : memref<3x32x1024xf32, #tpu.memory_space<vmem>>, vector<1x1x16xf32>,
        %add3A_1170 = arith.constant 0 : i32
        %add3A_1171 = arith.addi %add3A_1170, %scan3A_443 : i32
        %swap3A_1172 = arith.index_cast %rem3A_297 : i32 to index
        %swap3A_1173 = arith.index_cast %add3A_1171 : i32 to index
        %swap3A_1174 = arith.constant 368 : index
        %swap3A_1175 = tpu.vector_load %arg7[%swap3A_1172, %swap3A_1173, %swap3A_1174] {strides = array<i32>} : memref<3x32x1024xf32, #tpu.memory_space<vmem>>, vector<1x1x16xf32>,
        %swap3A_1176 = vector.shape_cast %swap3A_1175 : vector<1x1x16xf32> to vector<16xf32>
        %swap3A_1177 = vector.shape_cast %get3A_1073 : vector<16xf32> to vector<1x1x16xf32>
        tpu.vector_store %arg7[%swap3A_1172, %swap3A_1173, %swap3A_1174], %swap3A_1177 {add = true, strides = array<i32>} : memref<3x32x1024xf32, #tpu.memory_space<vmem>>, vector<1x1x16xf32>,
        %add3A_1178 = arith.constant 0 : i32
        %add3A_1179 = arith.addi %add3A_1178, %scan3A_443 : i32
        %swap3A_1180 = arith.index_cast %rem3A_297 : i32 to index
        %swap3A_1181 = arith.index_cast %add3A_1179 : i32 to index
        %swap3A_1182 = arith.constant 384 : index
        %swap3A_1183 = tpu.vector_load %arg7[%swap3A_1180, %swap3A_1181, %swap3A_1182] {strides = array<i32>} : memref<3x32x1024xf32, #tpu.memory_space<vmem>>, vector<1x1x16xf32>,
        %swap3A_1184 = vector.shape_cast %swap3A_1183 : vector<1x1x16xf32> to vector<16xf32>
        %swap3A_1185 = vector.shape_cast %get3A_1078 : vector<16xf32> to vector<1x1x16xf32>
        tpu.vector_store %arg7[%swap3A_1180, %swap3A_1181, %swap3A_1182], %swap3A_1185 {add = true, strides = array<i32>} : memref<3x32x1024xf32, #tpu.memory_space<vmem>>, vector<1x1x16xf32>,
        %add3A_1186 = arith.constant 0 : i32
        %add3A_1187 = arith.addi %add3A_1186, %scan3A_443 : i32
        %swap3A_1188 = arith.index_cast %rem3A_297 : i32 to index
        %swap3A_1189 = arith.index_cast %add3A_1187 : i32 to index
        %swap3A_1190 = arith.constant 400 : index
        %swap3A_1191 = tpu.vector_load %arg7[%swap3A_1188, %swap3A_1189, %swap3A_1190] {strides = array<i32>} : memref<3x32x1024xf32, #tpu.memory_space<vmem>>, vector<1x1x16xf32>,
        %swap3A_1192 = vector.shape_cast %swap3A_1191 : vector<1x1x16xf32> to vector<16xf32>
        %swap3A_1193 = vector.shape_cast %get3A_1083 : vector<16xf32> to vector<1x1x16xf32>
        tpu.vector_store %arg7[%swap3A_1188, %swap3A_1189, %swap3A_1190], %swap3A_1193 {add = true, strides = array<i32>} : memref<3x32x1024xf32, #tpu.memory_space<vmem>>, vector<1x1x16xf32>,
        %add3A_1194 = arith.constant 0 : i32
        %add3A_1195 = arith.addi %add3A_1194, %scan3A_443 : i32
        %swap3A_1196 = arith.index_cast %rem3A_297 : i32 to index
        %swap3A_1197 = arith.index_cast %add3A_1195 : i32 to index
        %swap3A_1198 = arith.constant 416 : index
        %swap3A_1199 = tpu.vector_load %arg7[%swap3A_1196, %swap3A_1197, %swap3A_1198] {strides = array<i32>} : memref<3x32x1024xf32, #tpu.memory_space<vmem>>, vector<1x1x16xf32>,
        %swap3A_1200 = vector.shape_cast %swap3A_1199 : vector<1x1x16xf32> to vector<16xf32>
        %swap3A_1201 = vector.shape_cast %get3A_1088 : vector<16xf32> to vector<1x1x16xf32>
        tpu.vector_store %arg7[%swap3A_1196, %swap3A_1197, %swap3A_1198], %swap3A_1201 {add = true, strides = array<i32>} : memref<3x32x1024xf32, #tpu.memory_space<vmem>>, vector<1x1x16xf32>,
        %add3A_1202 = arith.constant 0 : i32
        %add3A_1203 = arith.addi %add3A_1202, %scan3A_443 : i32
        %swap3A_1204 = arith.index_cast %rem3A_297 : i32 to index
        %swap3A_1205 = arith.index_cast %add3A_1203 : i32 to index
        %swap3A_1206 = arith.constant 432 : index
        %swap3A_1207 = tpu.vector_load %arg7[%swap3A_1204, %swap3A_1205, %swap3A_1206] {strides = array<i32>} : memref<3x32x1024xf32, #tpu.memory_space<vmem>>, vector<1x1x16xf32>,
        %swap3A_1208 = vector.shape_cast %swap3A_1207 : vector<1x1x16xf32> to vector<16xf32>
        %swap3A_1209 = vector.shape_cast %get3A_1093 : vector<16xf32> to vector<1x1x16xf32>
        tpu.vector_store %arg7[%swap3A_1204, %swap3A_1205, %swap3A_1206], %swap3A_1209 {add = true, strides = array<i32>} : memref<3x32x1024xf32, #tpu.memory_space<vmem>>, vector<1x1x16xf32>,
        %add3A_1210 = arith.constant 0 : i32
        %add3A_1211 = arith.addi %add3A_1210, %scan3A_443 : i32
        %swap3A_1212 = arith.index_cast %rem3A_297 : i32 to index
        %swap3A_1213 = arith.index_cast %add3A_1211 : i32 to index
        %swap3A_1214 = arith.constant 448 : index
        %swap3A_1215 = tpu.vector_load %arg7[%swap3A_1212, %swap3A_1213, %swap3A_1214] {strides = array<i32>} : memref<3x32x1024xf32, #tpu.memory_space<vmem>>, vector<1x1x16xf32>,
        %swap3A_1216 = vector.shape_cast %swap3A_1215 : vector<1x1x16xf32> to vector<16xf32>
        %swap3A_1217 = vector.shape_cast %get3A_1098 : vector<16xf32> to vector<1x1x16xf32>
        tpu.vector_store %arg7[%swap3A_1212, %swap3A_1213, %swap3A_1214], %swap3A_1217 {add = true, strides = array<i32>} : memref<3x32x1024xf32, #tpu.memory_space<vmem>>, vector<1x1x16xf32>,
        %add3A_1218 = arith.constant 0 : i32
        %add3A_1219 = arith.addi %add3A_1218, %scan3A_443 : i32
        %swap3A_1220 = arith.index_cast %rem3A_297 : i32 to index
        %swap3A_1221 = arith.index_cast %add3A_1219 : i32 to index
        %swap3A_1222 = arith.constant 464 : index
        %swap3A_1223 = tpu.vector_load %arg7[%swap3A_1220, %swap3A_1221, %swap3A_1222] {strides = array<i32>} : memref<3x32x1024xf32, #tpu.memory_space<vmem>>, vector<1x1x16xf32>,
        %swap3A_1224 = vector.shape_cast %swap3A_1223 : vector<1x1x16xf32> to vector<16xf32>
        %swap3A_1225 = vector.shape_cast %get3A_1103 : vector<16xf32> to vector<1x1x16xf32>
        tpu.vector_store %arg7[%swap3A_1220, %swap3A_1221, %swap3A_1222], %swap3A_1225 {add = true, strides = array<i32>} : memref<3x32x1024xf32, #tpu.memory_space<vmem>>, vector<1x1x16xf32>,
        %add3A_1226 = arith.constant 0 : i32
        %add3A_1227 = arith.addi %add3A_1226, %scan3A_443 : i32
        %swap3A_1228 = arith.index_cast %rem3A_297 : i32 to index
        %swap3A_1229 = arith.index_cast %add3A_1227 : i32 to index
        %swap3A_1230 = arith.constant 480 : index
        %swap3A_1231 = tpu.vector_load %arg7[%swap3A_1228, %swap3A_1229, %swap3A_1230] {strides = array<i32>} : memref<3x32x1024xf32, #tpu.memory_space<vmem>>, vector<1x1x16xf32>,
        %swap3A_1232 = vector.shape_cast %swap3A_1231 : vector<1x1x16xf32> to vector<16xf32>
        %swap3A_1233 = vector.shape_cast %get3A_1108 : vector<16xf32> to vector<1x1x16xf32>
        tpu.vector_store %arg7[%swap3A_1228, %swap3A_1229, %swap3A_1230], %swap3A_1233 {add = true, strides = array<i32>} : memref<3x32x1024xf32, #tpu.memory_space<vmem>>, vector<1x1x16xf32>,
        %add3A_1234 = arith.constant 0 : i32
        %add3A_1235 = arith.addi %add3A_1234, %scan3A_443 : i32
        %swap3A_1236 = arith.index_cast %rem3A_297 : i32 to index
        %swap3A_1237 = arith.index_cast %add3A_1235 : i32 to index
        %swap3A_1238 = arith.constant 496 : index
        %swap3A_1239 = tpu.vector_load %arg7[%swap3A_1236, %swap3A_1237, %swap3A_1238] {strides = array<i32>} : memref<3x32x1024xf32, #tpu.memory_space<vmem>>, vector<1x1x16xf32>,
        %swap3A_1240 = vector.shape_cast %swap3A_1239 : vector<1x1x16xf32> to vector<16xf32>
        %swap3A_1241 = vector.shape_cast %get3A_1113 : vector<16xf32> to vector<1x1x16xf32>
        tpu.vector_store %arg7[%swap3A_1236, %swap3A_1237, %swap3A_1238], %swap3A_1241 {add = true, strides = array<i32>} : memref<3x32x1024xf32, #tpu.memory_space<vmem>>, vector<1x1x16xf32>,
        %add3A_1242 = arith.constant 8 : i32
        %add3A_1243 = arith.addi %add3A_1242, %scan3A_443 : i32
        %swap3A_1244 = arith.index_cast %rem3A_297 : i32 to index
        %swap3A_1245 = arith.index_cast %add3A_1243 : i32 to index
        %swap3A_1246 = arith.constant 256 : index
        %swap3A_1247 = tpu.vector_load %arg7[%swap3A_1244, %swap3A_1245, %swap3A_1246] {strides = array<i32>} : memref<3x32x1024xf32, #tpu.memory_space<vmem>>, vector<1x1x16xf32>,
        %swap3A_1248 = vector.shape_cast %swap3A_1247 : vector<1x1x16xf32> to vector<16xf32>
        %swap3A_1249 = vector.shape_cast %get3A_1038 : vector<16xf32> to vector<1x1x16xf32>
        tpu.vector_store %arg7[%swap3A_1244, %swap3A_1245, %swap3A_1246], %swap3A_1249 {add = true, strides = array<i32>} : memref<3x32x1024xf32, #tpu.memory_space<vmem>>, vector<1x1x16xf32>,
        %add3A_1250 = arith.constant 8 : i32
        %add3A_1251 = arith.addi %add3A_1250, %scan3A_443 : i32
        %swap3A_1252 = arith.index_cast %rem3A_297 : i32 to index
        %swap3A_1253 = arith.index_cast %add3A_1251 : i32 to index
        %swap3A_1254 = arith.constant 272 : index
        %swap3A_1255 = tpu.vector_load %arg7[%swap3A_1252, %swap3A_1253, %swap3A_1254] {strides = array<i32>} : memref<3x32x1024xf32, #tpu.memory_space<vmem>>, vector<1x1x16xf32>,
        %swap3A_1256 = vector.shape_cast %swap3A_1255 : vector<1x1x16xf32> to vector<16xf32>
        %swap3A_1257 = vector.shape_cast %get3A_1043 : vector<16xf32> to vector<1x1x16xf32>
        tpu.vector_store %arg7[%swap3A_1252, %swap3A_1253, %swap3A_1254], %swap3A_1257 {add = true, strides = array<i32>} : memref<3x32x1024xf32, #tpu.memory_space<vmem>>, vector<1x1x16xf32>,
        %add3A_1258 = arith.constant 8 : i32
        %add3A_1259 = arith.addi %add3A_1258, %scan3A_443 : i32
        %swap3A_1260 = arith.index_cast %rem3A_297 : i32 to index
        %swap3A_1261 = arith.index_cast %add3A_1259 : i32 to index
        %swap3A_1262 = arith.constant 288 : index
        %swap3A_1263 = tpu.vector_load %arg7[%swap3A_1260, %swap3A_1261, %swap3A_1262] {strides = array<i32>} : memref<3x32x1024xf32, #tpu.memory_space<vmem>>, vector<1x1x16xf32>,
        %swap3A_1264 = vector.shape_cast %swap3A_1263 : vector<1x1x16xf32> to vector<16xf32>
        %swap3A_1265 = vector.shape_cast %get3A_1048 : vector<16xf32> to vector<1x1x16xf32>
        tpu.vector_store %arg7[%swap3A_1260, %swap3A_1261, %swap3A_1262], %swap3A_1265 {add = true, strides = array<i32>} : memref<3x32x1024xf32, #tpu.memory_space<vmem>>, vector<1x1x16xf32>,
        %add3A_1266 = arith.constant 8 : i32
        %add3A_1267 = arith.addi %add3A_1266, %scan3A_443 : i32
        %swap3A_1268 = arith.index_cast %rem3A_297 : i32 to index
        %swap3A_1269 = arith.index_cast %add3A_1267 : i32 to index
        %swap3A_1270 = arith.constant 304 : index
        %swap3A_1271 = tpu.vector_load %arg7[%swap3A_1268, %swap3A_1269, %swap3A_1270] {strides = array<i32>} : memref<3x32x1024xf32, #tpu.memory_space<vmem>>, vector<1x1x16xf32>,
        %swap3A_1272 = vector.shape_cast %swap3A_1271 : vector<1x1x16xf32> to vector<16xf32>
        %swap3A_1273 = vector.shape_cast %get3A_1053 : vector<16xf32> to vector<1x1x16xf32>
        tpu.vector_store %arg7[%swap3A_1268, %swap3A_1269, %swap3A_1270], %swap3A_1273 {add = true, strides = array<i32>} : memref<3x32x1024xf32, #tpu.memory_space<vmem>>, vector<1x1x16xf32>,
        %add3A_1274 = arith.constant 8 : i32
        %add3A_1275 = arith.addi %add3A_1274, %scan3A_443 : i32
        %swap3A_1276 = arith.index_cast %rem3A_297 : i32 to index
        %swap3A_1277 = arith.index_cast %add3A_1275 : i32 to index
        %swap3A_1278 = arith.constant 320 : index
        %swap3A_1279 = tpu.vector_load %arg7[%swap3A_1276, %swap3A_1277, %swap3A_1278] {strides = array<i32>} : memref<3x32x1024xf32, #tpu.memory_space<vmem>>, vector<1x1x16xf32>,
        %swap3A_1280 = vector.shape_cast %swap3A_1279 : vector<1x1x16xf32> to vector<16xf32>
        %swap3A_1281 = vector.shape_cast %get3A_1058 : vector<16xf32> to vector<1x1x16xf32>
        tpu.vector_store %arg7[%swap3A_1276, %swap3A_1277, %swap3A_1278], %swap3A_1281 {add = true, strides = array<i32>} : memref<3x32x1024xf32, #tpu.memory_space<vmem>>, vector<1x1x16xf32>,
        %add3A_1282 = arith.constant 8 : i32
        %add3A_1283 = arith.addi %add3A_1282, %scan3A_443 : i32
        %swap3A_1284 = arith.index_cast %rem3A_297 : i32 to index
        %swap3A_1285 = arith.index_cast %add3A_1283 : i32 to index
        %swap3A_1286 = arith.constant 336 : index
        %swap3A_1287 = tpu.vector_load %arg7[%swap3A_1284, %swap3A_1285, %swap3A_1286] {strides = array<i32>} : memref<3x32x1024xf32, #tpu.memory_space<vmem>>, vector<1x1x16xf32>,
        %swap3A_1288 = vector.shape_cast %swap3A_1287 : vector<1x1x16xf32> to vector<16xf32>
        %swap3A_1289 = vector.shape_cast %get3A_1063 : vector<16xf32> to vector<1x1x16xf32>
        tpu.vector_store %arg7[%swap3A_1284, %swap3A_1285, %swap3A_1286], %swap3A_1289 {add = true, strides = array<i32>} : memref<3x32x1024xf32, #tpu.memory_space<vmem>>, vector<1x1x16xf32>,
        %add3A_1290 = arith.constant 8 : i32
        %add3A_1291 = arith.addi %add3A_1290, %scan3A_443 : i32
        %swap3A_1292 = arith.index_cast %rem3A_297 : i32 to index
        %swap3A_1293 = arith.index_cast %add3A_1291 : i32 to index
        %swap3A_1294 = arith.constant 352 : index
        %swap3A_1295 = tpu.vector_load %arg7[%swap3A_1292, %swap3A_1293, %swap3A_1294] {strides = array<i32>} : memref<3x32x1024xf32, #tpu.memory_space<vmem>>, vector<1x1x16xf32>,
        %swap3A_1296 = vector.shape_cast %swap3A_1295 : vector<1x1x16xf32> to vector<16xf32>
        %swap3A_1297 = vector.shape_cast %get3A_1068 : vector<16xf32> to vector<1x1x16xf32>
        tpu.vector_store %arg7[%swap3A_1292, %swap3A_1293, %swap3A_1294], %swap3A_1297 {add = true, strides = array<i32>} : memref<3x32x1024xf32, #tpu.memory_space<vmem>>, vector<1x1x16xf32>,
        %add3A_1298 = arith.constant 8 : i32
        %add3A_1299 = arith.addi %add3A_1298, %scan3A_443 : i32
        %swap3A_1300 = arith.index_cast %rem3A_297 : i32 to index
        %swap3A_1301 = arith.index_cast %add3A_1299 : i32 to index
        %swap3A_1302 = arith.constant 368 : index
        %swap3A_1303 = tpu.vector_load %arg7[%swap3A_1300, %swap3A_1301, %swap3A_1302] {strides = array<i32>} : memref<3x32x1024xf32, #tpu.memory_space<vmem>>, vector<1x1x16xf32>,
        %swap3A_1304 = vector.shape_cast %swap3A_1303 : vector<1x1x16xf32> to vector<16xf32>
        %swap3A_1305 = vector.shape_cast %get3A_1073 : vector<16xf32> to vector<1x1x16xf32>
        tpu.vector_store %arg7[%swap3A_1300, %swap3A_1301, %swap3A_1302], %swap3A_1305 {add = true, strides = array<i32>} : memref<3x32x1024xf32, #tpu.memory_space<vmem>>, vector<1x1x16xf32>,
        %add3A_1306 = arith.constant 8 : i32
        %add3A_1307 = arith.addi %add3A_1306, %scan3A_443 : i32
        %swap3A_1308 = arith.index_cast %rem3A_297 : i32 to index
        %swap3A_1309 = arith.index_cast %add3A_1307 : i32 to index
        %swap3A_1310 = arith.constant 384 : index
        %swap3A_1311 = tpu.vector_load %arg7[%swap3A_1308, %swap3A_1309, %swap3A_1310] {strides = array<i32>} : memref<3x32x1024xf32, #tpu.memory_space<vmem>>, vector<1x1x16xf32>,
        %swap3A_1312 = vector.shape_cast %swap3A_1311 : vector<1x1x16xf32> to vector<16xf32>
        %swap3A_1313 = vector.shape_cast %get3A_1078 : vector<16xf32> to vector<1x1x16xf32>
        tpu.vector_store %arg7[%swap3A_1308, %swap3A_1309, %swap3A_1310], %swap3A_1313 {add = true, strides = array<i32>} : memref<3x32x1024xf32, #tpu.memory_space<vmem>>, vector<1x1x16xf32>,
        %add3A_1314 = arith.constant 8 : i32
        %add3A_1315 = arith.addi %add3A_1314, %scan3A_443 : i32
        %swap3A_1316 = arith.index_cast %rem3A_297 : i32 to index
        %swap3A_1317 = arith.index_cast %add3A_1315 : i32 to index
        %swap3A_1318 = arith.constant 400 : index
        %swap3A_1319 = tpu.vector_load %arg7[%swap3A_1316, %swap3A_1317, %swap3A_1318] {strides = array<i32>} : memref<3x32x1024xf32, #tpu.memory_space<vmem>>, vector<1x1x16xf32>,
        %swap3A_1320 = vector.shape_cast %swap3A_1319 : vector<1x1x16xf32> to vector<16xf32>
        %swap3A_1321 = vector.shape_cast %get3A_1083 : vector<16xf32> to vector<1x1x16xf32>
        tpu.vector_store %arg7[%swap3A_1316, %swap3A_1317, %swap3A_1318], %swap3A_1321 {add = true, strides = array<i32>} : memref<3x32x1024xf32, #tpu.memory_space<vmem>>, vector<1x1x16xf32>,
        %add3A_1322 = arith.constant 8 : i32
        %add3A_1323 = arith.addi %add3A_1322, %scan3A_443 : i32
        %swap3A_1324 = arith.index_cast %rem3A_297 : i32 to index
        %swap3A_1325 = arith.index_cast %add3A_1323 : i32 to index
        %swap3A_1326 = arith.constant 416 : index
        %swap3A_1327 = tpu.vector_load %arg7[%swap3A_1324, %swap3A_1325, %swap3A_1326] {strides = array<i32>} : memref<3x32x1024xf32, #tpu.memory_space<vmem>>, vector<1x1x16xf32>,
        %swap3A_1328 = vector.shape_cast %swap3A_1327 : vector<1x1x16xf32> to vector<16xf32>
        %swap3A_1329 = vector.shape_cast %get3A_1088 : vector<16xf32> to vector<1x1x16xf32>
        tpu.vector_store %arg7[%swap3A_1324, %swap3A_1325, %swap3A_1326], %swap3A_1329 {add = true, strides = array<i32>} : memref<3x32x1024xf32, #tpu.memory_space<vmem>>, vector<1x1x16xf32>,
        %add3A_1330 = arith.constant 8 : i32
        %add3A_1331 = arith.addi %add3A_1330, %scan3A_443 : i32
        %swap3A_1332 = arith.index_cast %rem3A_297 : i32 to index
        %swap3A_1333 = arith.index_cast %add3A_1331 : i32 to index
        %swap3A_1334 = arith.constant 432 : index
        %swap3A_1335 = tpu.vector_load %arg7[%swap3A_1332, %swap3A_1333, %swap3A_1334] {strides = array<i32>} : memref<3x32x1024xf32, #tpu.memory_space<vmem>>, vector<1x1x16xf32>,
        %swap3A_1336 = vector.shape_cast %swap3A_1335 : vector<1x1x16xf32> to vector<16xf32>
        %swap3A_1337 = vector.shape_cast %get3A_1093 : vector<16xf32> to vector<1x1x16xf32>
        tpu.vector_store %arg7[%swap3A_1332, %swap3A_1333, %swap3A_1334], %swap3A_1337 {add = true, strides = array<i32>} : memref<3x32x1024xf32, #tpu.memory_space<vmem>>, vector<1x1x16xf32>,
        %add3A_1338 = arith.constant 8 : i32
        %add3A_1339 = arith.addi %add3A_1338, %scan3A_443 : i32
        %swap3A_1340 = arith.index_cast %rem3A_297 : i32 to index
        %swap3A_1341 = arith.index_cast %add3A_1339 : i32 to index
        %swap3A_1342 = arith.constant 448 : index
        %swap3A_1343 = tpu.vector_load %arg7[%swap3A_1340, %swap3A_1341, %swap3A_1342] {strides = array<i32>} : memref<3x32x1024xf32, #tpu.memory_space<vmem>>, vector<1x1x16xf32>,
        %swap3A_1344 = vector.shape_cast %swap3A_1343 : vector<1x1x16xf32> to vector<16xf32>
        %swap3A_1345 = vector.shape_cast %get3A_1098 : vector<16xf32> to vector<1x1x16xf32>
        tpu.vector_store %arg7[%swap3A_1340, %swap3A_1341, %swap3A_1342], %swap3A_1345 {add = true, strides = array<i32>} : memref<3x32x1024xf32, #tpu.memory_space<vmem>>, vector<1x1x16xf32>,
        %add3A_1346 = arith.constant 8 : i32
        %add3A_1347 = arith.addi %add3A_1346, %scan3A_443 : i32
        %swap3A_1348 = arith.index_cast %rem3A_297 : i32 to index
        %swap3A_1349 = arith.index_cast %add3A_1347 : i32 to index
        %swap3A_1350 = arith.constant 464 : index
        %swap3A_1351 = tpu.vector_load %arg7[%swap3A_1348, %swap3A_1349, %swap3A_1350] {strides = array<i32>} : memref<3x32x1024xf32, #tpu.memory_space<vmem>>, vector<1x1x16xf32>,
        %swap3A_1352 = vector.shape_cast %swap3A_1351 : vector<1x1x16xf32> to vector<16xf32>
        %swap3A_1353 = vector.shape_cast %get3A_1103 : vector<16xf32> to vector<1x1x16xf32>
        tpu.vector_store %arg7[%swap3A_1348, %swap3A_1349, %swap3A_1350], %swap3A_1353 {add = true, strides = array<i32>} : memref<3x32x1024xf32, #tpu.memory_space<vmem>>, vector<1x1x16xf32>,
        %add3A_1354 = arith.constant 8 : i32
        %add3A_1355 = arith.addi %add3A_1354, %scan3A_443 : i32
        %swap3A_1356 = arith.index_cast %rem3A_297 : i32 to index
        %swap3A_1357 = arith.index_cast %add3A_1355 : i32 to index
        %swap3A_1358 = arith.constant 480 : index
        %swap3A_1359 = tpu.vector_load %arg7[%swap3A_1356, %swap3A_1357, %swap3A_1358] {strides = array<i32>} : memref<3x32x1024xf32, #tpu.memory_space<vmem>>, vector<1x1x16xf32>,
        %swap3A_1360 = vector.shape_cast %swap3A_1359 : vector<1x1x16xf32> to vector<16xf32>
        %swap3A_1361 = vector.shape_cast %get3A_1108 : vector<16xf32> to vector<1x1x16xf32>
        tpu.vector_store %arg7[%swap3A_1356, %swap3A_1357, %swap3A_1358], %swap3A_1361 {add = true, strides = array<i32>} : memref<3x32x1024xf32, #tpu.memory_space<vmem>>, vector<1x1x16xf32>,
        %add3A_1362 = arith.constant 8 : i32
        %add3A_1363 = arith.addi %add3A_1362, %scan3A_443 : i32
        %swap3A_1364 = arith.index_cast %rem3A_297 : i32 to index
        %swap3A_1365 = arith.index_cast %add3A_1363 : i32 to index
        %swap3A_1366 = arith.constant 496 : index
        %swap3A_1367 = tpu.vector_load %arg7[%swap3A_1364, %swap3A_1365, %swap3A_1366] {strides = array<i32>} : memref<3x32x1024xf32, #tpu.memory_space<vmem>>, vector<1x1x16xf32>,
        %swap3A_1368 = vector.shape_cast %swap3A_1367 : vector<1x1x16xf32> to vector<16xf32>
        %swap3A_1369 = vector.shape_cast %get3A_1113 : vector<16xf32> to vector<1x1x16xf32>
        tpu.vector_store %arg7[%swap3A_1364, %swap3A_1365, %swap3A_1366], %swap3A_1369 {add = true, strides = array<i32>} : memref<3x32x1024xf32, #tpu.memory_space<vmem>>, vector<1x1x16xf32>,
        %add3A_1370 = arith.constant 16 : i32
        %add3A_1371 = arith.addi %add3A_1370, %scan3A_443 : i32
        %swap3A_1372 = arith.index_cast %rem3A_297 : i32 to index
        %swap3A_1373 = arith.index_cast %add3A_1371 : i32 to index
        %swap3A_1374 = arith.constant 256 : index
        %swap3A_1375 = tpu.vector_load %arg7[%swap3A_1372, %swap3A_1373, %swap3A_1374] {strides = array<i32>} : memref<3x32x1024xf32, #tpu.memory_space<vmem>>, vector<1x1x16xf32>,
        %swap3A_1376 = vector.shape_cast %swap3A_1375 : vector<1x1x16xf32> to vector<16xf32>
        %swap3A_1377 = vector.shape_cast %get3A_1038 : vector<16xf32> to vector<1x1x16xf32>
        tpu.vector_store %arg7[%swap3A_1372, %swap3A_1373, %swap3A_1374], %swap3A_1377 {add = true, strides = array<i32>} : memref<3x32x1024xf32, #tpu.memory_space<vmem>>, vector<1x1x16xf32>,
        %add3A_1378 = arith.constant 16 : i32
        %add3A_1379 = arith.addi %add3A_1378, %scan3A_443 : i32
        %swap3A_1380 = arith.index_cast %rem3A_297 : i32 to index
        %swap3A_1381 = arith.index_cast %add3A_1379 : i32 to index
        %swap3A_1382 = arith.constant 272 : index
        %swap3A_1383 = tpu.vector_load %arg7[%swap3A_1380, %swap3A_1381, %swap3A_1382] {strides = array<i32>} : memref<3x32x1024xf32, #tpu.memory_space<vmem>>, vector<1x1x16xf32>,
        %swap3A_1384 = vector.shape_cast %swap3A_1383 : vector<1x1x16xf32> to vector<16xf32>
        %swap3A_1385 = vector.shape_cast %get3A_1043 : vector<16xf32> to vector<1x1x16xf32>
        tpu.vector_store %arg7[%swap3A_1380, %swap3A_1381, %swap3A_1382], %swap3A_1385 {add = true, strides = array<i32>} : memref<3x32x1024xf32, #tpu.memory_space<vmem>>, vector<1x1x16xf32>,
        %add3A_1386 = arith.constant 16 : i32
        %add3A_1387 = arith.addi %add3A_1386, %scan3A_443 : i32
        %swap3A_1388 = arith.index_cast %rem3A_297 : i32 to index
        %swap3A_1389 = arith.index_cast %add3A_1387 : i32 to index
        %swap3A_1390 = arith.constant 288 : index
        %swap3A_1391 = tpu.vector_load %arg7[%swap3A_1388, %swap3A_1389, %swap3A_1390] {strides = array<i32>} : memref<3x32x1024xf32, #tpu.memory_space<vmem>>, vector<1x1x16xf32>,
        %swap3A_1392 = vector.shape_cast %swap3A_1391 : vector<1x1x16xf32> to vector<16xf32>
        %swap3A_1393 = vector.shape_cast %get3A_1048 : vector<16xf32> to vector<1x1x16xf32>
        tpu.vector_store %arg7[%swap3A_1388, %swap3A_1389, %swap3A_1390], %swap3A_1393 {add = true, strides = array<i32>} : memref<3x32x1024xf32, #tpu.memory_space<vmem>>, vector<1x1x16xf32>,
        %add3A_1394 = arith.constant 16 : i32
        %add3A_1395 = arith.addi %add3A_1394, %scan3A_443 : i32
        %swap3A_1396 = arith.index_cast %rem3A_297 : i32 to index
        %swap3A_1397 = arith.index_cast %add3A_1395 : i32 to index
        %swap3A_1398 = arith.constant 304 : index
        %swap3A_1399 = tpu.vector_load %arg7[%swap3A_1396, %swap3A_1397, %swap3A_1398] {strides = array<i32>} : memref<3x32x1024xf32, #tpu.memory_space<vmem>>, vector<1x1x16xf32>,
        %swap3A_1400 = vector.shape_cast %swap3A_1399 : vector<1x1x16xf32> to vector<16xf32>
        %swap3A_1401 = vector.shape_cast %get3A_1053 : vector<16xf32> to vector<1x1x16xf32>
        tpu.vector_store %arg7[%swap3A_1396, %swap3A_1397, %swap3A_1398], %swap3A_1401 {add = true, strides = array<i32>} : memref<3x32x1024xf32, #tpu.memory_space<vmem>>, vector<1x1x16xf32>,
        %add3A_1402 = arith.constant 16 : i32
        %add3A_1403 = arith.addi %add3A_1402, %scan3A_443 : i32
        %swap3A_1404 = arith.index_cast %rem3A_297 : i32 to index
        %swap3A_1405 = arith.index_cast %add3A_1403 : i32 to index
        %swap3A_1406 = arith.constant 320 : index
        %swap3A_1407 = tpu.vector_load %arg7[%swap3A_1404, %swap3A_1405, %swap3A_1406] {strides = array<i32>} : memref<3x32x1024xf32, #tpu.memory_space<vmem>>, vector<1x1x16xf32>,
        %swap3A_1408 = vector.shape_cast %swap3A_1407 : vector<1x1x16xf32> to vector<16xf32>
        %swap3A_1409 = vector.shape_cast %get3A_1058 : vector<16xf32> to vector<1x1x16xf32>
        tpu.vector_store %arg7[%swap3A_1404, %swap3A_1405, %swap3A_1406], %swap3A_1409 {add = true, strides = array<i32>} : memref<3x32x1024xf32, #tpu.memory_space<vmem>>, vector<1x1x16xf32>,
        %add3A_1410 = arith.constant 16 : i32
        %add3A_1411 = arith.addi %add3A_1410, %scan3A_443 : i32
        %swap3A_1412 = arith.index_cast %rem3A_297 : i32 to index
        %swap3A_1413 = arith.index_cast %add3A_1411 : i32 to index
        %swap3A_1414 = arith.constant 336 : index
        %swap3A_1415 = tpu.vector_load %arg7[%swap3A_1412, %swap3A_1413, %swap3A_1414] {strides = array<i32>} : memref<3x32x1024xf32, #tpu.memory_space<vmem>>, vector<1x1x16xf32>,
        %swap3A_1416 = vector.shape_cast %swap3A_1415 : vector<1x1x16xf32> to vector<16xf32>
        %swap3A_1417 = vector.shape_cast %get3A_1063 : vector<16xf32> to vector<1x1x16xf32>
        tpu.vector_store %arg7[%swap3A_1412, %swap3A_1413, %swap3A_1414], %swap3A_1417 {add = true, strides = array<i32>} : memref<3x32x1024xf32, #tpu.memory_space<vmem>>, vector<1x1x16xf32>,
        %add3A_1418 = arith.constant 16 : i32
        %add3A_1419 = arith.addi %add3A_1418, %scan3A_443 : i32
        %swap3A_1420 = arith.index_cast %rem3A_297 : i32 to index
        %swap3A_1421 = arith.index_cast %add3A_1419 : i32 to index
        %swap3A_1422 = arith.constant 352 : index
        %swap3A_1423 = tpu.vector_load %arg7[%swap3A_1420, %swap3A_1421, %swap3A_1422] {strides = array<i32>} : memref<3x32x1024xf32, #tpu.memory_space<vmem>>, vector<1x1x16xf32>,
        %swap3A_1424 = vector.shape_cast %swap3A_1423 : vector<1x1x16xf32> to vector<16xf32>
        %swap3A_1425 = vector.shape_cast %get3A_1068 : vector<16xf32> to vector<1x1x16xf32>
        tpu.vector_store %arg7[%swap3A_1420, %swap3A_1421, %swap3A_1422], %swap3A_1425 {add = true, strides = array<i32>} : memref<3x32x1024xf32, #tpu.memory_space<vmem>>, vector<1x1x16xf32>,
        %add3A_1426 = arith.constant 16 : i32
        %add3A_1427 = arith.addi %add3A_1426, %scan3A_443 : i32
        %swap3A_1428 = arith.index_cast %rem3A_297 : i32 to index
        %swap3A_1429 = arith.index_cast %add3A_1427 : i32 to index
        %swap3A_1430 = arith.constant 368 : index
        %swap3A_1431 = tpu.vector_load %arg7[%swap3A_1428, %swap3A_1429, %swap3A_1430] {strides = array<i32>} : memref<3x32x1024xf32, #tpu.memory_space<vmem>>, vector<1x1x16xf32>,
        %swap3A_1432 = vector.shape_cast %swap3A_1431 : vector<1x1x16xf32> to vector<16xf32>
        %swap3A_1433 = vector.shape_cast %get3A_1073 : vector<16xf32> to vector<1x1x16xf32>
        tpu.vector_store %arg7[%swap3A_1428, %swap3A_1429, %swap3A_1430], %swap3A_1433 {add = true, strides = array<i32>} : memref<3x32x1024xf32, #tpu.memory_space<vmem>>, vector<1x1x16xf32>,
        %add3A_1434 = arith.constant 16 : i32
        %add3A_1435 = arith.addi %add3A_1434, %scan3A_443 : i32
        %swap3A_1436 = arith.index_cast %rem3A_297 : i32 to index
        %swap3A_1437 = arith.index_cast %add3A_1435 : i32 to index
        %swap3A_1438 = arith.constant 384 : index
        %swap3A_1439 = tpu.vector_load %arg7[%swap3A_1436, %swap3A_1437, %swap3A_1438] {strides = array<i32>} : memref<3x32x1024xf32, #tpu.memory_space<vmem>>, vector<1x1x16xf32>,
        %swap3A_1440 = vector.shape_cast %swap3A_1439 : vector<1x1x16xf32> to vector<16xf32>
        %swap3A_1441 = vector.shape_cast %get3A_1078 : vector<16xf32> to vector<1x1x16xf32>
        tpu.vector_store %arg7[%swap3A_1436, %swap3A_1437, %swap3A_1438], %swap3A_1441 {add = true, strides = array<i32>} : memref<3x32x1024xf32, #tpu.memory_space<vmem>>, vector<1x1x16xf32>,
        %add3A_1442 = arith.constant 16 : i32
        %add3A_1443 = arith.addi %add3A_1442, %scan3A_443 : i32
        %swap3A_1444 = arith.index_cast %rem3A_297 : i32 to index
        %swap3A_1445 = arith.index_cast %add3A_1443 : i32 to index
        %swap3A_1446 = arith.constant 400 : index
        %swap3A_1447 = tpu.vector_load %arg7[%swap3A_1444, %swap3A_1445, %swap3A_1446] {strides = array<i32>} : memref<3x32x1024xf32, #tpu.memory_space<vmem>>, vector<1x1x16xf32>,
        %swap3A_1448 = vector.shape_cast %swap3A_1447 : vector<1x1x16xf32> to vector<16xf32>
        %swap3A_1449 = vector.shape_cast %get3A_1083 : vector<16xf32> to vector<1x1x16xf32>
        tpu.vector_store %arg7[%swap3A_1444, %swap3A_1445, %swap3A_1446], %swap3A_1449 {add = true, strides = array<i32>} : memref<3x32x1024xf32, #tpu.memory_space<vmem>>, vector<1x1x16xf32>,
        %add3A_1450 = arith.constant 16 : i32
        %add3A_1451 = arith.addi %add3A_1450, %scan3A_443 : i32
        %swap3A_1452 = arith.index_cast %rem3A_297 : i32 to index
        %swap3A_1453 = arith.index_cast %add3A_1451 : i32 to index
        %swap3A_1454 = arith.constant 416 : index
        %swap3A_1455 = tpu.vector_load %arg7[%swap3A_1452, %swap3A_1453, %swap3A_1454] {strides = array<i32>} : memref<3x32x1024xf32, #tpu.memory_space<vmem>>, vector<1x1x16xf32>,
        %swap3A_1456 = vector.shape_cast %swap3A_1455 : vector<1x1x16xf32> to vector<16xf32>
        %swap3A_1457 = vector.shape_cast %get3A_1088 : vector<16xf32> to vector<1x1x16xf32>
        tpu.vector_store %arg7[%swap3A_1452, %swap3A_1453, %swap3A_1454], %swap3A_1457 {add = true, strides = array<i32>} : memref<3x32x1024xf32, #tpu.memory_space<vmem>>, vector<1x1x16xf32>,
        %add3A_1458 = arith.constant 16 : i32
        %add3A_1459 = arith.addi %add3A_1458, %scan3A_443 : i32
        %swap3A_1460 = arith.index_cast %rem3A_297 : i32 to index
        %swap3A_1461 = arith.index_cast %add3A_1459 : i32 to index
        %swap3A_1462 = arith.constant 432 : index
        %swap3A_1463 = tpu.vector_load %arg7[%swap3A_1460, %swap3A_1461, %swap3A_1462] {strides = array<i32>} : memref<3x32x1024xf32, #tpu.memory_space<vmem>>, vector<1x1x16xf32>,
        %swap3A_1464 = vector.shape_cast %swap3A_1463 : vector<1x1x16xf32> to vector<16xf32>
        %swap3A_1465 = vector.shape_cast %get3A_1093 : vector<16xf32> to vector<1x1x16xf32>
        tpu.vector_store %arg7[%swap3A_1460, %swap3A_1461, %swap3A_1462], %swap3A_1465 {add = true, strides = array<i32>} : memref<3x32x1024xf32, #tpu.memory_space<vmem>>, vector<1x1x16xf32>,
        %add3A_1466 = arith.constant 16 : i32
        %add3A_1467 = arith.addi %add3A_1466, %scan3A_443 : i32
        %swap3A_1468 = arith.index_cast %rem3A_297 : i32 to index
        %swap3A_1469 = arith.index_cast %add3A_1467 : i32 to index
        %swap3A_1470 = arith.constant 448 : index
        %swap3A_1471 = tpu.vector_load %arg7[%swap3A_1468, %swap3A_1469, %swap3A_1470] {strides = array<i32>} : memref<3x32x1024xf32, #tpu.memory_space<vmem>>, vector<1x1x16xf32>,
        %swap3A_1472 = vector.shape_cast %swap3A_1471 : vector<1x1x16xf32> to vector<16xf32>
        %swap3A_1473 = vector.shape_cast %get3A_1098 : vector<16xf32> to vector<1x1x16xf32>
        tpu.vector_store %arg7[%swap3A_1468, %swap3A_1469, %swap3A_1470], %swap3A_1473 {add = true, strides = array<i32>} : memref<3x32x1024xf32, #tpu.memory_space<vmem>>, vector<1x1x16xf32>,
        %add3A_1474 = arith.constant 16 : i32
        %add3A_1475 = arith.addi %add3A_1474, %scan3A_443 : i32
        %swap3A_1476 = arith.index_cast %rem3A_297 : i32 to index
        %swap3A_1477 = arith.index_cast %add3A_1475 : i32 to index
        %swap3A_1478 = arith.constant 464 : index
        %swap3A_1479 = tpu.vector_load %arg7[%swap3A_1476, %swap3A_1477, %swap3A_1478] {strides = array<i32>} : memref<3x32x1024xf32, #tpu.memory_space<vmem>>, vector<1x1x16xf32>,
        %swap3A_1480 = vector.shape_cast %swap3A_1479 : vector<1x1x16xf32> to vector<16xf32>
        %swap3A_1481 = vector.shape_cast %get3A_1103 : vector<16xf32> to vector<1x1x16xf32>
        tpu.vector_store %arg7[%swap3A_1476, %swap3A_1477, %swap3A_1478], %swap3A_1481 {add = true, strides = array<i32>} : memref<3x32x1024xf32, #tpu.memory_space<vmem>>, vector<1x1x16xf32>,
        %add3A_1482 = arith.constant 16 : i32
        %add3A_1483 = arith.addi %add3A_1482, %scan3A_443 : i32
        %swap3A_1484 = arith.index_cast %rem3A_297 : i32 to index
        %swap3A_1485 = arith.index_cast %add3A_1483 : i32 to index
        %swap3A_1486 = arith.constant 480 : index
        %swap3A_1487 = tpu.vector_load %arg7[%swap3A_1484, %swap3A_1485, %swap3A_1486] {strides = array<i32>} : memref<3x32x1024xf32, #tpu.memory_space<vmem>>, vector<1x1x16xf32>,
        %swap3A_1488 = vector.shape_cast %swap3A_1487 : vector<1x1x16xf32> to vector<16xf32>
        %swap3A_1489 = vector.shape_cast %get3A_1108 : vector<16xf32> to vector<1x1x16xf32>
        tpu.vector_store %arg7[%swap3A_1484, %swap3A_1485, %swap3A_1486], %swap3A_1489 {add = true, strides = array<i32>} : memref<3x32x1024xf32, #tpu.memory_space<vmem>>, vector<1x1x16xf32>,
        %add3A_1490 = arith.constant 16 : i32
        %add3A_1491 = arith.addi %add3A_1490, %scan3A_443 : i32
        %swap3A_1492 = arith.index_cast %rem3A_297 : i32 to index
        %swap3A_1493 = arith.index_cast %add3A_1491 : i32 to index
        %swap3A_1494 = arith.constant 496 : index
        %swap3A_1495 = tpu.vector_load %arg7[%swap3A_1492, %swap3A_1493, %swap3A_1494] {strides = array<i32>} : memref<3x32x1024xf32, #tpu.memory_space<vmem>>, vector<1x1x16xf32>,
        %swap3A_1496 = vector.shape_cast %swap3A_1495 : vector<1x1x16xf32> to vector<16xf32>
        %swap3A_1497 = vector.shape_cast %get3A_1113 : vector<16xf32> to vector<1x1x16xf32>
        tpu.vector_store %arg7[%swap3A_1492, %swap3A_1493, %swap3A_1494], %swap3A_1497 {add = true, strides = array<i32>} : memref<3x32x1024xf32, #tpu.memory_space<vmem>>, vector<1x1x16xf32>,
        %add3A_1498 = arith.constant 24 : i32
        %add3A_1499 = arith.addi %add3A_1498, %scan3A_443 : i32
        %swap3A_1500 = arith.index_cast %rem3A_297 : i32 to index
        %swap3A_1501 = arith.index_cast %add3A_1499 : i32 to index
        %swap3A_1502 = arith.constant 256 : index
        %swap3A_1503 = tpu.vector_load %arg7[%swap3A_1500, %swap3A_1501, %swap3A_1502] {strides = array<i32>} : memref<3x32x1024xf32, #tpu.memory_space<vmem>>, vector<1x1x16xf32>,
        %swap3A_1504 = vector.shape_cast %swap3A_1503 : vector<1x1x16xf32> to vector<16xf32>
        %swap3A_1505 = vector.shape_cast %get3A_1038 : vector<16xf32> to vector<1x1x16xf32>
        tpu.vector_store %arg7[%swap3A_1500, %swap3A_1501, %swap3A_1502], %swap3A_1505 {add = true, strides = array<i32>} : memref<3x32x1024xf32, #tpu.memory_space<vmem>>, vector<1x1x16xf32>,
        %add3A_1506 = arith.constant 24 : i32
        %add3A_1507 = arith.addi %add3A_1506, %scan3A_443 : i32
        %swap3A_1508 = arith.index_cast %rem3A_297 : i32 to index
        %swap3A_1509 = arith.index_cast %add3A_1507 : i32 to index
        %swap3A_1510 = arith.constant 272 : index
        %swap3A_1511 = tpu.vector_load %arg7[%swap3A_1508, %swap3A_1509, %swap3A_1510] {strides = array<i32>} : memref<3x32x1024xf32, #tpu.memory_space<vmem>>, vector<1x1x16xf32>,
        %swap3A_1512 = vector.shape_cast %swap3A_1511 : vector<1x1x16xf32> to vector<16xf32>
        %swap3A_1513 = vector.shape_cast %get3A_1043 : vector<16xf32> to vector<1x1x16xf32>
        tpu.vector_store %arg7[%swap3A_1508, %swap3A_1509, %swap3A_1510], %swap3A_1513 {add = true, strides = array<i32>} : memref<3x32x1024xf32, #tpu.memory_space<vmem>>, vector<1x1x16xf32>,
        %add3A_1514 = arith.constant 24 : i32
        %add3A_1515 = arith.addi %add3A_1514, %scan3A_443 : i32
        %swap3A_1516 = arith.index_cast %rem3A_297 : i32 to index
        %swap3A_1517 = arith.index_cast %add3A_1515 : i32 to index
        %swap3A_1518 = arith.constant 288 : index
        %swap3A_1519 = tpu.vector_load %arg7[%swap3A_1516, %swap3A_1517, %swap3A_1518] {strides = array<i32>} : memref<3x32x1024xf32, #tpu.memory_space<vmem>>, vector<1x1x16xf32>,
        %swap3A_1520 = vector.shape_cast %swap3A_1519 : vector<1x1x16xf32> to vector<16xf32>
        %swap3A_1521 = vector.shape_cast %get3A_1048 : vector<16xf32> to vector<1x1x16xf32>
        tpu.vector_store %arg7[%swap3A_1516, %swap3A_1517, %swap3A_1518], %swap3A_1521 {add = true, strides = array<i32>} : memref<3x32x1024xf32, #tpu.memory_space<vmem>>, vector<1x1x16xf32>,
        %add3A_1522 = arith.constant 24 : i32
        %add3A_1523 = arith.addi %add3A_1522, %scan3A_443 : i32
        %swap3A_1524 = arith.index_cast %rem3A_297 : i32 to index
        %swap3A_1525 = arith.index_cast %add3A_1523 : i32 to index
        %swap3A_1526 = arith.constant 304 : index
        %swap3A_1527 = tpu.vector_load %arg7[%swap3A_1524, %swap3A_1525, %swap3A_1526] {strides = array<i32>} : memref<3x32x1024xf32, #tpu.memory_space<vmem>>, vector<1x1x16xf32>,
        %swap3A_1528 = vector.shape_cast %swap3A_1527 : vector<1x1x16xf32> to vector<16xf32>
        %swap3A_1529 = vector.shape_cast %get3A_1053 : vector<16xf32> to vector<1x1x16xf32>
        tpu.vector_store %arg7[%swap3A_1524, %swap3A_1525, %swap3A_1526], %swap3A_1529 {add = true, strides = array<i32>} : memref<3x32x1024xf32, #tpu.memory_space<vmem>>, vector<1x1x16xf32>,
        %add3A_1530 = arith.constant 24 : i32
        %add3A_1531 = arith.addi %add3A_1530, %scan3A_443 : i32
        %swap3A_1532 = arith.index_cast %rem3A_297 : i32 to index
        %swap3A_1533 = arith.index_cast %add3A_1531 : i32 to index
        %swap3A_1534 = arith.constant 320 : index
        %swap3A_1535 = tpu.vector_load %arg7[%swap3A_1532, %swap3A_1533, %swap3A_1534] {strides = array<i32>} : memref<3x32x1024xf32, #tpu.memory_space<vmem>>, vector<1x1x16xf32>,
        %swap3A_1536 = vector.shape_cast %swap3A_1535 : vector<1x1x16xf32> to vector<16xf32>
        %swap3A_1537 = vector.shape_cast %get3A_1058 : vector<16xf32> to vector<1x1x16xf32>
        tpu.vector_store %arg7[%swap3A_1532, %swap3A_1533, %swap3A_1534], %swap3A_1537 {add = true, strides = array<i32>} : memref<3x32x1024xf32, #tpu.memory_space<vmem>>, vector<1x1x16xf32>,
        %add3A_1538 = arith.constant 24 : i32
        %add3A_1539 = arith.addi %add3A_1538, %scan3A_443 : i32
        %swap3A_1540 = arith.index_cast %rem3A_297 : i32 to index
        %swap3A_1541 = arith.index_cast %add3A_1539 : i32 to index
        %swap3A_1542 = arith.constant 336 : index
        %swap3A_1543 = tpu.vector_load %arg7[%swap3A_1540, %swap3A_1541, %swap3A_1542] {strides = array<i32>} : memref<3x32x1024xf32, #tpu.memory_space<vmem>>, vector<1x1x16xf32>,
        %swap3A_1544 = vector.shape_cast %swap3A_1543 : vector<1x1x16xf32> to vector<16xf32>
        %swap3A_1545 = vector.shape_cast %get3A_1063 : vector<16xf32> to vector<1x1x16xf32>
        tpu.vector_store %arg7[%swap3A_1540, %swap3A_1541, %swap3A_1542], %swap3A_1545 {add = true, strides = array<i32>} : memref<3x32x1024xf32, #tpu.memory_space<vmem>>, vector<1x1x16xf32>,
        %add3A_1546 = arith.constant 24 : i32
        %add3A_1547 = arith.addi %add3A_1546, %scan3A_443 : i32
        %swap3A_1548 = arith.index_cast %rem3A_297 : i32 to index
        %swap3A_1549 = arith.index_cast %add3A_1547 : i32 to index
        %swap3A_1550 = arith.constant 352 : index
        %swap3A_1551 = tpu.vector_load %arg7[%swap3A_1548, %swap3A_1549, %swap3A_1550] {strides = array<i32>} : memref<3x32x1024xf32, #tpu.memory_space<vmem>>, vector<1x1x16xf32>,
        %swap3A_1552 = vector.shape_cast %swap3A_1551 : vector<1x1x16xf32> to vector<16xf32>
        %swap3A_1553 = vector.shape_cast %get3A_1068 : vector<16xf32> to vector<1x1x16xf32>
        tpu.vector_store %arg7[%swap3A_1548, %swap3A_1549, %swap3A_1550], %swap3A_1553 {add = true, strides = array<i32>} : memref<3x32x1024xf32, #tpu.memory_space<vmem>>, vector<1x1x16xf32>,
        %add3A_1554 = arith.constant 24 : i32
        %add3A_1555 = arith.addi %add3A_1554, %scan3A_443 : i32
        %swap3A_1556 = arith.index_cast %rem3A_297 : i32 to index
        %swap3A_1557 = arith.index_cast %add3A_1555 : i32 to index
        %swap3A_1558 = arith.constant 368 : index
        %swap3A_1559 = tpu.vector_load %arg7[%swap3A_1556, %swap3A_1557, %swap3A_1558] {strides = array<i32>} : memref<3x32x1024xf32, #tpu.memory_space<vmem>>, vector<1x1x16xf32>,
        %swap3A_1560 = vector.shape_cast %swap3A_1559 : vector<1x1x16xf32> to vector<16xf32>
        %swap3A_1561 = vector.shape_cast %get3A_1073 : vector<16xf32> to vector<1x1x16xf32>
        tpu.vector_store %arg7[%swap3A_1556, %swap3A_1557, %swap3A_1558], %swap3A_1561 {add = true, strides = array<i32>} : memref<3x32x1024xf32, #tpu.memory_space<vmem>>, vector<1x1x16xf32>,
        %add3A_1562 = arith.constant 24 : i32
        %add3A_1563 = arith.addi %add3A_1562, %scan3A_443 : i32
        %swap3A_1564 = arith.index_cast %rem3A_297 : i32 to index
        %swap3A_1565 = arith.index_cast %add3A_1563 : i32 to index
        %swap3A_1566 = arith.constant 384 : index
        %swap3A_1567 = tpu.vector_load %arg7[%swap3A_1564, %swap3A_1565, %swap3A_1566] {strides = array<i32>} : memref<3x32x1024xf32, #tpu.memory_space<vmem>>, vector<1x1x16xf32>,
        %swap3A_1568 = vector.shape_cast %swap3A_1567 : vector<1x1x16xf32> to vector<16xf32>
        %swap3A_1569 = vector.shape_cast %get3A_1078 : vector<16xf32> to vector<1x1x16xf32>
        tpu.vector_store %arg7[%swap3A_1564, %swap3A_1565, %swap3A_1566], %swap3A_1569 {add = true, strides = array<i32>} : memref<3x32x1024xf32, #tpu.memory_space<vmem>>, vector<1x1x16xf32>,
        %add3A_1570 = arith.constant 24 : i32
        %add3A_1571 = arith.addi %add3A_1570, %scan3A_443 : i32
        %swap3A_1572 = arith.index_cast %rem3A_297 : i32 to index
        %swap3A_1573 = arith.index_cast %add3A_1571 : i32 to index
        %swap3A_1574 = arith.constant 400 : index
        %swap3A_1575 = tpu.vector_load %arg7[%swap3A_1572, %swap3A_1573, %swap3A_1574] {strides = array<i32>} : memref<3x32x1024xf32, #tpu.memory_space<vmem>>, vector<1x1x16xf32>,
        %swap3A_1576 = vector.shape_cast %swap3A_1575 : vector<1x1x16xf32> to vector<16xf32>
        %swap3A_1577 = vector.shape_cast %get3A_1083 : vector<16xf32> to vector<1x1x16xf32>
        tpu.vector_store %arg7[%swap3A_1572, %swap3A_1573, %swap3A_1574], %swap3A_1577 {add = true, strides = array<i32>} : memref<3x32x1024xf32, #tpu.memory_space<vmem>>, vector<1x1x16xf32>,
        %add3A_1578 = arith.constant 24 : i32
        %add3A_1579 = arith.addi %add3A_1578, %scan3A_443 : i32
        %swap3A_1580 = arith.index_cast %rem3A_297 : i32 to index
        %swap3A_1581 = arith.index_cast %add3A_1579 : i32 to index
        %swap3A_1582 = arith.constant 416 : index
        %swap3A_1583 = tpu.vector_load %arg7[%swap3A_1580, %swap3A_1581, %swap3A_1582] {strides = array<i32>} : memref<3x32x1024xf32, #tpu.memory_space<vmem>>, vector<1x1x16xf32>,
        %swap3A_1584 = vector.shape_cast %swap3A_1583 : vector<1x1x16xf32> to vector<16xf32>
        %swap3A_1585 = vector.shape_cast %get3A_1088 : vector<16xf32> to vector<1x1x16xf32>
        tpu.vector_store %arg7[%swap3A_1580, %swap3A_1581, %swap3A_1582], %swap3A_1585 {add = true, strides = array<i32>} : memref<3x32x1024xf32, #tpu.memory_space<vmem>>, vector<1x1x16xf32>,
        %add3A_1586 = arith.constant 24 : i32
        %add3A_1587 = arith.addi %add3A_1586, %scan3A_443 : i32
        %swap3A_1588 = arith.index_cast %rem3A_297 : i32 to index
        %swap3A_1589 = arith.index_cast %add3A_1587 : i32 to index
        %swap3A_1590 = arith.constant 432 : index
        %swap3A_1591 = tpu.vector_load %arg7[%swap3A_1588, %swap3A_1589, %swap3A_1590] {strides = array<i32>} : memref<3x32x1024xf32, #tpu.memory_space<vmem>>, vector<1x1x16xf32>,
        %swap3A_1592 = vector.shape_cast %swap3A_1591 : vector<1x1x16xf32> to vector<16xf32>
        %swap3A_1593 = vector.shape_cast %get3A_1093 : vector<16xf32> to vector<1x1x16xf32>
        tpu.vector_store %arg7[%swap3A_1588, %swap3A_1589, %swap3A_1590], %swap3A_1593 {add = true, strides = array<i32>} : memref<3x32x1024xf32, #tpu.memory_space<vmem>>, vector<1x1x16xf32>,
        %add3A_1594 = arith.constant 24 : i32
        %add3A_1595 = arith.addi %add3A_1594, %scan3A_443 : i32
        %swap3A_1596 = arith.index_cast %rem3A_297 : i32 to index
        %swap3A_1597 = arith.index_cast %add3A_1595 : i32 to index
        %swap3A_1598 = arith.constant 448 : index
        %swap3A_1599 = tpu.vector_load %arg7[%swap3A_1596, %swap3A_1597, %swap3A_1598] {strides = array<i32>} : memref<3x32x1024xf32, #tpu.memory_space<vmem>>, vector<1x1x16xf32>,
        %swap3A_1600 = vector.shape_cast %swap3A_1599 : vector<1x1x16xf32> to vector<16xf32>
        %swap3A_1601 = vector.shape_cast %get3A_1098 : vector<16xf32> to vector<1x1x16xf32>
        tpu.vector_store %arg7[%swap3A_1596, %swap3A_1597, %swap3A_1598], %swap3A_1601 {add = true, strides = array<i32>} : memref<3x32x1024xf32, #tpu.memory_space<vmem>>, vector<1x1x16xf32>,
        %add3A_1602 = arith.constant 24 : i32
        %add3A_1603 = arith.addi %add3A_1602, %scan3A_443 : i32
        %swap3A_1604 = arith.index_cast %rem3A_297 : i32 to index
        %swap3A_1605 = arith.index_cast %add3A_1603 : i32 to index
        %swap3A_1606 = arith.constant 464 : index
        %swap3A_1607 = tpu.vector_load %arg7[%swap3A_1604, %swap3A_1605, %swap3A_1606] {strides = array<i32>} : memref<3x32x1024xf32, #tpu.memory_space<vmem>>, vector<1x1x16xf32>,
        %swap3A_1608 = vector.shape_cast %swap3A_1607 : vector<1x1x16xf32> to vector<16xf32>
        %swap3A_1609 = vector.shape_cast %get3A_1103 : vector<16xf32> to vector<1x1x16xf32>
        tpu.vector_store %arg7[%swap3A_1604, %swap3A_1605, %swap3A_1606], %swap3A_1609 {add = true, strides = array<i32>} : memref<3x32x1024xf32, #tpu.memory_space<vmem>>, vector<1x1x16xf32>,
        %add3A_1610 = arith.constant 24 : i32
        %add3A_1611 = arith.addi %add3A_1610, %scan3A_443 : i32
        %swap3A_1612 = arith.index_cast %rem3A_297 : i32 to index
        %swap3A_1613 = arith.index_cast %add3A_1611 : i32 to index
        %swap3A_1614 = arith.constant 480 : index
        %swap3A_1615 = tpu.vector_load %arg7[%swap3A_1612, %swap3A_1613, %swap3A_1614] {strides = array<i32>} : memref<3x32x1024xf32, #tpu.memory_space<vmem>>, vector<1x1x16xf32>,
        %swap3A_1616 = vector.shape_cast %swap3A_1615 : vector<1x1x16xf32> to vector<16xf32>
        %swap3A_1617 = vector.shape_cast %get3A_1108 : vector<16xf32> to vector<1x1x16xf32>
        tpu.vector_store %arg7[%swap3A_1612, %swap3A_1613, %swap3A_1614], %swap3A_1617 {add = true, strides = array<i32>} : memref<3x32x1024xf32, #tpu.memory_space<vmem>>, vector<1x1x16xf32>,
        %add3A_1618 = arith.constant 24 : i32
        %add3A_1619 = arith.addi %add3A_1618, %scan3A_443 : i32
        %swap3A_1620 = arith.index_cast %rem3A_297 : i32 to index
        %swap3A_1621 = arith.index_cast %add3A_1619 : i32 to index
        %swap3A_1622 = arith.constant 496 : index
        %swap3A_1623 = tpu.vector_load %arg7[%swap3A_1620, %swap3A_1621, %swap3A_1622] {strides = array<i32>} : memref<3x32x1024xf32, #tpu.memory_space<vmem>>, vector<1x1x16xf32>,
        %swap3A_1624 = vector.shape_cast %swap3A_1623 : vector<1x1x16xf32> to vector<16xf32>
        %swap3A_1625 = vector.shape_cast %get3A_1113 : vector<16xf32> to vector<1x1x16xf32>
        tpu.vector_store %arg7[%swap3A_1620, %swap3A_1621, %swap3A_1622], %swap3A_1625 {add = true, strides = array<i32>} : memref<3x32x1024xf32, #tpu.memory_space<vmem>>, vector<1x1x16xf32>,
        %get3A_1626 = arith.index_cast %rem3A_299 : i32 to index
        %get3A_1627 = arith.index_cast %scan3A_443 : i32 to index
        %get3A_1628 = arith.constant 512 : index
        %get3A_1629 = tpu.vector_load %arg8[%get3A_1626, %get3A_1627, %get3A_1628] {strides = array<i32>} : memref<2x8x1024xf32, #tpu.memory_space<vmem>>, vector<1x1x16xf32>,
        %get3A_1630 = vector.shape_cast %get3A_1629 : vector<1x1x16xf32> to vector<16xf32>
        %get3A_1631 = arith.index_cast %rem3A_299 : i32 to index
        %get3A_1632 = arith.index_cast %scan3A_443 : i32 to index
        %get3A_1633 = arith.constant 528 : index
        %get3A_1634 = tpu.vector_load %arg8[%get3A_1631, %get3A_1632, %get3A_1633] {strides = array<i32>} : memref<2x8x1024xf32, #tpu.memory_space<vmem>>, vector<1x1x16xf32>,
        %get3A_1635 = vector.shape_cast %get3A_1634 : vector<1x1x16xf32> to vector<16xf32>
        %get3A_1636 = arith.index_cast %rem3A_299 : i32 to index
        %get3A_1637 = arith.index_cast %scan3A_443 : i32 to index
        %get3A_1638 = arith.constant 544 : index
        %get3A_1639 = tpu.vector_load %arg8[%get3A_1636, %get3A_1637, %get3A_1638] {strides = array<i32>} : memref<2x8x1024xf32, #tpu.memory_space<vmem>>, vector<1x1x16xf32>,
        %get3A_1640 = vector.shape_cast %get3A_1639 : vector<1x1x16xf32> to vector<16xf32>
        %get3A_1641 = arith.index_cast %rem3A_299 : i32 to index
        %get3A_1642 = arith.index_cast %scan3A_443 : i32 to index
        %get3A_1643 = arith.constant 560 : index
        %get3A_1644 = tpu.vector_load %arg8[%get3A_1641, %get3A_1642, %get3A_1643] {strides = array<i32>} : memref<2x8x1024xf32, #tpu.memory_space<vmem>>, vector<1x1x16xf32>,
        %get3A_1645 = vector.shape_cast %get3A_1644 : vector<1x1x16xf32> to vector<16xf32>
        %get3A_1646 = arith.index_cast %rem3A_299 : i32 to index
        %get3A_1647 = arith.index_cast %scan3A_443 : i32 to index
        %get3A_1648 = arith.constant 576 : index
        %get3A_1649 = tpu.vector_load %arg8[%get3A_1646, %get3A_1647, %get3A_1648] {strides = array<i32>} : memref<2x8x1024xf32, #tpu.memory_space<vmem>>, vector<1x1x16xf32>,
        %get3A_1650 = vector.shape_cast %get3A_1649 : vector<1x1x16xf32> to vector<16xf32>
        %get3A_1651 = arith.index_cast %rem3A_299 : i32 to index
        %get3A_1652 = arith.index_cast %scan3A_443 : i32 to index
        %get3A_1653 = arith.constant 592 : index
        %get3A_1654 = tpu.vector_load %arg8[%get3A_1651, %get3A_1652, %get3A_1653] {strides = array<i32>} : memref<2x8x1024xf32, #tpu.memory_space<vmem>>, vector<1x1x16xf32>,
        %get3A_1655 = vector.shape_cast %get3A_1654 : vector<1x1x16xf32> to vector<16xf32>
        %get3A_1656 = arith.index_cast %rem3A_299 : i32 to index
        %get3A_1657 = arith.index_cast %scan3A_443 : i32 to index
        %get3A_1658 = arith.constant 608 : index
        %get3A_1659 = tpu.vector_load %arg8[%get3A_1656, %get3A_1657, %get3A_1658] {strides = array<i32>} : memref<2x8x1024xf32, #tpu.memory_space<vmem>>, vector<1x1x16xf32>,
        %get3A_1660 = vector.shape_cast %get3A_1659 : vector<1x1x16xf32> to vector<16xf32>
        %get3A_1661 = arith.index_cast %rem3A_299 : i32 to index
        %get3A_1662 = arith.index_cast %scan3A_443 : i32 to index
        %get3A_1663 = arith.constant 624 : index
        %get3A_1664 = tpu.vector_load %arg8[%get3A_1661, %get3A_1662, %get3A_1663] {strides = array<i32>} : memref<2x8x1024xf32, #tpu.memory_space<vmem>>, vector<1x1x16xf32>,
        %get3A_1665 = vector.shape_cast %get3A_1664 : vector<1x1x16xf32> to vector<16xf32>
        %get3A_1666 = arith.index_cast %rem3A_299 : i32 to index
        %get3A_1667 = arith.index_cast %scan3A_443 : i32 to index
        %get3A_1668 = arith.constant 640 : index
        %get3A_1669 = tpu.vector_load %arg8[%get3A_1666, %get3A_1667, %get3A_1668] {strides = array<i32>} : memref<2x8x1024xf32, #tpu.memory_space<vmem>>, vector<1x1x16xf32>,
        %get3A_1670 = vector.shape_cast %get3A_1669 : vector<1x1x16xf32> to vector<16xf32>
        %get3A_1671 = arith.index_cast %rem3A_299 : i32 to index
        %get3A_1672 = arith.index_cast %scan3A_443 : i32 to index
        %get3A_1673 = arith.constant 656 : index
        %get3A_1674 = tpu.vector_load %arg8[%get3A_1671, %get3A_1672, %get3A_1673] {strides = array<i32>} : memref<2x8x1024xf32, #tpu.memory_space<vmem>>, vector<1x1x16xf32>,
        %get3A_1675 = vector.shape_cast %get3A_1674 : vector<1x1x16xf32> to vector<16xf32>
        %get3A_1676 = arith.index_cast %rem3A_299 : i32 to index
        %get3A_1677 = arith.index_cast %scan3A_443 : i32 to index
        %get3A_1678 = arith.constant 672 : index
        %get3A_1679 = tpu.vector_load %arg8[%get3A_1676, %get3A_1677, %get3A_1678] {strides = array<i32>} : memref<2x8x1024xf32, #tpu.memory_space<vmem>>, vector<1x1x16xf32>,
        %get3A_1680 = vector.shape_cast %get3A_1679 : vector<1x1x16xf32> to vector<16xf32>
        %get3A_1681 = arith.index_cast %rem3A_299 : i32 to index
        %get3A_1682 = arith.index_cast %scan3A_443 : i32 to index
        %get3A_1683 = arith.constant 688 : index
        %get3A_1684 = tpu.vector_load %arg8[%get3A_1681, %get3A_1682, %get3A_1683] {strides = array<i32>} : memref<2x8x1024xf32, #tpu.memory_space<vmem>>, vector<1x1x16xf32>,
        %get3A_1685 = vector.shape_cast %get3A_1684 : vector<1x1x16xf32> to vector<16xf32>
        %get3A_1686 = arith.index_cast %rem3A_299 : i32 to index
        %get3A_1687 = arith.index_cast %scan3A_443 : i32 to index
        %get3A_1688 = arith.constant 704 : index
        %get3A_1689 = tpu.vector_load %arg8[%get3A_1686, %get3A_1687, %get3A_1688] {strides = array<i32>} : memref<2x8x1024xf32, #tpu.memory_space<vmem>>, vector<1x1x16xf32>,
        %get3A_1690 = vector.shape_cast %get3A_1689 : vector<1x1x16xf32> to vector<16xf32>
        %get3A_1691 = arith.index_cast %rem3A_299 : i32 to index
        %get3A_1692 = arith.index_cast %scan3A_443 : i32 to index
        %get3A_1693 = arith.constant 720 : index
        %get3A_1694 = tpu.vector_load %arg8[%get3A_1691, %get3A_1692, %get3A_1693] {strides = array<i32>} : memref<2x8x1024xf32, #tpu.memory_space<vmem>>, vector<1x1x16xf32>,
        %get3A_1695 = vector.shape_cast %get3A_1694 : vector<1x1x16xf32> to vector<16xf32>
        %get3A_1696 = arith.index_cast %rem3A_299 : i32 to index
        %get3A_1697 = arith.index_cast %scan3A_443 : i32 to index
        %get3A_1698 = arith.constant 736 : index
        %get3A_1699 = tpu.vector_load %arg8[%get3A_1696, %get3A_1697, %get3A_1698] {strides = array<i32>} : memref<2x8x1024xf32, #tpu.memory_space<vmem>>, vector<1x1x16xf32>,
        %get3A_1700 = vector.shape_cast %get3A_1699 : vector<1x1x16xf32> to vector<16xf32>
        %get3A_1701 = arith.index_cast %rem3A_299 : i32 to index
        %get3A_1702 = arith.index_cast %scan3A_443 : i32 to index
        %get3A_1703 = arith.constant 752 : index
        %get3A_1704 = tpu.vector_load %arg8[%get3A_1701, %get3A_1702, %get3A_1703] {strides = array<i32>} : memref<2x8x1024xf32, #tpu.memory_space<vmem>>, vector<1x1x16xf32>,
        %get3A_1705 = vector.shape_cast %get3A_1704 : vector<1x1x16xf32> to vector<16xf32>
        %add3A_1706 = arith.constant 0 : i32
        %add3A_1707 = arith.addi %add3A_1706, %scan3A_443 : i32
        %swap3A_1708 = arith.index_cast %rem3A_297 : i32 to index
        %swap3A_1709 = arith.index_cast %add3A_1707 : i32 to index
        %swap3A_1710 = arith.constant 512 : index
        %swap3A_1711 = tpu.vector_load %arg7[%swap3A_1708, %swap3A_1709, %swap3A_1710] {strides = array<i32>} : memref<3x32x1024xf32, #tpu.memory_space<vmem>>, vector<1x1x16xf32>,
        %swap3A_1712 = vector.shape_cast %swap3A_1711 : vector<1x1x16xf32> to vector<16xf32>
        %swap3A_1713 = vector.shape_cast %get3A_1630 : vector<16xf32> to vector<1x1x16xf32>
        tpu.vector_store %arg7[%swap3A_1708, %swap3A_1709, %swap3A_1710], %swap3A_1713 {add = true, strides = array<i32>} : memref<3x32x1024xf32, #tpu.memory_space<vmem>>, vector<1x1x16xf32>,
        %add3A_1714 = arith.constant 0 : i32
        %add3A_1715 = arith.addi %add3A_1714, %scan3A_443 : i32
        %swap3A_1716 = arith.index_cast %rem3A_297 : i32 to index
        %swap3A_1717 = arith.index_cast %add3A_1715 : i32 to index
        %swap3A_1718 = arith.constant 528 : index
        %swap3A_1719 = tpu.vector_load %arg7[%swap3A_1716, %swap3A_1717, %swap3A_1718] {strides = array<i32>} : memref<3x32x1024xf32, #tpu.memory_space<vmem>>, vector<1x1x16xf32>,
        %swap3A_1720 = vector.shape_cast %swap3A_1719 : vector<1x1x16xf32> to vector<16xf32>
        %swap3A_1721 = vector.shape_cast %get3A_1635 : vector<16xf32> to vector<1x1x16xf32>
        tpu.vector_store %arg7[%swap3A_1716, %swap3A_1717, %swap3A_1718], %swap3A_1721 {add = true, strides = array<i32>} : memref<3x32x1024xf32, #tpu.memory_space<vmem>>, vector<1x1x16xf32>,
        %add3A_1722 = arith.constant 0 : i32
        %add3A_1723 = arith.addi %add3A_1722, %scan3A_443 : i32
        %swap3A_1724 = arith.index_cast %rem3A_297 : i32 to index
        %swap3A_1725 = arith.index_cast %add3A_1723 : i32 to index
        %swap3A_1726 = arith.constant 544 : index
        %swap3A_1727 = tpu.vector_load %arg7[%swap3A_1724, %swap3A_1725, %swap3A_1726] {strides = array<i32>} : memref<3x32x1024xf32, #tpu.memory_space<vmem>>, vector<1x1x16xf32>,
        %swap3A_1728 = vector.shape_cast %swap3A_1727 : vector<1x1x16xf32> to vector<16xf32>
        %swap3A_1729 = vector.shape_cast %get3A_1640 : vector<16xf32> to vector<1x1x16xf32>
        tpu.vector_store %arg7[%swap3A_1724, %swap3A_1725, %swap3A_1726], %swap3A_1729 {add = true, strides = array<i32>} : memref<3x32x1024xf32, #tpu.memory_space<vmem>>, vector<1x1x16xf32>,
        %add3A_1730 = arith.constant 0 : i32
        %add3A_1731 = arith.addi %add3A_1730, %scan3A_443 : i32
        %swap3A_1732 = arith.index_cast %rem3A_297 : i32 to index
        %swap3A_1733 = arith.index_cast %add3A_1731 : i32 to index
        %swap3A_1734 = arith.constant 560 : index
        %swap3A_1735 = tpu.vector_load %arg7[%swap3A_1732, %swap3A_1733, %swap3A_1734] {strides = array<i32>} : memref<3x32x1024xf32, #tpu.memory_space<vmem>>, vector<1x1x16xf32>,
        %swap3A_1736 = vector.shape_cast %swap3A_1735 : vector<1x1x16xf32> to vector<16xf32>
        %swap3A_1737 = vector.shape_cast %get3A_1645 : vector<16xf32> to vector<1x1x16xf32>
        tpu.vector_store %arg7[%swap3A_1732, %swap3A_1733, %swap3A_1734], %swap3A_1737 {add = true, strides = array<i32>} : memref<3x32x1024xf32, #tpu.memory_space<vmem>>, vector<1x1x16xf32>,
        %add3A_1738 = arith.constant 0 : i32
        %add3A_1739 = arith.addi %add3A_1738, %scan3A_443 : i32
        %swap3A_1740 = arith.index_cast %rem3A_297 : i32 to index
        %swap3A_1741 = arith.index_cast %add3A_1739 : i32 to index
        %swap3A_1742 = arith.constant 576 : index
        %swap3A_1743 = tpu.vector_load %arg7[%swap3A_1740, %swap3A_1741, %swap3A_1742] {strides = array<i32>} : memref<3x32x1024xf32, #tpu.memory_space<vmem>>, vector<1x1x16xf32>,
        %swap3A_1744 = vector.shape_cast %swap3A_1743 : vector<1x1x16xf32> to vector<16xf32>
        %swap3A_1745 = vector.shape_cast %get3A_1650 : vector<16xf32> to vector<1x1x16xf32>
        tpu.vector_store %arg7[%swap3A_1740, %swap3A_1741, %swap3A_1742], %swap3A_1745 {add = true, strides = array<i32>} : memref<3x32x1024xf32, #tpu.memory_space<vmem>>, vector<1x1x16xf32>,
        %add3A_1746 = arith.constant 0 : i32
        %add3A_1747 = arith.addi %add3A_1746, %scan3A_443 : i32
        %swap3A_1748 = arith.index_cast %rem3A_297 : i32 to index
        %swap3A_1749 = arith.index_cast %add3A_1747 : i32 to index
        %swap3A_1750 = arith.constant 592 : index
        %swap3A_1751 = tpu.vector_load %arg7[%swap3A_1748, %swap3A_1749, %swap3A_1750] {strides = array<i32>} : memref<3x32x1024xf32, #tpu.memory_space<vmem>>, vector<1x1x16xf32>,
        %swap3A_1752 = vector.shape_cast %swap3A_1751 : vector<1x1x16xf32> to vector<16xf32>
        %swap3A_1753 = vector.shape_cast %get3A_1655 : vector<16xf32> to vector<1x1x16xf32>
        tpu.vector_store %arg7[%swap3A_1748, %swap3A_1749, %swap3A_1750], %swap3A_1753 {add = true, strides = array<i32>} : memref<3x32x1024xf32, #tpu.memory_space<vmem>>, vector<1x1x16xf32>,
        %add3A_1754 = arith.constant 0 : i32
        %add3A_1755 = arith.addi %add3A_1754, %scan3A_443 : i32
        %swap3A_1756 = arith.index_cast %rem3A_297 : i32 to index
        %swap3A_1757 = arith.index_cast %add3A_1755 : i32 to index
        %swap3A_1758 = arith.constant 608 : index
        %swap3A_1759 = tpu.vector_load %arg7[%swap3A_1756, %swap3A_1757, %swap3A_1758] {strides = array<i32>} : memref<3x32x1024xf32, #tpu.memory_space<vmem>>, vector<1x1x16xf32>,
        %swap3A_1760 = vector.shape_cast %swap3A_1759 : vector<1x1x16xf32> to vector<16xf32>
        %swap3A_1761 = vector.shape_cast %get3A_1660 : vector<16xf32> to vector<1x1x16xf32>
        tpu.vector_store %arg7[%swap3A_1756, %swap3A_1757, %swap3A_1758], %swap3A_1761 {add = true, strides = array<i32>} : memref<3x32x1024xf32, #tpu.memory_space<vmem>>, vector<1x1x16xf32>,
        %add3A_1762 = arith.constant 0 : i32
        %add3A_1763 = arith.addi %add3A_1762, %scan3A_443 : i32
        %swap3A_1764 = arith.index_cast %rem3A_297 : i32 to index
        %swap3A_1765 = arith.index_cast %add3A_1763 : i32 to index
        %swap3A_1766 = arith.constant 624 : index
        %swap3A_1767 = tpu.vector_load %arg7[%swap3A_1764, %swap3A_1765, %swap3A_1766] {strides = array<i32>} : memref<3x32x1024xf32, #tpu.memory_space<vmem>>, vector<1x1x16xf32>,
        %swap3A_1768 = vector.shape_cast %swap3A_1767 : vector<1x1x16xf32> to vector<16xf32>
        %swap3A_1769 = vector.shape_cast %get3A_1665 : vector<16xf32> to vector<1x1x16xf32>
        tpu.vector_store %arg7[%swap3A_1764, %swap3A_1765, %swap3A_1766], %swap3A_1769 {add = true, strides = array<i32>} : memref<3x32x1024xf32, #tpu.memory_space<vmem>>, vector<1x1x16xf32>,
        %add3A_1770 = arith.constant 0 : i32
        %add3A_1771 = arith.addi %add3A_1770, %scan3A_443 : i32
        %swap3A_1772 = arith.index_cast %rem3A_297 : i32 to index
        %swap3A_1773 = arith.index_cast %add3A_1771 : i32 to index
        %swap3A_1774 = arith.constant 640 : index
        %swap3A_1775 = tpu.vector_load %arg7[%swap3A_1772, %swap3A_1773, %swap3A_1774] {strides = array<i32>} : memref<3x32x1024xf32, #tpu.memory_space<vmem>>, vector<1x1x16xf32>,
        %swap3A_1776 = vector.shape_cast %swap3A_1775 : vector<1x1x16xf32> to vector<16xf32>
        %swap3A_1777 = vector.shape_cast %get3A_1670 : vector<16xf32> to vector<1x1x16xf32>
        tpu.vector_store %arg7[%swap3A_1772, %swap3A_1773, %swap3A_1774], %swap3A_1777 {add = true, strides = array<i32>} : memref<3x32x1024xf32, #tpu.memory_space<vmem>>, vector<1x1x16xf32>,
        %add3A_1778 = arith.constant 0 : i32
        %add3A_1779 = arith.addi %add3A_1778, %scan3A_443 : i32
        %swap3A_1780 = arith.index_cast %rem3A_297 : i32 to index
        %swap3A_1781 = arith.index_cast %add3A_1779 : i32 to index
        %swap3A_1782 = arith.constant 656 : index
        %swap3A_1783 = tpu.vector_load %arg7[%swap3A_1780, %swap3A_1781, %swap3A_1782] {strides = array<i32>} : memref<3x32x1024xf32, #tpu.memory_space<vmem>>, vector<1x1x16xf32>,
        %swap3A_1784 = vector.shape_cast %swap3A_1783 : vector<1x1x16xf32> to vector<16xf32>
        %swap3A_1785 = vector.shape_cast %get3A_1675 : vector<16xf32> to vector<1x1x16xf32>
        tpu.vector_store %arg7[%swap3A_1780, %swap3A_1781, %swap3A_1782], %swap3A_1785 {add = true, strides = array<i32>} : memref<3x32x1024xf32, #tpu.memory_space<vmem>>, vector<1x1x16xf32>,
        %add3A_1786 = arith.constant 0 : i32
        %add3A_1787 = arith.addi %add3A_1786, %scan3A_443 : i32
        %swap3A_1788 = arith.index_cast %rem3A_297 : i32 to index
        %swap3A_1789 = arith.index_cast %add3A_1787 : i32 to index
        %swap3A_1790 = arith.constant 672 : index
        %swap3A_1791 = tpu.vector_load %arg7[%swap3A_1788, %swap3A_1789, %swap3A_1790] {strides = array<i32>} : memref<3x32x1024xf32, #tpu.memory_space<vmem>>, vector<1x1x16xf32>,
        %swap3A_1792 = vector.shape_cast %swap3A_1791 : vector<1x1x16xf32> to vector<16xf32>
        %swap3A_1793 = vector.shape_cast %get3A_1680 : vector<16xf32> to vector<1x1x16xf32>
        tpu.vector_store %arg7[%swap3A_1788, %swap3A_1789, %swap3A_1790], %swap3A_1793 {add = true, strides = array<i32>} : memref<3x32x1024xf32, #tpu.memory_space<vmem>>, vector<1x1x16xf32>,
        %add3A_1794 = arith.constant 0 : i32
        %add3A_1795 = arith.addi %add3A_1794, %scan3A_443 : i32
        %swap3A_1796 = arith.index_cast %rem3A_297 : i32 to index
        %swap3A_1797 = arith.index_cast %add3A_1795 : i32 to index
        %swap3A_1798 = arith.constant 688 : index
        %swap3A_1799 = tpu.vector_load %arg7[%swap3A_1796, %swap3A_1797, %swap3A_1798] {strides = array<i32>} : memref<3x32x1024xf32, #tpu.memory_space<vmem>>, vector<1x1x16xf32>,
        %swap3A_1800 = vector.shape_cast %swap3A_1799 : vector<1x1x16xf32> to vector<16xf32>
        %swap3A_1801 = vector.shape_cast %get3A_1685 : vector<16xf32> to vector<1x1x16xf32>
        tpu.vector_store %arg7[%swap3A_1796, %swap3A_1797, %swap3A_1798], %swap3A_1801 {add = true, strides = array<i32>} : memref<3x32x1024xf32, #tpu.memory_space<vmem>>, vector<1x1x16xf32>,
        %add3A_1802 = arith.constant 0 : i32
        %add3A_1803 = arith.addi %add3A_1802, %scan3A_443 : i32
        %swap3A_1804 = arith.index_cast %rem3A_297 : i32 to index
        %swap3A_1805 = arith.index_cast %add3A_1803 : i32 to index
        %swap3A_1806 = arith.constant 704 : index
        %swap3A_1807 = tpu.vector_load %arg7[%swap3A_1804, %swap3A_1805, %swap3A_1806] {strides = array<i32>} : memref<3x32x1024xf32, #tpu.memory_space<vmem>>, vector<1x1x16xf32>,
        %swap3A_1808 = vector.shape_cast %swap3A_1807 : vector<1x1x16xf32> to vector<16xf32>
        %swap3A_1809 = vector.shape_cast %get3A_1690 : vector<16xf32> to vector<1x1x16xf32>
        tpu.vector_store %arg7[%swap3A_1804, %swap3A_1805, %swap3A_1806], %swap3A_1809 {add = true, strides = array<i32>} : memref<3x32x1024xf32, #tpu.memory_space<vmem>>, vector<1x1x16xf32>,
        %add3A_1810 = arith.constant 0 : i32
        %add3A_1811 = arith.addi %add3A_1810, %scan3A_443 : i32
        %swap3A_1812 = arith.index_cast %rem3A_297 : i32 to index
        %swap3A_1813 = arith.index_cast %add3A_1811 : i32 to index
        %swap3A_1814 = arith.constant 720 : index
        %swap3A_1815 = tpu.vector_load %arg7[%swap3A_1812, %swap3A_1813, %swap3A_1814] {strides = array<i32>} : memref<3x32x1024xf32, #tpu.memory_space<vmem>>, vector<1x1x16xf32>,
        %swap3A_1816 = vector.shape_cast %swap3A_1815 : vector<1x1x16xf32> to vector<16xf32>
        %swap3A_1817 = vector.shape_cast %get3A_1695 : vector<16xf32> to vector<1x1x16xf32>
        tpu.vector_store %arg7[%swap3A_1812, %swap3A_1813, %swap3A_1814], %swap3A_1817 {add = true, strides = array<i32>} : memref<3x32x1024xf32, #tpu.memory_space<vmem>>, vector<1x1x16xf32>,
        %add3A_1818 = arith.constant 0 : i32
        %add3A_1819 = arith.addi %add3A_1818, %scan3A_443 : i32
        %swap3A_1820 = arith.index_cast %rem3A_297 : i32 to index
        %swap3A_1821 = arith.index_cast %add3A_1819 : i32 to index
        %swap3A_1822 = arith.constant 736 : index
        %swap3A_1823 = tpu.vector_load %arg7[%swap3A_1820, %swap3A_1821, %swap3A_1822] {strides = array<i32>} : memref<3x32x1024xf32, #tpu.memory_space<vmem>>, vector<1x1x16xf32>,
        %swap3A_1824 = vector.shape_cast %swap3A_1823 : vector<1x1x16xf32> to vector<16xf32>
        %swap3A_1825 = vector.shape_cast %get3A_1700 : vector<16xf32> to vector<1x1x16xf32>
        tpu.vector_store %arg7[%swap3A_1820, %swap3A_1821, %swap3A_1822], %swap3A_1825 {add = true, strides = array<i32>} : memref<3x32x1024xf32, #tpu.memory_space<vmem>>, vector<1x1x16xf32>,
        %add3A_1826 = arith.constant 0 : i32
        %add3A_1827 = arith.addi %add3A_1826, %scan3A_443 : i32
        %swap3A_1828 = arith.index_cast %rem3A_297 : i32 to index
        %swap3A_1829 = arith.index_cast %add3A_1827 : i32 to index
        %swap3A_1830 = arith.constant 752 : index
        %swap3A_1831 = tpu.vector_load %arg7[%swap3A_1828, %swap3A_1829, %swap3A_1830] {strides = array<i32>} : memref<3x32x1024xf32, #tpu.memory_space<vmem>>, vector<1x1x16xf32>,
        %swap3A_1832 = vector.shape_cast %swap3A_1831 : vector<1x1x16xf32> to vector<16xf32>
        %swap3A_1833 = vector.shape_cast %get3A_1705 : vector<16xf32> to vector<1x1x16xf32>
        tpu.vector_store %arg7[%swap3A_1828, %swap3A_1829, %swap3A_1830], %swap3A_1833 {add = true, strides = array<i32>} : memref<3x32x1024xf32, #tpu.memory_space<vmem>>, vector<1x1x16xf32>,
        %add3A_1834 = arith.constant 8 : i32
        %add3A_1835 = arith.addi %add3A_1834, %scan3A_443 : i32
        %swap3A_1836 = arith.index_cast %rem3A_297 : i32 to index
        %swap3A_1837 = arith.index_cast %add3A_1835 : i32 to index
        %swap3A_1838 = arith.constant 512 : index
        %swap3A_1839 = tpu.vector_load %arg7[%swap3A_1836, %swap3A_1837, %swap3A_1838] {strides = array<i32>} : memref<3x32x1024xf32, #tpu.memory_space<vmem>>, vector<1x1x16xf32>,
        %swap3A_1840 = vector.shape_cast %swap3A_1839 : vector<1x1x16xf32> to vector<16xf32>
        %swap3A_1841 = vector.shape_cast %get3A_1630 : vector<16xf32> to vector<1x1x16xf32>
        tpu.vector_store %arg7[%swap3A_1836, %swap3A_1837, %swap3A_1838], %swap3A_1841 {add = true, strides = array<i32>} : memref<3x32x1024xf32, #tpu.memory_space<vmem>>, vector<1x1x16xf32>,
        %add3A_1842 = arith.constant 8 : i32
        %add3A_1843 = arith.addi %add3A_1842, %scan3A_443 : i32
        %swap3A_1844 = arith.index_cast %rem3A_297 : i32 to index
        %swap3A_1845 = arith.index_cast %add3A_1843 : i32 to index
        %swap3A_1846 = arith.constant 528 : index
        %swap3A_1847 = tpu.vector_load %arg7[%swap3A_1844, %swap3A_1845, %swap3A_1846] {strides = array<i32>} : memref<3x32x1024xf32, #tpu.memory_space<vmem>>, vector<1x1x16xf32>,
        %swap3A_1848 = vector.shape_cast %swap3A_1847 : vector<1x1x16xf32> to vector<16xf32>
        %swap3A_1849 = vector.shape_cast %get3A_1635 : vector<16xf32> to vector<1x1x16xf32>
        tpu.vector_store %arg7[%swap3A_1844, %swap3A_1845, %swap3A_1846], %swap3A_1849 {add = true, strides = array<i32>} : memref<3x32x1024xf32, #tpu.memory_space<vmem>>, vector<1x1x16xf32>,
        %add3A_1850 = arith.constant 8 : i32
        %add3A_1851 = arith.addi %add3A_1850, %scan3A_443 : i32
        %swap3A_1852 = arith.index_cast %rem3A_297 : i32 to index
        %swap3A_1853 = arith.index_cast %add3A_1851 : i32 to index
        %swap3A_1854 = arith.constant 544 : index
        %swap3A_1855 = tpu.vector_load %arg7[%swap3A_1852, %swap3A_1853, %swap3A_1854] {strides = array<i32>} : memref<3x32x1024xf32, #tpu.memory_space<vmem>>, vector<1x1x16xf32>,
        %swap3A_1856 = vector.shape_cast %swap3A_1855 : vector<1x1x16xf32> to vector<16xf32>
        %swap3A_1857 = vector.shape_cast %get3A_1640 : vector<16xf32> to vector<1x1x16xf32>
        tpu.vector_store %arg7[%swap3A_1852, %swap3A_1853, %swap3A_1854], %swap3A_1857 {add = true, strides = array<i32>} : memref<3x32x1024xf32, #tpu.memory_space<vmem>>, vector<1x1x16xf32>,
        %add3A_1858 = arith.constant 8 : i32
        %add3A_1859 = arith.addi %add3A_1858, %scan3A_443 : i32
        %swap3A_1860 = arith.index_cast %rem3A_297 : i32 to index
        %swap3A_1861 = arith.index_cast %add3A_1859 : i32 to index
        %swap3A_1862 = arith.constant 560 : index
        %swap3A_1863 = tpu.vector_load %arg7[%swap3A_1860, %swap3A_1861, %swap3A_1862] {strides = array<i32>} : memref<3x32x1024xf32, #tpu.memory_space<vmem>>, vector<1x1x16xf32>,
        %swap3A_1864 = vector.shape_cast %swap3A_1863 : vector<1x1x16xf32> to vector<16xf32>
        %swap3A_1865 = vector.shape_cast %get3A_1645 : vector<16xf32> to vector<1x1x16xf32>
        tpu.vector_store %arg7[%swap3A_1860, %swap3A_1861, %swap3A_1862], %swap3A_1865 {add = true, strides = array<i32>} : memref<3x32x1024xf32, #tpu.memory_space<vmem>>, vector<1x1x16xf32>,
        %add3A_1866 = arith.constant 8 : i32
        %add3A_1867 = arith.addi %add3A_1866, %scan3A_443 : i32
        %swap3A_1868 = arith.index_cast %rem3A_297 : i32 to index
        %swap3A_1869 = arith.index_cast %add3A_1867 : i32 to index
        %swap3A_1870 = arith.constant 576 : index
        %swap3A_1871 = tpu.vector_load %arg7[%swap3A_1868, %swap3A_1869, %swap3A_1870] {strides = array<i32>} : memref<3x32x1024xf32, #tpu.memory_space<vmem>>, vector<1x1x16xf32>,
        %swap3A_1872 = vector.shape_cast %swap3A_1871 : vector<1x1x16xf32> to vector<16xf32>
        %swap3A_1873 = vector.shape_cast %get3A_1650 : vector<16xf32> to vector<1x1x16xf32>
        tpu.vector_store %arg7[%swap3A_1868, %swap3A_1869, %swap3A_1870], %swap3A_1873 {add = true, strides = array<i32>} : memref<3x32x1024xf32, #tpu.memory_space<vmem>>, vector<1x1x16xf32>,
        %add3A_1874 = arith.constant 8 : i32
        %add3A_1875 = arith.addi %add3A_1874, %scan3A_443 : i32
        %swap3A_1876 = arith.index_cast %rem3A_297 : i32 to index
        %swap3A_1877 = arith.index_cast %add3A_1875 : i32 to index
        %swap3A_1878 = arith.constant 592 : index
        %swap3A_1879 = tpu.vector_load %arg7[%swap3A_1876, %swap3A_1877, %swap3A_1878] {strides = array<i32>} : memref<3x32x1024xf32, #tpu.memory_space<vmem>>, vector<1x1x16xf32>,
        %swap3A_1880 = vector.shape_cast %swap3A_1879 : vector<1x1x16xf32> to vector<16xf32>
        %swap3A_1881 = vector.shape_cast %get3A_1655 : vector<16xf32> to vector<1x1x16xf32>
        tpu.vector_store %arg7[%swap3A_1876, %swap3A_1877, %swap3A_1878], %swap3A_1881 {add = true, strides = array<i32>} : memref<3x32x1024xf32, #tpu.memory_space<vmem>>, vector<1x1x16xf32>,
        %add3A_1882 = arith.constant 8 : i32
        %add3A_1883 = arith.addi %add3A_1882, %scan3A_443 : i32
        %swap3A_1884 = arith.index_cast %rem3A_297 : i32 to index
        %swap3A_1885 = arith.index_cast %add3A_1883 : i32 to index
        %swap3A_1886 = arith.constant 608 : index
        %swap3A_1887 = tpu.vector_load %arg7[%swap3A_1884, %swap3A_1885, %swap3A_1886] {strides = array<i32>} : memref<3x32x1024xf32, #tpu.memory_space<vmem>>, vector<1x1x16xf32>,
        %swap3A_1888 = vector.shape_cast %swap3A_1887 : vector<1x1x16xf32> to vector<16xf32>
        %swap3A_1889 = vector.shape_cast %get3A_1660 : vector<16xf32> to vector<1x1x16xf32>
        tpu.vector_store %arg7[%swap3A_1884, %swap3A_1885, %swap3A_1886], %swap3A_1889 {add = true, strides = array<i32>} : memref<3x32x1024xf32, #tpu.memory_space<vmem>>, vector<1x1x16xf32>,
        %add3A_1890 = arith.constant 8 : i32
        %add3A_1891 = arith.addi %add3A_1890, %scan3A_443 : i32
        %swap3A_1892 = arith.index_cast %rem3A_297 : i32 to index
        %swap3A_1893 = arith.index_cast %add3A_1891 : i32 to index
        %swap3A_1894 = arith.constant 624 : index
        %swap3A_1895 = tpu.vector_load %arg7[%swap3A_1892, %swap3A_1893, %swap3A_1894] {strides = array<i32>} : memref<3x32x1024xf32, #tpu.memory_space<vmem>>, vector<1x1x16xf32>,
        %swap3A_1896 = vector.shape_cast %swap3A_1895 : vector<1x1x16xf32> to vector<16xf32>
        %swap3A_1897 = vector.shape_cast %get3A_1665 : vector<16xf32> to vector<1x1x16xf32>
        tpu.vector_store %arg7[%swap3A_1892, %swap3A_1893, %swap3A_1894], %swap3A_1897 {add = true, strides = array<i32>} : memref<3x32x1024xf32, #tpu.memory_space<vmem>>, vector<1x1x16xf32>,
        %add3A_1898 = arith.constant 8 : i32
        %add3A_1899 = arith.addi %add3A_1898, %scan3A_443 : i32
        %swap3A_1900 = arith.index_cast %rem3A_297 : i32 to index
        %swap3A_1901 = arith.index_cast %add3A_1899 : i32 to index
        %swap3A_1902 = arith.constant 640 : index
        %swap3A_1903 = tpu.vector_load %arg7[%swap3A_1900, %swap3A_1901, %swap3A_1902] {strides = array<i32>} : memref<3x32x1024xf32, #tpu.memory_space<vmem>>, vector<1x1x16xf32>,
        %swap3A_1904 = vector.shape_cast %swap3A_1903 : vector<1x1x16xf32> to vector<16xf32>
        %swap3A_1905 = vector.shape_cast %get3A_1670 : vector<16xf32> to vector<1x1x16xf32>
        tpu.vector_store %arg7[%swap3A_1900, %swap3A_1901, %swap3A_1902], %swap3A_1905 {add = true, strides = array<i32>} : memref<3x32x1024xf32, #tpu.memory_space<vmem>>, vector<1x1x16xf32>,
        %add3A_1906 = arith.constant 8 : i32
        %add3A_1907 = arith.addi %add3A_1906, %scan3A_443 : i32
        %swap3A_1908 = arith.index_cast %rem3A_297 : i32 to index
        %swap3A_1909 = arith.index_cast %add3A_1907 : i32 to index
        %swap3A_1910 = arith.constant 656 : index
        %swap3A_1911 = tpu.vector_load %arg7[%swap3A_1908, %swap3A_1909, %swap3A_1910] {strides = array<i32>} : memref<3x32x1024xf32, #tpu.memory_space<vmem>>, vector<1x1x16xf32>,
        %swap3A_1912 = vector.shape_cast %swap3A_1911 : vector<1x1x16xf32> to vector<16xf32>
        %swap3A_1913 = vector.shape_cast %get3A_1675 : vector<16xf32> to vector<1x1x16xf32>
        tpu.vector_store %arg7[%swap3A_1908, %swap3A_1909, %swap3A_1910], %swap3A_1913 {add = true, strides = array<i32>} : memref<3x32x1024xf32, #tpu.memory_space<vmem>>, vector<1x1x16xf32>,
        %add3A_1914 = arith.constant 8 : i32
        %add3A_1915 = arith.addi %add3A_1914, %scan3A_443 : i32
        %swap3A_1916 = arith.index_cast %rem3A_297 : i32 to index
        %swap3A_1917 = arith.index_cast %add3A_1915 : i32 to index
        %swap3A_1918 = arith.constant 672 : index
        %swap3A_1919 = tpu.vector_load %arg7[%swap3A_1916, %swap3A_1917, %swap3A_1918] {strides = array<i32>} : memref<3x32x1024xf32, #tpu.memory_space<vmem>>, vector<1x1x16xf32>,
        %swap3A_1920 = vector.shape_cast %swap3A_1919 : vector<1x1x16xf32> to vector<16xf32>
        %swap3A_1921 = vector.shape_cast %get3A_1680 : vector<16xf32> to vector<1x1x16xf32>
        tpu.vector_store %arg7[%swap3A_1916, %swap3A_1917, %swap3A_1918], %swap3A_1921 {add = true, strides = array<i32>} : memref<3x32x1024xf32, #tpu.memory_space<vmem>>, vector<1x1x16xf32>,
        %add3A_1922 = arith.constant 8 : i32
        %add3A_1923 = arith.addi %add3A_1922, %scan3A_443 : i32
        %swap3A_1924 = arith.index_cast %rem3A_297 : i32 to index
        %swap3A_1925 = arith.index_cast %add3A_1923 : i32 to index
        %swap3A_1926 = arith.constant 688 : index
        %swap3A_1927 = tpu.vector_load %arg7[%swap3A_1924, %swap3A_1925, %swap3A_1926] {strides = array<i32>} : memref<3x32x1024xf32, #tpu.memory_space<vmem>>, vector<1x1x16xf32>,
        %swap3A_1928 = vector.shape_cast %swap3A_1927 : vector<1x1x16xf32> to vector<16xf32>
        %swap3A_1929 = vector.shape_cast %get3A_1685 : vector<16xf32> to vector<1x1x16xf32>
        tpu.vector_store %arg7[%swap3A_1924, %swap3A_1925, %swap3A_1926], %swap3A_1929 {add = true, strides = array<i32>} : memref<3x32x1024xf32, #tpu.memory_space<vmem>>, vector<1x1x16xf32>,
        %add3A_1930 = arith.constant 8 : i32
        %add3A_1931 = arith.addi %add3A_1930, %scan3A_443 : i32
        %swap3A_1932 = arith.index_cast %rem3A_297 : i32 to index
        %swap3A_1933 = arith.index_cast %add3A_1931 : i32 to index
        %swap3A_1934 = arith.constant 704 : index
        %swap3A_1935 = tpu.vector_load %arg7[%swap3A_1932, %swap3A_1933, %swap3A_1934] {strides = array<i32>} : memref<3x32x1024xf32, #tpu.memory_space<vmem>>, vector<1x1x16xf32>,
        %swap3A_1936 = vector.shape_cast %swap3A_1935 : vector<1x1x16xf32> to vector<16xf32>
        %swap3A_1937 = vector.shape_cast %get3A_1690 : vector<16xf32> to vector<1x1x16xf32>
        tpu.vector_store %arg7[%swap3A_1932, %swap3A_1933, %swap3A_1934], %swap3A_1937 {add = true, strides = array<i32>} : memref<3x32x1024xf32, #tpu.memory_space<vmem>>, vector<1x1x16xf32>,
        %add3A_1938 = arith.constant 8 : i32
        %add3A_1939 = arith.addi %add3A_1938, %scan3A_443 : i32
        %swap3A_1940 = arith.index_cast %rem3A_297 : i32 to index
        %swap3A_1941 = arith.index_cast %add3A_1939 : i32 to index
        %swap3A_1942 = arith.constant 720 : index
        %swap3A_1943 = tpu.vector_load %arg7[%swap3A_1940, %swap3A_1941, %swap3A_1942] {strides = array<i32>} : memref<3x32x1024xf32, #tpu.memory_space<vmem>>, vector<1x1x16xf32>,
        %swap3A_1944 = vector.shape_cast %swap3A_1943 : vector<1x1x16xf32> to vector<16xf32>
        %swap3A_1945 = vector.shape_cast %get3A_1695 : vector<16xf32> to vector<1x1x16xf32>
        tpu.vector_store %arg7[%swap3A_1940, %swap3A_1941, %swap3A_1942], %swap3A_1945 {add = true, strides = array<i32>} : memref<3x32x1024xf32, #tpu.memory_space<vmem>>, vector<1x1x16xf32>,
        %add3A_1946 = arith.constant 8 : i32
        %add3A_1947 = arith.addi %add3A_1946, %scan3A_443 : i32
        %swap3A_1948 = arith.index_cast %rem3A_297 : i32 to index
        %swap3A_1949 = arith.index_cast %add3A_1947 : i32 to index
        %swap3A_1950 = arith.constant 736 : index
        %swap3A_1951 = tpu.vector_load %arg7[%swap3A_1948, %swap3A_1949, %swap3A_1950] {strides = array<i32>} : memref<3x32x1024xf32, #tpu.memory_space<vmem>>, vector<1x1x16xf32>,
        %swap3A_1952 = vector.shape_cast %swap3A_1951 : vector<1x1x16xf32> to vector<16xf32>
        %swap3A_1953 = vector.shape_cast %get3A_1700 : vector<16xf32> to vector<1x1x16xf32>
        tpu.vector_store %arg7[%swap3A_1948, %swap3A_1949, %swap3A_1950], %swap3A_1953 {add = true, strides = array<i32>} : memref<3x32x1024xf32, #tpu.memory_space<vmem>>, vector<1x1x16xf32>,
        %add3A_1954 = arith.constant 8 : i32
        %add3A_1955 = arith.addi %add3A_1954, %scan3A_443 : i32
        %swap3A_1956 = arith.index_cast %rem3A_297 : i32 to index
        %swap3A_1957 = arith.index_cast %add3A_1955 : i32 to index
        %swap3A_1958 = arith.constant 752 : index
        %swap3A_1959 = tpu.vector_load %arg7[%swap3A_1956, %swap3A_1957, %swap3A_1958] {strides = array<i32>} : memref<3x32x1024xf32, #tpu.memory_space<vmem>>, vector<1x1x16xf32>,
        %swap3A_1960 = vector.shape_cast %swap3A_1959 : vector<1x1x16xf32> to vector<16xf32>
        %swap3A_1961 = vector.shape_cast %get3A_1705 : vector<16xf32> to vector<1x1x16xf32>
        tpu.vector_store %arg7[%swap3A_1956, %swap3A_1957, %swap3A_1958], %swap3A_1961 {add = true, strides = array<i32>} : memref<3x32x1024xf32, #tpu.memory_space<vmem>>, vector<1x1x16xf32>,
        %add3A_1962 = arith.constant 16 : i32
        %add3A_1963 = arith.addi %add3A_1962, %scan3A_443 : i32
        %swap3A_1964 = arith.index_cast %rem3A_297 : i32 to index
        %swap3A_1965 = arith.index_cast %add3A_1963 : i32 to index
        %swap3A_1966 = arith.constant 512 : index
        %swap3A_1967 = tpu.vector_load %arg7[%swap3A_1964, %swap3A_1965, %swap3A_1966] {strides = array<i32>} : memref<3x32x1024xf32, #tpu.memory_space<vmem>>, vector<1x1x16xf32>,
        %swap3A_1968 = vector.shape_cast %swap3A_1967 : vector<1x1x16xf32> to vector<16xf32>
        %swap3A_1969 = vector.shape_cast %get3A_1630 : vector<16xf32> to vector<1x1x16xf32>
        tpu.vector_store %arg7[%swap3A_1964, %swap3A_1965, %swap3A_1966], %swap3A_1969 {add = true, strides = array<i32>} : memref<3x32x1024xf32, #tpu.memory_space<vmem>>, vector<1x1x16xf32>,
        %add3A_1970 = arith.constant 16 : i32
        %add3A_1971 = arith.addi %add3A_1970, %scan3A_443 : i32
        %swap3A_1972 = arith.index_cast %rem3A_297 : i32 to index
        %swap3A_1973 = arith.index_cast %add3A_1971 : i32 to index
        %swap3A_1974 = arith.constant 528 : index
        %swap3A_1975 = tpu.vector_load %arg7[%swap3A_1972, %swap3A_1973, %swap3A_1974] {strides = array<i32>} : memref<3x32x1024xf32, #tpu.memory_space<vmem>>, vector<1x1x16xf32>,
        %swap3A_1976 = vector.shape_cast %swap3A_1975 : vector<1x1x16xf32> to vector<16xf32>
        %swap3A_1977 = vector.shape_cast %get3A_1635 : vector<16xf32> to vector<1x1x16xf32>
        tpu.vector_store %arg7[%swap3A_1972, %swap3A_1973, %swap3A_1974], %swap3A_1977 {add = true, strides = array<i32>} : memref<3x32x1024xf32, #tpu.memory_space<vmem>>, vector<1x1x16xf32>,
        %add3A_1978 = arith.constant 16 : i32
        %add3A_1979 = arith.addi %add3A_1978, %scan3A_443 : i32
        %swap3A_1980 = arith.index_cast %rem3A_297 : i32 to index
        %swap3A_1981 = arith.index_cast %add3A_1979 : i32 to index
        %swap3A_1982 = arith.constant 544 : index
        %swap3A_1983 = tpu.vector_load %arg7[%swap3A_1980, %swap3A_1981, %swap3A_1982] {strides = array<i32>} : memref<3x32x1024xf32, #tpu.memory_space<vmem>>, vector<1x1x16xf32>,
        %swap3A_1984 = vector.shape_cast %swap3A_1983 : vector<1x1x16xf32> to vector<16xf32>
        %swap3A_1985 = vector.shape_cast %get3A_1640 : vector<16xf32> to vector<1x1x16xf32>
        tpu.vector_store %arg7[%swap3A_1980, %swap3A_1981, %swap3A_1982], %swap3A_1985 {add = true, strides = array<i32>} : memref<3x32x1024xf32, #tpu.memory_space<vmem>>, vector<1x1x16xf32>,
        %add3A_1986 = arith.constant 16 : i32
        %add3A_1987 = arith.addi %add3A_1986, %scan3A_443 : i32
        %swap3A_1988 = arith.index_cast %rem3A_297 : i32 to index
        %swap3A_1989 = arith.index_cast %add3A_1987 : i32 to index
        %swap3A_1990 = arith.constant 560 : index
        %swap3A_1991 = tpu.vector_load %arg7[%swap3A_1988, %swap3A_1989, %swap3A_1990] {strides = array<i32>} : memref<3x32x1024xf32, #tpu.memory_space<vmem>>, vector<1x1x16xf32>,
        %swap3A_1992 = vector.shape_cast %swap3A_1991 : vector<1x1x16xf32> to vector<16xf32>
        %swap3A_1993 = vector.shape_cast %get3A_1645 : vector<16xf32> to vector<1x1x16xf32>
        tpu.vector_store %arg7[%swap3A_1988, %swap3A_1989, %swap3A_1990], %swap3A_1993 {add = true, strides = array<i32>} : memref<3x32x1024xf32, #tpu.memory_space<vmem>>, vector<1x1x16xf32>,
        %add3A_1994 = arith.constant 16 : i32
        %add3A_1995 = arith.addi %add3A_1994, %scan3A_443 : i32
        %swap3A_1996 = arith.index_cast %rem3A_297 : i32 to index
        %swap3A_1997 = arith.index_cast %add3A_1995 : i32 to index
        %swap3A_1998 = arith.constant 576 : index
        %swap3A_1999 = tpu.vector_load %arg7[%swap3A_1996, %swap3A_1997, %swap3A_1998] {strides = array<i32>} : memref<3x32x1024xf32, #tpu.memory_space<vmem>>, vector<1x1x16xf32>,
        %swap3A_2000 = vector.shape_cast %swap3A_1999 : vector<1x1x16xf32> to vector<16xf32>
        %swap3A_2001 = vector.shape_cast %get3A_1650 : vector<16xf32> to vector<1x1x16xf32>
        tpu.vector_store %arg7[%swap3A_1996, %swap3A_1997, %swap3A_1998], %swap3A_2001 {add = true, strides = array<i32>} : memref<3x32x1024xf32, #tpu.memory_space<vmem>>, vector<1x1x16xf32>,
        %add3A_2002 = arith.constant 16 : i32
        %add3A_2003 = arith.addi %add3A_2002, %scan3A_443 : i32
        %swap3A_2004 = arith.index_cast %rem3A_297 : i32 to index
        %swap3A_2005 = arith.index_cast %add3A_2003 : i32 to index
        %swap3A_2006 = arith.constant 592 : index
        %swap3A_2007 = tpu.vector_load %arg7[%swap3A_2004, %swap3A_2005, %swap3A_2006] {strides = array<i32>} : memref<3x32x1024xf32, #tpu.memory_space<vmem>>, vector<1x1x16xf32>,
        %swap3A_2008 = vector.shape_cast %swap3A_2007 : vector<1x1x16xf32> to vector<16xf32>
        %swap3A_2009 = vector.shape_cast %get3A_1655 : vector<16xf32> to vector<1x1x16xf32>
        tpu.vector_store %arg7[%swap3A_2004, %swap3A_2005, %swap3A_2006], %swap3A_2009 {add = true, strides = array<i32>} : memref<3x32x1024xf32, #tpu.memory_space<vmem>>, vector<1x1x16xf32>,
        %add3A_2010 = arith.constant 16 : i32
        %add3A_2011 = arith.addi %add3A_2010, %scan3A_443 : i32
        %swap3A_2012 = arith.index_cast %rem3A_297 : i32 to index
        %swap3A_2013 = arith.index_cast %add3A_2011 : i32 to index
        %swap3A_2014 = arith.constant 608 : index
        %swap3A_2015 = tpu.vector_load %arg7[%swap3A_2012, %swap3A_2013, %swap3A_2014] {strides = array<i32>} : memref<3x32x1024xf32, #tpu.memory_space<vmem>>, vector<1x1x16xf32>,
        %swap3A_2016 = vector.shape_cast %swap3A_2015 : vector<1x1x16xf32> to vector<16xf32>
        %swap3A_2017 = vector.shape_cast %get3A_1660 : vector<16xf32> to vector<1x1x16xf32>
        tpu.vector_store %arg7[%swap3A_2012, %swap3A_2013, %swap3A_2014], %swap3A_2017 {add = true, strides = array<i32>} : memref<3x32x1024xf32, #tpu.memory_space<vmem>>, vector<1x1x16xf32>,
        %add3A_2018 = arith.constant 16 : i32
        %add3A_2019 = arith.addi %add3A_2018, %scan3A_443 : i32
        %swap3A_2020 = arith.index_cast %rem3A_297 : i32 to index
        %swap3A_2021 = arith.index_cast %add3A_2019 : i32 to index
        %swap3A_2022 = arith.constant 624 : index
        %swap3A_2023 = tpu.vector_load %arg7[%swap3A_2020, %swap3A_2021, %swap3A_2022] {strides = array<i32>} : memref<3x32x1024xf32, #tpu.memory_space<vmem>>, vector<1x1x16xf32>,
        %swap3A_2024 = vector.shape_cast %swap3A_2023 : vector<1x1x16xf32> to vector<16xf32>
        %swap3A_2025 = vector.shape_cast %get3A_1665 : vector<16xf32> to vector<1x1x16xf32>
        tpu.vector_store %arg7[%swap3A_2020, %swap3A_2021, %swap3A_2022], %swap3A_2025 {add = true, strides = array<i32>} : memref<3x32x1024xf32, #tpu.memory_space<vmem>>, vector<1x1x16xf32>,
        %add3A_2026 = arith.constant 16 : i32
        %add3A_2027 = arith.addi %add3A_2026, %scan3A_443 : i32
        %swap3A_2028 = arith.index_cast %rem3A_297 : i32 to index
        %swap3A_2029 = arith.index_cast %add3A_2027 : i32 to index
        %swap3A_2030 = arith.constant 640 : index
        %swap3A_2031 = tpu.vector_load %arg7[%swap3A_2028, %swap3A_2029, %swap3A_2030] {strides = array<i32>} : memref<3x32x1024xf32, #tpu.memory_space<vmem>>, vector<1x1x16xf32>,
        %swap3A_2032 = vector.shape_cast %swap3A_2031 : vector<1x1x16xf32> to vector<16xf32>
        %swap3A_2033 = vector.shape_cast %get3A_1670 : vector<16xf32> to vector<1x1x16xf32>
        tpu.vector_store %arg7[%swap3A_2028, %swap3A_2029, %swap3A_2030], %swap3A_2033 {add = true, strides = array<i32>} : memref<3x32x1024xf32, #tpu.memory_space<vmem>>, vector<1x1x16xf32>,
        %add3A_2034 = arith.constant 16 : i32
        %add3A_2035 = arith.addi %add3A_2034, %scan3A_443 : i32
        %swap3A_2036 = arith.index_cast %rem3A_297 : i32 to index
        %swap3A_2037 = arith.index_cast %add3A_2035 : i32 to index
        %swap3A_2038 = arith.constant 656 : index
        %swap3A_2039 = tpu.vector_load %arg7[%swap3A_2036, %swap3A_2037, %swap3A_2038] {strides = array<i32>} : memref<3x32x1024xf32, #tpu.memory_space<vmem>>, vector<1x1x16xf32>,
        %swap3A_2040 = vector.shape_cast %swap3A_2039 : vector<1x1x16xf32> to vector<16xf32>
        %swap3A_2041 = vector.shape_cast %get3A_1675 : vector<16xf32> to vector<1x1x16xf32>
        tpu.vector_store %arg7[%swap3A_2036, %swap3A_2037, %swap3A_2038], %swap3A_2041 {add = true, strides = array<i32>} : memref<3x32x1024xf32, #tpu.memory_space<vmem>>, vector<1x1x16xf32>,
        %add3A_2042 = arith.constant 16 : i32
        %add3A_2043 = arith.addi %add3A_2042, %scan3A_443 : i32
        %swap3A_2044 = arith.index_cast %rem3A_297 : i32 to index
        %swap3A_2045 = arith.index_cast %add3A_2043 : i32 to index
        %swap3A_2046 = arith.constant 672 : index
        %swap3A_2047 = tpu.vector_load %arg7[%swap3A_2044, %swap3A_2045, %swap3A_2046] {strides = array<i32>} : memref<3x32x1024xf32, #tpu.memory_space<vmem>>, vector<1x1x16xf32>,
        %swap3A_2048 = vector.shape_cast %swap3A_2047 : vector<1x1x16xf32> to vector<16xf32>
        %swap3A_2049 = vector.shape_cast %get3A_1680 : vector<16xf32> to vector<1x1x16xf32>
        tpu.vector_store %arg7[%swap3A_2044, %swap3A_2045, %swap3A_2046], %swap3A_2049 {add = true, strides = array<i32>} : memref<3x32x1024xf32, #tpu.memory_space<vmem>>, vector<1x1x16xf32>,
        %add3A_2050 = arith.constant 16 : i32
        %add3A_2051 = arith.addi %add3A_2050, %scan3A_443 : i32
        %swap3A_2052 = arith.index_cast %rem3A_297 : i32 to index
        %swap3A_2053 = arith.index_cast %add3A_2051 : i32 to index
        %swap3A_2054 = arith.constant 688 : index
        %swap3A_2055 = tpu.vector_load %arg7[%swap3A_2052, %swap3A_2053, %swap3A_2054] {strides = array<i32>} : memref<3x32x1024xf32, #tpu.memory_space<vmem>>, vector<1x1x16xf32>,
        %swap3A_2056 = vector.shape_cast %swap3A_2055 : vector<1x1x16xf32> to vector<16xf32>
        %swap3A_2057 = vector.shape_cast %get3A_1685 : vector<16xf32> to vector<1x1x16xf32>
        tpu.vector_store %arg7[%swap3A_2052, %swap3A_2053, %swap3A_2054], %swap3A_2057 {add = true, strides = array<i32>} : memref<3x32x1024xf32, #tpu.memory_space<vmem>>, vector<1x1x16xf32>,
        %add3A_2058 = arith.constant 16 : i32
        %add3A_2059 = arith.addi %add3A_2058, %scan3A_443 : i32
        %swap3A_2060 = arith.index_cast %rem3A_297 : i32 to index
        %swap3A_2061 = arith.index_cast %add3A_2059 : i32 to index
        %swap3A_2062 = arith.constant 704 : index
        %swap3A_2063 = tpu.vector_load %arg7[%swap3A_2060, %swap3A_2061, %swap3A_2062] {strides = array<i32>} : memref<3x32x1024xf32, #tpu.memory_space<vmem>>, vector<1x1x16xf32>,
        %swap3A_2064 = vector.shape_cast %swap3A_2063 : vector<1x1x16xf32> to vector<16xf32>
        %swap3A_2065 = vector.shape_cast %get3A_1690 : vector<16xf32> to vector<1x1x16xf32>
        tpu.vector_store %arg7[%swap3A_2060, %swap3A_2061, %swap3A_2062], %swap3A_2065 {add = true, strides = array<i32>} : memref<3x32x1024xf32, #tpu.memory_space<vmem>>, vector<1x1x16xf32>,
        %add3A_2066 = arith.constant 16 : i32
        %add3A_2067 = arith.addi %add3A_2066, %scan3A_443 : i32
        %swap3A_2068 = arith.index_cast %rem3A_297 : i32 to index
        %swap3A_2069 = arith.index_cast %add3A_2067 : i32 to index
        %swap3A_2070 = arith.constant 720 : index
        %swap3A_2071 = tpu.vector_load %arg7[%swap3A_2068, %swap3A_2069, %swap3A_2070] {strides = array<i32>} : memref<3x32x1024xf32, #tpu.memory_space<vmem>>, vector<1x1x16xf32>,
        %swap3A_2072 = vector.shape_cast %swap3A_2071 : vector<1x1x16xf32> to vector<16xf32>
        %swap3A_2073 = vector.shape_cast %get3A_1695 : vector<16xf32> to vector<1x1x16xf32>
        tpu.vector_store %arg7[%swap3A_2068, %swap3A_2069, %swap3A_2070], %swap3A_2073 {add = true, strides = array<i32>} : memref<3x32x1024xf32, #tpu.memory_space<vmem>>, vector<1x1x16xf32>,
        %add3A_2074 = arith.constant 16 : i32
        %add3A_2075 = arith.addi %add3A_2074, %scan3A_443 : i32
        %swap3A_2076 = arith.index_cast %rem3A_297 : i32 to index
        %swap3A_2077 = arith.index_cast %add3A_2075 : i32 to index
        %swap3A_2078 = arith.constant 736 : index
        %swap3A_2079 = tpu.vector_load %arg7[%swap3A_2076, %swap3A_2077, %swap3A_2078] {strides = array<i32>} : memref<3x32x1024xf32, #tpu.memory_space<vmem>>, vector<1x1x16xf32>,
        %swap3A_2080 = vector.shape_cast %swap3A_2079 : vector<1x1x16xf32> to vector<16xf32>
        %swap3A_2081 = vector.shape_cast %get3A_1700 : vector<16xf32> to vector<1x1x16xf32>
        tpu.vector_store %arg7[%swap3A_2076, %swap3A_2077, %swap3A_2078], %swap3A_2081 {add = true, strides = array<i32>} : memref<3x32x1024xf32, #tpu.memory_space<vmem>>, vector<1x1x16xf32>,
        %add3A_2082 = arith.constant 16 : i32
        %add3A_2083 = arith.addi %add3A_2082, %scan3A_443 : i32
        %swap3A_2084 = arith.index_cast %rem3A_297 : i32 to index
        %swap3A_2085 = arith.index_cast %add3A_2083 : i32 to index
        %swap3A_2086 = arith.constant 752 : index
        %swap3A_2087 = tpu.vector_load %arg7[%swap3A_2084, %swap3A_2085, %swap3A_2086] {strides = array<i32>} : memref<3x32x1024xf32, #tpu.memory_space<vmem>>, vector<1x1x16xf32>,
        %swap3A_2088 = vector.shape_cast %swap3A_2087 : vector<1x1x16xf32> to vector<16xf32>
        %swap3A_2089 = vector.shape_cast %get3A_1705 : vector<16xf32> to vector<1x1x16xf32>
        tpu.vector_store %arg7[%swap3A_2084, %swap3A_2085, %swap3A_2086], %swap3A_2089 {add = true, strides = array<i32>} : memref<3x32x1024xf32, #tpu.memory_space<vmem>>, vector<1x1x16xf32>,
        %add3A_2090 = arith.constant 24 : i32
        %add3A_2091 = arith.addi %add3A_2090, %scan3A_443 : i32
        %swap3A_2092 = arith.index_cast %rem3A_297 : i32 to index
        %swap3A_2093 = arith.index_cast %add3A_2091 : i32 to index
        %swap3A_2094 = arith.constant 512 : index
        %swap3A_2095 = tpu.vector_load %arg7[%swap3A_2092, %swap3A_2093, %swap3A_2094] {strides = array<i32>} : memref<3x32x1024xf32, #tpu.memory_space<vmem>>, vector<1x1x16xf32>,
        %swap3A_2096 = vector.shape_cast %swap3A_2095 : vector<1x1x16xf32> to vector<16xf32>
        %swap3A_2097 = vector.shape_cast %get3A_1630 : vector<16xf32> to vector<1x1x16xf32>
        tpu.vector_store %arg7[%swap3A_2092, %swap3A_2093, %swap3A_2094], %swap3A_2097 {add = true, strides = array<i32>} : memref<3x32x1024xf32, #tpu.memory_space<vmem>>, vector<1x1x16xf32>,
        %add3A_2098 = arith.constant 24 : i32
        %add3A_2099 = arith.addi %add3A_2098, %scan3A_443 : i32
        %swap3A_2100 = arith.index_cast %rem3A_297 : i32 to index
        %swap3A_2101 = arith.index_cast %add3A_2099 : i32 to index
        %swap3A_2102 = arith.constant 528 : index
        %swap3A_2103 = tpu.vector_load %arg7[%swap3A_2100, %swap3A_2101, %swap3A_2102] {strides = array<i32>} : memref<3x32x1024xf32, #tpu.memory_space<vmem>>, vector<1x1x16xf32>,
        %swap3A_2104 = vector.shape_cast %swap3A_2103 : vector<1x1x16xf32> to vector<16xf32>
        %swap3A_2105 = vector.shape_cast %get3A_1635 : vector<16xf32> to vector<1x1x16xf32>
        tpu.vector_store %arg7[%swap3A_2100, %swap3A_2101, %swap3A_2102], %swap3A_2105 {add = true, strides = array<i32>} : memref<3x32x1024xf32, #tpu.memory_space<vmem>>, vector<1x1x16xf32>,
        %add3A_2106 = arith.constant 24 : i32
        %add3A_2107 = arith.addi %add3A_2106, %scan3A_443 : i32
        %swap3A_2108 = arith.index_cast %rem3A_297 : i32 to index
        %swap3A_2109 = arith.index_cast %add3A_2107 : i32 to index
        %swap3A_2110 = arith.constant 544 : index
        %swap3A_2111 = tpu.vector_load %arg7[%swap3A_2108, %swap3A_2109, %swap3A_2110] {strides = array<i32>} : memref<3x32x1024xf32, #tpu.memory_space<vmem>>, vector<1x1x16xf32>,
        %swap3A_2112 = vector.shape_cast %swap3A_2111 : vector<1x1x16xf32> to vector<16xf32>
        %swap3A_2113 = vector.shape_cast %get3A_1640 : vector<16xf32> to vector<1x1x16xf32>
        tpu.vector_store %arg7[%swap3A_2108, %swap3A_2109, %swap3A_2110], %swap3A_2113 {add = true, strides = array<i32>} : memref<3x32x1024xf32, #tpu.memory_space<vmem>>, vector<1x1x16xf32>,
        %add3A_2114 = arith.constant 24 : i32
        %add3A_2115 = arith.addi %add3A_2114, %scan3A_443 : i32
        %swap3A_2116 = arith.index_cast %rem3A_297 : i32 to index
        %swap3A_2117 = arith.index_cast %add3A_2115 : i32 to index
        %swap3A_2118 = arith.constant 560 : index
        %swap3A_2119 = tpu.vector_load %arg7[%swap3A_2116, %swap3A_2117, %swap3A_2118] {strides = array<i32>} : memref<3x32x1024xf32, #tpu.memory_space<vmem>>, vector<1x1x16xf32>,
        %swap3A_2120 = vector.shape_cast %swap3A_2119 : vector<1x1x16xf32> to vector<16xf32>
        %swap3A_2121 = vector.shape_cast %get3A_1645 : vector<16xf32> to vector<1x1x16xf32>
        tpu.vector_store %arg7[%swap3A_2116, %swap3A_2117, %swap3A_2118], %swap3A_2121 {add = true, strides = array<i32>} : memref<3x32x1024xf32, #tpu.memory_space<vmem>>, vector<1x1x16xf32>,
        %add3A_2122 = arith.constant 24 : i32
        %add3A_2123 = arith.addi %add3A_2122, %scan3A_443 : i32
        %swap3A_2124 = arith.index_cast %rem3A_297 : i32 to index
        %swap3A_2125 = arith.index_cast %add3A_2123 : i32 to index
        %swap3A_2126 = arith.constant 576 : index
        %swap3A_2127 = tpu.vector_load %arg7[%swap3A_2124, %swap3A_2125, %swap3A_2126] {strides = array<i32>} : memref<3x32x1024xf32, #tpu.memory_space<vmem>>, vector<1x1x16xf32>,
        %swap3A_2128 = vector.shape_cast %swap3A_2127 : vector<1x1x16xf32> to vector<16xf32>
        %swap3A_2129 = vector.shape_cast %get3A_1650 : vector<16xf32> to vector<1x1x16xf32>
        tpu.vector_store %arg7[%swap3A_2124, %swap3A_2125, %swap3A_2126], %swap3A_2129 {add = true, strides = array<i32>} : memref<3x32x1024xf32, #tpu.memory_space<vmem>>, vector<1x1x16xf32>,
        %add3A_2130 = arith.constant 24 : i32
        %add3A_2131 = arith.addi %add3A_2130, %scan3A_443 : i32
        %swap3A_2132 = arith.index_cast %rem3A_297 : i32 to index
        %swap3A_2133 = arith.index_cast %add3A_2131 : i32 to index
        %swap3A_2134 = arith.constant 592 : index
        %swap3A_2135 = tpu.vector_load %arg7[%swap3A_2132, %swap3A_2133, %swap3A_2134] {strides = array<i32>} : memref<3x32x1024xf32, #tpu.memory_space<vmem>>, vector<1x1x16xf32>,
        %swap3A_2136 = vector.shape_cast %swap3A_2135 : vector<1x1x16xf32> to vector<16xf32>
        %swap3A_2137 = vector.shape_cast %get3A_1655 : vector<16xf32> to vector<1x1x16xf32>
        tpu.vector_store %arg7[%swap3A_2132, %swap3A_2133, %swap3A_2134], %swap3A_2137 {add = true, strides = array<i32>} : memref<3x32x1024xf32, #tpu.memory_space<vmem>>, vector<1x1x16xf32>,
        %add3A_2138 = arith.constant 24 : i32
        %add3A_2139 = arith.addi %add3A_2138, %scan3A_443 : i32
        %swap3A_2140 = arith.index_cast %rem3A_297 : i32 to index
        %swap3A_2141 = arith.index_cast %add3A_2139 : i32 to index
        %swap3A_2142 = arith.constant 608 : index
        %swap3A_2143 = tpu.vector_load %arg7[%swap3A_2140, %swap3A_2141, %swap3A_2142] {strides = array<i32>} : memref<3x32x1024xf32, #tpu.memory_space<vmem>>, vector<1x1x16xf32>,
        %swap3A_2144 = vector.shape_cast %swap3A_2143 : vector<1x1x16xf32> to vector<16xf32>
        %swap3A_2145 = vector.shape_cast %get3A_1660 : vector<16xf32> to vector<1x1x16xf32>
        tpu.vector_store %arg7[%swap3A_2140, %swap3A_2141, %swap3A_2142], %swap3A_2145 {add = true, strides = array<i32>} : memref<3x32x1024xf32, #tpu.memory_space<vmem>>, vector<1x1x16xf32>,
        %add3A_2146 = arith.constant 24 : i32
        %add3A_2147 = arith.addi %add3A_2146, %scan3A_443 : i32
        %swap3A_2148 = arith.index_cast %rem3A_297 : i32 to index
        %swap3A_2149 = arith.index_cast %add3A_2147 : i32 to index
        %swap3A_2150 = arith.constant 624 : index
        %swap3A_2151 = tpu.vector_load %arg7[%swap3A_2148, %swap3A_2149, %swap3A_2150] {strides = array<i32>} : memref<3x32x1024xf32, #tpu.memory_space<vmem>>, vector<1x1x16xf32>,
        %swap3A_2152 = vector.shape_cast %swap3A_2151 : vector<1x1x16xf32> to vector<16xf32>
        %swap3A_2153 = vector.shape_cast %get3A_1665 : vector<16xf32> to vector<1x1x16xf32>
        tpu.vector_store %arg7[%swap3A_2148, %swap3A_2149, %swap3A_2150], %swap3A_2153 {add = true, strides = array<i32>} : memref<3x32x1024xf32, #tpu.memory_space<vmem>>, vector<1x1x16xf32>,
        %add3A_2154 = arith.constant 24 : i32
        %add3A_2155 = arith.addi %add3A_2154, %scan3A_443 : i32
        %swap3A_2156 = arith.index_cast %rem3A_297 : i32 to index
        %swap3A_2157 = arith.index_cast %add3A_2155 : i32 to index
        %swap3A_2158 = arith.constant 640 : index
        %swap3A_2159 = tpu.vector_load %arg7[%swap3A_2156, %swap3A_2157, %swap3A_2158] {strides = array<i32>} : memref<3x32x1024xf32, #tpu.memory_space<vmem>>, vector<1x1x16xf32>,
        %swap3A_2160 = vector.shape_cast %swap3A_2159 : vector<1x1x16xf32> to vector<16xf32>
        %swap3A_2161 = vector.shape_cast %get3A_1670 : vector<16xf32> to vector<1x1x16xf32>
        tpu.vector_store %arg7[%swap3A_2156, %swap3A_2157, %swap3A_2158], %swap3A_2161 {add = true, strides = array<i32>} : memref<3x32x1024xf32, #tpu.memory_space<vmem>>, vector<1x1x16xf32>,
        %add3A_2162 = arith.constant 24 : i32
        %add3A_2163 = arith.addi %add3A_2162, %scan3A_443 : i32
        %swap3A_2164 = arith.index_cast %rem3A_297 : i32 to index
        %swap3A_2165 = arith.index_cast %add3A_2163 : i32 to index
        %swap3A_2166 = arith.constant 656 : index
        %swap3A_2167 = tpu.vector_load %arg7[%swap3A_2164, %swap3A_2165, %swap3A_2166] {strides = array<i32>} : memref<3x32x1024xf32, #tpu.memory_space<vmem>>, vector<1x1x16xf32>,
        %swap3A_2168 = vector.shape_cast %swap3A_2167 : vector<1x1x16xf32> to vector<16xf32>
        %swap3A_2169 = vector.shape_cast %get3A_1675 : vector<16xf32> to vector<1x1x16xf32>
        tpu.vector_store %arg7[%swap3A_2164, %swap3A_2165, %swap3A_2166], %swap3A_2169 {add = true, strides = array<i32>} : memref<3x32x1024xf32, #tpu.memory_space<vmem>>, vector<1x1x16xf32>,
        %add3A_2170 = arith.constant 24 : i32
        %add3A_2171 = arith.addi %add3A_2170, %scan3A_443 : i32
        %swap3A_2172 = arith.index_cast %rem3A_297 : i32 to index
        %swap3A_2173 = arith.index_cast %add3A_2171 : i32 to index
        %swap3A_2174 = arith.constant 672 : index
        %swap3A_2175 = tpu.vector_load %arg7[%swap3A_2172, %swap3A_2173, %swap3A_2174] {strides = array<i32>} : memref<3x32x1024xf32, #tpu.memory_space<vmem>>, vector<1x1x16xf32>,
        %swap3A_2176 = vector.shape_cast %swap3A_2175 : vector<1x1x16xf32> to vector<16xf32>
        %swap3A_2177 = vector.shape_cast %get3A_1680 : vector<16xf32> to vector<1x1x16xf32>
        tpu.vector_store %arg7[%swap3A_2172, %swap3A_2173, %swap3A_2174], %swap3A_2177 {add = true, strides = array<i32>} : memref<3x32x1024xf32, #tpu.memory_space<vmem>>, vector<1x1x16xf32>,
        %add3A_2178 = arith.constant 24 : i32
        %add3A_2179 = arith.addi %add3A_2178, %scan3A_443 : i32
        %swap3A_2180 = arith.index_cast %rem3A_297 : i32 to index
        %swap3A_2181 = arith.index_cast %add3A_2179 : i32 to index
        %swap3A_2182 = arith.constant 688 : index
        %swap3A_2183 = tpu.vector_load %arg7[%swap3A_2180, %swap3A_2181, %swap3A_2182] {strides = array<i32>} : memref<3x32x1024xf32, #tpu.memory_space<vmem>>, vector<1x1x16xf32>,
        %swap3A_2184 = vector.shape_cast %swap3A_2183 : vector<1x1x16xf32> to vector<16xf32>
        %swap3A_2185 = vector.shape_cast %get3A_1685 : vector<16xf32> to vector<1x1x16xf32>
        tpu.vector_store %arg7[%swap3A_2180, %swap3A_2181, %swap3A_2182], %swap3A_2185 {add = true, strides = array<i32>} : memref<3x32x1024xf32, #tpu.memory_space<vmem>>, vector<1x1x16xf32>,
        %add3A_2186 = arith.constant 24 : i32
        %add3A_2187 = arith.addi %add3A_2186, %scan3A_443 : i32
        %swap3A_2188 = arith.index_cast %rem3A_297 : i32 to index
        %swap3A_2189 = arith.index_cast %add3A_2187 : i32 to index
        %swap3A_2190 = arith.constant 704 : index
        %swap3A_2191 = tpu.vector_load %arg7[%swap3A_2188, %swap3A_2189, %swap3A_2190] {strides = array<i32>} : memref<3x32x1024xf32, #tpu.memory_space<vmem>>, vector<1x1x16xf32>,
        %swap3A_2192 = vector.shape_cast %swap3A_2191 : vector<1x1x16xf32> to vector<16xf32>
        %swap3A_2193 = vector.shape_cast %get3A_1690 : vector<16xf32> to vector<1x1x16xf32>
        tpu.vector_store %arg7[%swap3A_2188, %swap3A_2189, %swap3A_2190], %swap3A_2193 {add = true, strides = array<i32>} : memref<3x32x1024xf32, #tpu.memory_space<vmem>>, vector<1x1x16xf32>,
        %add3A_2194 = arith.constant 24 : i32
        %add3A_2195 = arith.addi %add3A_2194, %scan3A_443 : i32
        %swap3A_2196 = arith.index_cast %rem3A_297 : i32 to index
        %swap3A_2197 = arith.index_cast %add3A_2195 : i32 to index
        %swap3A_2198 = arith.constant 720 : index
        %swap3A_2199 = tpu.vector_load %arg7[%swap3A_2196, %swap3A_2197, %swap3A_2198] {strides = array<i32>} : memref<3x32x1024xf32, #tpu.memory_space<vmem>>, vector<1x1x16xf32>,
        %swap3A_2200 = vector.shape_cast %swap3A_2199 : vector<1x1x16xf32> to vector<16xf32>
        %swap3A_2201 = vector.shape_cast %get3A_1695 : vector<16xf32> to vector<1x1x16xf32>
        tpu.vector_store %arg7[%swap3A_2196, %swap3A_2197, %swap3A_2198], %swap3A_2201 {add = true, strides = array<i32>} : memref<3x32x1024xf32, #tpu.memory_space<vmem>>, vector<1x1x16xf32>,
        %add3A_2202 = arith.constant 24 : i32
        %add3A_2203 = arith.addi %add3A_2202, %scan3A_443 : i32
        %swap3A_2204 = arith.index_cast %rem3A_297 : i32 to index
        %swap3A_2205 = arith.index_cast %add3A_2203 : i32 to index
        %swap3A_2206 = arith.constant 736 : index
        %swap3A_2207 = tpu.vector_load %arg7[%swap3A_2204, %swap3A_2205, %swap3A_2206] {strides = array<i32>} : memref<3x32x1024xf32, #tpu.memory_space<vmem>>, vector<1x1x16xf32>,
        %swap3A_2208 = vector.shape_cast %swap3A_2207 : vector<1x1x16xf32> to vector<16xf32>
        %swap3A_2209 = vector.shape_cast %get3A_1700 : vector<16xf32> to vector<1x1x16xf32>
        tpu.vector_store %arg7[%swap3A_2204, %swap3A_2205, %swap3A_2206], %swap3A_2209 {add = true, strides = array<i32>} : memref<3x32x1024xf32, #tpu.memory_space<vmem>>, vector<1x1x16xf32>,
        %add3A_2210 = arith.constant 24 : i32
        %add3A_2211 = arith.addi %add3A_2210, %scan3A_443 : i32
        %swap3A_2212 = arith.index_cast %rem3A_297 : i32 to index
        %swap3A_2213 = arith.index_cast %add3A_2211 : i32 to index
        %swap3A_2214 = arith.constant 752 : index
        %swap3A_2215 = tpu.vector_load %arg7[%swap3A_2212, %swap3A_2213, %swap3A_2214] {strides = array<i32>} : memref<3x32x1024xf32, #tpu.memory_space<vmem>>, vector<1x1x16xf32>,
        %swap3A_2216 = vector.shape_cast %swap3A_2215 : vector<1x1x16xf32> to vector<16xf32>
        %swap3A_2217 = vector.shape_cast %get3A_1705 : vector<16xf32> to vector<1x1x16xf32>
        tpu.vector_store %arg7[%swap3A_2212, %swap3A_2213, %swap3A_2214], %swap3A_2217 {add = true, strides = array<i32>} : memref<3x32x1024xf32, #tpu.memory_space<vmem>>, vector<1x1x16xf32>,
        %get3A_2218 = arith.index_cast %rem3A_299 : i32 to index
        %get3A_2219 = arith.index_cast %scan3A_443 : i32 to index
        %get3A_2220 = arith.constant 768 : index
        %get3A_2221 = tpu.vector_load %arg8[%get3A_2218, %get3A_2219, %get3A_2220] {strides = array<i32>} : memref<2x8x1024xf32, #tpu.memory_space<vmem>>, vector<1x1x16xf32>,
        %get3A_2222 = vector.shape_cast %get3A_2221 : vector<1x1x16xf32> to vector<16xf32>
        %get3A_2223 = arith.index_cast %rem3A_299 : i32 to index
        %get3A_2224 = arith.index_cast %scan3A_443 : i32 to index
        %get3A_2225 = arith.constant 784 : index
        %get3A_2226 = tpu.vector_load %arg8[%get3A_2223, %get3A_2224, %get3A_2225] {strides = array<i32>} : memref<2x8x1024xf32, #tpu.memory_space<vmem>>, vector<1x1x16xf32>,
        %get3A_2227 = vector.shape_cast %get3A_2226 : vector<1x1x16xf32> to vector<16xf32>
        %get3A_2228 = arith.index_cast %rem3A_299 : i32 to index
        %get3A_2229 = arith.index_cast %scan3A_443 : i32 to index
        %get3A_2230 = arith.constant 800 : index
        %get3A_2231 = tpu.vector_load %arg8[%get3A_2228, %get3A_2229, %get3A_2230] {strides = array<i32>} : memref<2x8x1024xf32, #tpu.memory_space<vmem>>, vector<1x1x16xf32>,
        %get3A_2232 = vector.shape_cast %get3A_2231 : vector<1x1x16xf32> to vector<16xf32>
        %get3A_2233 = arith.index_cast %rem3A_299 : i32 to index
        %get3A_2234 = arith.index_cast %scan3A_443 : i32 to index
        %get3A_2235 = arith.constant 816 : index
        %get3A_2236 = tpu.vector_load %arg8[%get3A_2233, %get3A_2234, %get3A_2235] {strides = array<i32>} : memref<2x8x1024xf32, #tpu.memory_space<vmem>>, vector<1x1x16xf32>,
        %get3A_2237 = vector.shape_cast %get3A_2236 : vector<1x1x16xf32> to vector<16xf32>
        %get3A_2238 = arith.index_cast %rem3A_299 : i32 to index
        %get3A_2239 = arith.index_cast %scan3A_443 : i32 to index
        %get3A_2240 = arith.constant 832 : index
        %get3A_2241 = tpu.vector_load %arg8[%get3A_2238, %get3A_2239, %get3A_2240] {strides = array<i32>} : memref<2x8x1024xf32, #tpu.memory_space<vmem>>, vector<1x1x16xf32>,
        %get3A_2242 = vector.shape_cast %get3A_2241 : vector<1x1x16xf32> to vector<16xf32>
        %get3A_2243 = arith.index_cast %rem3A_299 : i32 to index
        %get3A_2244 = arith.index_cast %scan3A_443 : i32 to index
        %get3A_2245 = arith.constant 848 : index
        %get3A_2246 = tpu.vector_load %arg8[%get3A_2243, %get3A_2244, %get3A_2245] {strides = array<i32>} : memref<2x8x1024xf32, #tpu.memory_space<vmem>>, vector<1x1x16xf32>,
        %get3A_2247 = vector.shape_cast %get3A_2246 : vector<1x1x16xf32> to vector<16xf32>
        %get3A_2248 = arith.index_cast %rem3A_299 : i32 to index
        %get3A_2249 = arith.index_cast %scan3A_443 : i32 to index
        %get3A_2250 = arith.constant 864 : index
        %get3A_2251 = tpu.vector_load %arg8[%get3A_2248, %get3A_2249, %get3A_2250] {strides = array<i32>} : memref<2x8x1024xf32, #tpu.memory_space<vmem>>, vector<1x1x16xf32>,
        %get3A_2252 = vector.shape_cast %get3A_2251 : vector<1x1x16xf32> to vector<16xf32>
        %get3A_2253 = arith.index_cast %rem3A_299 : i32 to index
        %get3A_2254 = arith.index_cast %scan3A_443 : i32 to index
        %get3A_2255 = arith.constant 880 : index
        %get3A_2256 = tpu.vector_load %arg8[%get3A_2253, %get3A_2254, %get3A_2255] {strides = array<i32>} : memref<2x8x1024xf32, #tpu.memory_space<vmem>>, vector<1x1x16xf32>,
        %get3A_2257 = vector.shape_cast %get3A_2256 : vector<1x1x16xf32> to vector<16xf32>
        %get3A_2258 = arith.index_cast %rem3A_299 : i32 to index
        %get3A_2259 = arith.index_cast %scan3A_443 : i32 to index
        %get3A_2260 = arith.constant 896 : index
        %get3A_2261 = tpu.vector_load %arg8[%get3A_2258, %get3A_2259, %get3A_2260] {strides = array<i32>} : memref<2x8x1024xf32, #tpu.memory_space<vmem>>, vector<1x1x16xf32>,
        %get3A_2262 = vector.shape_cast %get3A_2261 : vector<1x1x16xf32> to vector<16xf32>
        %get3A_2263 = arith.index_cast %rem3A_299 : i32 to index
        %get3A_2264 = arith.index_cast %scan3A_443 : i32 to index
        %get3A_2265 = arith.constant 912 : index
        %get3A_2266 = tpu.vector_load %arg8[%get3A_2263, %get3A_2264, %get3A_2265] {strides = array<i32>} : memref<2x8x1024xf32, #tpu.memory_space<vmem>>, vector<1x1x16xf32>,
        %get3A_2267 = vector.shape_cast %get3A_2266 : vector<1x1x16xf32> to vector<16xf32>
        %get3A_2268 = arith.index_cast %rem3A_299 : i32 to index
        %get3A_2269 = arith.index_cast %scan3A_443 : i32 to index
        %get3A_2270 = arith.constant 928 : index
        %get3A_2271 = tpu.vector_load %arg8[%get3A_2268, %get3A_2269, %get3A_2270] {strides = array<i32>} : memref<2x8x1024xf32, #tpu.memory_space<vmem>>, vector<1x1x16xf32>,
        %get3A_2272 = vector.shape_cast %get3A_2271 : vector<1x1x16xf32> to vector<16xf32>
        %get3A_2273 = arith.index_cast %rem3A_299 : i32 to index
        %get3A_2274 = arith.index_cast %scan3A_443 : i32 to index
        %get3A_2275 = arith.constant 944 : index
        %get3A_2276 = tpu.vector_load %arg8[%get3A_2273, %get3A_2274, %get3A_2275] {strides = array<i32>} : memref<2x8x1024xf32, #tpu.memory_space<vmem>>, vector<1x1x16xf32>,
        %get3A_2277 = vector.shape_cast %get3A_2276 : vector<1x1x16xf32> to vector<16xf32>
        %get3A_2278 = arith.index_cast %rem3A_299 : i32 to index
        %get3A_2279 = arith.index_cast %scan3A_443 : i32 to index
        %get3A_2280 = arith.constant 960 : index
        %get3A_2281 = tpu.vector_load %arg8[%get3A_2278, %get3A_2279, %get3A_2280] {strides = array<i32>} : memref<2x8x1024xf32, #tpu.memory_space<vmem>>, vector<1x1x16xf32>,
        %get3A_2282 = vector.shape_cast %get3A_2281 : vector<1x1x16xf32> to vector<16xf32>
        %get3A_2283 = arith.index_cast %rem3A_299 : i32 to index
        %get3A_2284 = arith.index_cast %scan3A_443 : i32 to index
        %get3A_2285 = arith.constant 976 : index
        %get3A_2286 = tpu.vector_load %arg8[%get3A_2283, %get3A_2284, %get3A_2285] {strides = array<i32>} : memref<2x8x1024xf32, #tpu.memory_space<vmem>>, vector<1x1x16xf32>,
        %get3A_2287 = vector.shape_cast %get3A_2286 : vector<1x1x16xf32> to vector<16xf32>
        %get3A_2288 = arith.index_cast %rem3A_299 : i32 to index
        %get3A_2289 = arith.index_cast %scan3A_443 : i32 to index
        %get3A_2290 = arith.constant 992 : index
        %get3A_2291 = tpu.vector_load %arg8[%get3A_2288, %get3A_2289, %get3A_2290] {strides = array<i32>} : memref<2x8x1024xf32, #tpu.memory_space<vmem>>, vector<1x1x16xf32>,
        %get3A_2292 = vector.shape_cast %get3A_2291 : vector<1x1x16xf32> to vector<16xf32>
        %get3A_2293 = arith.index_cast %rem3A_299 : i32 to index
        %get3A_2294 = arith.index_cast %scan3A_443 : i32 to index
        %get3A_2295 = arith.constant 1008 : index
        %get3A_2296 = tpu.vector_load %arg8[%get3A_2293, %get3A_2294, %get3A_2295] {strides = array<i32>} : memref<2x8x1024xf32, #tpu.memory_space<vmem>>, vector<1x1x16xf32>,
        %get3A_2297 = vector.shape_cast %get3A_2296 : vector<1x1x16xf32> to vector<16xf32>
        %add3A_2298 = arith.constant 0 : i32
        %add3A_2299 = arith.addi %add3A_2298, %scan3A_443 : i32
        %swap3A_2300 = arith.index_cast %rem3A_297 : i32 to index
        %swap3A_2301 = arith.index_cast %add3A_2299 : i32 to index
        %swap3A_2302 = arith.constant 768 : index
        %swap3A_2303 = tpu.vector_load %arg7[%swap3A_2300, %swap3A_2301, %swap3A_2302] {strides = array<i32>} : memref<3x32x1024xf32, #tpu.memory_space<vmem>>, vector<1x1x16xf32>,
        %swap3A_2304 = vector.shape_cast %swap3A_2303 : vector<1x1x16xf32> to vector<16xf32>
        %swap3A_2305 = vector.shape_cast %get3A_2222 : vector<16xf32> to vector<1x1x16xf32>
        tpu.vector_store %arg7[%swap3A_2300, %swap3A_2301, %swap3A_2302], %swap3A_2305 {add = true, strides = array<i32>} : memref<3x32x1024xf32, #tpu.memory_space<vmem>>, vector<1x1x16xf32>,
        %add3A_2306 = arith.constant 0 : i32
        %add3A_2307 = arith.addi %add3A_2306, %scan3A_443 : i32
        %swap3A_2308 = arith.index_cast %rem3A_297 : i32 to index
        %swap3A_2309 = arith.index_cast %add3A_2307 : i32 to index
        %swap3A_2310 = arith.constant 784 : index
        %swap3A_2311 = tpu.vector_load %arg7[%swap3A_2308, %swap3A_2309, %swap3A_2310] {strides = array<i32>} : memref<3x32x1024xf32, #tpu.memory_space<vmem>>, vector<1x1x16xf32>,
        %swap3A_2312 = vector.shape_cast %swap3A_2311 : vector<1x1x16xf32> to vector<16xf32>
        %swap3A_2313 = vector.shape_cast %get3A_2227 : vector<16xf32> to vector<1x1x16xf32>
        tpu.vector_store %arg7[%swap3A_2308, %swap3A_2309, %swap3A_2310], %swap3A_2313 {add = true, strides = array<i32>} : memref<3x32x1024xf32, #tpu.memory_space<vmem>>, vector<1x1x16xf32>,
        %add3A_2314 = arith.constant 0 : i32
        %add3A_2315 = arith.addi %add3A_2314, %scan3A_443 : i32
        %swap3A_2316 = arith.index_cast %rem3A_297 : i32 to index
        %swap3A_2317 = arith.index_cast %add3A_2315 : i32 to index
        %swap3A_2318 = arith.constant 800 : index
        %swap3A_2319 = tpu.vector_load %arg7[%swap3A_2316, %swap3A_2317, %swap3A_2318] {strides = array<i32>} : memref<3x32x1024xf32, #tpu.memory_space<vmem>>, vector<1x1x16xf32>,
        %swap3A_2320 = vector.shape_cast %swap3A_2319 : vector<1x1x16xf32> to vector<16xf32>
        %swap3A_2321 = vector.shape_cast %get3A_2232 : vector<16xf32> to vector<1x1x16xf32>
        tpu.vector_store %arg7[%swap3A_2316, %swap3A_2317, %swap3A_2318], %swap3A_2321 {add = true, strides = array<i32>} : memref<3x32x1024xf32, #tpu.memory_space<vmem>>, vector<1x1x16xf32>,
        %add3A_2322 = arith.constant 0 : i32
        %add3A_2323 = arith.addi %add3A_2322, %scan3A_443 : i32
        %swap3A_2324 = arith.index_cast %rem3A_297 : i32 to index
        %swap3A_2325 = arith.index_cast %add3A_2323 : i32 to index
        %swap3A_2326 = arith.constant 816 : index
        %swap3A_2327 = tpu.vector_load %arg7[%swap3A_2324, %swap3A_2325, %swap3A_2326] {strides = array<i32>} : memref<3x32x1024xf32, #tpu.memory_space<vmem>>, vector<1x1x16xf32>,
        %swap3A_2328 = vector.shape_cast %swap3A_2327 : vector<1x1x16xf32> to vector<16xf32>
        %swap3A_2329 = vector.shape_cast %get3A_2237 : vector<16xf32> to vector<1x1x16xf32>
        tpu.vector_store %arg7[%swap3A_2324, %swap3A_2325, %swap3A_2326], %swap3A_2329 {add = true, strides = array<i32>} : memref<3x32x1024xf32, #tpu.memory_space<vmem>>, vector<1x1x16xf32>,
        %add3A_2330 = arith.constant 0 : i32
        %add3A_2331 = arith.addi %add3A_2330, %scan3A_443 : i32
        %swap3A_2332 = arith.index_cast %rem3A_297 : i32 to index
        %swap3A_2333 = arith.index_cast %add3A_2331 : i32 to index
        %swap3A_2334 = arith.constant 832 : index
        %swap3A_2335 = tpu.vector_load %arg7[%swap3A_2332, %swap3A_2333, %swap3A_2334] {strides = array<i32>} : memref<3x32x1024xf32, #tpu.memory_space<vmem>>, vector<1x1x16xf32>,
        %swap3A_2336 = vector.shape_cast %swap3A_2335 : vector<1x1x16xf32> to vector<16xf32>
        %swap3A_2337 = vector.shape_cast %get3A_2242 : vector<16xf32> to vector<1x1x16xf32>
        tpu.vector_store %arg7[%swap3A_2332, %swap3A_2333, %swap3A_2334], %swap3A_2337 {add = true, strides = array<i32>} : memref<3x32x1024xf32, #tpu.memory_space<vmem>>, vector<1x1x16xf32>,
        %add3A_2338 = arith.constant 0 : i32
        %add3A_2339 = arith.addi %add3A_2338, %scan3A_443 : i32
        %swap3A_2340 = arith.index_cast %rem3A_297 : i32 to index
        %swap3A_2341 = arith.index_cast %add3A_2339 : i32 to index
        %swap3A_2342 = arith.constant 848 : index
        %swap3A_2343 = tpu.vector_load %arg7[%swap3A_2340, %swap3A_2341, %swap3A_2342] {strides = array<i32>} : memref<3x32x1024xf32, #tpu.memory_space<vmem>>, vector<1x1x16xf32>,
        %swap3A_2344 = vector.shape_cast %swap3A_2343 : vector<1x1x16xf32> to vector<16xf32>
        %swap3A_2345 = vector.shape_cast %get3A_2247 : vector<16xf32> to vector<1x1x16xf32>
        tpu.vector_store %arg7[%swap3A_2340, %swap3A_2341, %swap3A_2342], %swap3A_2345 {add = true, strides = array<i32>} : memref<3x32x1024xf32, #tpu.memory_space<vmem>>, vector<1x1x16xf32>,
        %add3A_2346 = arith.constant 0 : i32
        %add3A_2347 = arith.addi %add3A_2346, %scan3A_443 : i32
        %swap3A_2348 = arith.index_cast %rem3A_297 : i32 to index
        %swap3A_2349 = arith.index_cast %add3A_2347 : i32 to index
        %swap3A_2350 = arith.constant 864 : index
        %swap3A_2351 = tpu.vector_load %arg7[%swap3A_2348, %swap3A_2349, %swap3A_2350] {strides = array<i32>} : memref<3x32x1024xf32, #tpu.memory_space<vmem>>, vector<1x1x16xf32>,
        %swap3A_2352 = vector.shape_cast %swap3A_2351 : vector<1x1x16xf32> to vector<16xf32>
        %swap3A_2353 = vector.shape_cast %get3A_2252 : vector<16xf32> to vector<1x1x16xf32>
        tpu.vector_store %arg7[%swap3A_2348, %swap3A_2349, %swap3A_2350], %swap3A_2353 {add = true, strides = array<i32>} : memref<3x32x1024xf32, #tpu.memory_space<vmem>>, vector<1x1x16xf32>,
        %add3A_2354 = arith.constant 0 : i32
        %add3A_2355 = arith.addi %add3A_2354, %scan3A_443 : i32
        %swap3A_2356 = arith.index_cast %rem3A_297 : i32 to index
        %swap3A_2357 = arith.index_cast %add3A_2355 : i32 to index
        %swap3A_2358 = arith.constant 880 : index
        %swap3A_2359 = tpu.vector_load %arg7[%swap3A_2356, %swap3A_2357, %swap3A_2358] {strides = array<i32>} : memref<3x32x1024xf32, #tpu.memory_space<vmem>>, vector<1x1x16xf32>,
        %swap3A_2360 = vector.shape_cast %swap3A_2359 : vector<1x1x16xf32> to vector<16xf32>
        %swap3A_2361 = vector.shape_cast %get3A_2257 : vector<16xf32> to vector<1x1x16xf32>
        tpu.vector_store %arg7[%swap3A_2356, %swap3A_2357, %swap3A_2358], %swap3A_2361 {add = true, strides = array<i32>} : memref<3x32x1024xf32, #tpu.memory_space<vmem>>, vector<1x1x16xf32>,
        %add3A_2362 = arith.constant 0 : i32
        %add3A_2363 = arith.addi %add3A_2362, %scan3A_443 : i32
        %swap3A_2364 = arith.index_cast %rem3A_297 : i32 to index
        %swap3A_2365 = arith.index_cast %add3A_2363 : i32 to index
        %swap3A_2366 = arith.constant 896 : index
        %swap3A_2367 = tpu.vector_load %arg7[%swap3A_2364, %swap3A_2365, %swap3A_2366] {strides = array<i32>} : memref<3x32x1024xf32, #tpu.memory_space<vmem>>, vector<1x1x16xf32>,
        %swap3A_2368 = vector.shape_cast %swap3A_2367 : vector<1x1x16xf32> to vector<16xf32>
        %swap3A_2369 = vector.shape_cast %get3A_2262 : vector<16xf32> to vector<1x1x16xf32>
        tpu.vector_store %arg7[%swap3A_2364, %swap3A_2365, %swap3A_2366], %swap3A_2369 {add = true, strides = array<i32>} : memref<3x32x1024xf32, #tpu.memory_space<vmem>>, vector<1x1x16xf32>,
        %add3A_2370 = arith.constant 0 : i32
        %add3A_2371 = arith.addi %add3A_2370, %scan3A_443 : i32
        %swap3A_2372 = arith.index_cast %rem3A_297 : i32 to index
        %swap3A_2373 = arith.index_cast %add3A_2371 : i32 to index
        %swap3A_2374 = arith.constant 912 : index
        %swap3A_2375 = tpu.vector_load %arg7[%swap3A_2372, %swap3A_2373, %swap3A_2374] {strides = array<i32>} : memref<3x32x1024xf32, #tpu.memory_space<vmem>>, vector<1x1x16xf32>,
        %swap3A_2376 = vector.shape_cast %swap3A_2375 : vector<1x1x16xf32> to vector<16xf32>
        %swap3A_2377 = vector.shape_cast %get3A_2267 : vector<16xf32> to vector<1x1x16xf32>
        tpu.vector_store %arg7[%swap3A_2372, %swap3A_2373, %swap3A_2374], %swap3A_2377 {add = true, strides = array<i32>} : memref<3x32x1024xf32, #tpu.memory_space<vmem>>, vector<1x1x16xf32>,
        %add3A_2378 = arith.constant 0 : i32
        %add3A_2379 = arith.addi %add3A_2378, %scan3A_443 : i32
        %swap3A_2380 = arith.index_cast %rem3A_297 : i32 to index
        %swap3A_2381 = arith.index_cast %add3A_2379 : i32 to index
        %swap3A_2382 = arith.constant 928 : index
        %swap3A_2383 = tpu.vector_load %arg7[%swap3A_2380, %swap3A_2381, %swap3A_2382] {strides = array<i32>} : memref<3x32x1024xf32, #tpu.memory_space<vmem>>, vector<1x1x16xf32>,
        %swap3A_2384 = vector.shape_cast %swap3A_2383 : vector<1x1x16xf32> to vector<16xf32>
        %swap3A_2385 = vector.shape_cast %get3A_2272 : vector<16xf32> to vector<1x1x16xf32>
        tpu.vector_store %arg7[%swap3A_2380, %swap3A_2381, %swap3A_2382], %swap3A_2385 {add = true, strides = array<i32>} : memref<3x32x1024xf32, #tpu.memory_space<vmem>>, vector<1x1x16xf32>,
        %add3A_2386 = arith.constant 0 : i32
        %add3A_2387 = arith.addi %add3A_2386, %scan3A_443 : i32
        %swap3A_2388 = arith.index_cast %rem3A_297 : i32 to index
        %swap3A_2389 = arith.index_cast %add3A_2387 : i32 to index
        %swap3A_2390 = arith.constant 944 : index
        %swap3A_2391 = tpu.vector_load %arg7[%swap3A_2388, %swap3A_2389, %swap3A_2390] {strides = array<i32>} : memref<3x32x1024xf32, #tpu.memory_space<vmem>>, vector<1x1x16xf32>,
        %swap3A_2392 = vector.shape_cast %swap3A_2391 : vector<1x1x16xf32> to vector<16xf32>
        %swap3A_2393 = vector.shape_cast %get3A_2277 : vector<16xf32> to vector<1x1x16xf32>
        tpu.vector_store %arg7[%swap3A_2388, %swap3A_2389, %swap3A_2390], %swap3A_2393 {add = true, strides = array<i32>} : memref<3x32x1024xf32, #tpu.memory_space<vmem>>, vector<1x1x16xf32>,
        %add3A_2394 = arith.constant 0 : i32
        %add3A_2395 = arith.addi %add3A_2394, %scan3A_443 : i32
        %swap3A_2396 = arith.index_cast %rem3A_297 : i32 to index
        %swap3A_2397 = arith.index_cast %add3A_2395 : i32 to index
        %swap3A_2398 = arith.constant 960 : index
        %swap3A_2399 = tpu.vector_load %arg7[%swap3A_2396, %swap3A_2397, %swap3A_2398] {strides = array<i32>} : memref<3x32x1024xf32, #tpu.memory_space<vmem>>, vector<1x1x16xf32>,
        %swap3A_2400 = vector.shape_cast %swap3A_2399 : vector<1x1x16xf32> to vector<16xf32>
        %swap3A_2401 = vector.shape_cast %get3A_2282 : vector<16xf32> to vector<1x1x16xf32>
        tpu.vector_store %arg7[%swap3A_2396, %swap3A_2397, %swap3A_2398], %swap3A_2401 {add = true, strides = array<i32>} : memref<3x32x1024xf32, #tpu.memory_space<vmem>>, vector<1x1x16xf32>,
        %add3A_2402 = arith.constant 0 : i32
        %add3A_2403 = arith.addi %add3A_2402, %scan3A_443 : i32
        %swap3A_2404 = arith.index_cast %rem3A_297 : i32 to index
        %swap3A_2405 = arith.index_cast %add3A_2403 : i32 to index
        %swap3A_2406 = arith.constant 976 : index
        %swap3A_2407 = tpu.vector_load %arg7[%swap3A_2404, %swap3A_2405, %swap3A_2406] {strides = array<i32>} : memref<3x32x1024xf32, #tpu.memory_space<vmem>>, vector<1x1x16xf32>,
        %swap3A_2408 = vector.shape_cast %swap3A_2407 : vector<1x1x16xf32> to vector<16xf32>
        %swap3A_2409 = vector.shape_cast %get3A_2287 : vector<16xf32> to vector<1x1x16xf32>
        tpu.vector_store %arg7[%swap3A_2404, %swap3A_2405, %swap3A_2406], %swap3A_2409 {add = true, strides = array<i32>} : memref<3x32x1024xf32, #tpu.memory_space<vmem>>, vector<1x1x16xf32>,
        %add3A_2410 = arith.constant 0 : i32
        %add3A_2411 = arith.addi %add3A_2410, %scan3A_443 : i32
        %swap3A_2412 = arith.index_cast %rem3A_297 : i32 to index
        %swap3A_2413 = arith.index_cast %add3A_2411 : i32 to index
        %swap3A_2414 = arith.constant 992 : index
        %swap3A_2415 = tpu.vector_load %arg7[%swap3A_2412, %swap3A_2413, %swap3A_2414] {strides = array<i32>} : memref<3x32x1024xf32, #tpu.memory_space<vmem>>, vector<1x1x16xf32>,
        %swap3A_2416 = vector.shape_cast %swap3A_2415 : vector<1x1x16xf32> to vector<16xf32>
        %swap3A_2417 = vector.shape_cast %get3A_2292 : vector<16xf32> to vector<1x1x16xf32>
        tpu.vector_store %arg7[%swap3A_2412, %swap3A_2413, %swap3A_2414], %swap3A_2417 {add = true, strides = array<i32>} : memref<3x32x1024xf32, #tpu.memory_space<vmem>>, vector<1x1x16xf32>,
        %add3A_2418 = arith.constant 0 : i32
        %add3A_2419 = arith.addi %add3A_2418, %scan3A_443 : i32
        %swap3A_2420 = arith.index_cast %rem3A_297 : i32 to index
        %swap3A_2421 = arith.index_cast %add3A_2419 : i32 to index
        %swap3A_2422 = arith.constant 1008 : index
        %swap3A_2423 = tpu.vector_load %arg7[%swap3A_2420, %swap3A_2421, %swap3A_2422] {strides = array<i32>} : memref<3x32x1024xf32, #tpu.memory_space<vmem>>, vector<1x1x16xf32>,
        %swap3A_2424 = vector.shape_cast %swap3A_2423 : vector<1x1x16xf32> to vector<16xf32>
        %swap3A_2425 = vector.shape_cast %get3A_2297 : vector<16xf32> to vector<1x1x16xf32>
        tpu.vector_store %arg7[%swap3A_2420, %swap3A_2421, %swap3A_2422], %swap3A_2425 {add = true, strides = array<i32>} : memref<3x32x1024xf32, #tpu.memory_space<vmem>>, vector<1x1x16xf32>,
        %add3A_2426 = arith.constant 8 : i32
        %add3A_2427 = arith.addi %add3A_2426, %scan3A_443 : i32
        %swap3A_2428 = arith.index_cast %rem3A_297 : i32 to index
        %swap3A_2429 = arith.index_cast %add3A_2427 : i32 to index
        %swap3A_2430 = arith.constant 768 : index
        %swap3A_2431 = tpu.vector_load %arg7[%swap3A_2428, %swap3A_2429, %swap3A_2430] {strides = array<i32>} : memref<3x32x1024xf32, #tpu.memory_space<vmem>>, vector<1x1x16xf32>,
        %swap3A_2432 = vector.shape_cast %swap3A_2431 : vector<1x1x16xf32> to vector<16xf32>
        %swap3A_2433 = vector.shape_cast %get3A_2222 : vector<16xf32> to vector<1x1x16xf32>
        tpu.vector_store %arg7[%swap3A_2428, %swap3A_2429, %swap3A_2430], %swap3A_2433 {add = true, strides = array<i32>} : memref<3x32x1024xf32, #tpu.memory_space<vmem>>, vector<1x1x16xf32>,
        %add3A_2434 = arith.constant 8 : i32
        %add3A_2435 = arith.addi %add3A_2434, %scan3A_443 : i32
        %swap3A_2436 = arith.index_cast %rem3A_297 : i32 to index
        %swap3A_2437 = arith.index_cast %add3A_2435 : i32 to index
        %swap3A_2438 = arith.constant 784 : index
        %swap3A_2439 = tpu.vector_load %arg7[%swap3A_2436, %swap3A_2437, %swap3A_2438] {strides = array<i32>} : memref<3x32x1024xf32, #tpu.memory_space<vmem>>, vector<1x1x16xf32>,
        %swap3A_2440 = vector.shape_cast %swap3A_2439 : vector<1x1x16xf32> to vector<16xf32>
        %swap3A_2441 = vector.shape_cast %get3A_2227 : vector<16xf32> to vector<1x1x16xf32>
        tpu.vector_store %arg7[%swap3A_2436, %swap3A_2437, %swap3A_2438], %swap3A_2441 {add = true, strides = array<i32>} : memref<3x32x1024xf32, #tpu.memory_space<vmem>>, vector<1x1x16xf32>,
        %add3A_2442 = arith.constant 8 : i32
        %add3A_2443 = arith.addi %add3A_2442, %scan3A_443 : i32
        %swap3A_2444 = arith.index_cast %rem3A_297 : i32 to index
        %swap3A_2445 = arith.index_cast %add3A_2443 : i32 to index
        %swap3A_2446 = arith.constant 800 : index
        %swap3A_2447 = tpu.vector_load %arg7[%swap3A_2444, %swap3A_2445, %swap3A_2446] {strides = array<i32>} : memref<3x32x1024xf32, #tpu.memory_space<vmem>>, vector<1x1x16xf32>,
        %swap3A_2448 = vector.shape_cast %swap3A_2447 : vector<1x1x16xf32> to vector<16xf32>
        %swap3A_2449 = vector.shape_cast %get3A_2232 : vector<16xf32> to vector<1x1x16xf32>
        tpu.vector_store %arg7[%swap3A_2444, %swap3A_2445, %swap3A_2446], %swap3A_2449 {add = true, strides = array<i32>} : memref<3x32x1024xf32, #tpu.memory_space<vmem>>, vector<1x1x16xf32>,
        %add3A_2450 = arith.constant 8 : i32
        %add3A_2451 = arith.addi %add3A_2450, %scan3A_443 : i32
        %swap3A_2452 = arith.index_cast %rem3A_297 : i32 to index
        %swap3A_2453 = arith.index_cast %add3A_2451 : i32 to index
        %swap3A_2454 = arith.constant 816 : index
        %swap3A_2455 = tpu.vector_load %arg7[%swap3A_2452, %swap3A_2453, %swap3A_2454] {strides = array<i32>} : memref<3x32x1024xf32, #tpu.memory_space<vmem>>, vector<1x1x16xf32>,
        %swap3A_2456 = vector.shape_cast %swap3A_2455 : vector<1x1x16xf32> to vector<16xf32>
        %swap3A_2457 = vector.shape_cast %get3A_2237 : vector<16xf32> to vector<1x1x16xf32>
        tpu.vector_store %arg7[%swap3A_2452, %swap3A_2453, %swap3A_2454], %swap3A_2457 {add = true, strides = array<i32>} : memref<3x32x1024xf32, #tpu.memory_space<vmem>>, vector<1x1x16xf32>,
        %add3A_2458 = arith.constant 8 : i32
        %add3A_2459 = arith.addi %add3A_2458, %scan3A_443 : i32
        %swap3A_2460 = arith.index_cast %rem3A_297 : i32 to index
        %swap3A_2461 = arith.index_cast %add3A_2459 : i32 to index
        %swap3A_2462 = arith.constant 832 : index
        %swap3A_2463 = tpu.vector_load %arg7[%swap3A_2460, %swap3A_2461, %swap3A_2462] {strides = array<i32>} : memref<3x32x1024xf32, #tpu.memory_space<vmem>>, vector<1x1x16xf32>,
        %swap3A_2464 = vector.shape_cast %swap3A_2463 : vector<1x1x16xf32> to vector<16xf32>
        %swap3A_2465 = vector.shape_cast %get3A_2242 : vector<16xf32> to vector<1x1x16xf32>
        tpu.vector_store %arg7[%swap3A_2460, %swap3A_2461, %swap3A_2462], %swap3A_2465 {add = true, strides = array<i32>} : memref<3x32x1024xf32, #tpu.memory_space<vmem>>, vector<1x1x16xf32>,
        %add3A_2466 = arith.constant 8 : i32
        %add3A_2467 = arith.addi %add3A_2466, %scan3A_443 : i32
        %swap3A_2468 = arith.index_cast %rem3A_297 : i32 to index
        %swap3A_2469 = arith.index_cast %add3A_2467 : i32 to index
        %swap3A_2470 = arith.constant 848 : index
        %swap3A_2471 = tpu.vector_load %arg7[%swap3A_2468, %swap3A_2469, %swap3A_2470] {strides = array<i32>} : memref<3x32x1024xf32, #tpu.memory_space<vmem>>, vector<1x1x16xf32>,
        %swap3A_2472 = vector.shape_cast %swap3A_2471 : vector<1x1x16xf32> to vector<16xf32>
        %swap3A_2473 = vector.shape_cast %get3A_2247 : vector<16xf32> to vector<1x1x16xf32>
        tpu.vector_store %arg7[%swap3A_2468, %swap3A_2469, %swap3A_2470], %swap3A_2473 {add = true, strides = array<i32>} : memref<3x32x1024xf32, #tpu.memory_space<vmem>>, vector<1x1x16xf32>,
        %add3A_2474 = arith.constant 8 : i32
        %add3A_2475 = arith.addi %add3A_2474, %scan3A_443 : i32
        %swap3A_2476 = arith.index_cast %rem3A_297 : i32 to index
        %swap3A_2477 = arith.index_cast %add3A_2475 : i32 to index
        %swap3A_2478 = arith.constant 864 : index
        %swap3A_2479 = tpu.vector_load %arg7[%swap3A_2476, %swap3A_2477, %swap3A_2478] {strides = array<i32>} : memref<3x32x1024xf32, #tpu.memory_space<vmem>>, vector<1x1x16xf32>,
        %swap3A_2480 = vector.shape_cast %swap3A_2479 : vector<1x1x16xf32> to vector<16xf32>
        %swap3A_2481 = vector.shape_cast %get3A_2252 : vector<16xf32> to vector<1x1x16xf32>
        tpu.vector_store %arg7[%swap3A_2476, %swap3A_2477, %swap3A_2478], %swap3A_2481 {add = true, strides = array<i32>} : memref<3x32x1024xf32, #tpu.memory_space<vmem>>, vector<1x1x16xf32>,
        %add3A_2482 = arith.constant 8 : i32
        %add3A_2483 = arith.addi %add3A_2482, %scan3A_443 : i32
        %swap3A_2484 = arith.index_cast %rem3A_297 : i32 to index
        %swap3A_2485 = arith.index_cast %add3A_2483 : i32 to index
        %swap3A_2486 = arith.constant 880 : index
        %swap3A_2487 = tpu.vector_load %arg7[%swap3A_2484, %swap3A_2485, %swap3A_2486] {strides = array<i32>} : memref<3x32x1024xf32, #tpu.memory_space<vmem>>, vector<1x1x16xf32>,
        %swap3A_2488 = vector.shape_cast %swap3A_2487 : vector<1x1x16xf32> to vector<16xf32>
        %swap3A_2489 = vector.shape_cast %get3A_2257 : vector<16xf32> to vector<1x1x16xf32>
        tpu.vector_store %arg7[%swap3A_2484, %swap3A_2485, %swap3A_2486], %swap3A_2489 {add = true, strides = array<i32>} : memref<3x32x1024xf32, #tpu.memory_space<vmem>>, vector<1x1x16xf32>,
        %add3A_2490 = arith.constant 8 : i32
        %add3A_2491 = arith.addi %add3A_2490, %scan3A_443 : i32
        %swap3A_2492 = arith.index_cast %rem3A_297 : i32 to index
        %swap3A_2493 = arith.index_cast %add3A_2491 : i32 to index
        %swap3A_2494 = arith.constant 896 : index
        %swap3A_2495 = tpu.vector_load %arg7[%swap3A_2492, %swap3A_2493, %swap3A_2494] {strides = array<i32>} : memref<3x32x1024xf32, #tpu.memory_space<vmem>>, vector<1x1x16xf32>,
        %swap3A_2496 = vector.shape_cast %swap3A_2495 : vector<1x1x16xf32> to vector<16xf32>
        %swap3A_2497 = vector.shape_cast %get3A_2262 : vector<16xf32> to vector<1x1x16xf32>
        tpu.vector_store %arg7[%swap3A_2492, %swap3A_2493, %swap3A_2494], %swap3A_2497 {add = true, strides = array<i32>} : memref<3x32x1024xf32, #tpu.memory_space<vmem>>, vector<1x1x16xf32>,
        %add3A_2498 = arith.constant 8 : i32
        %add3A_2499 = arith.addi %add3A_2498, %scan3A_443 : i32
        %swap3A_2500 = arith.index_cast %rem3A_297 : i32 to index
        %swap3A_2501 = arith.index_cast %add3A_2499 : i32 to index
        %swap3A_2502 = arith.constant 912 : index
        %swap3A_2503 = tpu.vector_load %arg7[%swap3A_2500, %swap3A_2501, %swap3A_2502] {strides = array<i32>} : memref<3x32x1024xf32, #tpu.memory_space<vmem>>, vector<1x1x16xf32>,
        %swap3A_2504 = vector.shape_cast %swap3A_2503 : vector<1x1x16xf32> to vector<16xf32>
        %swap3A_2505 = vector.shape_cast %get3A_2267 : vector<16xf32> to vector<1x1x16xf32>
        tpu.vector_store %arg7[%swap3A_2500, %swap3A_2501, %swap3A_2502], %swap3A_2505 {add = true, strides = array<i32>} : memref<3x32x1024xf32, #tpu.memory_space<vmem>>, vector<1x1x16xf32>,
        %add3A_2506 = arith.constant 8 : i32
        %add3A_2507 = arith.addi %add3A_2506, %scan3A_443 : i32
        %swap3A_2508 = arith.index_cast %rem3A_297 : i32 to index
        %swap3A_2509 = arith.index_cast %add3A_2507 : i32 to index
        %swap3A_2510 = arith.constant 928 : index
        %swap3A_2511 = tpu.vector_load %arg7[%swap3A_2508, %swap3A_2509, %swap3A_2510] {strides = array<i32>} : memref<3x32x1024xf32, #tpu.memory_space<vmem>>, vector<1x1x16xf32>,
        %swap3A_2512 = vector.shape_cast %swap3A_2511 : vector<1x1x16xf32> to vector<16xf32>
        %swap3A_2513 = vector.shape_cast %get3A_2272 : vector<16xf32> to vector<1x1x16xf32>
        tpu.vector_store %arg7[%swap3A_2508, %swap3A_2509, %swap3A_2510], %swap3A_2513 {add = true, strides = array<i32>} : memref<3x32x1024xf32, #tpu.memory_space<vmem>>, vector<1x1x16xf32>,
        %add3A_2514 = arith.constant 8 : i32
        %add3A_2515 = arith.addi %add3A_2514, %scan3A_443 : i32
        %swap3A_2516 = arith.index_cast %rem3A_297 : i32 to index
        %swap3A_2517 = arith.index_cast %add3A_2515 : i32 to index
        %swap3A_2518 = arith.constant 944 : index
        %swap3A_2519 = tpu.vector_load %arg7[%swap3A_2516, %swap3A_2517, %swap3A_2518] {strides = array<i32>} : memref<3x32x1024xf32, #tpu.memory_space<vmem>>, vector<1x1x16xf32>,
        %swap3A_2520 = vector.shape_cast %swap3A_2519 : vector<1x1x16xf32> to vector<16xf32>
        %swap3A_2521 = vector.shape_cast %get3A_2277 : vector<16xf32> to vector<1x1x16xf32>
        tpu.vector_store %arg7[%swap3A_2516, %swap3A_2517, %swap3A_2518], %swap3A_2521 {add = true, strides = array<i32>} : memref<3x32x1024xf32, #tpu.memory_space<vmem>>, vector<1x1x16xf32>,
        %add3A_2522 = arith.constant 8 : i32
        %add3A_2523 = arith.addi %add3A_2522, %scan3A_443 : i32
        %swap3A_2524 = arith.index_cast %rem3A_297 : i32 to index
        %swap3A_2525 = arith.index_cast %add3A_2523 : i32 to index
        %swap3A_2526 = arith.constant 960 : index
        %swap3A_2527 = tpu.vector_load %arg7[%swap3A_2524, %swap3A_2525, %swap3A_2526] {strides = array<i32>} : memref<3x32x1024xf32, #tpu.memory_space<vmem>>, vector<1x1x16xf32>,
        %swap3A_2528 = vector.shape_cast %swap3A_2527 : vector<1x1x16xf32> to vector<16xf32>
        %swap3A_2529 = vector.shape_cast %get3A_2282 : vector<16xf32> to vector<1x1x16xf32>
        tpu.vector_store %arg7[%swap3A_2524, %swap3A_2525, %swap3A_2526], %swap3A_2529 {add = true, strides = array<i32>} : memref<3x32x1024xf32, #tpu.memory_space<vmem>>, vector<1x1x16xf32>,
        %add3A_2530 = arith.constant 8 : i32
        %add3A_2531 = arith.addi %add3A_2530, %scan3A_443 : i32
        %swap3A_2532 = arith.index_cast %rem3A_297 : i32 to index
        %swap3A_2533 = arith.index_cast %add3A_2531 : i32 to index
        %swap3A_2534 = arith.constant 976 : index
        %swap3A_2535 = tpu.vector_load %arg7[%swap3A_2532, %swap3A_2533, %swap3A_2534] {strides = array<i32>} : memref<3x32x1024xf32, #tpu.memory_space<vmem>>, vector<1x1x16xf32>,
        %swap3A_2536 = vector.shape_cast %swap3A_2535 : vector<1x1x16xf32> to vector<16xf32>
        %swap3A_2537 = vector.shape_cast %get3A_2287 : vector<16xf32> to vector<1x1x16xf32>
        tpu.vector_store %arg7[%swap3A_2532, %swap3A_2533, %swap3A_2534], %swap3A_2537 {add = true, strides = array<i32>} : memref<3x32x1024xf32, #tpu.memory_space<vmem>>, vector<1x1x16xf32>,
        %add3A_2538 = arith.constant 8 : i32
        %add3A_2539 = arith.addi %add3A_2538, %scan3A_443 : i32
        %swap3A_2540 = arith.index_cast %rem3A_297 : i32 to index
        %swap3A_2541 = arith.index_cast %add3A_2539 : i32 to index
        %swap3A_2542 = arith.constant 992 : index
        %swap3A_2543 = tpu.vector_load %arg7[%swap3A_2540, %swap3A_2541, %swap3A_2542] {strides = array<i32>} : memref<3x32x1024xf32, #tpu.memory_space<vmem>>, vector<1x1x16xf32>,
        %swap3A_2544 = vector.shape_cast %swap3A_2543 : vector<1x1x16xf32> to vector<16xf32>
        %swap3A_2545 = vector.shape_cast %get3A_2292 : vector<16xf32> to vector<1x1x16xf32>
        tpu.vector_store %arg7[%swap3A_2540, %swap3A_2541, %swap3A_2542], %swap3A_2545 {add = true, strides = array<i32>} : memref<3x32x1024xf32, #tpu.memory_space<vmem>>, vector<1x1x16xf32>,
        %add3A_2546 = arith.constant 8 : i32
        %add3A_2547 = arith.addi %add3A_2546, %scan3A_443 : i32
        %swap3A_2548 = arith.index_cast %rem3A_297 : i32 to index
        %swap3A_2549 = arith.index_cast %add3A_2547 : i32 to index
        %swap3A_2550 = arith.constant 1008 : index
        %swap3A_2551 = tpu.vector_load %arg7[%swap3A_2548, %swap3A_2549, %swap3A_2550] {strides = array<i32>} : memref<3x32x1024xf32, #tpu.memory_space<vmem>>, vector<1x1x16xf32>,
        %swap3A_2552 = vector.shape_cast %swap3A_2551 : vector<1x1x16xf32> to vector<16xf32>
        %swap3A_2553 = vector.shape_cast %get3A_2297 : vector<16xf32> to vector<1x1x16xf32>
        tpu.vector_store %arg7[%swap3A_2548, %swap3A_2549, %swap3A_2550], %swap3A_2553 {add = true, strides = array<i32>} : memref<3x32x1024xf32, #tpu.memory_space<vmem>>, vector<1x1x16xf32>,
        %add3A_2554 = arith.constant 16 : i32
        %add3A_2555 = arith.addi %add3A_2554, %scan3A_443 : i32
        %swap3A_2556 = arith.index_cast %rem3A_297 : i32 to index
        %swap3A_2557 = arith.index_cast %add3A_2555 : i32 to index
        %swap3A_2558 = arith.constant 768 : index
        %swap3A_2559 = tpu.vector_load %arg7[%swap3A_2556, %swap3A_2557, %swap3A_2558] {strides = array<i32>} : memref<3x32x1024xf32, #tpu.memory_space<vmem>>, vector<1x1x16xf32>,
        %swap3A_2560 = vector.shape_cast %swap3A_2559 : vector<1x1x16xf32> to vector<16xf32>
        %swap3A_2561 = vector.shape_cast %get3A_2222 : vector<16xf32> to vector<1x1x16xf32>
        tpu.vector_store %arg7[%swap3A_2556, %swap3A_2557, %swap3A_2558], %swap3A_2561 {add = true, strides = array<i32>} : memref<3x32x1024xf32, #tpu.memory_space<vmem>>, vector<1x1x16xf32>,
        %add3A_2562 = arith.constant 16 : i32
        %add3A_2563 = arith.addi %add3A_2562, %scan3A_443 : i32
        %swap3A_2564 = arith.index_cast %rem3A_297 : i32 to index
        %swap3A_2565 = arith.index_cast %add3A_2563 : i32 to index
        %swap3A_2566 = arith.constant 784 : index
        %swap3A_2567 = tpu.vector_load %arg7[%swap3A_2564, %swap3A_2565, %swap3A_2566] {strides = array<i32>} : memref<3x32x1024xf32, #tpu.memory_space<vmem>>, vector<1x1x16xf32>,
        %swap3A_2568 = vector.shape_cast %swap3A_2567 : vector<1x1x16xf32> to vector<16xf32>
        %swap3A_2569 = vector.shape_cast %get3A_2227 : vector<16xf32> to vector<1x1x16xf32>
        tpu.vector_store %arg7[%swap3A_2564, %swap3A_2565, %swap3A_2566], %swap3A_2569 {add = true, strides = array<i32>} : memref<3x32x1024xf32, #tpu.memory_space<vmem>>, vector<1x1x16xf32>,
        %add3A_2570 = arith.constant 16 : i32
        %add3A_2571 = arith.addi %add3A_2570, %scan3A_443 : i32
        %swap3A_2572 = arith.index_cast %rem3A_297 : i32 to index
        %swap3A_2573 = arith.index_cast %add3A_2571 : i32 to index
        %swap3A_2574 = arith.constant 800 : index
        %swap3A_2575 = tpu.vector_load %arg7[%swap3A_2572, %swap3A_2573, %swap3A_2574] {strides = array<i32>} : memref<3x32x1024xf32, #tpu.memory_space<vmem>>, vector<1x1x16xf32>,
        %swap3A_2576 = vector.shape_cast %swap3A_2575 : vector<1x1x16xf32> to vector<16xf32>
        %swap3A_2577 = vector.shape_cast %get3A_2232 : vector<16xf32> to vector<1x1x16xf32>
        tpu.vector_store %arg7[%swap3A_2572, %swap3A_2573, %swap3A_2574], %swap3A_2577 {add = true, strides = array<i32>} : memref<3x32x1024xf32, #tpu.memory_space<vmem>>, vector<1x1x16xf32>,
        %add3A_2578 = arith.constant 16 : i32
        %add3A_2579 = arith.addi %add3A_2578, %scan3A_443 : i32
        %swap3A_2580 = arith.index_cast %rem3A_297 : i32 to index
        %swap3A_2581 = arith.index_cast %add3A_2579 : i32 to index
        %swap3A_2582 = arith.constant 816 : index
        %swap3A_2583 = tpu.vector_load %arg7[%swap3A_2580, %swap3A_2581, %swap3A_2582] {strides = array<i32>} : memref<3x32x1024xf32, #tpu.memory_space<vmem>>, vector<1x1x16xf32>,
        %swap3A_2584 = vector.shape_cast %swap3A_2583 : vector<1x1x16xf32> to vector<16xf32>
        %swap3A_2585 = vector.shape_cast %get3A_2237 : vector<16xf32> to vector<1x1x16xf32>
        tpu.vector_store %arg7[%swap3A_2580, %swap3A_2581, %swap3A_2582], %swap3A_2585 {add = true, strides = array<i32>} : memref<3x32x1024xf32, #tpu.memory_space<vmem>>, vector<1x1x16xf32>,
        %add3A_2586 = arith.constant 16 : i32
        %add3A_2587 = arith.addi %add3A_2586, %scan3A_443 : i32
        %swap3A_2588 = arith.index_cast %rem3A_297 : i32 to index
        %swap3A_2589 = arith.index_cast %add3A_2587 : i32 to index
        %swap3A_2590 = arith.constant 832 : index
        %swap3A_2591 = tpu.vector_load %arg7[%swap3A_2588, %swap3A_2589, %swap3A_2590] {strides = array<i32>} : memref<3x32x1024xf32, #tpu.memory_space<vmem>>, vector<1x1x16xf32>,
        %swap3A_2592 = vector.shape_cast %swap3A_2591 : vector<1x1x16xf32> to vector<16xf32>
        %swap3A_2593 = vector.shape_cast %get3A_2242 : vector<16xf32> to vector<1x1x16xf32>
        tpu.vector_store %arg7[%swap3A_2588, %swap3A_2589, %swap3A_2590], %swap3A_2593 {add = true, strides = array<i32>} : memref<3x32x1024xf32, #tpu.memory_space<vmem>>, vector<1x1x16xf32>,
        %add3A_2594 = arith.constant 16 : i32
        %add3A_2595 = arith.addi %add3A_2594, %scan3A_443 : i32
        %swap3A_2596 = arith.index_cast %rem3A_297 : i32 to index
        %swap3A_2597 = arith.index_cast %add3A_2595 : i32 to index
        %swap3A_2598 = arith.constant 848 : index
        %swap3A_2599 = tpu.vector_load %arg7[%swap3A_2596, %swap3A_2597, %swap3A_2598] {strides = array<i32>} : memref<3x32x1024xf32, #tpu.memory_space<vmem>>, vector<1x1x16xf32>,
        %swap3A_2600 = vector.shape_cast %swap3A_2599 : vector<1x1x16xf32> to vector<16xf32>
        %swap3A_2601 = vector.shape_cast %get3A_2247 : vector<16xf32> to vector<1x1x16xf32>
        tpu.vector_store %arg7[%swap3A_2596, %swap3A_2597, %swap3A_2598], %swap3A_2601 {add = true, strides = array<i32>} : memref<3x32x1024xf32, #tpu.memory_space<vmem>>, vector<1x1x16xf32>,
        %add3A_2602 = arith.constant 16 : i32
        %add3A_2603 = arith.addi %add3A_2602, %scan3A_443 : i32
        %swap3A_2604 = arith.index_cast %rem3A_297 : i32 to index
        %swap3A_2605 = arith.index_cast %add3A_2603 : i32 to index
        %swap3A_2606 = arith.constant 864 : index
        %swap3A_2607 = tpu.vector_load %arg7[%swap3A_2604, %swap3A_2605, %swap3A_2606] {strides = array<i32>} : memref<3x32x1024xf32, #tpu.memory_space<vmem>>, vector<1x1x16xf32>,
        %swap3A_2608 = vector.shape_cast %swap3A_2607 : vector<1x1x16xf32> to vector<16xf32>
        %swap3A_2609 = vector.shape_cast %get3A_2252 : vector<16xf32> to vector<1x1x16xf32>
        tpu.vector_store %arg7[%swap3A_2604, %swap3A_2605, %swap3A_2606], %swap3A_2609 {add = true, strides = array<i32>} : memref<3x32x1024xf32, #tpu.memory_space<vmem>>, vector<1x1x16xf32>,
        %add3A_2610 = arith.constant 16 : i32
        %add3A_2611 = arith.addi %add3A_2610, %scan3A_443 : i32
        %swap3A_2612 = arith.index_cast %rem3A_297 : i32 to index
        %swap3A_2613 = arith.index_cast %add3A_2611 : i32 to index
        %swap3A_2614 = arith.constant 880 : index
        %swap3A_2615 = tpu.vector_load %arg7[%swap3A_2612, %swap3A_2613, %swap3A_2614] {strides = array<i32>} : memref<3x32x1024xf32, #tpu.memory_space<vmem>>, vector<1x1x16xf32>,
        %swap3A_2616 = vector.shape_cast %swap3A_2615 : vector<1x1x16xf32> to vector<16xf32>
        %swap3A_2617 = vector.shape_cast %get3A_2257 : vector<16xf32> to vector<1x1x16xf32>
        tpu.vector_store %arg7[%swap3A_2612, %swap3A_2613, %swap3A_2614], %swap3A_2617 {add = true, strides = array<i32>} : memref<3x32x1024xf32, #tpu.memory_space<vmem>>, vector<1x1x16xf32>,
        %add3A_2618 = arith.constant 16 : i32
        %add3A_2619 = arith.addi %add3A_2618, %scan3A_443 : i32
        %swap3A_2620 = arith.index_cast %rem3A_297 : i32 to index
        %swap3A_2621 = arith.index_cast %add3A_2619 : i32 to index
        %swap3A_2622 = arith.constant 896 : index
        %swap3A_2623 = tpu.vector_load %arg7[%swap3A_2620, %swap3A_2621, %swap3A_2622] {strides = array<i32>} : memref<3x32x1024xf32, #tpu.memory_space<vmem>>, vector<1x1x16xf32>,
        %swap3A_2624 = vector.shape_cast %swap3A_2623 : vector<1x1x16xf32> to vector<16xf32>
        %swap3A_2625 = vector.shape_cast %get3A_2262 : vector<16xf32> to vector<1x1x16xf32>
        tpu.vector_store %arg7[%swap3A_2620, %swap3A_2621, %swap3A_2622], %swap3A_2625 {add = true, strides = array<i32>} : memref<3x32x1024xf32, #tpu.memory_space<vmem>>, vector<1x1x16xf32>,
        %add3A_2626 = arith.constant 16 : i32
        %add3A_2627 = arith.addi %add3A_2626, %scan3A_443 : i32
        %swap3A_2628 = arith.index_cast %rem3A_297 : i32 to index
        %swap3A_2629 = arith.index_cast %add3A_2627 : i32 to index
        %swap3A_2630 = arith.constant 912 : index
        %swap3A_2631 = tpu.vector_load %arg7[%swap3A_2628, %swap3A_2629, %swap3A_2630] {strides = array<i32>} : memref<3x32x1024xf32, #tpu.memory_space<vmem>>, vector<1x1x16xf32>,
        %swap3A_2632 = vector.shape_cast %swap3A_2631 : vector<1x1x16xf32> to vector<16xf32>
        %swap3A_2633 = vector.shape_cast %get3A_2267 : vector<16xf32> to vector<1x1x16xf32>
        tpu.vector_store %arg7[%swap3A_2628, %swap3A_2629, %swap3A_2630], %swap3A_2633 {add = true, strides = array<i32>} : memref<3x32x1024xf32, #tpu.memory_space<vmem>>, vector<1x1x16xf32>,
        %add3A_2634 = arith.constant 16 : i32
        %add3A_2635 = arith.addi %add3A_2634, %scan3A_443 : i32
        %swap3A_2636 = arith.index_cast %rem3A_297 : i32 to index
        %swap3A_2637 = arith.index_cast %add3A_2635 : i32 to index
        %swap3A_2638 = arith.constant 928 : index
        %swap3A_2639 = tpu.vector_load %arg7[%swap3A_2636, %swap3A_2637, %swap3A_2638] {strides = array<i32>} : memref<3x32x1024xf32, #tpu.memory_space<vmem>>, vector<1x1x16xf32>,
        %swap3A_2640 = vector.shape_cast %swap3A_2639 : vector<1x1x16xf32> to vector<16xf32>
        %swap3A_2641 = vector.shape_cast %get3A_2272 : vector<16xf32> to vector<1x1x16xf32>
        tpu.vector_store %arg7[%swap3A_2636, %swap3A_2637, %swap3A_2638], %swap3A_2641 {add = true, strides = array<i32>} : memref<3x32x1024xf32, #tpu.memory_space<vmem>>, vector<1x1x16xf32>,
        %add3A_2642 = arith.constant 16 : i32
        %add3A_2643 = arith.addi %add3A_2642, %scan3A_443 : i32
        %swap3A_2644 = arith.index_cast %rem3A_297 : i32 to index
        %swap3A_2645 = arith.index_cast %add3A_2643 : i32 to index
        %swap3A_2646 = arith.constant 944 : index
        %swap3A_2647 = tpu.vector_load %arg7[%swap3A_2644, %swap3A_2645, %swap3A_2646] {strides = array<i32>} : memref<3x32x1024xf32, #tpu.memory_space<vmem>>, vector<1x1x16xf32>,
        %swap3A_2648 = vector.shape_cast %swap3A_2647 : vector<1x1x16xf32> to vector<16xf32>
        %swap3A_2649 = vector.shape_cast %get3A_2277 : vector<16xf32> to vector<1x1x16xf32>
        tpu.vector_store %arg7[%swap3A_2644, %swap3A_2645, %swap3A_2646], %swap3A_2649 {add = true, strides = array<i32>} : memref<3x32x1024xf32, #tpu.memory_space<vmem>>, vector<1x1x16xf32>,
        %add3A_2650 = arith.constant 16 : i32
        %add3A_2651 = arith.addi %add3A_2650, %scan3A_443 : i32
        %swap3A_2652 = arith.index_cast %rem3A_297 : i32 to index
        %swap3A_2653 = arith.index_cast %add3A_2651 : i32 to index
        %swap3A_2654 = arith.constant 960 : index
        %swap3A_2655 = tpu.vector_load %arg7[%swap3A_2652, %swap3A_2653, %swap3A_2654] {strides = array<i32>} : memref<3x32x1024xf32, #tpu.memory_space<vmem>>, vector<1x1x16xf32>,
        %swap3A_2656 = vector.shape_cast %swap3A_2655 : vector<1x1x16xf32> to vector<16xf32>
        %swap3A_2657 = vector.shape_cast %get3A_2282 : vector<16xf32> to vector<1x1x16xf32>
        tpu.vector_store %arg7[%swap3A_2652, %swap3A_2653, %swap3A_2654], %swap3A_2657 {add = true, strides = array<i32>} : memref<3x32x1024xf32, #tpu.memory_space<vmem>>, vector<1x1x16xf32>,
        %add3A_2658 = arith.constant 16 : i32
        %add3A_2659 = arith.addi %add3A_2658, %scan3A_443 : i32
        %swap3A_2660 = arith.index_cast %rem3A_297 : i32 to index
        %swap3A_2661 = arith.index_cast %add3A_2659 : i32 to index
        %swap3A_2662 = arith.constant 976 : index
        %swap3A_2663 = tpu.vector_load %arg7[%swap3A_2660, %swap3A_2661, %swap3A_2662] {strides = array<i32>} : memref<3x32x1024xf32, #tpu.memory_space<vmem>>, vector<1x1x16xf32>,
        %swap3A_2664 = vector.shape_cast %swap3A_2663 : vector<1x1x16xf32> to vector<16xf32>
        %swap3A_2665 = vector.shape_cast %get3A_2287 : vector<16xf32> to vector<1x1x16xf32>
        tpu.vector_store %arg7[%swap3A_2660, %swap3A_2661, %swap3A_2662], %swap3A_2665 {add = true, strides = array<i32>} : memref<3x32x1024xf32, #tpu.memory_space<vmem>>, vector<1x1x16xf32>,
        %add3A_2666 = arith.constant 16 : i32
        %add3A_2667 = arith.addi %add3A_2666, %scan3A_443 : i32
        %swap3A_2668 = arith.index_cast %rem3A_297 : i32 to index
        %swap3A_2669 = arith.index_cast %add3A_2667 : i32 to index
        %swap3A_2670 = arith.constant 992 : index
        %swap3A_2671 = tpu.vector_load %arg7[%swap3A_2668, %swap3A_2669, %swap3A_2670] {strides = array<i32>} : memref<3x32x1024xf32, #tpu.memory_space<vmem>>, vector<1x1x16xf32>,
        %swap3A_2672 = vector.shape_cast %swap3A_2671 : vector<1x1x16xf32> to vector<16xf32>
        %swap3A_2673 = vector.shape_cast %get3A_2292 : vector<16xf32> to vector<1x1x16xf32>
        tpu.vector_store %arg7[%swap3A_2668, %swap3A_2669, %swap3A_2670], %swap3A_2673 {add = true, strides = array<i32>} : memref<3x32x1024xf32, #tpu.memory_space<vmem>>, vector<1x1x16xf32>,
        %add3A_2674 = arith.constant 16 : i32
        %add3A_2675 = arith.addi %add3A_2674, %scan3A_443 : i32
        %swap3A_2676 = arith.index_cast %rem3A_297 : i32 to index
        %swap3A_2677 = arith.index_cast %add3A_2675 : i32 to index
        %swap3A_2678 = arith.constant 1008 : index
        %swap3A_2679 = tpu.vector_load %arg7[%swap3A_2676, %swap3A_2677, %swap3A_2678] {strides = array<i32>} : memref<3x32x1024xf32, #tpu.memory_space<vmem>>, vector<1x1x16xf32>,
        %swap3A_2680 = vector.shape_cast %swap3A_2679 : vector<1x1x16xf32> to vector<16xf32>
        %swap3A_2681 = vector.shape_cast %get3A_2297 : vector<16xf32> to vector<1x1x16xf32>
        tpu.vector_store %arg7[%swap3A_2676, %swap3A_2677, %swap3A_2678], %swap3A_2681 {add = true, strides = array<i32>} : memref<3x32x1024xf32, #tpu.memory_space<vmem>>, vector<1x1x16xf32>,
        %add3A_2682 = arith.constant 24 : i32
        %add3A_2683 = arith.addi %add3A_2682, %scan3A_443 : i32
        %swap3A_2684 = arith.index_cast %rem3A_297 : i32 to index
        %swap3A_2685 = arith.index_cast %add3A_2683 : i32 to index
        %swap3A_2686 = arith.constant 768 : index
        %swap3A_2687 = tpu.vector_load %arg7[%swap3A_2684, %swap3A_2685, %swap3A_2686] {strides = array<i32>} : memref<3x32x1024xf32, #tpu.memory_space<vmem>>, vector<1x1x16xf32>,
        %swap3A_2688 = vector.shape_cast %swap3A_2687 : vector<1x1x16xf32> to vector<16xf32>
        %swap3A_2689 = vector.shape_cast %get3A_2222 : vector<16xf32> to vector<1x1x16xf32>
        tpu.vector_store %arg7[%swap3A_2684, %swap3A_2685, %swap3A_2686], %swap3A_2689 {add = true, strides = array<i32>} : memref<3x32x1024xf32, #tpu.memory_space<vmem>>, vector<1x1x16xf32>,
        %add3A_2690 = arith.constant 24 : i32
        %add3A_2691 = arith.addi %add3A_2690, %scan3A_443 : i32
        %swap3A_2692 = arith.index_cast %rem3A_297 : i32 to index
        %swap3A_2693 = arith.index_cast %add3A_2691 : i32 to index
        %swap3A_2694 = arith.constant 784 : index
        %swap3A_2695 = tpu.vector_load %arg7[%swap3A_2692, %swap3A_2693, %swap3A_2694] {strides = array<i32>} : memref<3x32x1024xf32, #tpu.memory_space<vmem>>, vector<1x1x16xf32>,
        %swap3A_2696 = vector.shape_cast %swap3A_2695 : vector<1x1x16xf32> to vector<16xf32>
        %swap3A_2697 = vector.shape_cast %get3A_2227 : vector<16xf32> to vector<1x1x16xf32>
        tpu.vector_store %arg7[%swap3A_2692, %swap3A_2693, %swap3A_2694], %swap3A_2697 {add = true, strides = array<i32>} : memref<3x32x1024xf32, #tpu.memory_space<vmem>>, vector<1x1x16xf32>,
        %add3A_2698 = arith.constant 24 : i32
        %add3A_2699 = arith.addi %add3A_2698, %scan3A_443 : i32
        %swap3A_2700 = arith.index_cast %rem3A_297 : i32 to index
        %swap3A_2701 = arith.index_cast %add3A_2699 : i32 to index
        %swap3A_2702 = arith.constant 800 : index
        %swap3A_2703 = tpu.vector_load %arg7[%swap3A_2700, %swap3A_2701, %swap3A_2702] {strides = array<i32>} : memref<3x32x1024xf32, #tpu.memory_space<vmem>>, vector<1x1x16xf32>,
        %swap3A_2704 = vector.shape_cast %swap3A_2703 : vector<1x1x16xf32> to vector<16xf32>
        %swap3A_2705 = vector.shape_cast %get3A_2232 : vector<16xf32> to vector<1x1x16xf32>
        tpu.vector_store %arg7[%swap3A_2700, %swap3A_2701, %swap3A_2702], %swap3A_2705 {add = true, strides = array<i32>} : memref<3x32x1024xf32, #tpu.memory_space<vmem>>, vector<1x1x16xf32>,
        %add3A_2706 = arith.constant 24 : i32
        %add3A_2707 = arith.addi %add3A_2706, %scan3A_443 : i32
        %swap3A_2708 = arith.index_cast %rem3A_297 : i32 to index
        %swap3A_2709 = arith.index_cast %add3A_2707 : i32 to index
        %swap3A_2710 = arith.constant 816 : index
        %swap3A_2711 = tpu.vector_load %arg7[%swap3A_2708, %swap3A_2709, %swap3A_2710] {strides = array<i32>} : memref<3x32x1024xf32, #tpu.memory_space<vmem>>, vector<1x1x16xf32>,
        %swap3A_2712 = vector.shape_cast %swap3A_2711 : vector<1x1x16xf32> to vector<16xf32>
        %swap3A_2713 = vector.shape_cast %get3A_2237 : vector<16xf32> to vector<1x1x16xf32>
        tpu.vector_store %arg7[%swap3A_2708, %swap3A_2709, %swap3A_2710], %swap3A_2713 {add = true, strides = array<i32>} : memref<3x32x1024xf32, #tpu.memory_space<vmem>>, vector<1x1x16xf32>,
        %add3A_2714 = arith.constant 24 : i32
        %add3A_2715 = arith.addi %add3A_2714, %scan3A_443 : i32
        %swap3A_2716 = arith.index_cast %rem3A_297 : i32 to index
        %swap3A_2717 = arith.index_cast %add3A_2715 : i32 to index
        %swap3A_2718 = arith.constant 832 : index
        %swap3A_2719 = tpu.vector_load %arg7[%swap3A_2716, %swap3A_2717, %swap3A_2718] {strides = array<i32>} : memref<3x32x1024xf32, #tpu.memory_space<vmem>>, vector<1x1x16xf32>,
        %swap3A_2720 = vector.shape_cast %swap3A_2719 : vector<1x1x16xf32> to vector<16xf32>
        %swap3A_2721 = vector.shape_cast %get3A_2242 : vector<16xf32> to vector<1x1x16xf32>
        tpu.vector_store %arg7[%swap3A_2716, %swap3A_2717, %swap3A_2718], %swap3A_2721 {add = true, strides = array<i32>} : memref<3x32x1024xf32, #tpu.memory_space<vmem>>, vector<1x1x16xf32>,
        %add3A_2722 = arith.constant 24 : i32
        %add3A_2723 = arith.addi %add3A_2722, %scan3A_443 : i32
        %swap3A_2724 = arith.index_cast %rem3A_297 : i32 to index
        %swap3A_2725 = arith.index_cast %add3A_2723 : i32 to index
        %swap3A_2726 = arith.constant 848 : index
        %swap3A_2727 = tpu.vector_load %arg7[%swap3A_2724, %swap3A_2725, %swap3A_2726] {strides = array<i32>} : memref<3x32x1024xf32, #tpu.memory_space<vmem>>, vector<1x1x16xf32>,
        %swap3A_2728 = vector.shape_cast %swap3A_2727 : vector<1x1x16xf32> to vector<16xf32>
        %swap3A_2729 = vector.shape_cast %get3A_2247 : vector<16xf32> to vector<1x1x16xf32>
        tpu.vector_store %arg7[%swap3A_2724, %swap3A_2725, %swap3A_2726], %swap3A_2729 {add = true, strides = array<i32>} : memref<3x32x1024xf32, #tpu.memory_space<vmem>>, vector<1x1x16xf32>,
        %add3A_2730 = arith.constant 24 : i32
        %add3A_2731 = arith.addi %add3A_2730, %scan3A_443 : i32
        %swap3A_2732 = arith.index_cast %rem3A_297 : i32 to index
        %swap3A_2733 = arith.index_cast %add3A_2731 : i32 to index
        %swap3A_2734 = arith.constant 864 : index
        %swap3A_2735 = tpu.vector_load %arg7[%swap3A_2732, %swap3A_2733, %swap3A_2734] {strides = array<i32>} : memref<3x32x1024xf32, #tpu.memory_space<vmem>>, vector<1x1x16xf32>,
        %swap3A_2736 = vector.shape_cast %swap3A_2735 : vector<1x1x16xf32> to vector<16xf32>
        %swap3A_2737 = vector.shape_cast %get3A_2252 : vector<16xf32> to vector<1x1x16xf32>
        tpu.vector_store %arg7[%swap3A_2732, %swap3A_2733, %swap3A_2734], %swap3A_2737 {add = true, strides = array<i32>} : memref<3x32x1024xf32, #tpu.memory_space<vmem>>, vector<1x1x16xf32>,
        %add3A_2738 = arith.constant 24 : i32
        %add3A_2739 = arith.addi %add3A_2738, %scan3A_443 : i32
        %swap3A_2740 = arith.index_cast %rem3A_297 : i32 to index
        %swap3A_2741 = arith.index_cast %add3A_2739 : i32 to index
        %swap3A_2742 = arith.constant 880 : index
        %swap3A_2743 = tpu.vector_load %arg7[%swap3A_2740, %swap3A_2741, %swap3A_2742] {strides = array<i32>} : memref<3x32x1024xf32, #tpu.memory_space<vmem>>, vector<1x1x16xf32>,
        %swap3A_2744 = vector.shape_cast %swap3A_2743 : vector<1x1x16xf32> to vector<16xf32>
        %swap3A_2745 = vector.shape_cast %get3A_2257 : vector<16xf32> to vector<1x1x16xf32>
        tpu.vector_store %arg7[%swap3A_2740, %swap3A_2741, %swap3A_2742], %swap3A_2745 {add = true, strides = array<i32>} : memref<3x32x1024xf32, #tpu.memory_space<vmem>>, vector<1x1x16xf32>,
        %add3A_2746 = arith.constant 24 : i32
        %add3A_2747 = arith.addi %add3A_2746, %scan3A_443 : i32
        %swap3A_2748 = arith.index_cast %rem3A_297 : i32 to index
        %swap3A_2749 = arith.index_cast %add3A_2747 : i32 to index
        %swap3A_2750 = arith.constant 896 : index
        %swap3A_2751 = tpu.vector_load %arg7[%swap3A_2748, %swap3A_2749, %swap3A_2750] {strides = array<i32>} : memref<3x32x1024xf32, #tpu.memory_space<vmem>>, vector<1x1x16xf32>,
        %swap3A_2752 = vector.shape_cast %swap3A_2751 : vector<1x1x16xf32> to vector<16xf32>
        %swap3A_2753 = vector.shape_cast %get3A_2262 : vector<16xf32> to vector<1x1x16xf32>
        tpu.vector_store %arg7[%swap3A_2748, %swap3A_2749, %swap3A_2750], %swap3A_2753 {add = true, strides = array<i32>} : memref<3x32x1024xf32, #tpu.memory_space<vmem>>, vector<1x1x16xf32>,
        %add3A_2754 = arith.constant 24 : i32
        %add3A_2755 = arith.addi %add3A_2754, %scan3A_443 : i32
        %swap3A_2756 = arith.index_cast %rem3A_297 : i32 to index
        %swap3A_2757 = arith.index_cast %add3A_2755 : i32 to index
        %swap3A_2758 = arith.constant 912 : index
        %swap3A_2759 = tpu.vector_load %arg7[%swap3A_2756, %swap3A_2757, %swap3A_2758] {strides = array<i32>} : memref<3x32x1024xf32, #tpu.memory_space<vmem>>, vector<1x1x16xf32>,
        %swap3A_2760 = vector.shape_cast %swap3A_2759 : vector<1x1x16xf32> to vector<16xf32>
        %swap3A_2761 = vector.shape_cast %get3A_2267 : vector<16xf32> to vector<1x1x16xf32>
        tpu.vector_store %arg7[%swap3A_2756, %swap3A_2757, %swap3A_2758], %swap3A_2761 {add = true, strides = array<i32>} : memref<3x32x1024xf32, #tpu.memory_space<vmem>>, vector<1x1x16xf32>,
        %add3A_2762 = arith.constant 24 : i32
        %add3A_2763 = arith.addi %add3A_2762, %scan3A_443 : i32
        %swap3A_2764 = arith.index_cast %rem3A_297 : i32 to index
        %swap3A_2765 = arith.index_cast %add3A_2763 : i32 to index
        %swap3A_2766 = arith.constant 928 : index
        %swap3A_2767 = tpu.vector_load %arg7[%swap3A_2764, %swap3A_2765, %swap3A_2766] {strides = array<i32>} : memref<3x32x1024xf32, #tpu.memory_space<vmem>>, vector<1x1x16xf32>,
        %swap3A_2768 = vector.shape_cast %swap3A_2767 : vector<1x1x16xf32> to vector<16xf32>
        %swap3A_2769 = vector.shape_cast %get3A_2272 : vector<16xf32> to vector<1x1x16xf32>
        tpu.vector_store %arg7[%swap3A_2764, %swap3A_2765, %swap3A_2766], %swap3A_2769 {add = true, strides = array<i32>} : memref<3x32x1024xf32, #tpu.memory_space<vmem>>, vector<1x1x16xf32>,
        %add3A_2770 = arith.constant 24 : i32
        %add3A_2771 = arith.addi %add3A_2770, %scan3A_443 : i32
        %swap3A_2772 = arith.index_cast %rem3A_297 : i32 to index
        %swap3A_2773 = arith.index_cast %add3A_2771 : i32 to index
        %swap3A_2774 = arith.constant 944 : index
        %swap3A_2775 = tpu.vector_load %arg7[%swap3A_2772, %swap3A_2773, %swap3A_2774] {strides = array<i32>} : memref<3x32x1024xf32, #tpu.memory_space<vmem>>, vector<1x1x16xf32>,
        %swap3A_2776 = vector.shape_cast %swap3A_2775 : vector<1x1x16xf32> to vector<16xf32>
        %swap3A_2777 = vector.shape_cast %get3A_2277 : vector<16xf32> to vector<1x1x16xf32>
        tpu.vector_store %arg7[%swap3A_2772, %swap3A_2773, %swap3A_2774], %swap3A_2777 {add = true, strides = array<i32>} : memref<3x32x1024xf32, #tpu.memory_space<vmem>>, vector<1x1x16xf32>,
        %add3A_2778 = arith.constant 24 : i32
        %add3A_2779 = arith.addi %add3A_2778, %scan3A_443 : i32
        %swap3A_2780 = arith.index_cast %rem3A_297 : i32 to index
        %swap3A_2781 = arith.index_cast %add3A_2779 : i32 to index
        %swap3A_2782 = arith.constant 960 : index
        %swap3A_2783 = tpu.vector_load %arg7[%swap3A_2780, %swap3A_2781, %swap3A_2782] {strides = array<i32>} : memref<3x32x1024xf32, #tpu.memory_space<vmem>>, vector<1x1x16xf32>,
        %swap3A_2784 = vector.shape_cast %swap3A_2783 : vector<1x1x16xf32> to vector<16xf32>
        %swap3A_2785 = vector.shape_cast %get3A_2282 : vector<16xf32> to vector<1x1x16xf32>
        tpu.vector_store %arg7[%swap3A_2780, %swap3A_2781, %swap3A_2782], %swap3A_2785 {add = true, strides = array<i32>} : memref<3x32x1024xf32, #tpu.memory_space<vmem>>, vector<1x1x16xf32>,
        %add3A_2786 = arith.constant 24 : i32
        %add3A_2787 = arith.addi %add3A_2786, %scan3A_443 : i32
        %swap3A_2788 = arith.index_cast %rem3A_297 : i32 to index
        %swap3A_2789 = arith.index_cast %add3A_2787 : i32 to index
        %swap3A_2790 = arith.constant 976 : index
        %swap3A_2791 = tpu.vector_load %arg7[%swap3A_2788, %swap3A_2789, %swap3A_2790] {strides = array<i32>} : memref<3x32x1024xf32, #tpu.memory_space<vmem>>, vector<1x1x16xf32>,
        %swap3A_2792 = vector.shape_cast %swap3A_2791 : vector<1x1x16xf32> to vector<16xf32>
        %swap3A_2793 = vector.shape_cast %get3A_2287 : vector<16xf32> to vector<1x1x16xf32>
        tpu.vector_store %arg7[%swap3A_2788, %swap3A_2789, %swap3A_2790], %swap3A_2793 {add = true, strides = array<i32>} : memref<3x32x1024xf32, #tpu.memory_space<vmem>>, vector<1x1x16xf32>,
        %add3A_2794 = arith.constant 24 : i32
        %add3A_2795 = arith.addi %add3A_2794, %scan3A_443 : i32
        %swap3A_2796 = arith.index_cast %rem3A_297 : i32 to index
        %swap3A_2797 = arith.index_cast %add3A_2795 : i32 to index
        %swap3A_2798 = arith.constant 992 : index
        %swap3A_2799 = tpu.vector_load %arg7[%swap3A_2796, %swap3A_2797, %swap3A_2798] {strides = array<i32>} : memref<3x32x1024xf32, #tpu.memory_space<vmem>>, vector<1x1x16xf32>,
        %swap3A_2800 = vector.shape_cast %swap3A_2799 : vector<1x1x16xf32> to vector<16xf32>
        %swap3A_2801 = vector.shape_cast %get3A_2292 : vector<16xf32> to vector<1x1x16xf32>
        tpu.vector_store %arg7[%swap3A_2796, %swap3A_2797, %swap3A_2798], %swap3A_2801 {add = true, strides = array<i32>} : memref<3x32x1024xf32, #tpu.memory_space<vmem>>, vector<1x1x16xf32>,
        %add3A_2802 = arith.constant 24 : i32
        %add3A_2803 = arith.addi %add3A_2802, %scan3A_443 : i32
        %swap3A_2804 = arith.index_cast %rem3A_297 : i32 to index
        %swap3A_2805 = arith.index_cast %add3A_2803 : i32 to index
        %swap3A_2806 = arith.constant 1008 : index
        %swap3A_2807 = tpu.vector_load %arg7[%swap3A_2804, %swap3A_2805, %swap3A_2806] {strides = array<i32>} : memref<3x32x1024xf32, #tpu.memory_space<vmem>>, vector<1x1x16xf32>,
        %swap3A_2808 = vector.shape_cast %swap3A_2807 : vector<1x1x16xf32> to vector<16xf32>
        %swap3A_2809 = vector.shape_cast %get3A_2297 : vector<16xf32> to vector<1x1x16xf32>
        tpu.vector_store %arg7[%swap3A_2804, %swap3A_2805, %swap3A_2806], %swap3A_2809 {add = true, strides = array<i32>} : memref<3x32x1024xf32, #tpu.memory_space<vmem>>, vector<1x1x16xf32>,
      }
      %scan3A_350 = arith.constant 8 : i32
      %add3A_351 = arith.constant 0 : i32
      %add3A_352 = arith.addi %add3A_351, %mul3A_2 : i32
      %mul3A_353 = arith.constant 8 : i32
      %mul3A_354 = arith.muli %scan3A_296, %mul3A_353 : i32
      %add3A_355 = arith.addi %add3A_352, %mul3A_354 : i32
      %mul3A_356 = arith.constant 4 : i32
      %mul3A_357 = arith.muli %rem3A_297, %mul3A_356 : i32
      %add3A_358 = arith.constant 0 : i32
      %add3A_359 = arith.addi %mul3A_357, %add3A_358 : i32
      %dma_start3A_360 = arith.constant 0 : i32
      %dma_start3A_361 = arith.constant 0 : i32
      %dma_start3A_362 = tpu.memref_slice %arg7[%rem3A_297, %dma_start3A_360, %dma_start3A_361] : memref<3x32x1024xf32, #tpu.memory_space<vmem>> -> memref<1x8x1024xf32, #tpu.memory_space<vmem>>
      %dma_start3A_363 = tpu.memref_squeeze %dma_start3A_362 : memref<1x8x1024xf32, #tpu.memory_space<vmem>> -> memref<8x1024xf32, #tpu.memory_space<vmem>>
      %dma_start3A_364 = arith.constant 0 : i32
      %dma_start3A_365 = tpu.memref_slice %arg5[%add3A_355, %dma_start3A_364] : memref<32768x1024xf32, #tpu.memory_space<hbm>> -> memref<8x1024xf32, #tpu.memory_space<hbm>>
      %dma_start3A_366 = tpu.memref_slice %arg11[%add3A_359] : memref<12x!tpu.dma_semaphore, #tpu.memory_space<semaphore_mem>> -> memref<1x!tpu.dma_semaphore, #tpu.memory_space<semaphore_mem>>
      %dma_start3A_367 = tpu.memref_squeeze %dma_start3A_366 : memref<1x!tpu.dma_semaphore, #tpu.memory_space<semaphore_mem>> -> memref<!tpu.dma_semaphore, #tpu.memory_space<semaphore_mem>>
      %dma_start3A_368 = arith.constant 0 : i32
      %dma_start3A_369 = tpu.memref_slice %arg5[%add3A_355, %dma_start3A_368] : memref<32768x1024xf32, #tpu.memory_space<hbm>> -> memref<8x1024xf32, #tpu.memory_space<hbm>>
      %dma_start3A_370 = arith.constant 0 : i32
      %dma_start3A_371 = arith.constant 0 : i32
      %dma_start3A_372 = tpu.memref_slice %arg7[%rem3A_297, %dma_start3A_370, %dma_start3A_371] : memref<3x32x1024xf32, #tpu.memory_space<vmem>> -> memref<1x8x1024xf32, #tpu.memory_space<vmem>>
      %dma_start3A_373 = tpu.memref_squeeze %dma_start3A_372 : memref<1x8x1024xf32, #tpu.memory_space<vmem>> -> memref<8x1024xf32, #tpu.memory_space<vmem>>
      tpu.enqueue_dma source(%dma_start3A_373 : memref<8x1024xf32, #tpu.memory_space<vmem>>) target(%dma_start3A_369 : memref<8x1024xf32, #tpu.memory_space<hbm>>) target_semaphore(%dma_start3A_367 : memref<!tpu.dma_semaphore, #tpu.memory_space<semaphore_mem>>)
      %add3A_374 = arith.constant 8192 : i32
      %add3A_375 = arith.addi %add3A_374, %mul3A_2 : i32
      %mul3A_376 = arith.constant 8 : i32
      %mul3A_377 = arith.muli %scan3A_296, %mul3A_376 : i32
      %add3A_378 = arith.addi %add3A_375, %mul3A_377 : i32
      %mul3A_379 = arith.constant 4 : i32
      %mul3A_380 = arith.muli %rem3A_297, %mul3A_379 : i32
      %add3A_381 = arith.constant 1 : i32
      %add3A_382 = arith.addi %mul3A_380, %add3A_381 : i32
      %dma_start3A_383 = arith.constant 8 : i32
      %dma_start3A_384 = arith.constant 0 : i32
      %dma_start3A_385 = tpu.memref_slice %arg7[%rem3A_297, %dma_start3A_383, %dma_start3A_384] : memref<3x32x1024xf32, #tpu.memory_space<vmem>> -> memref<1x8x1024xf32, #tpu.memory_space<vmem>>
      %dma_start3A_386 = tpu.memref_squeeze %dma_start3A_385 : memref<1x8x1024xf32, #tpu.memory_space<vmem>> -> memref<8x1024xf32, #tpu.memory_space<vmem>>
      %dma_start3A_387 = arith.constant 0 : i32
      %dma_start3A_388 = tpu.memref_slice %arg5[%add3A_378, %dma_start3A_387] : memref<32768x1024xf32, #tpu.memory_space<hbm>> -> memref<8x1024xf32, #tpu.memory_space<hbm>>
      %dma_start3A_389 = tpu.memref_slice %arg11[%add3A_382] : memref<12x!tpu.dma_semaphore, #tpu.memory_space<semaphore_mem>> -> memref<1x!tpu.dma_semaphore, #tpu.memory_space<semaphore_mem>>
      %dma_start3A_390 = tpu.memref_squeeze %dma_start3A_389 : memref<1x!tpu.dma_semaphore, #tpu.memory_space<semaphore_mem>> -> memref<!tpu.dma_semaphore, #tpu.memory_space<semaphore_mem>>
      %dma_start3A_391 = arith.constant 0 : i32
      %dma_start3A_392 = tpu.memref_slice %arg5[%add3A_378, %dma_start3A_391] : memref<32768x1024xf32, #tpu.memory_space<hbm>> -> memref<8x1024xf32, #tpu.memory_space<hbm>>
      %dma_start3A_393 = arith.constant 8 : i32
      %dma_start3A_394 = arith.constant 0 : i32
      %dma_start3A_395 = tpu.memref_slice %arg7[%rem3A_297, %dma_start3A_393, %dma_start3A_394] : memref<3x32x1024xf32, #tpu.memory_space<vmem>> -> memref<1x8x1024xf32, #tpu.memory_space<vmem>>
      %dma_start3A_396 = tpu.memref_squeeze %dma_start3A_395 : memref<1x8x1024xf32, #tpu.memory_space<vmem>> -> memref<8x1024xf32, #tpu.memory_space<vmem>>
      tpu.enqueue_dma source(%dma_start3A_396 : memref<8x1024xf32, #tpu.memory_space<vmem>>) target(%dma_start3A_392 : memref<8x1024xf32, #tpu.memory_space<hbm>>) target_semaphore(%dma_start3A_390 : memref<!tpu.dma_semaphore, #tpu.memory_space<semaphore_mem>>)
      %add3A_397 = arith.constant 16384 : i32
      %add3A_398 = arith.addi %add3A_397, %mul3A_2 : i32
      %mul3A_399 = arith.constant 8 : i32
      %mul3A_400 = arith.muli %scan3A_296, %mul3A_399 : i32
      %add3A_401 = arith.addi %add3A_398, %mul3A_400 : i32
      %mul3A_402 = arith.constant 4 : i32
      %mul3A_403 = arith.muli %rem3A_297, %mul3A_402 : i32
      %add3A_404 = arith.constant 2 : i32
      %add3A_405 = arith.addi %mul3A_403, %add3A_404 : i32
      %dma_start3A_406 = arith.constant 16 : i32
      %dma_start3A_407 = arith.constant 0 : i32
      %dma_start3A_408 = tpu.memref_slice %arg7[%rem3A_297, %dma_start3A_406, %dma_start3A_407] : memref<3x32x1024xf32, #tpu.memory_space<vmem>> -> memref<1x8x1024xf32, #tpu.memory_space<vmem>>
      %dma_start3A_409 = tpu.memref_squeeze %dma_start3A_408 : memref<1x8x1024xf32, #tpu.memory_space<vmem>> -> memref<8x1024xf32, #tpu.memory_space<vmem>>
      %dma_start3A_410 = arith.constant 0 : i32
      %dma_start3A_411 = tpu.memref_slice %arg5[%add3A_401, %dma_start3A_410] : memref<32768x1024xf32, #tpu.memory_space<hbm>> -> memref<8x1024xf32, #tpu.memory_space<hbm>>
      %dma_start3A_412 = tpu.memref_slice %arg11[%add3A_405] : memref<12x!tpu.dma_semaphore, #tpu.memory_space<semaphore_mem>> -> memref<1x!tpu.dma_semaphore, #tpu.memory_space<semaphore_mem>>
      %dma_start3A_413 = tpu.memref_squeeze %dma_start3A_412 : memref<1x!tpu.dma_semaphore, #tpu.memory_space<semaphore_mem>> -> memref<!tpu.dma_semaphore, #tpu.memory_space<semaphore_mem>>
      %dma_start3A_414 = arith.constant 0 : i32
      %dma_start3A_415 = tpu.memref_slice %arg5[%add3A_401, %dma_start3A_414] : memref<32768x1024xf32, #tpu.memory_space<hbm>> -> memref<8x1024xf32, #tpu.memory_space<hbm>>
      %dma_start3A_416 = arith.constant 16 : i32
      %dma_start3A_417 = arith.constant 0 : i32
      %dma_start3A_418 = tpu.memref_slice %arg7[%rem3A_297, %dma_start3A_416, %dma_start3A_417] : memref<3x32x1024xf32, #tpu.memory_space<vmem>> -> memref<1x8x1024xf32, #tpu.memory_space<vmem>>
      %dma_start3A_419 = tpu.memref_squeeze %dma_start3A_418 : memref<1x8x1024xf32, #tpu.memory_space<vmem>> -> memref<8x1024xf32, #tpu.memory_space<vmem>>
      tpu.enqueue_dma source(%dma_start3A_419 : memref<8x1024xf32, #tpu.memory_space<vmem>>) target(%dma_start3A_415 : memref<8x1024xf32, #tpu.memory_space<hbm>>) target_semaphore(%dma_start3A_413 : memref<!tpu.dma_semaphore, #tpu.memory_space<semaphore_mem>>)
      %add3A_420 = arith.constant 24576 : i32
      %add3A_421 = arith.addi %add3A_420, %mul3A_2 : i32
      %mul3A_422 = arith.constant 8 : i32
      %mul3A_423 = arith.muli %scan3A_296, %mul3A_422 : i32
      %add3A_424 = arith.addi %add3A_421, %mul3A_423 : i32
      %mul3A_425 = arith.constant 4 : i32
      %mul3A_426 = arith.muli %rem3A_297, %mul3A_425 : i32
      %add3A_427 = arith.constant 3 : i32
      %add3A_428 = arith.addi %mul3A_426, %add3A_427 : i32
      %dma_start3A_429 = arith.constant 24 : i32
      %dma_start3A_430 = arith.constant 0 : i32
      %dma_start3A_431 = tpu.memref_slice %arg7[%rem3A_297, %dma_start3A_429, %dma_start3A_430] : memref<3x32x1024xf32, #tpu.memory_space<vmem>> -> memref<1x8x1024xf32, #tpu.memory_space<vmem>>
      %dma_start3A_432 = tpu.memref_squeeze %dma_start3A_431 : memref<1x8x1024xf32, #tpu.memory_space<vmem>> -> memref<8x1024xf32, #tpu.memory_space<vmem>>
      %dma_start3A_433 = arith.constant 0 : i32
      %dma_start3A_434 = tpu.memref_slice %arg5[%add3A_424, %dma_start3A_433] : memref<32768x1024xf32, #tpu.memory_space<hbm>> -> memref<8x1024xf32, #tpu.memory_space<hbm>>
      %dma_start3A_435 = tpu.memref_slice %arg11[%add3A_428] : memref<12x!tpu.dma_semaphore, #tpu.memory_space<semaphore_mem>> -> memref<1x!tpu.dma_semaphore, #tpu.memory_space<semaphore_mem>>
      %dma_start3A_436 = tpu.memref_squeeze %dma_start3A_435 : memref<1x!tpu.dma_semaphore, #tpu.memory_space<semaphore_mem>> -> memref<!tpu.dma_semaphore, #tpu.memory_space<semaphore_mem>>
      %dma_start3A_437 = arith.constant 0 : i32
      %dma_start3A_438 = tpu.memref_slice %arg5[%add3A_424, %dma_start3A_437] : memref<32768x1024xf32, #tpu.memory_space<hbm>> -> memref<8x1024xf32, #tpu.memory_space<hbm>>
      %dma_start3A_439 = arith.constant 24 : i32
      %dma_start3A_440 = arith.constant 0 : i32
      %dma_start3A_441 = tpu.memref_slice %arg7[%rem3A_297, %dma_start3A_439, %dma_start3A_440] : memref<3x32x1024xf32, #tpu.memory_space<vmem>> -> memref<1x8x1024xf32, #tpu.memory_space<vmem>>
      %dma_start3A_442 = tpu.memref_squeeze %dma_start3A_441 : memref<1x8x1024xf32, #tpu.memory_space<vmem>> -> memref<8x1024xf32, #tpu.memory_space<vmem>>
      tpu.enqueue_dma source(%dma_start3A_442 : memref<8x1024xf32, #tpu.memory_space<vmem>>) target(%dma_start3A_438 : memref<8x1024xf32, #tpu.memory_space<hbm>>) target_semaphore(%dma_start3A_436 : memref<!tpu.dma_semaphore, #tpu.memory_space<semaphore_mem>>)
    }
    %scan3A_56 = arith.constant 32 : i32
    %add3A_57 = arith.constant 0 : i32
    %add3A_58 = arith.addi %add3A_57, %mul3A_2 : i32
    %add3A_59 = arith.constant 232 : i32
    %add3A_60 = arith.addi %add3A_58, %add3A_59 : i32
    %dma_wait3A = arith.constant 2 : i32
    %dma_wait3A_61 = arith.constant 8 : i32
    %dma_wait3A_62 = arith.constant 0 : i32
    %dma_wait3A_63 = arith.constant 0 : i32
    %dma_wait3A_64 = tpu.memref_slice %arg7[%dma_wait3A, %dma_wait3A_62, %dma_wait3A_63] : memref<3x32x1024xf32, #tpu.memory_space<vmem>> -> memref<1x8x1024xf32, #tpu.memory_space<vmem>>
    %dma_wait3A_65 = tpu.memref_squeeze %dma_wait3A_64 : memref<1x8x1024xf32, #tpu.memory_space<vmem>> -> memref<8x1024xf32, #tpu.memory_space<vmem>>
    %dma_wait3A_66 = arith.constant 0 : i32
    %dma_wait3A_67 = tpu.memref_slice %arg5[%add3A_60, %dma_wait3A_66] : memref<32768x1024xf32, #tpu.memory_space<hbm>> -> memref<8x1024xf32, #tpu.memory_space<hbm>>
    %dma_wait3A_68 = tpu.memref_slice %arg11[%dma_wait3A_61] : memref<12x!tpu.dma_semaphore, #tpu.memory_space<semaphore_mem>> -> memref<1x!tpu.dma_semaphore, #tpu.memory_space<semaphore_mem>>
    %dma_wait3A_69 = tpu.memref_squeeze %dma_wait3A_68 : memref<1x!tpu.dma_semaphore, #tpu.memory_space<semaphore_mem>> -> memref<!tpu.dma_semaphore, #tpu.memory_space<semaphore_mem>>
    %dma_wait3A_70 = arith.constant 0 : i32
    %dma_wait3A_71 = tpu.memref_slice %arg5[%add3A_60, %dma_wait3A_70] : memref<32768x1024xf32, #tpu.memory_space<hbm>> -> memref<8x1024xf32, #tpu.memory_space<hbm>>
    %dma_wait3A_72 = arith.constant 0 : i32
    %dma_wait3A_73 = arith.constant 0 : i32
    %dma_wait3A_74 = tpu.memref_slice %arg7[%dma_wait3A, %dma_wait3A_72, %dma_wait3A_73] : memref<3x32x1024xf32, #tpu.memory_space<vmem>> -> memref<1x8x1024xf32, #tpu.memory_space<vmem>>
    %dma_wait3A_75 = tpu.memref_squeeze %dma_wait3A_74 : memref<1x8x1024xf32, #tpu.memory_space<vmem>> -> memref<8x1024xf32, #tpu.memory_space<vmem>>
    tpu.wait_dma2 semaphore(%dma_wait3A_69 : memref<!tpu.dma_semaphore, #tpu.memory_space<semaphore_mem>>) src(%dma_wait3A_75 : memref<8x1024xf32, #tpu.memory_space<vmem>>) dst(%dma_wait3A_71 : memref<8x1024xf32, #tpu.memory_space<hbm>>)
    %add3A_76 = arith.constant 8192 : i32
    %add3A_77 = arith.addi %add3A_76, %mul3A_2 : i32
    %add3A_78 = arith.constant 232 : i32
    %add3A_79 = arith.addi %add3A_77, %add3A_78 : i32
    %dma_wait3A_80 = arith.constant 2 : i32
    %dma_wait3A_81 = arith.constant 9 : i32
    %dma_wait3A_82 = arith.constant 8 : i32
    %dma_wait3A_83 = arith.constant 0 : i32
    %dma_wait3A_84 = tpu.memref_slice %arg7[%dma_wait3A_80, %dma_wait3A_82, %dma_wait3A_83] : memref<3x32x1024xf32, #tpu.memory_space<vmem>> -> memref<1x8x1024xf32, #tpu.memory_space<vmem>>
    %dma_wait3A_85 = tpu.memref_squeeze %dma_wait3A_84 : memref<1x8x1024xf32, #tpu.memory_space<vmem>> -> memref<8x1024xf32, #tpu.memory_space<vmem>>
    %dma_wait3A_86 = arith.constant 0 : i32
    %dma_wait3A_87 = tpu.memref_slice %arg5[%add3A_79, %dma_wait3A_86] : memref<32768x1024xf32, #tpu.memory_space<hbm>> -> memref<8x1024xf32, #tpu.memory_space<hbm>>
    %dma_wait3A_88 = tpu.memref_slice %arg11[%dma_wait3A_81] : memref<12x!tpu.dma_semaphore, #tpu.memory_space<semaphore_mem>> -> memref<1x!tpu.dma_semaphore, #tpu.memory_space<semaphore_mem>>
    %dma_wait3A_89 = tpu.memref_squeeze %dma_wait3A_88 : memref<1x!tpu.dma_semaphore, #tpu.memory_space<semaphore_mem>> -> memref<!tpu.dma_semaphore, #tpu.memory_space<semaphore_mem>>
    %dma_wait3A_90 = arith.constant 0 : i32
    %dma_wait3A_91 = tpu.memref_slice %arg5[%add3A_79, %dma_wait3A_90] : memref<32768x1024xf32, #tpu.memory_space<hbm>> -> memref<8x1024xf32, #tpu.memory_space<hbm>>
    %dma_wait3A_92 = arith.constant 8 : i32
    %dma_wait3A_93 = arith.constant 0 : i32
    %dma_wait3A_94 = tpu.memref_slice %arg7[%dma_wait3A_80, %dma_wait3A_92, %dma_wait3A_93] : memref<3x32x1024xf32, #tpu.memory_space<vmem>> -> memref<1x8x1024xf32, #tpu.memory_space<vmem>>
    %dma_wait3A_95 = tpu.memref_squeeze %dma_wait3A_94 : memref<1x8x1024xf32, #tpu.memory_space<vmem>> -> memref<8x1024xf32, #tpu.memory_space<vmem>>
    tpu.wait_dma2 semaphore(%dma_wait3A_89 : memref<!tpu.dma_semaphore, #tpu.memory_space<semaphore_mem>>) src(%dma_wait3A_95 : memref<8x1024xf32, #tpu.memory_space<vmem>>) dst(%dma_wait3A_91 : memref<8x1024xf32, #tpu.memory_space<hbm>>)
    %add3A_96 = arith.constant 16384 : i32
    %add3A_97 = arith.addi %add3A_96, %mul3A_2 : i32
    %add3A_98 = arith.constant 232 : i32
    %add3A_99 = arith.addi %add3A_97, %add3A_98 : i32
    %dma_wait3A_100 = arith.constant 2 : i32
    %dma_wait3A_101 = arith.constant 10 : i32
    %dma_wait3A_102 = arith.constant 16 : i32
    %dma_wait3A_103 = arith.constant 0 : i32
    %dma_wait3A_104 = tpu.memref_slice %arg7[%dma_wait3A_100, %dma_wait3A_102, %dma_wait3A_103] : memref<3x32x1024xf32, #tpu.memory_space<vmem>> -> memref<1x8x1024xf32, #tpu.memory_space<vmem>>
    %dma_wait3A_105 = tpu.memref_squeeze %dma_wait3A_104 : memref<1x8x1024xf32, #tpu.memory_space<vmem>> -> memref<8x1024xf32, #tpu.memory_space<vmem>>
    %dma_wait3A_106 = arith.constant 0 : i32
    %dma_wait3A_107 = tpu.memref_slice %arg5[%add3A_99, %dma_wait3A_106] : memref<32768x1024xf32, #tpu.memory_space<hbm>> -> memref<8x1024xf32, #tpu.memory_space<hbm>>
    %dma_wait3A_108 = tpu.memref_slice %arg11[%dma_wait3A_101] : memref<12x!tpu.dma_semaphore, #tpu.memory_space<semaphore_mem>> -> memref<1x!tpu.dma_semaphore, #tpu.memory_space<semaphore_mem>>
    %dma_wait3A_109 = tpu.memref_squeeze %dma_wait3A_108 : memref<1x!tpu.dma_semaphore, #tpu.memory_space<semaphore_mem>> -> memref<!tpu.dma_semaphore, #tpu.memory_space<semaphore_mem>>
    %dma_wait3A_110 = arith.constant 0 : i32
    %dma_wait3A_111 = tpu.memref_slice %arg5[%add3A_99, %dma_wait3A_110] : memref<32768x1024xf32, #tpu.memory_space<hbm>> -> memref<8x1024xf32, #tpu.memory_space<hbm>>
    %dma_wait3A_112 = arith.constant 16 : i32
    %dma_wait3A_113 = arith.constant 0 : i32
    %dma_wait3A_114 = tpu.memref_slice %arg7[%dma_wait3A_100, %dma_wait3A_112, %dma_wait3A_113] : memref<3x32x1024xf32, #tpu.memory_space<vmem>> -> memref<1x8x1024xf32, #tpu.memory_space<vmem>>
    %dma_wait3A_115 = tpu.memref_squeeze %dma_wait3A_114 : memref<1x8x1024xf32, #tpu.memory_space<vmem>> -> memref<8x1024xf32, #tpu.memory_space<vmem>>
    tpu.wait_dma2 semaphore(%dma_wait3A_109 : memref<!tpu.dma_semaphore, #tpu.memory_space<semaphore_mem>>) src(%dma_wait3A_115 : memref<8x1024xf32, #tpu.memory_space<vmem>>) dst(%dma_wait3A_111 : memref<8x1024xf32, #tpu.memory_space<hbm>>)
    %add3A_116 = arith.constant 24576 : i32
    %add3A_117 = arith.addi %add3A_116, %mul3A_2 : i32
    %add3A_118 = arith.constant 232 : i32
    %add3A_119 = arith.addi %add3A_117, %add3A_118 : i32
    %dma_wait3A_120 = arith.constant 2 : i32
    %dma_wait3A_121 = arith.constant 11 : i32
    %dma_wait3A_122 = arith.constant 24 : i32
    %dma_wait3A_123 = arith.constant 0 : i32
    %dma_wait3A_124 = tpu.memref_slice %arg7[%dma_wait3A_120, %dma_wait3A_122, %dma_wait3A_123] : memref<3x32x1024xf32, #tpu.memory_space<vmem>> -> memref<1x8x1024xf32, #tpu.memory_space<vmem>>
    %dma_wait3A_125 = tpu.memref_squeeze %dma_wait3A_124 : memref<1x8x1024xf32, #tpu.memory_space<vmem>> -> memref<8x1024xf32, #tpu.memory_space<vmem>>
    %dma_wait3A_126 = arith.constant 0 : i32
    %dma_wait3A_127 = tpu.memref_slice %arg5[%add3A_119, %dma_wait3A_126] : memref<32768x1024xf32, #tpu.memory_space<hbm>> -> memref<8x1024xf32, #tpu.memory_space<hbm>>
    %dma_wait3A_128 = tpu.memref_slice %arg11[%dma_wait3A_121] : memref<12x!tpu.dma_semaphore, #tpu.memory_space<semaphore_mem>> -> memref<1x!tpu.dma_semaphore, #tpu.memory_space<semaphore_mem>>
    %dma_wait3A_129 = tpu.memref_squeeze %dma_wait3A_128 : memref<1x!tpu.dma_semaphore, #tpu.memory_space<semaphore_mem>> -> memref<!tpu.dma_semaphore, #tpu.memory_space<semaphore_mem>>
    %dma_wait3A_130 = arith.constant 0 : i32
    %dma_wait3A_131 = tpu.memref_slice %arg5[%add3A_119, %dma_wait3A_130] : memref<32768x1024xf32, #tpu.memory_space<hbm>> -> memref<8x1024xf32, #tpu.memory_space<hbm>>
    %dma_wait3A_132 = arith.constant 24 : i32
    %dma_wait3A_133 = arith.constant 0 : i32
    %dma_wait3A_134 = tpu.memref_slice %arg7[%dma_wait3A_120, %dma_wait3A_132, %dma_wait3A_133] : memref<3x32x1024xf32, #tpu.memory_space<vmem>> -> memref<1x8x1024xf32, #tpu.memory_space<vmem>>
    %dma_wait3A_135 = tpu.memref_squeeze %dma_wait3A_134 : memref<1x8x1024xf32, #tpu.memory_space<vmem>> -> memref<8x1024xf32, #tpu.memory_space<vmem>>
    tpu.wait_dma2 semaphore(%dma_wait3A_129 : memref<!tpu.dma_semaphore, #tpu.memory_space<semaphore_mem>>) src(%dma_wait3A_135 : memref<8x1024xf32, #tpu.memory_space<vmem>>) dst(%dma_wait3A_131 : memref<8x1024xf32, #tpu.memory_space<hbm>>)
    %add3A_136 = arith.constant 0 : i32
    %add3A_137 = arith.addi %add3A_136, %mul3A_2 : i32
    %add3A_138 = arith.constant 240 : i32
    %add3A_139 = arith.addi %add3A_137, %add3A_138 : i32
    %dma_wait3A_140 = arith.constant 0 : i32
    %dma_wait3A_141 = arith.constant 0 : i32
    %dma_wait3A_142 = arith.constant 0 : i32
    %dma_wait3A_143 = arith.constant 0 : i32
    %dma_wait3A_144 = tpu.memref_slice %arg7[%dma_wait3A_140, %dma_wait3A_142, %dma_wait3A_143] : memref<3x32x1024xf32, #tpu.memory_space<vmem>> -> memref<1x8x1024xf32, #tpu.memory_space<vmem>>
    %dma_wait3A_145 = tpu.memref_squeeze %dma_wait3A_144 : memref<1x8x1024xf32, #tpu.memory_space<vmem>> -> memref<8x1024xf32, #tpu.memory_space<vmem>>
    %dma_wait3A_146 = arith.constant 0 : i32
    %dma_wait3A_147 = tpu.memref_slice %arg5[%add3A_139, %dma_wait3A_146] : memref<32768x1024xf32, #tpu.memory_space<hbm>> -> memref<8x1024xf32, #tpu.memory_space<hbm>>
    %dma_wait3A_148 = tpu.memref_slice %arg11[%dma_wait3A_141] : memref<12x!tpu.dma_semaphore, #tpu.memory_space<semaphore_mem>> -> memref<1x!tpu.dma_semaphore, #tpu.memory_space<semaphore_mem>>
    %dma_wait3A_149 = tpu.memref_squeeze %dma_wait3A_148 : memref<1x!tpu.dma_semaphore, #tpu.memory_space<semaphore_mem>> -> memref<!tpu.dma_semaphore, #tpu.memory_space<semaphore_mem>>
    %dma_wait3A_150 = arith.constant 0 : i32
    %dma_wait3A_151 = tpu.memref_slice %arg5[%add3A_139, %dma_wait3A_150] : memref<32768x1024xf32, #tpu.memory_space<hbm>> -> memref<8x1024xf32, #tpu.memory_space<hbm>>
    %dma_wait3A_152 = arith.constant 0 : i32
    %dma_wait3A_153 = arith.constant 0 : i32
    %dma_wait3A_154 = tpu.memref_slice %arg7[%dma_wait3A_140, %dma_wait3A_152, %dma_wait3A_153] : memref<3x32x1024xf32, #tpu.memory_space<vmem>> -> memref<1x8x1024xf32, #tpu.memory_space<vmem>>
    %dma_wait3A_155 = tpu.memref_squeeze %dma_wait3A_154 : memref<1x8x1024xf32, #tpu.memory_space<vmem>> -> memref<8x1024xf32, #tpu.memory_space<vmem>>
    tpu.wait_dma2 semaphore(%dma_wait3A_149 : memref<!tpu.dma_semaphore, #tpu.memory_space<semaphore_mem>>) src(%dma_wait3A_155 : memref<8x1024xf32, #tpu.memory_space<vmem>>) dst(%dma_wait3A_151 : memref<8x1024xf32, #tpu.memory_space<hbm>>)
    %add3A_156 = arith.constant 8192 : i32
    %add3A_157 = arith.addi %add3A_156, %mul3A_2 : i32
    %add3A_158 = arith.constant 240 : i32
    %add3A_159 = arith.addi %add3A_157, %add3A_158 : i32
    %dma_wait3A_160 = arith.constant 0 : i32
    %dma_wait3A_161 = arith.constant 1 : i32
    %dma_wait3A_162 = arith.constant 8 : i32
    %dma_wait3A_163 = arith.constant 0 : i32
    %dma_wait3A_164 = tpu.memref_slice %arg7[%dma_wait3A_160, %dma_wait3A_162, %dma_wait3A_163] : memref<3x32x1024xf32, #tpu.memory_space<vmem>> -> memref<1x8x1024xf32, #tpu.memory_space<vmem>>
    %dma_wait3A_165 = tpu.memref_squeeze %dma_wait3A_164 : memref<1x8x1024xf32, #tpu.memory_space<vmem>> -> memref<8x1024xf32, #tpu.memory_space<vmem>>
    %dma_wait3A_166 = arith.constant 0 : i32
    %dma_wait3A_167 = tpu.memref_slice %arg5[%add3A_159, %dma_wait3A_166] : memref<32768x1024xf32, #tpu.memory_space<hbm>> -> memref<8x1024xf32, #tpu.memory_space<hbm>>
    %dma_wait3A_168 = tpu.memref_slice %arg11[%dma_wait3A_161] : memref<12x!tpu.dma_semaphore, #tpu.memory_space<semaphore_mem>> -> memref<1x!tpu.dma_semaphore, #tpu.memory_space<semaphore_mem>>
    %dma_wait3A_169 = tpu.memref_squeeze %dma_wait3A_168 : memref<1x!tpu.dma_semaphore, #tpu.memory_space<semaphore_mem>> -> memref<!tpu.dma_semaphore, #tpu.memory_space<semaphore_mem>>
    %dma_wait3A_170 = arith.constant 0 : i32
    %dma_wait3A_171 = tpu.memref_slice %arg5[%add3A_159, %dma_wait3A_170] : memref<32768x1024xf32, #tpu.memory_space<hbm>> -> memref<8x1024xf32, #tpu.memory_space<hbm>>
    %dma_wait3A_172 = arith.constant 8 : i32
    %dma_wait3A_173 = arith.constant 0 : i32
    %dma_wait3A_174 = tpu.memref_slice %arg7[%dma_wait3A_160, %dma_wait3A_172, %dma_wait3A_173] : memref<3x32x1024xf32, #tpu.memory_space<vmem>> -> memref<1x8x1024xf32, #tpu.memory_space<vmem>>
    %dma_wait3A_175 = tpu.memref_squeeze %dma_wait3A_174 : memref<1x8x1024xf32, #tpu.memory_space<vmem>> -> memref<8x1024xf32, #tpu.memory_space<vmem>>
    tpu.wait_dma2 semaphore(%dma_wait3A_169 : memref<!tpu.dma_semaphore, #tpu.memory_space<semaphore_mem>>) src(%dma_wait3A_175 : memref<8x1024xf32, #tpu.memory_space<vmem>>) dst(%dma_wait3A_171 : memref<8x1024xf32, #tpu.memory_space<hbm>>)
    %add3A_176 = arith.constant 16384 : i32
    %add3A_177 = arith.addi %add3A_176, %mul3A_2 : i32
    %add3A_178 = arith.constant 240 : i32
    %add3A_179 = arith.addi %add3A_177, %add3A_178 : i32
    %dma_wait3A_180 = arith.constant 0 : i32
    %dma_wait3A_181 = arith.constant 2 : i32
    %dma_wait3A_182 = arith.constant 16 : i32
    %dma_wait3A_183 = arith.constant 0 : i32
    %dma_wait3A_184 = tpu.memref_slice %arg7[%dma_wait3A_180, %dma_wait3A_182, %dma_wait3A_183] : memref<3x32x1024xf32, #tpu.memory_space<vmem>> -> memref<1x8x1024xf32, #tpu.memory_space<vmem>>
    %dma_wait3A_185 = tpu.memref_squeeze %dma_wait3A_184 : memref<1x8x1024xf32, #tpu.memory_space<vmem>> -> memref<8x1024xf32, #tpu.memory_space<vmem>>
    %dma_wait3A_186 = arith.constant 0 : i32
    %dma_wait3A_187 = tpu.memref_slice %arg5[%add3A_179, %dma_wait3A_186] : memref<32768x1024xf32, #tpu.memory_space<hbm>> -> memref<8x1024xf32, #tpu.memory_space<hbm>>
    %dma_wait3A_188 = tpu.memref_slice %arg11[%dma_wait3A_181] : memref<12x!tpu.dma_semaphore, #tpu.memory_space<semaphore_mem>> -> memref<1x!tpu.dma_semaphore, #tpu.memory_space<semaphore_mem>>
    %dma_wait3A_189 = tpu.memref_squeeze %dma_wait3A_188 : memref<1x!tpu.dma_semaphore, #tpu.memory_space<semaphore_mem>> -> memref<!tpu.dma_semaphore, #tpu.memory_space<semaphore_mem>>
    %dma_wait3A_190 = arith.constant 0 : i32
    %dma_wait3A_191 = tpu.memref_slice %arg5[%add3A_179, %dma_wait3A_190] : memref<32768x1024xf32, #tpu.memory_space<hbm>> -> memref<8x1024xf32, #tpu.memory_space<hbm>>
    %dma_wait3A_192 = arith.constant 16 : i32
    %dma_wait3A_193 = arith.constant 0 : i32
    %dma_wait3A_194 = tpu.memref_slice %arg7[%dma_wait3A_180, %dma_wait3A_192, %dma_wait3A_193] : memref<3x32x1024xf32, #tpu.memory_space<vmem>> -> memref<1x8x1024xf32, #tpu.memory_space<vmem>>
    %dma_wait3A_195 = tpu.memref_squeeze %dma_wait3A_194 : memref<1x8x1024xf32, #tpu.memory_space<vmem>> -> memref<8x1024xf32, #tpu.memory_space<vmem>>
    tpu.wait_dma2 semaphore(%dma_wait3A_189 : memref<!tpu.dma_semaphore, #tpu.memory_space<semaphore_mem>>) src(%dma_wait3A_195 : memref<8x1024xf32, #tpu.memory_space<vmem>>) dst(%dma_wait3A_191 : memref<8x1024xf32, #tpu.memory_space<hbm>>)
    %add3A_196 = arith.constant 24576 : i32
    %add3A_197 = arith.addi %add3A_196, %mul3A_2 : i32
    %add3A_198 = arith.constant 240 : i32
    %add3A_199 = arith.addi %add3A_197, %add3A_198 : i32
    %dma_wait3A_200 = arith.constant 0 : i32
    %dma_wait3A_201 = arith.constant 3 : i32
    %dma_wait3A_202 = arith.constant 24 : i32
    %dma_wait3A_203 = arith.constant 0 : i32
    %dma_wait3A_204 = tpu.memref_slice %arg7[%dma_wait3A_200, %dma_wait3A_202, %dma_wait3A_203] : memref<3x32x1024xf32, #tpu.memory_space<vmem>> -> memref<1x8x1024xf32, #tpu.memory_space<vmem>>
    %dma_wait3A_205 = tpu.memref_squeeze %dma_wait3A_204 : memref<1x8x1024xf32, #tpu.memory_space<vmem>> -> memref<8x1024xf32, #tpu.memory_space<vmem>>
    %dma_wait3A_206 = arith.constant 0 : i32
    %dma_wait3A_207 = tpu.memref_slice %arg5[%add3A_199, %dma_wait3A_206] : memref<32768x1024xf32, #tpu.memory_space<hbm>> -> memref<8x1024xf32, #tpu.memory_space<hbm>>
    %dma_wait3A_208 = tpu.memref_slice %arg11[%dma_wait3A_201] : memref<12x!tpu.dma_semaphore, #tpu.memory_space<semaphore_mem>> -> memref<1x!tpu.dma_semaphore, #tpu.memory_space<semaphore_mem>>
    %dma_wait3A_209 = tpu.memref_squeeze %dma_wait3A_208 : memref<1x!tpu.dma_semaphore, #tpu.memory_space<semaphore_mem>> -> memref<!tpu.dma_semaphore, #tpu.memory_space<semaphore_mem>>
    %dma_wait3A_210 = arith.constant 0 : i32
    %dma_wait3A_211 = tpu.memref_slice %arg5[%add3A_199, %dma_wait3A_210] : memref<32768x1024xf32, #tpu.memory_space<hbm>> -> memref<8x1024xf32, #tpu.memory_space<hbm>>
    %dma_wait3A_212 = arith.constant 24 : i32
    %dma_wait3A_213 = arith.constant 0 : i32
    %dma_wait3A_214 = tpu.memref_slice %arg7[%dma_wait3A_200, %dma_wait3A_212, %dma_wait3A_213] : memref<3x32x1024xf32, #tpu.memory_space<vmem>> -> memref<1x8x1024xf32, #tpu.memory_space<vmem>>
    %dma_wait3A_215 = tpu.memref_squeeze %dma_wait3A_214 : memref<1x8x1024xf32, #tpu.memory_space<vmem>> -> memref<8x1024xf32, #tpu.memory_space<vmem>>
    tpu.wait_dma2 semaphore(%dma_wait3A_209 : memref<!tpu.dma_semaphore, #tpu.memory_space<semaphore_mem>>) src(%dma_wait3A_215 : memref<8x1024xf32, #tpu.memory_space<vmem>>) dst(%dma_wait3A_211 : memref<8x1024xf32, #tpu.memory_space<hbm>>)
    %add3A_216 = arith.constant 0 : i32
    %add3A_217 = arith.addi %add3A_216, %mul3A_2 : i32
    %add3A_218 = arith.constant 248 : i32
    %add3A_219 = arith.addi %add3A_217, %add3A_218 : i32
    %dma_wait3A_220 = arith.constant 1 : i32
    %dma_wait3A_221 = arith.constant 4 : i32
    %dma_wait3A_222 = arith.constant 0 : i32
    %dma_wait3A_223 = arith.constant 0 : i32
    %dma_wait3A_224 = tpu.memref_slice %arg7[%dma_wait3A_220, %dma_wait3A_222, %dma_wait3A_223] : memref<3x32x1024xf32, #tpu.memory_space<vmem>> -> memref<1x8x1024xf32, #tpu.memory_space<vmem>>
    %dma_wait3A_225 = tpu.memref_squeeze %dma_wait3A_224 : memref<1x8x1024xf32, #tpu.memory_space<vmem>> -> memref<8x1024xf32, #tpu.memory_space<vmem>>
    %dma_wait3A_226 = arith.constant 0 : i32
    %dma_wait3A_227 = tpu.memref_slice %arg5[%add3A_219, %dma_wait3A_226] : memref<32768x1024xf32, #tpu.memory_space<hbm>> -> memref<8x1024xf32, #tpu.memory_space<hbm>>
    %dma_wait3A_228 = tpu.memref_slice %arg11[%dma_wait3A_221] : memref<12x!tpu.dma_semaphore, #tpu.memory_space<semaphore_mem>> -> memref<1x!tpu.dma_semaphore, #tpu.memory_space<semaphore_mem>>
    %dma_wait3A_229 = tpu.memref_squeeze %dma_wait3A_228 : memref<1x!tpu.dma_semaphore, #tpu.memory_space<semaphore_mem>> -> memref<!tpu.dma_semaphore, #tpu.memory_space<semaphore_mem>>
    %dma_wait3A_230 = arith.constant 0 : i32
    %dma_wait3A_231 = tpu.memref_slice %arg5[%add3A_219, %dma_wait3A_230] : memref<32768x1024xf32, #tpu.memory_space<hbm>> -> memref<8x1024xf32, #tpu.memory_space<hbm>>
    %dma_wait3A_232 = arith.constant 0 : i32
    %dma_wait3A_233 = arith.constant 0 : i32
    %dma_wait3A_234 = tpu.memref_slice %arg7[%dma_wait3A_220, %dma_wait3A_232, %dma_wait3A_233] : memref<3x32x1024xf32, #tpu.memory_space<vmem>> -> memref<1x8x1024xf32, #tpu.memory_space<vmem>>
    %dma_wait3A_235 = tpu.memref_squeeze %dma_wait3A_234 : memref<1x8x1024xf32, #tpu.memory_space<vmem>> -> memref<8x1024xf32, #tpu.memory_space<vmem>>
    tpu.wait_dma2 semaphore(%dma_wait3A_229 : memref<!tpu.dma_semaphore, #tpu.memory_space<semaphore_mem>>) src(%dma_wait3A_235 : memref<8x1024xf32, #tpu.memory_space<vmem>>) dst(%dma_wait3A_231 : memref<8x1024xf32, #tpu.memory_space<hbm>>)
    %add3A_236 = arith.constant 8192 : i32
    %add3A_237 = arith.addi %add3A_236, %mul3A_2 : i32
    %add3A_238 = arith.constant 248 : i32
    %add3A_239 = arith.addi %add3A_237, %add3A_238 : i32
    %dma_wait3A_240 = arith.constant 1 : i32
    %dma_wait3A_241 = arith.constant 5 : i32
    %dma_wait3A_242 = arith.constant 8 : i32
    %dma_wait3A_243 = arith.constant 0 : i32
    %dma_wait3A_244 = tpu.memref_slice %arg7[%dma_wait3A_240, %dma_wait3A_242, %dma_wait3A_243] : memref<3x32x1024xf32, #tpu.memory_space<vmem>> -> memref<1x8x1024xf32, #tpu.memory_space<vmem>>
    %dma_wait3A_245 = tpu.memref_squeeze %dma_wait3A_244 : memref<1x8x1024xf32, #tpu.memory_space<vmem>> -> memref<8x1024xf32, #tpu.memory_space<vmem>>
    %dma_wait3A_246 = arith.constant 0 : i32
    %dma_wait3A_247 = tpu.memref_slice %arg5[%add3A_239, %dma_wait3A_246] : memref<32768x1024xf32, #tpu.memory_space<hbm>> -> memref<8x1024xf32, #tpu.memory_space<hbm>>
    %dma_wait3A_248 = tpu.memref_slice %arg11[%dma_wait3A_241] : memref<12x!tpu.dma_semaphore, #tpu.memory_space<semaphore_mem>> -> memref<1x!tpu.dma_semaphore, #tpu.memory_space<semaphore_mem>>
    %dma_wait3A_249 = tpu.memref_squeeze %dma_wait3A_248 : memref<1x!tpu.dma_semaphore, #tpu.memory_space<semaphore_mem>> -> memref<!tpu.dma_semaphore, #tpu.memory_space<semaphore_mem>>
    %dma_wait3A_250 = arith.constant 0 : i32
    %dma_wait3A_251 = tpu.memref_slice %arg5[%add3A_239, %dma_wait3A_250] : memref<32768x1024xf32, #tpu.memory_space<hbm>> -> memref<8x1024xf32, #tpu.memory_space<hbm>>
    %dma_wait3A_252 = arith.constant 8 : i32
    %dma_wait3A_253 = arith.constant 0 : i32
    %dma_wait3A_254 = tpu.memref_slice %arg7[%dma_wait3A_240, %dma_wait3A_252, %dma_wait3A_253] : memref<3x32x1024xf32, #tpu.memory_space<vmem>> -> memref<1x8x1024xf32, #tpu.memory_space<vmem>>
    %dma_wait3A_255 = tpu.memref_squeeze %dma_wait3A_254 : memref<1x8x1024xf32, #tpu.memory_space<vmem>> -> memref<8x1024xf32, #tpu.memory_space<vmem>>
    tpu.wait_dma2 semaphore(%dma_wait3A_249 : memref<!tpu.dma_semaphore, #tpu.memory_space<semaphore_mem>>) src(%dma_wait3A_255 : memref<8x1024xf32, #tpu.memory_space<vmem>>) dst(%dma_wait3A_251 : memref<8x1024xf32, #tpu.memory_space<hbm>>)
    %add3A_256 = arith.constant 16384 : i32
    %add3A_257 = arith.addi %add3A_256, %mul3A_2 : i32
    %add3A_258 = arith.constant 248 : i32
    %add3A_259 = arith.addi %add3A_257, %add3A_258 : i32
    %dma_wait3A_260 = arith.constant 1 : i32
    %dma_wait3A_261 = arith.constant 6 : i32
    %dma_wait3A_262 = arith.constant 16 : i32
    %dma_wait3A_263 = arith.constant 0 : i32
    %dma_wait3A_264 = tpu.memref_slice %arg7[%dma_wait3A_260, %dma_wait3A_262, %dma_wait3A_263] : memref<3x32x1024xf32, #tpu.memory_space<vmem>> -> memref<1x8x1024xf32, #tpu.memory_space<vmem>>
    %dma_wait3A_265 = tpu.memref_squeeze %dma_wait3A_264 : memref<1x8x1024xf32, #tpu.memory_space<vmem>> -> memref<8x1024xf32, #tpu.memory_space<vmem>>
    %dma_wait3A_266 = arith.constant 0 : i32
    %dma_wait3A_267 = tpu.memref_slice %arg5[%add3A_259, %dma_wait3A_266] : memref<32768x1024xf32, #tpu.memory_space<hbm>> -> memref<8x1024xf32, #tpu.memory_space<hbm>>
    %dma_wait3A_268 = tpu.memref_slice %arg11[%dma_wait3A_261] : memref<12x!tpu.dma_semaphore, #tpu.memory_space<semaphore_mem>> -> memref<1x!tpu.dma_semaphore, #tpu.memory_space<semaphore_mem>>
    %dma_wait3A_269 = tpu.memref_squeeze %dma_wait3A_268 : memref<1x!tpu.dma_semaphore, #tpu.memory_space<semaphore_mem>> -> memref<!tpu.dma_semaphore, #tpu.memory_space<semaphore_mem>>
    %dma_wait3A_270 = arith.constant 0 : i32
    %dma_wait3A_271 = tpu.memref_slice %arg5[%add3A_259, %dma_wait3A_270] : memref<32768x1024xf32, #tpu.memory_space<hbm>> -> memref<8x1024xf32, #tpu.memory_space<hbm>>
    %dma_wait3A_272 = arith.constant 16 : i32
    %dma_wait3A_273 = arith.constant 0 : i32
    %dma_wait3A_274 = tpu.memref_slice %arg7[%dma_wait3A_260, %dma_wait3A_272, %dma_wait3A_273] : memref<3x32x1024xf32, #tpu.memory_space<vmem>> -> memref<1x8x1024xf32, #tpu.memory_space<vmem>>
    %dma_wait3A_275 = tpu.memref_squeeze %dma_wait3A_274 : memref<1x8x1024xf32, #tpu.memory_space<vmem>> -> memref<8x1024xf32, #tpu.memory_space<vmem>>
    tpu.wait_dma2 semaphore(%dma_wait3A_269 : memref<!tpu.dma_semaphore, #tpu.memory_space<semaphore_mem>>) src(%dma_wait3A_275 : memref<8x1024xf32, #tpu.memory_space<vmem>>) dst(%dma_wait3A_271 : memref<8x1024xf32, #tpu.memory_space<hbm>>)
    %add3A_276 = arith.constant 24576 : i32
    %add3A_277 = arith.addi %add3A_276, %mul3A_2 : i32
    %add3A_278 = arith.constant 248 : i32
    %add3A_279 = arith.addi %add3A_277, %add3A_278 : i32
    %dma_wait3A_280 = arith.constant 1 : i32
    %dma_wait3A_281 = arith.constant 7 : i32
    %dma_wait3A_282 = arith.constant 24 : i32
    %dma_wait3A_283 = arith.constant 0 : i32
    %dma_wait3A_284 = tpu.memref_slice %arg7[%dma_wait3A_280, %dma_wait3A_282, %dma_wait3A_283] : memref<3x32x1024xf32, #tpu.memory_space<vmem>> -> memref<1x8x1024xf32, #tpu.memory_space<vmem>>
    %dma_wait3A_285 = tpu.memref_squeeze %dma_wait3A_284 : memref<1x8x1024xf32, #tpu.memory_space<vmem>> -> memref<8x1024xf32, #tpu.memory_space<vmem>>
    %dma_wait3A_286 = arith.constant 0 : i32
    %dma_wait3A_287 = tpu.memref_slice %arg5[%add3A_279, %dma_wait3A_286] : memref<32768x1024xf32, #tpu.memory_space<hbm>> -> memref<8x1024xf32, #tpu.memory_space<hbm>>
    %dma_wait3A_288 = tpu.memref_slice %arg11[%dma_wait3A_281] : memref<12x!tpu.dma_semaphore, #tpu.memory_space<semaphore_mem>> -> memref<1x!tpu.dma_semaphore, #tpu.memory_space<semaphore_mem>>
    %dma_wait3A_289 = tpu.memref_squeeze %dma_wait3A_288 : memref<1x!tpu.dma_semaphore, #tpu.memory_space<semaphore_mem>> -> memref<!tpu.dma_semaphore, #tpu.memory_space<semaphore_mem>>
    %dma_wait3A_290 = arith.constant 0 : i32
    %dma_wait3A_291 = tpu.memref_slice %arg5[%add3A_279, %dma_wait3A_290] : memref<32768x1024xf32, #tpu.memory_space<hbm>> -> memref<8x1024xf32, #tpu.memory_space<hbm>>
    %dma_wait3A_292 = arith.constant 24 : i32
    %dma_wait3A_293 = arith.constant 0 : i32
    %dma_wait3A_294 = tpu.memref_slice %arg7[%dma_wait3A_280, %dma_wait3A_292, %dma_wait3A_293] : memref<3x32x1024xf32, #tpu.memory_space<vmem>> -> memref<1x8x1024xf32, #tpu.memory_space<vmem>>
    %dma_wait3A_295 = tpu.memref_squeeze %dma_wait3A_294 : memref<1x8x1024xf32, #tpu.memory_space<vmem>> -> memref<8x1024xf32, #tpu.memory_space<vmem>>
    tpu.wait_dma2 semaphore(%dma_wait3A_289 : memref<!tpu.dma_semaphore, #tpu.memory_space<semaphore_mem>>) src(%dma_wait3A_295 : memref<8x1024xf32, #tpu.memory_space<vmem>>) dst(%dma_wait3A_291 : memref<8x1024xf32, #tpu.memory_space<hbm>>)
    return
  }
}

</mosaic_0001>

<sc_bundles>
// kernel: kernel.3.cloned.1.call-start
scs
__scs_entry_jumppad:
0x0: {  	(pc) =	sbr.rel $0x88, $3  }
0x1: {  	(tag) =	ssettag $0x0;
	lr =	simm.s32 $0x1  }
0x2: {  	[smem:$0x3F9E] =	sst lr;
	_ =	strace $0xD0000000  }
0x3: {  	_ = 	snop  }
0x4: {  	_ = 	snop  }
0x5: {  	_ = 	snop  }
0x6: {  	_ = 	snop  }
0x7: {  	_ = 	snop  }
__scs_overlays_trampoline_lowered:
0x8: {  	[smem:$0x3FAD] =	sst s0  }
0x9: {  	[smem:$0x3FAE] =	sst s1  }
0xa: {  	[smem:$0x3FAF] =	sst s2  }
0xb: {  	[smem:$0x3FB0] =	sst s3  }
0xc: {  	[smem:$0x3FB1] =	sst s4  }
0xd: {  	[smem:$0x3FB2] =	sst s5  }
0xe: {  	[smem:$0x3FB3] =	sst s6  }
0xf: {  	[smem:$0x3FB4] =	sst s7  }
0x10: {  	[smem:$0x3FB5] =	sst s8  }
0x11: {  	[smem:$0x3FB6] =	sst s9;
	s0 =	simm.s32 @!p0 $0x0  }
0x12: {  	s1 =	sld [smem:$0x3F9C];
	s0 =	simm.s32 @p0 $0x1  }
0x13: {  	[smem:$0x3FB7] =	sst s0;
	s0 =	simm.s32 @!p1 $0x0  }
0x14: {  	s2 =	sld [smem:$0x3F9B];
	s0 =	simm.s32 @p1 $0x1  }
0x15: {  	[smem:$0x3FB8] =	sst s0;
	s0 =	simm.s32 @!p2 $0x0  }
0x16: {  	s3 =	sld [smem:$0x3FDB];
	s0 =	simm.s32 @p2 $0x1  }
0x17: {  	s4 =	simm.s32 $0x1BF5;
	[smem:$0x3FBA] =	sst s0  }
0x18: {  	s0 =	sld [smem:$0x3F9D];
	_ =	swait.ge [sflag:s4], $0x0  }
0x19: {  	s7 =	sld [smem:$0x3F9E]  }
0x1a: {  	s8 =	sadd.s32 $0xFFFFE003, lr  }
0x1b: {  	s9 =	sadd.s32 $0xFFFFFEF7, lr;
	s5 =	simm.s32 $0xFFFFFFFF;
	p2 =	slt.u32 s8, $0xFFFFF086  }
0x1c: {  	p1 =	slt.u32 s9, $0xF7A;
	s5 =	simm.s32 @!p2 $0x0  }
0x1d: {  	s5 =	simm.s32 @p1 $0x1;
	p0 =	seq.s32 s7, s2  }
0x1e: {  	s7 =	smul.u32 @!p0 $0xF7A, s2;
	p2 =	seq.s32 @!p0 s5, $0x0  }
0x1f: {  	s9 =	smul.u32 $0xF7A, s1;
	s8 =	simm.s32 @!p0 $0x1BF5;
	p2 =	por !p2, p0  }
0x20: {  	[sflag:s8] =	ssyncset.s32 @!p0 $0xFFFFF086;
	s6 =	sadd.s32 @!p0 s3, s7;
	s7 =	simm.s32 @!p0 $0x108  }
0x21: {  	s3 =	sadd.s32 s3, s9;
	s6 =	sadd.s32 @!p0 $0x88, s6;
	s7 =	simm.s32 @p2 $0x1082  }
0x22: {  	[simem:s7], [sflag:s8] =	dma.local @!p0 [hbm:s6], $0xF7A  }
0x23: {  	s9 =	sor.u32 $0xD0000000, s2;
	s6 =	simm.s32 $0x108;
	_ =	swait.ge @!p0 [sflag:s8], $0x0  }
0x24: {  	s3 =	sadd.s32 $0x88, s3;
	s6 =	simm.s32 @!p1 $0x1082;
	[sflag:s4] =	ssyncset.s32 $0xFFFFF086  }
0x25: {  	[simem:s6], [sflag:s4] =	dma.local [hbm:s3], $0xF7A  }
0x26: {  	[smem:$0x3F9E] =	sst s1;
	(tag) =	ssettag s2;
	_ =	strace s9  }
0x27: {  	s1 =	sld [smem:$0x3FAE]  }
0x28: {  	s2 =	sld [smem:$0x3FAF]  }
0x29: {  	s4 =	sld [smem:$0x3FB1]  }
0x2a: {  	p0 =	seq.s32 s5, $0x0;
	s5 =	sld [smem:$0x3FB2]  }
0x2b: {  	s6 =	sld [smem:$0x3FB3]  }
0x2c: {  	s7 =	sld [smem:$0x3FB4]  }
0x2d: {  	s3 =	simm.s32 $0x108;
	s8 =	sld [smem:$0x3FB5]  }
0x2e: {  	s3 =	simm.s32 @!p0 $0x1082;
	s9 =	sld [smem:$0x3FB6]  }
0x2f: {  	lr =	sadd.s32 s0, s3;
	s0 =	sld [smem:$0x3FAD]  }
0x30: {  	s3 =	sld [smem:$0x3FB0]  }
0x31: {  	[smem:$0x3FB9] =	sst s10  }
0x32: {  	s10 =	sld [smem:$0x3FB7];
	_ =	sdelay $0x3  }
0x33: {  	p0 =	seq.s32 s10, $0x1;
	s10 =	sld [smem:$0x3FB9];
	_ =	sdelay $0x3  }
0x34: {  	[smem:$0x3FB9] =	sst s10  }
0x35: {  	s10 =	sld [smem:$0x3FB8];
	_ =	sdelay $0x3  }
0x36: {  	p1 =	seq.s32 s10, $0x1;
	s10 =	sld [smem:$0x3FB9];
	_ =	sdelay $0x3  }
0x37: {  	[smem:$0x3FB9] =	sst s10  }
0x38: {  	s10 =	sld [smem:$0x3FBA]  }
0x39: {  	_ = 	snop;
	(pc) =	sbr.ind lr, $3  }
0x3a: {  	_ = 	snop  }
0x3b: {  	_ = 	snop  }
0x3c: {  	p2 =	seq.s32 s10, $0x1;
	s10 =	sld [smem:$0x3FB9]  }
0x3d: {  	_ =	shalt  }
0x3e: {  	_ =	shalt  }
0x3f: {  	_ =	shalt  }
0x40: {  	_ =	shalt  }
0x41: {  	_ =	shalt  }
0x42: {  	_ =	shalt  }
0x43: {  	_ =	shalt  }
0x44: {  	_ =	shalt  }
0x45: {  	_ =	shalt  }
0x46: {  	_ =	shalt  }
0x47: {  	_ =	shalt  }
0x48: {  	_ =	shalt  }
0x49: {  	_ =	shalt  }
0x4a: {  	_ =	shalt  }
0x4b: {  	_ =	shalt  }
0x4c: {  	_ =	shalt  }
0x4d: {  	_ =	shalt  }
0x4e: {  	_ =	shalt  }
0x4f: {  	_ =	shalt  }
0x50: {  	_ =	shalt  }
0x51: {  	_ =	shalt  }
0x52: {  	_ =	shalt  }
0x53: {  	_ =	shalt  }
0x54: {  	_ =	shalt  }
0x55: {  	_ =	shalt  }
0x56: {  	_ =	shalt  }
0x57: {  	_ =	shalt  }
0x58: {  	_ =	shalt  }
0x59: {  	_ =	shalt  }
0x5a: {  	_ =	shalt  }
0x5b: {  	_ =	shalt  }
0x5c: {  	_ =	shalt  }
0x5d: {  	_ =	shalt  }
0x5e: {  	_ =	shalt  }
0x5f: {  	_ =	shalt  }
0x60: {  	_ =	shalt  }
0x61: {  	_ =	shalt  }
0x62: {  	_ =	shalt  }
0x63: {  	_ =	shalt  }
0x64: {  	_ =	shalt  }
0x65: {  	_ =	shalt  }
0x66: {  	_ =	shalt  }
0x67: {  	_ =	shalt  }
0x68: {  	_ =	shalt  }
0x69: {  	_ =	shalt  }
0x6a: {  	_ =	shalt  }
0x6b: {  	_ =	shalt  }
0x6c: {  	_ =	shalt  }
0x6d: {  	_ =	shalt  }
0x6e: {  	_ =	shalt  }
0x6f: {  	_ =	shalt  }
0x70: {  	_ =	shalt  }
0x71: {  	_ =	shalt  }
0x72: {  	_ =	shalt  }
0x73: {  	_ =	shalt  }
0x74: {  	_ =	shalt  }
0x75: {  	_ =	shalt  }
0x76: {  	_ =	shalt  }
0x77: {  	_ =	shalt  }
0x78: {  	_ =	shalt  }
0x79: {  	_ =	shalt  }
0x7a: {  	_ =	shalt  }
0x7b: {  	_ =	shalt  }
0x7c: {  	_ =	shalt  }
0x7d: {  	_ =	shalt  }
0x7e: {  	_ =	shalt  }
0x7f: {  	_ =	shalt  }
0x80: {  	_ =	shalt  }
0x81: {  	_ =	shalt  }
0x82: {  	_ =	shalt  }
0x83: {  	_ =	shalt  }
0x84: {  	_ =	shalt  }
0x85: {  	_ =	shalt  }
0x86: {  	_ =	shalt  }
0x87: {  	_ =	shalt  }
.Lfunc_end0:
.L_simem_size_0:
called_computation_lowered:
.L_overlay_start_0:
0x88: {  	s2 =	sld [smem:$0x3FD9]  }
0x89: {  	s3 =	sld [smem:$0x3FFE];
	_ =	sdelay $0x1  }
0x8a: {  	s1 =	srdreg.scid  }
0x8b: {  	s0 =	sand.u32 $0x1, s1  }
0x8c: {  	s17 =	sshll.u32 s0, $0xA;
	s2 =	sadd.s32 s3, s2  }
0x8d: {  	s2 =	sadd.s32 s2, s17  }
0x8e: {  	[smem:$0x3FC5] =	sst s2  }
0x8f: {  	_ = 	snop  }
0x90: {  	s2 =	sld [smem:$0x3FC8]  }
0x91: {  	s18 =	sld [smem:$0x3FC7]  }
0x92: {  	s4 =	sld [smem:$0x3FD0];
	(tm) =	ssettm $0x1  }
0x93: {  	s5 =	sld [smem:$0x3FFB];
	_ =	sdelay $0x3  }
0x94: {  	_ =	strace s5  }
0x95: {  	s5 =	sld [smem:$0x3FFC];
	_ =	sdelay $0x3  }
0x96: {  	_ =	strace s5  }
0x97: {  	s5 =	sld [smem:$0x3FFD];
	_ =	sdelay $0x3  }
0x98: {  	_ =	strace s5  }
0x99: {  	_ =	strace $0x8FFFFFFF  }
0x9a: {  	s19 =	sld [smem:$0x3FDB];
	_ =	sdelay $0x1  }
0x9b: {  	s6 =	simm.s32 $_scs_section_size  }
0x9c: {  	s7 =	simm.s32 $_size__tile_overlayer_lowered;
	s8 =	simm.s32 $_tile_overlayer_lowered  }
0x9d: {  	s22 =	simm.s32 $0x1BFF;
	s21 =	sshll.u32 s8, $0x1;
	s5 =	sadd.s32 s6, s19  }
0x9e: {  	s9 =	simm.s32 $0x0;
	s20 =	sshll.u32 s7, $0x1;
	s7 =	sadd.s32 s21, s5  }
0x9f: {  	[timem:s9], [sflag:s22] =	dma.local [hbm:s7], s20  }
0xa0: {  	_ =	swait.ge [sflag:s22], s20  }
0xa1: {  	s6 =	ssub.s32 $0x0, s20;
	[sflag:s22] =	ssyncset.done $0x0  }
0xa2: {  	[sflag:s22] =	ssyncadd.s32 s6;
	_ =	sdelay $0x1  }
0xa3: {  	s23 =	simm.s32 $0x1B8B  }
0xa4: {  	_ =	swait.ge [sflag:s23], $0x1  }
0xa5: {  	[sflag:s23] =	ssyncset.done $0x0  }
0xa6: {  	s25 =	simm.s32 $0x1B8E;
	s24 =	sld [smem:$0x3FFE];
	[sflag:s23] =	ssyncadd.s32 $0xFFFFFFFF  }
0xa7: {  	s26 =	simm.s32 $execute0_lowered;
	[smem:$0x3FD2] =	sst s25  }
0xa8: {  	s7 =	sshll.u32 s26, $0x1;
	_ =	strace $0x80000046;
	[dreg:$0x1] =	wrdreg $0xFFFFFFFF  }
0xa9: {  	s28 =	simm.s32 $_size_execute0_lowered;
	s5 =	sadd.s32 s5, s7;
	[dreg:$0x0] =	wrdreg $0x0  }
0xaa: {  	s7 =	sshll.u32 s28, $0x1;
	[dreg:$0x2] =	wrdreg s5  }
0xab: {  	[dreg:$0x3] =	wrdreg s7  }
0xac: {  	[dreg:$0x4] =	wrdreg $0xC0  }
0xad: {  	_ =	task [dreg:s9], $0x5FFFF  }
0xae: {  	[dreg:$0x1] =	wrdreg $0xFFFFFFFF  }
0xaf: {  	[dreg:$0x0] =	wrdreg $0x60  }
0xb0: {  	[dreg:$0x2] =	wrdreg s24  }
0xb1: {  	[dreg:$0x3] =	wrdreg s2  }
0xb2: {  	[dreg:$0x4] =	wrdreg s18  }
0xb3: {  	[dreg:$0x5] =	wrdreg s4  }
0xb4: {  	[dreg:$0x6] =	wrdreg $0x9  }
0xb5: {  	_ =	task.clear_ibuf [dreg:s9], $0x7FFFF;
	_ =	strace $0x90000046  }
0xb6: {  	s29 =	simm.s32 $0x9;
	_ =	strace $0x80000048  }
0xb7: {  	_ =	swait.ge [sflag:s29], $0x1  }
0xb8: {  	[sflag:s29] =	ssyncadd.s32 $0xFFFFFFFF  }
0xb9: {  	_ =	strace $0x90000048  }
0xba: {  	_ =	sfence  }
0xbb: {  	s30 =	sld [smem:$0x0];
	_ =	sdelay $0x2  }
0xbc: {  	s31 =	sshll.u32 s1, $0xD;
	s1 =	sshrl.u32 s1, $0x2  }
0xbd: {  	s3 =	sand.u32 $0x4000, s31;
	s1 =	sadd.s32 s1, s30  }
0xbe: {  	s0 =	sor.u32 s3, s0;
	s1 =	sshll.u32 s1, $0x11  }
0xbf: {  	s0 =	sor.u32 s1, s0  }
0xc0: {  	s0 =	sadd.s32 $0x8F2B, s0  }
0xc1: {  	[sflag:s0] =	ssyncadd.remote.s32 $0x1  }
0xc2: {  	_ =	sfence.sel $0xFFFF  }
0xc3: {  	[dreg:$0x0] =	wrdreg $0xFFFFFFFF;
	(pc) =	sbr.abs _section_cstart, $3  }
0xc4: {  	[dreg:$0x1] =	wrdreg $0xFFFFFFFF  }
0xc5: {  	_ =	task.clear_ibuf [dreg:s9], $0x2FFFF;
	_ =	strace $0x9FFFFFFF  }
0xc6: {  	(tm) =	ssettm $0x7FFFFFFF  }
0xc7: {  	_ =	shalt  }
tec
execute0_lowered:
.L_overlay_start_1:
0x0: {  	(tag) =	ssettag $0x1  }
0x1: {  	s0 =	rddreg [dreg:$0x0]  }
0x2: {  	s2 =	rddreg [dreg:$0x1]  }
0x3: {  	s1 =	rddreg [dreg:$0x2]  }
0x4: {  	s3 =	rddreg [dreg:$0x3]  }
0x5: {  	s4 =	srdreg.scid;
	s6 =	stileid.u32  }
0x6: {  	s16 =	simm.s32 $0xF;
	s17 =	simm.s32 $0x10;
	s18 =	simm.s32 $0x11  }
0x7: {  	s19 =	simm.s32 $0x6;
	s20 =	simm.s32 $0x7;
	s21 =	simm.s32 $0x8  }
0x8: {  	s22 =	simm.s32 $0x9;
	s23 =	simm.s32 $0xA;
	s24 =	simm.s32 $0xB  }
0x9: {  	s25 =	simm.s32 $0xC;
	s26 =	simm.s32 $0xD;
	s28 =	simm.s32 $0x0  }
0xa: {  	s5 =	sand.u32 $0x1, s4;
	s6 =	sshll.u32 s6, $0x1;
	s4 =	simm.s32 $0x0  }
0xb: {  	s9 =	sadd.s32 $0x300, s2;
	s11 =	sadd.s32 $0x100000, s3;
	s12 =	sadd.s32 $0x200000, s3  }
0xc: {  	s13 =	sadd.s32 $0x300000, s3;
	s6 =	sor.u32 s5, s6;
	s5 =	ssub.s32 $0x2, s5  }
0xd: {  	[smem:$0x7FF] =	sst s4;
	s7 =	sshll.u32 s6, $0x9;
	s8 =	sshrl.u32 s5, $0x1  }
0xe: {  	_ =	strace $0x80000047;
	s0 =	sadd.s32 s7, s0;
	s14 =	ssub.s32 s5, s8  }
0xf: {  	v2 =	vlaneseq.u32;
	s5 =	sshll.u32 s6, $0xF;
	s7 =	sadd.s32 $0x100, s2;
	s0 =	sadd.s32 $0x400, s0  }
0x10: {  	vm0 =	vmmov $0xffff;
	v1 =	vshrl.u32 v2, $0x3;
	s8 =	sadd.s32 $0x200, s2;
	s31 =	smax.u32 s14, $0x1;
	[dreg:$0x5] =	wrdreg s0  }
0x11: {  	v0 =	vand.u32 $0x7, v2;
	v2 =	vor.u32 $0x8, v2;
	v1 =	vmul.u32 $0x8, v1;
	s10 =	sadd.s32 s1, s5;
	s1 =	simm.s32 $0xE;
	[dreg:$0x6] =	wrdreg s31  }
.LBB2_1:
0x12: {  	s0 =	rddreg [dreg:$0x5];
	s14 =	simm.s32 $0x12  }
0x13: {  	[tilespmem:s4], [sflag:$0x12] =	stream.linear.gather [hbm4b:s0+s4], $0x1000, $0x38;
	[tilespmem:$0x1D000] =	vst v63  }
0x14: {  	_ =	swait.ge [sflag:s14], $0x1000  }
0x15: {  	[sflag:s14] =	ssyncset.done $0x0  }
0x16: {  	[sflag:s14] =	ssyncadd.s32 $0xFFFFF000  }
0x17: {  	v3 =	vld [tilespmem:$0x0];
	_ =	sdelay $0x4  }
0x18: {  	v4 =	vshll.u32 v3, $0x3  }
0x19: {  	v3 =	vand.u32 $0x7, v3;
	v4 =	vand.u32 $0xFFFFFFC0, v4  }
0x1a: {  	v3 =	vor.u32 v3, v4  }
0x1b: {  	v4 =	vperm.xlane v3, v0;
	_ =	sdelay $0x1  }
0x1c: {  	v4 =	vadd.s32 v1, v4;
	_ =	sdelay $0x3  }
0x1d: {  	s15 =	simm.s32 $0x1000  }
0x1e: {  	[tilespmem:s15], [sflag:$0x1] =	stream.indirect_vreg.gather [hbm4b:s2+s4], $0x80, v4, vm0, $0xb8;
	[tilespmem:$0x1D000] =	vst v63  }
0x1f: {  	s30 =	simm.s32 $0x1800;
	v3 =	vperm.xlane v3, v2  }
0x20: {  	[tilespmem:s30], [sflag:$0x1] =	stream.indirect_vreg.gather [hbm4b:s7+s4], $0x80, v4, vm0, $0xb8;
	[tilespmem:$0x1D000] =	vst v63  }
0x21: {  	s31 =	simm.s32 $0x2000;
	v3 =	vadd.s32 v1, v3  }
0x22: {  	[tilespmem:s31], [sflag:$0x1] =	stream.indirect_vreg.gather [hbm4b:s8+s4], $0x80, v4, vm0, $0xb8;
	[tilespmem:$0x1D000] =	vst v63  }
0x23: {  	s6 =	simm.s32 $0x2800  }
0x24: {  	[tilespmem:s6], [sflag:$0x1] =	stream.indirect_vreg.gather [hbm4b:s9+s4], $0x80, v4, vm0, $0xb8;
	[tilespmem:$0x1D000] =	vst v63  }
0x25: {  	s14 =	simm.s32 $0x3000  }
0x26: {  	[tilespmem:s14], [sflag:$0x1] =	stream.indirect_vreg.gather [hbm4b:s2+s4], $0x80, v3, vm0, $0xb8;
	[tilespmem:$0x1D000] =	vst v63  }
0x27: {  	s15 =	simm.s32 $0x3800  }
0x28: {  	[tilespmem:s15], [sflag:$0x1] =	stream.indirect_vreg.gather [hbm4b:s7+s4], $0x80, v3, vm0, $0xb8;
	[tilespmem:$0x1D000] =	vst v63  }
0x29: {  	s30 =	simm.s32 $0x4000  }
0x2a: {  	[tilespmem:s30], [sflag:$0x1] =	stream.indirect_vreg.gather [hbm4b:s8+s4], $0x80, v3, vm0, $0xb8;
	[tilespmem:$0x1D000] =	vst v63  }
0x2b: {  	s31 =	simm.s32 $0x4800  }
0x2c: {  	[tilespmem:s31], [sflag:$0x1] =	stream.indirect_vreg.gather [hbm4b:s9+s4], $0x80, v3, vm0, $0xb8;
	[tilespmem:$0x1D000] =	vst v63  }
0x2d: {  	v3 =	vld [tilespmem:$0x10];
	_ =	sdelay $0x4  }
0x2e: {  	v61 =	vshll.u32 v3, $0x3  }
0x2f: {  	v3 =	vand.u32 $0x7, v3;
	v4 =	vand.u32 $0xFFFFFFC0, v61  }
0x30: {  	v3 =	vor.u32 v3, v4  }
0x31: {  	v4 =	vperm.xlane v3, v0;
	_ =	sdelay $0x1  }
0x32: {  	v4 =	vadd.s32 v1, v4;
	_ =	sdelay $0x3  }
0x33: {  	s6 =	simm.s32 $0x5000  }
0x34: {  	[tilespmem:s6], [sflag:$0x1] =	stream.indirect_vreg.gather [hbm4b:s2+s4], $0x80, v4, vm0, $0xb8;
	[tilespmem:$0x1D000] =	vst v63  }
0x35: {  	s14 =	simm.s32 $0x5800;
	v3 =	vperm.xlane v3, v2  }
0x36: {  	[tilespmem:s14], [sflag:$0x1] =	stream.indirect_vreg.gather [hbm4b:s7+s4], $0x80, v4, vm0, $0xb8;
	[tilespmem:$0x1D000] =	vst v63  }
0x37: {  	s15 =	simm.s32 $0x6000;
	v3 =	vadd.s32 v1, v3  }
0x38: {  	[tilespmem:s15], [sflag:$0x1] =	stream.indirect_vreg.gather [hbm4b:s8+s4], $0x80, v4, vm0, $0xb8;
	[tilespmem:$0x1D000] =	vst v63  }
0x39: {  	s30 =	simm.s32 $0x6800  }
0x3a: {  	[tilespmem:s30], [sflag:$0x1] =	stream.indirect_vreg.gather [hbm4b:s9+s4], $0x80, v4, vm0, $0xb8;
	[tilespmem:$0x1D000] =	vst v63  }
0x3b: {  	s31 =	simm.s32 $0x7000  }
0x3c: {  	[tilespmem:s31], [sflag:$0x1] =	stream.indirect_vreg.gather [hbm4b:s2+s4], $0x80, v3, vm0, $0xb8;
	[tilespmem:$0x1D000] =	vst v63  }
0x3d: {  	s6 =	simm.s32 $0x7800  }
0x3e: {  	[tilespmem:s6], [sflag:$0x1] =	stream.indirect_vreg.gather [hbm4b:s7+s4], $0x80, v3, vm0, $0xb8;
	[tilespmem:$0x1D000] =	vst v63  }
0x3f: {  	s14 =	simm.s32 $0x8000  }
0x40: {  	[tilespmem:s14], [sflag:$0x1] =	stream.indirect_vreg.gather [hbm4b:s8+s4], $0x80, v3, vm0, $0xb8;
	[tilespmem:$0x1D000] =	vst v63  }
0x41: {  	s15 =	simm.s32 $0x8800  }
0x42: {  	[tilespmem:s15], [sflag:$0x1] =	stream.indirect_vreg.gather [hbm4b:s9+s4], $0x80, v3, vm0, $0xb8;
	[tilespmem:$0x1D000] =	vst v63  }
0x43: {  	v3 =	vld [tilespmem:$0x80];
	_ =	sdelay $0x4  }
0x44: {  	v62 =	vshll.u32 v3, $0x3  }
0x45: {  	v3 =	vand.u32 $0x7, v3;
	v4 =	vand.u32 $0xFFFFFFC0, v62  }
0x46: {  	v3 =	vor.u32 v3, v4  }
0x47: {  	v4 =	vperm.xlane v3, v0;
	_ =	sdelay $0x1  }
0x48: {  	v4 =	vadd.s32 v1, v4;
	_ =	sdelay $0x3  }
0x49: {  	s30 =	simm.s32 $0x9000  }
0x4a: {  	[tilespmem:s30], [sflag:$0x2] =	stream.indirect_vreg.gather [hbm4b:s2+s4], $0x80, v4, vm0, $0xb8;
	[tilespmem:$0x1D000] =	vst v63  }
0x4b: {  	s31 =	simm.s32 $0x9800;
	v3 =	vperm.xlane v3, v2  }
0x4c: {  	[tilespmem:s31], [sflag:$0x2] =	stream.indirect_vreg.gather [hbm4b:s7+s4], $0x80, v4, vm0, $0xb8;
	[tilespmem:$0x1D000] =	vst v63  }
0x4d: {  	s6 =	simm.s32 $0xA000;
	v3 =	vadd.s32 v1, v3  }
0x4e: {  	[tilespmem:s6], [sflag:$0x2] =	stream.indirect_vreg.gather [hbm4b:s8+s4], $0x80, v4, vm0, $0xb8;
	[tilespmem:$0x1D000] =	vst v63  }
0x4f: {  	s14 =	simm.s32 $0xA800  }
0x50: {  	[tilespmem:s14], [sflag:$0x2] =	stream.indirect_vreg.gather [hbm4b:s9+s4], $0x80, v4, vm0, $0xb8;
	[tilespmem:$0x1D000] =	vst v63  }
0x51: {  	s15 =	simm.s32 $0xB000  }
0x52: {  	[tilespmem:s15], [sflag:$0x2] =	stream.indirect_vreg.gather [hbm4b:s2+s4], $0x80, v3, vm0, $0xb8;
	[tilespmem:$0x1D000] =	vst v63  }
0x53: {  	s30 =	simm.s32 $0xB800  }
0x54: {  	[tilespmem:s30], [sflag:$0x2] =	stream.indirect_vreg.gather [hbm4b:s7+s4], $0x80, v3, vm0, $0xb8;
	[tilespmem:$0x1D000] =	vst v63  }
0x55: {  	s31 =	simm.s32 $0xC000  }
0x56: {  	[tilespmem:s31], [sflag:$0x2] =	stream.indirect_vreg.gather [hbm4b:s8+s4], $0x80, v3, vm0, $0xb8;
	[tilespmem:$0x1D000] =	vst v63  }
0x57: {  	s6 =	simm.s32 $0xC800  }
0x58: {  	[tilespmem:s6], [sflag:$0x2] =	stream.indirect_vreg.gather [hbm4b:s9+s4], $0x80, v3, vm0, $0xb8;
	[tilespmem:$0x1D000] =	vst v63  }
0x59: {  	v3 =	vld [tilespmem:$0x90];
	_ =	sdelay $0x4  }
0x5a: {  	v63 =	vshll.u32 v3, $0x3  }
0x5b: {  	v3 =	vand.u32 $0x7, v3;
	v4 =	vand.u32 $0xFFFFFFC0, v63  }
0x5c: {  	v3 =	vor.u32 v3, v4  }
0x5d: {  	v4 =	vperm.xlane v3, v0;
	_ =	sdelay $0x1  }
0x5e: {  	v4 =	vadd.s32 v1, v4;
	_ =	sdelay $0x3  }
0x5f: {  	s14 =	simm.s32 $0xD000  }
0x60: {  	[tilespmem:s14], [sflag:$0x2] =	stream.indirect_vreg.gather [hbm4b:s2+s4], $0x80, v4, vm0, $0xb8;
	[tilespmem:$0x1D000] =	vst v63  }
0x61: {  	s15 =	simm.s32 $0xD800;
	v3 =	vperm.xlane v3, v2  }
0x62: {  	[tilespmem:s15], [sflag:$0x2] =	stream.indirect_vreg.gather [hbm4b:s7+s4], $0x80, v4, vm0, $0xb8;
	[tilespmem:$0x1D000] =	vst v63  }
0x63: {  	s30 =	simm.s32 $0xE000;
	v3 =	vadd.s32 v1, v3  }
0x64: {  	[tilespmem:s30], [sflag:$0x2] =	stream.indirect_vreg.gather [hbm4b:s8+s4], $0x80, v4, vm0, $0xb8;
	[tilespmem:$0x1D000] =	vst v63  }
0x65: {  	s31 =	simm.s32 $0xE800  }
0x66: {  	[tilespmem:s31], [sflag:$0x2] =	stream.indirect_vreg.gather [hbm4b:s9+s4], $0x80, v4, vm0, $0xb8;
	[tilespmem:$0x1D000] =	vst v63  }
0x67: {  	s6 =	simm.s32 $0xF000  }
0x68: {  	[tilespmem:s6], [sflag:$0x2] =	stream.indirect_vreg.gather [hbm4b:s2+s4], $0x80, v3, vm0, $0xb8;
	[tilespmem:$0x1D000] =	vst v63  }
0x69: {  	s14 =	simm.s32 $0xF800  }
0x6a: {  	[tilespmem:s14], [sflag:$0x2] =	stream.indirect_vreg.gather [hbm4b:s7+s4], $0x80, v3, vm0, $0xb8;
	[tilespmem:$0x1D000] =	vst v63  }
0x6b: {  	s15 =	simm.s32 $0x10000  }
0x6c: {  	[tilespmem:s15], [sflag:$0x2] =	stream.indirect_vreg.gather [hbm4b:s8+s4], $0x80, v3, vm0, $0xb8;
	[tilespmem:$0x1D000] =	vst v63  }
0x6d: {  	s30 =	simm.s32 $0x10800  }
0x6e: {  	[tilespmem:s30], [sflag:$0x2] =	stream.indirect_vreg.gather [hbm4b:s9+s4], $0x80, v3, vm0, $0xb8;
	[tilespmem:$0x1D000] =	vst v63  }
0x6f: {  	s29 =	simm.s32 $0x0;
	s31 =	simm.s32 $0x19000  }
0x70: {  	[tilespmem:s31], [sflag:$0x4] =	stream.linear.gather [hbm4b:s10+s4], $0x2000, $0x38;
	[tilespmem:$0x1D000] =	vst v63  }
.LBB2_2:
0x71: {  	s0 =	smul.u32 $0xAB, s29;
	_ =	sdelay $0x1  }
0x72: {  	s15 =	sadd.s32 $0xFFFFFFFF, s29;
	s6 =	sadd.s32 $0x156, s0  }
0x73: {  	p0 =	sgt.u32 s15, $0x1C;
	s6 =	sshrl.u32 s6, $0x9  }
.Ltmp0:
0x74: {  	s6 =	sand.u32 $0x7F, s6;
	(pc) =	sbr.rel @p0 .LBB2_4-.Ltmp0, $4  }
0x75: {  	s6 =	smul.u32 $0x3, s6  }
0x76: {  	s14 =	sadd.s32 $0x2, s29  }
0x77: {  	s6 =	ssub.s32 s14, s6  }
0x78: {  	s6 =	sand.u32 $0xFF, s6  }
0x79: {  	s15 =	sshll.u32 s6, $0x2  }
0x7a: {  	s30 =	sadd.s32 $0x6, s15  }
0x7b: {  	_ =	swait.ge [sflag:s30], $0x2000  }
0x7c: {  	[sflag:s30] =	ssyncset.done $0x0  }
0x7d: {  	s31 =	sadd.s32 $0x7, s15;
	[sflag:s30] =	ssyncadd.s32 $0xFFFFE000  }
0x7e: {  	_ =	swait.ge [sflag:s31], $0x2000  }
0x7f: {  	[sflag:s31] =	ssyncset.done $0x0  }
0x80: {  	[sflag:s31] =	ssyncadd.s32 $0xFFFFE000;
	s31 =	sadd.s32 $0x8, s15  }
0x81: {  	_ =	swait.ge [sflag:s31], $0x2000  }
0x82: {  	[sflag:s31] =	ssyncset.done $0x0  }
0x83: {  	s15 =	sadd.s32 $0x9, s15;
	[sflag:s31] =	ssyncadd.s32 $0xFFFFE000  }
0x84: {  	_ =	swait.ge [sflag:s15], $0x2000  }
0x85: {  	s14 =	sshll.u32 s14, $0x7;
	[sflag:s15] =	ssyncset.done $0x0  }
0x86: {  	s14 =	sand.u32 $0x3FFFFF80, s14;
	[sflag:s15] =	ssyncadd.s32 $0xFFFFE000  }
0x87: {  	v3 =	vld [tilespmem:s14+$0x0];
	_ =	sdelay $0x4  }
0x88: {  	v4 =	vshll.u32 v3, $0x3  }
0x89: {  	v3 =	vand.u32 $0x7, v3;
	v4 =	vand.u32 $0xFFFFFFC0, v4  }
0x8a: {  	v3 =	vor.u32 v3, v4  }
0x8b: {  	v4 =	vperm.xlane v3, v0;
	_ =	sdelay $0x1  }
0x8c: {  	v4 =	vadd.s32 v1, v4;
	_ =	sdelay $0x2  }
0x8d: {  	s15 =	sshll.u32 s6, $0xF  }
0x8e: {  	s31 =	sadd.s32 $0x1, s6;
	s30 =	sor.u32 $0x1000, s15  }
0x8f: {  	[tilespmem:s30], [sflag:s31] =	stream.indirect_vreg.gather [hbm4b:s2+s4], $0x80, v4, vm0, $0xb8;
	[tilespmem:$0x1D000] =	vst v63  }
0x90: {  	v3 =	vperm.xlane v3, v2;
	s30 =	sor.u32 $0x1800, s15  }
0x91: {  	[tilespmem:s30], [sflag:s31] =	stream.indirect_vreg.gather [hbm4b:s7+s4], $0x80, v4, vm0, $0xb8;
	[tilespmem:$0x1D000] =	vst v63  }
0x92: {  	v3 =	vadd.s32 v1, v3;
	s30 =	sor.u32 $0x2000, s15  }
0x93: {  	[tilespmem:s30], [sflag:s31] =	stream.indirect_vreg.gather [hbm4b:s8+s4], $0x80, v4, vm0, $0xb8;
	[tilespmem:$0x1D000] =	vst v63  }
0x94: {  	s30 =	sor.u32 $0x2800, s15  }
0x95: {  	[tilespmem:s30], [sflag:s31] =	stream.indirect_vreg.gather [hbm4b:s9+s4], $0x80, v4, vm0, $0xb8;
	[tilespmem:$0x1D000] =	vst v63  }
0x96: {  	s30 =	sor.u32 $0x3000, s15  }
0x97: {  	[tilespmem:s30], [sflag:s31] =	stream.indirect_vreg.gather [hbm4b:s2+s4], $0x80, v3, vm0, $0xb8;
	[tilespmem:$0x1D000] =	vst v63  }
0x98: {  	s30 =	sor.u32 $0x3800, s15  }
0x99: {  	[tilespmem:s30], [sflag:s31] =	stream.indirect_vreg.gather [hbm4b:s7+s4], $0x80, v3, vm0, $0xb8;
	[tilespmem:$0x1D000] =	vst v63  }
0x9a: {  	s30 =	sor.u32 $0x4000, s15  }
0x9b: {  	[tilespmem:s30], [sflag:s31] =	stream.indirect_vreg.gather [hbm4b:s8+s4], $0x80, v3, vm0, $0xb8;
	[tilespmem:$0x1D000] =	vst v63  }
0x9c: {  	s30 =	sor.u32 $0x4800, s15  }
0x9d: {  	[tilespmem:s30], [sflag:s31] =	stream.indirect_vreg.gather [hbm4b:s9+s4], $0x80, v3, vm0, $0xb8;
	[tilespmem:$0x1D000] =	vst v63  }
0x9e: {  	v3 =	vld [tilespmem:s14+$0x10];
	_ =	sdelay $0x4  }
0x9f: {  	v63 =	vshll.u32 v3, $0x3  }
0xa0: {  	v3 =	vand.u32 $0x7, v3;
	v4 =	vand.u32 $0xFFFFFFC0, v63  }
0xa1: {  	v3 =	vor.u32 v3, v4  }
0xa2: {  	v4 =	vperm.xlane v3, v0;
	_ =	sdelay $0x1  }
0xa3: {  	v4 =	vadd.s32 v1, v4;
	_ =	sdelay $0x3  }
0xa4: {  	s30 =	sor.u32 $0x5000, s15  }
0xa5: {  	[tilespmem:s30], [sflag:s31] =	stream.indirect_vreg.gather [hbm4b:s2+s4], $0x80, v4, vm0, $0xb8;
	[tilespmem:$0x1D000] =	vst v63  }
0xa6: {  	v3 =	vperm.xlane v3, v2;
	s30 =	sor.u32 $0x5800, s15  }
0xa7: {  	[tilespmem:s30], [sflag:s31] =	stream.indirect_vreg.gather [hbm4b:s7+s4], $0x80, v4, vm0, $0xb8;
	[tilespmem:$0x1D000] =	vst v63  }
0xa8: {  	v3 =	vadd.s32 v1, v3;
	s30 =	sor.u32 $0x6000, s15  }
0xa9: {  	[tilespmem:s30], [sflag:s31] =	stream.indirect_vreg.gather [hbm4b:s8+s4], $0x80, v4, vm0, $0xb8;
	[tilespmem:$0x1D000] =	vst v63  }
0xaa: {  	s30 =	sor.u32 $0x6800, s15  }
0xab: {  	[tilespmem:s30], [sflag:s31] =	stream.indirect_vreg.gather [hbm4b:s9+s4], $0x80, v4, vm0, $0xb8;
	[tilespmem:$0x1D000] =	vst v63  }
0xac: {  	s30 =	sor.u32 $0x7000, s15  }
0xad: {  	[tilespmem:s30], [sflag:s31] =	stream.indirect_vreg.gather [hbm4b:s2+s4], $0x80, v3, vm0, $0xb8;
	[tilespmem:$0x1D000] =	vst v63  }
0xae: {  	s30 =	sor.u32 $0x7800, s15  }
0xaf: {  	[tilespmem:s30], [sflag:s31] =	stream.indirect_vreg.gather [hbm4b:s7+s4], $0x80, v3, vm0, $0xb8;
	[tilespmem:$0x1D000] =	vst v63  }
0xb0: {  	s30 =	sadd.s32 $0x8000, s15  }
0xb1: {  	[tilespmem:s30], [sflag:s31] =	stream.indirect_vreg.gather [hbm4b:s8+s4], $0x80, v3, vm0, $0xb8;
	[tilespmem:$0x1D000] =	vst v63  }
0xb2: {  	s30 =	sadd.s32 $0x8800, s15  }
0xb3: {  	[tilespmem:s30], [sflag:s31] =	stream.indirect_vreg.gather [hbm4b:s9+s4], $0x80, v3, vm0, $0xb8;
	[tilespmem:$0x1D000] =	vst v63  }
.LBB2_4:
0xb4: {  	p0 =	seq.s32 s29, $0x1F  }
.Ltmp1:
0xb5: {  	_ = 	snop;
	(pc) =	sbr.rel @p0 .LBB2_6-.Ltmp1, $1  }
0xb6: {  	_ =	sdelay $0x3  }
0xb7: {  	p0 =	sne.s32 s29, $0x0  }
0xb8: {  	v3 =	vld @!p0 [tilespmem:$0x100];
	_ =	sdelay $0x4  }
0xb9: {  	v4 =	vshll.u32 @!p0 v3, $0x3  }
0xba: {  	v5 =	vlaneseq.u32 @!p0;
	v3 =	vand.u32 @!p0 $0x7, v3;
	v4 =	vand.u32 @!p0 $0xFFFFFFC0, v4  }
0xbb: {  	v6 =	vshrl.u32 @!p0 v5, $0x3;
	v3 =	vor.u32 @!p0 v3, v4;
	v4 =	vand.u32 @!p0 $0x7, v5  }
0xbc: {  	v6 =	vmul.u32 @!p0 $0x8, v6;
	v7 =	vperm.xlane @!p0 v3, v4;
	_ =	sdelay $0x1  }
0xbd: {  	v7 =	vadd.s32 @!p0 v6, v7;
	_ =	sdelay $0x2  }
0xbe: {  	s14 =	sshll.u32 @!p0 s6, $0xF  }
0xbf: {  	s6 =	sadd.s32 @!p0 $0x1, s6;
	vm1 =	vmmov @!p0 $0xffff;
	s30 =	simm.s32 @!p0 $0x0;
	s15 =	sor.u32 @!p0 $0x1000, s14  }
0xc0: {  	v5 =	vor.u32 @!p0 $0x8, v5;
	[tilespmem:s15], [sflag:s6] =	stream.indirect_vreg.gather @!p0 [hbm4b:s2+s30], $0x80, v7, vm1, $0xb8;
	[tilespmem:$0x1D000] =	vst v63  }
0xc1: {  	v3 =	vperm.xlane @!p0 v3, v5;
	s15 =	sor.u32 @!p0 $0x1800, s14  }
0xc2: {  	[tilespmem:s15], [sflag:s6] =	stream.indirect_vreg.gather @!p0 [hbm4b:s7+s30], $0x80, v7, vm1, $0xb8;
	[tilespmem:$0x1D000] =	vst v63  }
0xc3: {  	v3 =	vadd.s32 @!p0 v6, v3;
	s15 =	sor.u32 @!p0 $0x2000, s14  }
0xc4: {  	[tilespmem:s15], [sflag:s6] =	stream.indirect_vreg.gather @!p0 [hbm4b:s8+s30], $0x80, v7, vm1, $0xb8;
	[tilespmem:$0x1D000] =	vst v63  }
0xc5: {  	s15 =	sor.u32 @!p0 $0x2800, s14  }
0xc6: {  	[tilespmem:s15], [sflag:s6] =	stream.indirect_vreg.gather @!p0 [hbm4b:s9+s30], $0x80, v7, vm1, $0xb8;
	[tilespmem:$0x1D000] =	vst v63  }
0xc7: {  	s15 =	sor.u32 @!p0 $0x3000, s14  }
0xc8: {  	[tilespmem:s15], [sflag:s6] =	stream.indirect_vreg.gather @!p0 [hbm4b:s2+s30], $0x80, v3, vm1, $0xb8;
	[tilespmem:$0x1D000] =	vst v63  }
0xc9: {  	s15 =	sor.u32 @!p0 $0x3800, s14  }
0xca: {  	[tilespmem:s15], [sflag:s6] =	stream.indirect_vreg.gather @!p0 [hbm4b:s7+s30], $0x80, v3, vm1, $0xb8;
	[tilespmem:$0x1D000] =	vst v63  }
0xcb: {  	s15 =	sor.u32 @!p0 $0x4000, s14  }
0xcc: {  	[tilespmem:s15], [sflag:s6] =	stream.indirect_vreg.gather @!p0 [hbm4b:s8+s30], $0x80, v3, vm1, $0xb8;
	[tilespmem:$0x1D000] =	vst v63  }
0xcd: {  	s15 =	sor.u32 @!p0 $0x4800, s14  }
0xce: {  	[tilespmem:s15], [sflag:s6] =	stream.indirect_vreg.gather @!p0 [hbm4b:s9+s30], $0x80, v3, vm1, $0xb8;
	[tilespmem:$0x1D000] =	vst v63  }
0xcf: {  	v3 =	vld @!p0 [tilespmem:$0x110];
	_ =	sdelay $0x4  }
0xd0: {  	v7 =	vshll.u32 @!p0 v3, $0x3  }
0xd1: {  	v3 =	vand.u32 @!p0 $0x7, v3;
	v7 =	vand.u32 @!p0 $0xFFFFFFC0, v7  }
0xd2: {  	v3 =	vor.u32 @!p0 v3, v7  }
0xd3: {  	v4 =	vperm.xlane @!p0 v3, v4;
	_ =	sdelay $0x1  }
0xd4: {  	v4 =	vadd.s32 @!p0 v6, v4;
	_ =	sdelay $0x3  }
0xd5: {  	s15 =	sor.u32 @!p0 $0x5000, s14  }
0xd6: {  	[tilespmem:s15], [sflag:s6] =	stream.indirect_vreg.gather @!p0 [hbm4b:s2+s30], $0x80, v4, vm1, $0xb8;
	[tilespmem:$0x1D000] =	vst v63  }
0xd7: {  	v3 =	vperm.xlane @!p0 v3, v5;
	s15 =	sor.u32 @!p0 $0x5800, s14  }
0xd8: {  	[tilespmem:s15], [sflag:s6] =	stream.indirect_vreg.gather @!p0 [hbm4b:s7+s30], $0x80, v4, vm1, $0xb8;
	[tilespmem:$0x1D000] =	vst v63  }
0xd9: {  	v3 =	vadd.s32 @!p0 v6, v3;
	s15 =	sor.u32 @!p0 $0x6000, s14  }
0xda: {  	[tilespmem:s15], [sflag:s6] =	stream.indirect_vreg.gather @!p0 [hbm4b:s8+s30], $0x80, v4, vm1, $0xb8;
	[tilespmem:$0x1D000] =	vst v63  }
0xdb: {  	s15 =	sor.u32 @!p0 $0x6800, s14  }
0xdc: {  	[tilespmem:s15], [sflag:s6] =	stream.indirect_vreg.gather @!p0 [hbm4b:s9+s30], $0x80, v4, vm1, $0xb8;
	[tilespmem:$0x1D000] =	vst v63  }
0xdd: {  	s15 =	sor.u32 @!p0 $0x7000, s14  }
0xde: {  	[tilespmem:s15], [sflag:s6] =	stream.indirect_vreg.gather @!p0 [hbm4b:s2+s30], $0x80, v3, vm1, $0xb8;
	[tilespmem:$0x1D000] =	vst v63  }
0xdf: {  	s15 =	sor.u32 @!p0 $0x7800, s14  }
0xe0: {  	[tilespmem:s15], [sflag:s6] =	stream.indirect_vreg.gather @!p0 [hbm4b:s7+s30], $0x80, v3, vm1, $0xb8;
	[tilespmem:$0x1D000] =	vst v63  }
0xe1: {  	s15 =	sadd.s32 @!p0 $0x8000, s14  }
0xe2: {  	[tilespmem:s15], [sflag:s6] =	stream.indirect_vreg.gather @!p0 [hbm4b:s8+s30], $0x80, v3, vm1, $0xb8;
	[tilespmem:$0x1D000] =	vst v63  }
0xe3: {  	s14 =	sadd.s32 @!p0 $0x8800, s14;
	s15 =	sadd.s32 $0x1, s29  }
0xe4: {  	[tilespmem:s14], [sflag:s6] =	stream.indirect_vreg.gather @!p0 [hbm4b:s9+s30], $0x80, v3, vm1, $0xb8;
	[tilespmem:$0x1D000] =	vst v63  }
0xe5: {  	s30 =	sand.u32 $0x1, s15  }
0xe6: {  	s6 =	sshll.u32 s15, $0xA;
	s31 =	sshll.u32 s30, $0xD  }
0xe7: {  	s14 =	sor.u32 $0x4, s30;
	s6 =	sadd.s32 s6, s10;
	s15 =	sor.u32 $0x19000, s31  }
0xe8: {  	[tilespmem:s15], [sflag:s14] =	stream.linear.gather [hbm4b:s6+s4], $0x2000, $0x38;
	[tilespmem:$0x1D000] =	vst v63  }
.LBB2_6:
0xe9: {  	s0 =	sshrl.u32 s0, $0x9  }
0xea: {  	s0 =	sand.u32 $0x7F, s0  }
0xeb: {  	s0 =	smul.u32 $0x3, s0;
	_ =	sdelay $0x1  }
0xec: {  	s0 =	ssub.s32 s29, s0  }
0xed: {  	s31 =	sand.u32 $0xFF, s0  }
0xee: {  	s6 =	sand.u32 $0x1, s29;
	s0 =	sadd.s32 $0x1, s31  }
0xef: {  	s15 =	sor.u32 $0x4, s6;
	s6 =	sshll.u32 s6, $0xD;
	_ =	swait.ge [sflag:s0], $0x8000  }
0xf0: {  	s14 =	sor.u32 $0x19000, s6;
	[sflag:s0] =	ssyncset.done $0x0  }
0xf1: {  	v3 =	vmov s14;
	[sflag:s0] =	ssyncadd.s32 $0xFFFF8000  }
0xf2: {  	_ =	swait.ge [sflag:s15], $0x2000  }
0xf3: {  	s30 =	sshll.u32 s31, $0xF;
	[sflag:s15] =	ssyncset.done $0x0  }
0xf4: {  	s6 =	simm.s32 $0x0;
	s0 =	sor.u32 $0x1000, s30;
	[sflag:s15] =	ssyncadd.s32 $0xFFFFE000  }
.LBB2_7:
0xf5: {  	s15 =	sshll.u32 s6, $0x7  }
0xf6: {  	v4 =	vld.idx.msk [tilespmem:v3+s15+$0x0 ss:$0x1], $0xffff  }
0xf7: {  	v5 =	vld.idx.msk [tilespmem:v3+s15+$0x10 ss:$0x1], $0xffff  }
0xf8: {  	v6 =	vld.idx.msk [tilespmem:v3+s15+$0x20 ss:$0x1], $0xffff  }
0xf9: {  	v7 =	vld.idx.msk [tilespmem:v3+s15+$0x30 ss:$0x1], $0xffff  }
0xfa: {  	v8 =	vld.idx.msk [tilespmem:v3+s15+$0x40 ss:$0x1], $0xffff  }
0xfb: {  	v9 =	vld.idx.msk [tilespmem:v3+s15+$0x50 ss:$0x1], $0xffff  }
0xfc: {  	v10 =	vld.idx.msk [tilespmem:v3+s15+$0x60 ss:$0x1], $0xffff  }
0xfd: {  	v11 =	vld.idx.msk [tilespmem:v3+s15+$0x70 ss:$0x1], $0xffff  }
0xfe: {  	v12 =	vld.idx.msk [tilespmem:v3+s15+$0x400 ss:$0x1], $0xffff  }
0xff: {  	v13 =	vld.idx.msk [tilespmem:v3+s15+$0x410 ss:$0x1], $0xffff  }
0x100: {  	v14 =	vld.idx.msk [tilespmem:v3+s15+$0x420 ss:$0x1], $0xffff  }
0x101: {  	v15 =	vld.idx.msk [tilespmem:v3+s15+$0x430 ss:$0x1], $0xffff  }
0x102: {  	v16 =	vld.idx.msk [tilespmem:v3+s15+$0x440 ss:$0x1], $0xffff  }
0x103: {  	v17 =	vld.idx.msk [tilespmem:v3+s15+$0x450 ss:$0x1], $0xffff  }
0x104: {  	v18 =	vld.idx.msk [tilespmem:v3+s15+$0x460 ss:$0x1], $0xffff  }
0x105: {  	v19 =	vld.idx.msk [tilespmem:v3+s15+$0x470 ss:$0x1], $0xffff;
	s14 =	sadd.s32 s15, s0  }
0x106: {  	[tilespmem:s14+$0x0] =	vst.add.f32.msk $0xffff, v4  }
0x107: {  	[tilespmem:s14+$0x10] =	vst.add.f32.msk $0xffff, v5  }
0x108: {  	[tilespmem:s14+$0x20] =	vst.add.f32.msk $0xffff, v6  }
0x109: {  	[tilespmem:s14+$0x30] =	vst.add.f32.msk $0xffff, v7  }
0x10a: {  	[tilespmem:s14+$0x40] =	vst.add.f32.msk $0xffff, v8  }
0x10b: {  	[tilespmem:s14+$0x50] =	vst.add.f32.msk $0xffff, v9  }
0x10c: {  	[tilespmem:s14+$0x60] =	vst.add.f32.msk $0xffff, v10  }
0x10d: {  	[tilespmem:s14+$0x70] =	vst.add.f32.msk $0xffff, v11  }
0x10e: {  	[tilespmem:s14+$0x400] =	vst.add.f32.msk $0xffff, v12  }
0x10f: {  	[tilespmem:s14+$0x410] =	vst.add.f32.msk $0xffff, v13  }
0x110: {  	[tilespmem:s14+$0x420] =	vst.add.f32.msk $0xffff, v14  }
0x111: {  	[tilespmem:s14+$0x430] =	vst.add.f32.msk $0xffff, v15  }
0x112: {  	[tilespmem:s14+$0x440] =	vst.add.f32.msk $0xffff, v16  }
0x113: {  	[tilespmem:s14+$0x450] =	vst.add.f32.msk $0xffff, v17  }
0x114: {  	[tilespmem:s14+$0x460] =	vst.add.f32.msk $0xffff, v18  }
0x115: {  	[tilespmem:s14+$0x470] =	vst.add.f32.msk $0xffff, v19  }
0x116: {  	[tilespmem:s14+$0x2000] =	vst.add.f32.msk $0xffff, v4  }
0x117: {  	[tilespmem:s14+$0x2010] =	vst.add.f32.msk $0xffff, v5  }
0x118: {  	[tilespmem:s14+$0x2020] =	vst.add.f32.msk $0xffff, v6  }
0x119: {  	[tilespmem:s14+$0x2030] =	vst.add.f32.msk $0xffff, v7  }
0x11a: {  	[tilespmem:s14+$0x2040] =	vst.add.f32.msk $0xffff, v8  }
0x11b: {  	[tilespmem:s14+$0x2050] =	vst.add.f32.msk $0xffff, v9  }
0x11c: {  	[tilespmem:s14+$0x2060] =	vst.add.f32.msk $0xffff, v10  }
0x11d: {  	[tilespmem:s14+$0x2070] =	vst.add.f32.msk $0xffff, v11  }
0x11e: {  	[tilespmem:s14+$0x2400] =	vst.add.f32.msk $0xffff, v12  }
0x11f: {  	[tilespmem:s14+$0x2410] =	vst.add.f32.msk $0xffff, v13  }
0x120: {  	[tilespmem:s14+$0x2420] =	vst.add.f32.msk $0xffff, v14  }
0x121: {  	[tilespmem:s14+$0x2430] =	vst.add.f32.msk $0xffff, v15  }
0x122: {  	[tilespmem:s14+$0x2440] =	vst.add.f32.msk $0xffff, v16  }
0x123: {  	[tilespmem:s14+$0x2450] =	vst.add.f32.msk $0xffff, v17  }
0x124: {  	[tilespmem:s14+$0x2460] =	vst.add.f32.msk $0xffff, v18  }
0x125: {  	[tilespmem:s14+$0x2470] =	vst.add.f32.msk $0xffff, v19  }
0x126: {  	[tilespmem:s14+$0x4000] =	vst.add.f32.msk $0xffff, v4  }
0x127: {  	[tilespmem:s14+$0x4010] =	vst.add.f32.msk $0xffff, v5  }
0x128: {  	[tilespmem:s14+$0x4020] =	vst.add.f32.msk $0xffff, v6  }
0x129: {  	[tilespmem:s14+$0x4030] =	vst.add.f32.msk $0xffff, v7  }
0x12a: {  	[tilespmem:s14+$0x4040] =	vst.add.f32.msk $0xffff, v8  }
0x12b: {  	[tilespmem:s14+$0x4050] =	vst.add.f32.msk $0xffff, v9  }
0x12c: {  	[tilespmem:s14+$0x4060] =	vst.add.f32.msk $0xffff, v10  }
0x12d: {  	[tilespmem:s14+$0x4070] =	vst.add.f32.msk $0xffff, v11  }
0x12e: {  	[tilespmem:s14+$0x4400] =	vst.add.f32.msk $0xffff, v12  }
0x12f: {  	[tilespmem:s14+$0x4410] =	vst.add.f32.msk $0xffff, v13  }
0x130: {  	[tilespmem:s14+$0x4420] =	vst.add.f32.msk $0xffff, v14  }
0x131: {  	[tilespmem:s14+$0x4430] =	vst.add.f32.msk $0xffff, v15  }
0x132: {  	[tilespmem:s14+$0x4440] =	vst.add.f32.msk $0xffff, v16  }
0x133: {  	[tilespmem:s14+$0x4450] =	vst.add.f32.msk $0xffff, v17  }
0x134: {  	[tilespmem:s14+$0x4460] =	vst.add.f32.msk $0xffff, v18  }
0x135: {  	[tilespmem:s14+$0x4470] =	vst.add.f32.msk $0xffff, v19  }
0x136: {  	[tilespmem:s14+$0x6000] =	vst.add.f32.msk $0xffff, v4  }
0x137: {  	[tilespmem:s14+$0x6010] =	vst.add.f32.msk $0xffff, v5  }
0x138: {  	[tilespmem:s14+$0x6020] =	vst.add.f32.msk $0xffff, v6  }
0x139: {  	[tilespmem:s14+$0x6030] =	vst.add.f32.msk $0xffff, v7  }
0x13a: {  	[tilespmem:s14+$0x6040] =	vst.add.f32.msk $0xffff, v8  }
0x13b: {  	[tilespmem:s14+$0x6050] =	vst.add.f32.msk $0xffff, v9  }
0x13c: {  	[tilespmem:s14+$0x6060] =	vst.add.f32.msk $0xffff, v10  }
0x13d: {  	[tilespmem:s14+$0x6070] =	vst.add.f32.msk $0xffff, v11  }
0x13e: {  	[tilespmem:s14+$0x6400] =	vst.add.f32.msk $0xffff, v12  }
0x13f: {  	[tilespmem:s14+$0x6410] =	vst.add.f32.msk $0xffff, v13  }
0x140: {  	[tilespmem:s14+$0x6420] =	vst.add.f32.msk $0xffff, v14  }
0x141: {  	[tilespmem:s14+$0x6430] =	vst.add.f32.msk $0xffff, v15  }
0x142: {  	[tilespmem:s14+$0x6440] =	vst.add.f32.msk $0xffff, v16  }
0x143: {  	[tilespmem:s14+$0x6450] =	vst.add.f32.msk $0xffff, v17  }
0x144: {  	[tilespmem:s14+$0x6460] =	vst.add.f32.msk $0xffff, v18  }
0x145: {  	[tilespmem:s14+$0x6470] =	vst.add.f32.msk $0xffff, v19  }
0x146: {  	v4 =	vld.idx.msk [tilespmem:v3+s15+$0x800 ss:$0x1], $0xffff  }
0x147: {  	v5 =	vld.idx.msk [tilespmem:v3+s15+$0x810 ss:$0x1], $0xffff  }
0x148: {  	v6 =	vld.idx.msk [tilespmem:v3+s15+$0x820 ss:$0x1], $0xffff  }
0x149: {  	v7 =	vld.idx.msk [tilespmem:v3+s15+$0x830 ss:$0x1], $0xffff  }
0x14a: {  	v8 =	vld.idx.msk [tilespmem:v3+s15+$0x840 ss:$0x1], $0xffff  }
0x14b: {  	v9 =	vld.idx.msk [tilespmem:v3+s15+$0x850 ss:$0x1], $0xffff  }
0x14c: {  	v10 =	vld.idx.msk [tilespmem:v3+s15+$0x860 ss:$0x1], $0xffff  }
0x14d: {  	v11 =	vld.idx.msk [tilespmem:v3+s15+$0x870 ss:$0x1], $0xffff  }
0x14e: {  	v12 =	vld.idx.msk [tilespmem:v3+s15+$0xC00 ss:$0x1], $0xffff  }
0x14f: {  	v13 =	vld.idx.msk [tilespmem:v3+s15+$0xC10 ss:$0x1], $0xffff  }
0x150: {  	v14 =	vld.idx.msk [tilespmem:v3+s15+$0xC20 ss:$0x1], $0xffff  }
0x151: {  	v15 =	vld.idx.msk [tilespmem:v3+s15+$0xC30 ss:$0x1], $0xffff  }
0x152: {  	v16 =	vld.idx.msk [tilespmem:v3+s15+$0xC40 ss:$0x1], $0xffff  }
0x153: {  	v17 =	vld.idx.msk [tilespmem:v3+s15+$0xC50 ss:$0x1], $0xffff  }
0x154: {  	v18 =	vld.idx.msk [tilespmem:v3+s15+$0xC60 ss:$0x1], $0xffff  }
0x155: {  	v19 =	vld.idx.msk [tilespmem:v3+s15+$0xC70 ss:$0x1], $0xffff  }
0x156: {  	[tilespmem:s14+$0x800] =	vst.add.f32.msk $0xffff, v4  }
0x157: {  	[tilespmem:s14+$0x810] =	vst.add.f32.msk $0xffff, v5  }
0x158: {  	[tilespmem:s14+$0x820] =	vst.add.f32.msk $0xffff, v6  }
0x159: {  	[tilespmem:s14+$0x830] =	vst.add.f32.msk $0xffff, v7  }
0x15a: {  	[tilespmem:s14+$0x840] =	vst.add.f32.msk $0xffff, v8  }
0x15b: {  	[tilespmem:s14+$0x850] =	vst.add.f32.msk $0xffff, v9  }
0x15c: {  	[tilespmem:s14+$0x860] =	vst.add.f32.msk $0xffff, v10  }
0x15d: {  	[tilespmem:s14+$0x870] =	vst.add.f32.msk $0xffff, v11  }
0x15e: {  	[tilespmem:s14+$0xC00] =	vst.add.f32.msk $0xffff, v12  }
0x15f: {  	[tilespmem:s14+$0xC10] =	vst.add.f32.msk $0xffff, v13  }
0x160: {  	[tilespmem:s14+$0xC20] =	vst.add.f32.msk $0xffff, v14  }
0x161: {  	[tilespmem:s14+$0xC30] =	vst.add.f32.msk $0xffff, v15  }
0x162: {  	[tilespmem:s14+$0xC40] =	vst.add.f32.msk $0xffff, v16  }
0x163: {  	[tilespmem:s14+$0xC50] =	vst.add.f32.msk $0xffff, v17  }
0x164: {  	[tilespmem:s14+$0xC60] =	vst.add.f32.msk $0xffff, v18  }
0x165: {  	[tilespmem:s14+$0xC70] =	vst.add.f32.msk $0xffff, v19  }
0x166: {  	[tilespmem:s14+$0x2800] =	vst.add.f32.msk $0xffff, v4  }
0x167: {  	[tilespmem:s14+$0x2810] =	vst.add.f32.msk $0xffff, v5  }
0x168: {  	[tilespmem:s14+$0x2820] =	vst.add.f32.msk $0xffff, v6  }
0x169: {  	[tilespmem:s14+$0x2830] =	vst.add.f32.msk $0xffff, v7  }
0x16a: {  	[tilespmem:s14+$0x2840] =	vst.add.f32.msk $0xffff, v8  }
0x16b: {  	[tilespmem:s14+$0x2850] =	vst.add.f32.msk $0xffff, v9  }
0x16c: {  	[tilespmem:s14+$0x2860] =	vst.add.f32.msk $0xffff, v10  }
0x16d: {  	[tilespmem:s14+$0x2870] =	vst.add.f32.msk $0xffff, v11  }
0x16e: {  	[tilespmem:s14+$0x2C00] =	vst.add.f32.msk $0xffff, v12  }
0x16f: {  	[tilespmem:s14+$0x2C10] =	vst.add.f32.msk $0xffff, v13  }
0x170: {  	[tilespmem:s14+$0x2C20] =	vst.add.f32.msk $0xffff, v14  }
0x171: {  	[tilespmem:s14+$0x2C30] =	vst.add.f32.msk $0xffff, v15  }
0x172: {  	[tilespmem:s14+$0x2C40] =	vst.add.f32.msk $0xffff, v16  }
0x173: {  	[tilespmem:s14+$0x2C50] =	vst.add.f32.msk $0xffff, v17  }
0x174: {  	[tilespmem:s14+$0x2C60] =	vst.add.f32.msk $0xffff, v18  }
0x175: {  	[tilespmem:s14+$0x2C70] =	vst.add.f32.msk $0xffff, v19  }
0x176: {  	[tilespmem:s14+$0x4800] =	vst.add.f32.msk $0xffff, v4  }
0x177: {  	[tilespmem:s14+$0x4810] =	vst.add.f32.msk $0xffff, v5  }
0x178: {  	[tilespmem:s14+$0x4820] =	vst.add.f32.msk $0xffff, v6  }
0x179: {  	[tilespmem:s14+$0x4830] =	vst.add.f32.msk $0xffff, v7  }
0x17a: {  	[tilespmem:s14+$0x4840] =	vst.add.f32.msk $0xffff, v8  }
0x17b: {  	[tilespmem:s14+$0x4850] =	vst.add.f32.msk $0xffff, v9  }
0x17c: {  	[tilespmem:s14+$0x4860] =	vst.add.f32.msk $0xffff, v10  }
0x17d: {  	[tilespmem:s14+$0x4870] =	vst.add.f32.msk $0xffff, v11  }
0x17e: {  	[tilespmem:s14+$0x4C00] =	vst.add.f32.msk $0xffff, v12  }
0x17f: {  	[tilespmem:s14+$0x4C10] =	vst.add.f32.msk $0xffff, v13  }
0x180: {  	[tilespmem:s14+$0x4C20] =	vst.add.f32.msk $0xffff, v14  }
0x181: {  	[tilespmem:s14+$0x4C30] =	vst.add.f32.msk $0xffff, v15  }
0x182: {  	[tilespmem:s14+$0x4C40] =	vst.add.f32.msk $0xffff, v16  }
0x183: {  	[tilespmem:s14+$0x4C50] =	vst.add.f32.msk $0xffff, v17  }
0x184: {  	[tilespmem:s14+$0x4C60] =	vst.add.f32.msk $0xffff, v18  }
0x185: {  	[tilespmem:s14+$0x4C70] =	vst.add.f32.msk $0xffff, v19  }
0x186: {  	[tilespmem:s14+$0x6800] =	vst.add.f32.msk $0xffff, v4  }
0x187: {  	[tilespmem:s14+$0x6810] =	vst.add.f32.msk $0xffff, v5  }
0x188: {  	[tilespmem:s14+$0x6820] =	vst.add.f32.msk $0xffff, v6  }
0x189: {  	[tilespmem:s14+$0x6830] =	vst.add.f32.msk $0xffff, v7  }
0x18a: {  	[tilespmem:s14+$0x6840] =	vst.add.f32.msk $0xffff, v8  }
0x18b: {  	[tilespmem:s14+$0x6850] =	vst.add.f32.msk $0xffff, v9  }
0x18c: {  	[tilespmem:s14+$0x6860] =	vst.add.f32.msk $0xffff, v10  }
0x18d: {  	[tilespmem:s14+$0x6870] =	vst.add.f32.msk $0xffff, v11  }
0x18e: {  	[tilespmem:s14+$0x6C00] =	vst.add.f32.msk $0xffff, v12  }
0x18f: {  	[tilespmem:s14+$0x6C10] =	vst.add.f32.msk $0xffff, v13  }
0x190: {  	[tilespmem:s14+$0x6C20] =	vst.add.f32.msk $0xffff, v14  }
0x191: {  	[tilespmem:s14+$0x6C30] =	vst.add.f32.msk $0xffff, v15  }
0x192: {  	[tilespmem:s14+$0x6C40] =	vst.add.f32.msk $0xffff, v16  }
0x193: {  	[tilespmem:s14+$0x6C50] =	vst.add.f32.msk $0xffff, v17  }
0x194: {  	[tilespmem:s14+$0x6C60] =	vst.add.f32.msk $0xffff, v18  }
0x195: {  	[tilespmem:s14+$0x6C70] =	vst.add.f32.msk $0xffff, v19  }
0x196: {  	v4 =	vld.idx.msk [tilespmem:v3+s15+$0x1000 ss:$0x1], $0xffff  }
0x197: {  	v5 =	vld.idx.msk [tilespmem:v3+s15+$0x1010 ss:$0x1], $0xffff  }
0x198: {  	v6 =	vld.idx.msk [tilespmem:v3+s15+$0x1020 ss:$0x1], $0xffff  }
0x199: {  	v7 =	vld.idx.msk [tilespmem:v3+s15+$0x1030 ss:$0x1], $0xffff  }
0x19a: {  	v8 =	vld.idx.msk [tilespmem:v3+s15+$0x1040 ss:$0x1], $0xffff  }
0x19b: {  	v9 =	vld.idx.msk [tilespmem:v3+s15+$0x1050 ss:$0x1], $0xffff  }
0x19c: {  	v10 =	vld.idx.msk [tilespmem:v3+s15+$0x1060 ss:$0x1], $0xffff  }
0x19d: {  	v11 =	vld.idx.msk [tilespmem:v3+s15+$0x1070 ss:$0x1], $0xffff  }
0x19e: {  	v12 =	vld.idx.msk [tilespmem:v3+s15+$0x1400 ss:$0x1], $0xffff  }
0x19f: {  	v13 =	vld.idx.msk [tilespmem:v3+s15+$0x1410 ss:$0x1], $0xffff  }
0x1a0: {  	v14 =	vld.idx.msk [tilespmem:v3+s15+$0x1420 ss:$0x1], $0xffff  }
0x1a1: {  	v15 =	vld.idx.msk [tilespmem:v3+s15+$0x1430 ss:$0x1], $0xffff  }
0x1a2: {  	v16 =	vld.idx.msk [tilespmem:v3+s15+$0x1440 ss:$0x1], $0xffff  }
0x1a3: {  	v17 =	vld.idx.msk [tilespmem:v3+s15+$0x1450 ss:$0x1], $0xffff  }
0x1a4: {  	v18 =	vld.idx.msk [tilespmem:v3+s15+$0x1460 ss:$0x1], $0xffff  }
0x1a5: {  	v19 =	vld.idx.msk [tilespmem:v3+s15+$0x1470 ss:$0x1], $0xffff  }
0x1a6: {  	[tilespmem:s14+$0x1000] =	vst.add.f32.msk $0xffff, v4  }
0x1a7: {  	[tilespmem:s14+$0x1010] =	vst.add.f32.msk $0xffff, v5  }
0x1a8: {  	[tilespmem:s14+$0x1020] =	vst.add.f32.msk $0xffff, v6  }
0x1a9: {  	[tilespmem:s14+$0x1030] =	vst.add.f32.msk $0xffff, v7  }
0x1aa: {  	[tilespmem:s14+$0x1040] =	vst.add.f32.msk $0xffff, v8  }
0x1ab: {  	[tilespmem:s14+$0x1050] =	vst.add.f32.msk $0xffff, v9  }
0x1ac: {  	[tilespmem:s14+$0x1060] =	vst.add.f32.msk $0xffff, v10  }
0x1ad: {  	[tilespmem:s14+$0x1070] =	vst.add.f32.msk $0xffff, v11  }
0x1ae: {  	[tilespmem:s14+$0x1400] =	vst.add.f32.msk $0xffff, v12  }
0x1af: {  	[tilespmem:s14+$0x1410] =	vst.add.f32.msk $0xffff, v13  }
0x1b0: {  	[tilespmem:s14+$0x1420] =	vst.add.f32.msk $0xffff, v14  }
0x1b1: {  	[tilespmem:s14+$0x1430] =	vst.add.f32.msk $0xffff, v15  }
0x1b2: {  	[tilespmem:s14+$0x1440] =	vst.add.f32.msk $0xffff, v16  }
0x1b3: {  	[tilespmem:s14+$0x1450] =	vst.add.f32.msk $0xffff, v17  }
0x1b4: {  	[tilespmem:s14+$0x1460] =	vst.add.f32.msk $0xffff, v18  }
0x1b5: {  	[tilespmem:s14+$0x1470] =	vst.add.f32.msk $0xffff, v19  }
0x1b6: {  	[tilespmem:s14+$0x3000] =	vst.add.f32.msk $0xffff, v4  }
0x1b7: {  	[tilespmem:s14+$0x3010] =	vst.add.f32.msk $0xffff, v5  }
0x1b8: {  	[tilespmem:s14+$0x3020] =	vst.add.f32.msk $0xffff, v6  }
0x1b9: {  	[tilespmem:s14+$0x3030] =	vst.add.f32.msk $0xffff, v7  }
0x1ba: {  	[tilespmem:s14+$0x3040] =	vst.add.f32.msk $0xffff, v8  }
0x1bb: {  	[tilespmem:s14+$0x3050] =	vst.add.f32.msk $0xffff, v9  }
0x1bc: {  	[tilespmem:s14+$0x3060] =	vst.add.f32.msk $0xffff, v10  }
0x1bd: {  	[tilespmem:s14+$0x3070] =	vst.add.f32.msk $0xffff, v11  }
0x1be: {  	[tilespmem:s14+$0x3400] =	vst.add.f32.msk $0xffff, v12  }
0x1bf: {  	[tilespmem:s14+$0x3410] =	vst.add.f32.msk $0xffff, v13  }
0x1c0: {  	[tilespmem:s14+$0x3420] =	vst.add.f32.msk $0xffff, v14  }
0x1c1: {  	[tilespmem:s14+$0x3430] =	vst.add.f32.msk $0xffff, v15  }
0x1c2: {  	[tilespmem:s14+$0x3440] =	vst.add.f32.msk $0xffff, v16  }
0x1c3: {  	[tilespmem:s14+$0x3450] =	vst.add.f32.msk $0xffff, v17  }
0x1c4: {  	[tilespmem:s14+$0x3460] =	vst.add.f32.msk $0xffff, v18  }
0x1c5: {  	[tilespmem:s14+$0x3470] =	vst.add.f32.msk $0xffff, v19  }
0x1c6: {  	[tilespmem:s14+$0x5000] =	vst.add.f32.msk $0xffff, v4  }
0x1c7: {  	[tilespmem:s14+$0x5010] =	vst.add.f32.msk $0xffff, v5  }
0x1c8: {  	[tilespmem:s14+$0x5020] =	vst.add.f32.msk $0xffff, v6  }
0x1c9: {  	[tilespmem:s14+$0x5030] =	vst.add.f32.msk $0xffff, v7  }
0x1ca: {  	[tilespmem:s14+$0x5040] =	vst.add.f32.msk $0xffff, v8  }
0x1cb: {  	[tilespmem:s14+$0x5050] =	vst.add.f32.msk $0xffff, v9  }
0x1cc: {  	[tilespmem:s14+$0x5060] =	vst.add.f32.msk $0xffff, v10  }
0x1cd: {  	[tilespmem:s14+$0x5070] =	vst.add.f32.msk $0xffff, v11  }
0x1ce: {  	[tilespmem:s14+$0x5400] =	vst.add.f32.msk $0xffff, v12  }
0x1cf: {  	[tilespmem:s14+$0x5410] =	vst.add.f32.msk $0xffff, v13  }
0x1d0: {  	[tilespmem:s14+$0x5420] =	vst.add.f32.msk $0xffff, v14  }
0x1d1: {  	[tilespmem:s14+$0x5430] =	vst.add.f32.msk $0xffff, v15  }
0x1d2: {  	[tilespmem:s14+$0x5440] =	vst.add.f32.msk $0xffff, v16  }
0x1d3: {  	[tilespmem:s14+$0x5450] =	vst.add.f32.msk $0xffff, v17  }
0x1d4: {  	[tilespmem:s14+$0x5460] =	vst.add.f32.msk $0xffff, v18  }
0x1d5: {  	[tilespmem:s14+$0x5470] =	vst.add.f32.msk $0xffff, v19  }
0x1d6: {  	[tilespmem:s14+$0x7000] =	vst.add.f32.msk $0xffff, v4  }
0x1d7: {  	[tilespmem:s14+$0x7010] =	vst.add.f32.msk $0xffff, v5  }
0x1d8: {  	[tilespmem:s14+$0x7020] =	vst.add.f32.msk $0xffff, v6  }
0x1d9: {  	[tilespmem:s14+$0x7030] =	vst.add.f32.msk $0xffff, v7  }
0x1da: {  	[tilespmem:s14+$0x7040] =	vst.add.f32.msk $0xffff, v8  }
0x1db: {  	[tilespmem:s14+$0x7050] =	vst.add.f32.msk $0xffff, v9  }
0x1dc: {  	[tilespmem:s14+$0x7060] =	vst.add.f32.msk $0xffff, v10  }
0x1dd: {  	[tilespmem:s14+$0x7070] =	vst.add.f32.msk $0xffff, v11  }
0x1de: {  	[tilespmem:s14+$0x7400] =	vst.add.f32.msk $0xffff, v12  }
0x1df: {  	[tilespmem:s14+$0x7410] =	vst.add.f32.msk $0xffff, v13  }
0x1e0: {  	[tilespmem:s14+$0x7420] =	vst.add.f32.msk $0xffff, v14  }
0x1e1: {  	[tilespmem:s14+$0x7430] =	vst.add.f32.msk $0xffff, v15  }
0x1e2: {  	[tilespmem:s14+$0x7440] =	vst.add.f32.msk $0xffff, v16  }
0x1e3: {  	[tilespmem:s14+$0x7450] =	vst.add.f32.msk $0xffff, v17  }
0x1e4: {  	[tilespmem:s14+$0x7460] =	vst.add.f32.msk $0xffff, v18  }
0x1e5: {  	[tilespmem:s14+$0x7470] =	vst.add.f32.msk $0xffff, v19  }
0x1e6: {  	v4 =	vld.idx.msk [tilespmem:v3+s15+$0x1800 ss:$0x1], $0xffff  }
0x1e7: {  	v5 =	vld.idx.msk [tilespmem:v3+s15+$0x1810 ss:$0x1], $0xffff  }
0x1e8: {  	v6 =	vld.idx.msk [tilespmem:v3+s15+$0x1820 ss:$0x1], $0xffff  }
0x1e9: {  	v7 =	vld.idx.msk [tilespmem:v3+s15+$0x1830 ss:$0x1], $0xffff  }
0x1ea: {  	v8 =	vld.idx.msk [tilespmem:v3+s15+$0x1840 ss:$0x1], $0xffff  }
0x1eb: {  	v9 =	vld.idx.msk [tilespmem:v3+s15+$0x1850 ss:$0x1], $0xffff  }
0x1ec: {  	v10 =	vld.idx.msk [tilespmem:v3+s15+$0x1860 ss:$0x1], $0xffff  }
0x1ed: {  	v11 =	vld.idx.msk [tilespmem:v3+s15+$0x1870 ss:$0x1], $0xffff  }
0x1ee: {  	v12 =	vld.idx.msk [tilespmem:v3+s15+$0x1C00 ss:$0x1], $0xffff  }
0x1ef: {  	v13 =	vld.idx.msk [tilespmem:v3+s15+$0x1C10 ss:$0x1], $0xffff  }
0x1f0: {  	v14 =	vld.idx.msk [tilespmem:v3+s15+$0x1C20 ss:$0x1], $0xffff  }
0x1f1: {  	v15 =	vld.idx.msk [tilespmem:v3+s15+$0x1C30 ss:$0x1], $0xffff  }
0x1f2: {  	v16 =	vld.idx.msk [tilespmem:v3+s15+$0x1C40 ss:$0x1], $0xffff  }
0x1f3: {  	v17 =	vld.idx.msk [tilespmem:v3+s15+$0x1C50 ss:$0x1], $0xffff  }
0x1f4: {  	v18 =	vld.idx.msk [tilespmem:v3+s15+$0x1C60 ss:$0x1], $0xffff  }
0x1f5: {  	v19 =	vld.idx.msk [tilespmem:v3+s15+$0x1C70 ss:$0x1], $0xffff  }
0x1f6: {  	[tilespmem:s14+$0x1800] =	vst.add.f32.msk $0xffff, v4  }
0x1f7: {  	[tilespmem:s14+$0x1810] =	vst.add.f32.msk $0xffff, v5  }
0x1f8: {  	[tilespmem:s14+$0x1820] =	vst.add.f32.msk $0xffff, v6  }
0x1f9: {  	[tilespmem:s14+$0x1830] =	vst.add.f32.msk $0xffff, v7  }
0x1fa: {  	[tilespmem:s14+$0x1840] =	vst.add.f32.msk $0xffff, v8  }
0x1fb: {  	[tilespmem:s14+$0x1850] =	vst.add.f32.msk $0xffff, v9  }
0x1fc: {  	[tilespmem:s14+$0x1860] =	vst.add.f32.msk $0xffff, v10  }
0x1fd: {  	[tilespmem:s14+$0x1870] =	vst.add.f32.msk $0xffff, v11  }
0x1fe: {  	[tilespmem:s14+$0x1C00] =	vst.add.f32.msk $0xffff, v12  }
0x1ff: {  	[tilespmem:s14+$0x1C10] =	vst.add.f32.msk $0xffff, v13  }
0x200: {  	[tilespmem:s14+$0x1C20] =	vst.add.f32.msk $0xffff, v14  }
0x201: {  	[tilespmem:s14+$0x1C30] =	vst.add.f32.msk $0xffff, v15  }
0x202: {  	[tilespmem:s14+$0x1C40] =	vst.add.f32.msk $0xffff, v16  }
0x203: {  	[tilespmem:s14+$0x1C50] =	vst.add.f32.msk $0xffff, v17  }
0x204: {  	[tilespmem:s14+$0x1C60] =	vst.add.f32.msk $0xffff, v18  }
0x205: {  	[tilespmem:s14+$0x1C70] =	vst.add.f32.msk $0xffff, v19  }
0x206: {  	[tilespmem:s14+$0x3800] =	vst.add.f32.msk $0xffff, v4  }
0x207: {  	[tilespmem:s14+$0x3810] =	vst.add.f32.msk $0xffff, v5  }
0x208: {  	[tilespmem:s14+$0x3820] =	vst.add.f32.msk $0xffff, v6  }
0x209: {  	[tilespmem:s14+$0x3830] =	vst.add.f32.msk $0xffff, v7  }
0x20a: {  	[tilespmem:s14+$0x3840] =	vst.add.f32.msk $0xffff, v8  }
0x20b: {  	[tilespmem:s14+$0x3850] =	vst.add.f32.msk $0xffff, v9  }
0x20c: {  	[tilespmem:s14+$0x3860] =	vst.add.f32.msk $0xffff, v10  }
0x20d: {  	[tilespmem:s14+$0x3870] =	vst.add.f32.msk $0xffff, v11  }
0x20e: {  	[tilespmem:s14+$0x3C00] =	vst.add.f32.msk $0xffff, v12  }
0x20f: {  	[tilespmem:s14+$0x3C10] =	vst.add.f32.msk $0xffff, v13  }
0x210: {  	[tilespmem:s14+$0x3C20] =	vst.add.f32.msk $0xffff, v14  }
0x211: {  	[tilespmem:s14+$0x3C30] =	vst.add.f32.msk $0xffff, v15  }
0x212: {  	[tilespmem:s14+$0x3C40] =	vst.add.f32.msk $0xffff, v16  }
0x213: {  	[tilespmem:s14+$0x3C50] =	vst.add.f32.msk $0xffff, v17  }
0x214: {  	[tilespmem:s14+$0x3C60] =	vst.add.f32.msk $0xffff, v18  }
0x215: {  	[tilespmem:s14+$0x3C70] =	vst.add.f32.msk $0xffff, v19  }
0x216: {  	[tilespmem:s14+$0x5800] =	vst.add.f32.msk $0xffff, v4  }
0x217: {  	[tilespmem:s14+$0x5810] =	vst.add.f32.msk $0xffff, v5  }
0x218: {  	[tilespmem:s14+$0x5820] =	vst.add.f32.msk $0xffff, v6  }
0x219: {  	[tilespmem:s14+$0x5830] =	vst.add.f32.msk $0xffff, v7  }
0x21a: {  	[tilespmem:s14+$0x5840] =	vst.add.f32.msk $0xffff, v8  }
0x21b: {  	[tilespmem:s14+$0x5850] =	vst.add.f32.msk $0xffff, v9  }
0x21c: {  	[tilespmem:s14+$0x5860] =	vst.add.f32.msk $0xffff, v10  }
0x21d: {  	[tilespmem:s14+$0x5870] =	vst.add.f32.msk $0xffff, v11  }
0x21e: {  	[tilespmem:s14+$0x5C00] =	vst.add.f32.msk $0xffff, v12  }
0x21f: {  	[tilespmem:s14+$0x5C10] =	vst.add.f32.msk $0xffff, v13  }
0x220: {  	[tilespmem:s14+$0x5C20] =	vst.add.f32.msk $0xffff, v14  }
0x221: {  	[tilespmem:s14+$0x5C30] =	vst.add.f32.msk $0xffff, v15  }
0x222: {  	[tilespmem:s14+$0x5C40] =	vst.add.f32.msk $0xffff, v16  }
0x223: {  	[tilespmem:s14+$0x5C50] =	vst.add.f32.msk $0xffff, v17  }
0x224: {  	[tilespmem:s14+$0x5C60] =	vst.add.f32.msk $0xffff, v18  }
0x225: {  	[tilespmem:s14+$0x5C70] =	vst.add.f32.msk $0xffff, v19  }
0x226: {  	[tilespmem:s14+$0x7800] =	vst.add.f32.msk $0xffff, v4  }
0x227: {  	[tilespmem:s14+$0x7810] =	vst.add.f32.msk $0xffff, v5  }
0x228: {  	[tilespmem:s14+$0x7820] =	vst.add.f32.msk $0xffff, v6  }
0x229: {  	[tilespmem:s14+$0x7830] =	vst.add.f32.msk $0xffff, v7  }
0x22a: {  	[tilespmem:s14+$0x7840] =	vst.add.f32.msk $0xffff, v8  }
0x22b: {  	[tilespmem:s14+$0x7850] =	vst.add.f32.msk $0xffff, v9  }
0x22c: {  	[tilespmem:s14+$0x7860] =	vst.add.f32.msk $0xffff, v10  }
0x22d: {  	[tilespmem:s14+$0x7870] =	vst.add.f32.msk $0xffff, v11  }
0x22e: {  	[tilespmem:s14+$0x7C00] =	vst.add.f32.msk $0xffff, v12  }
0x22f: {  	[tilespmem:s14+$0x7C10] =	vst.add.f32.msk $0xffff, v13  }
0x230: {  	p0 =	sne.s32 s6, $0x7;
	[tilespmem:s14+$0x7C20] =	vst.add.f32.msk $0xffff, v14  }
.Ltmp2:
0x231: {  	[tilespmem:s14+$0x7C30] =	vst.add.f32.msk $0xffff, v15;
	(pc) =	sbr.rel @p0 .LBB2_7-.Ltmp2, $4  }
0x232: {  	[tilespmem:s14+$0x7C40] =	vst.add.f32.msk $0xffff, v16  }
0x233: {  	[tilespmem:s14+$0x7C50] =	vst.add.f32.msk $0xffff, v17  }
0x234: {  	[tilespmem:s14+$0x7C60] =	vst.add.f32.msk $0xffff, v18  }
0x235: {  	s6 =	sadd.s32 $0x1, s6;
	[tilespmem:s14+$0x7C70] =	vst.add.f32.msk $0xffff, v19  }
0x236: {  	s6 =	sshll.u32 s29, $0xA  }
0x237: {  	s14 =	sshll.u32 s31, $0x2;
	s29 =	sadd.s32 $0x1, s29;
	s6 =	sadd.s32 s5, s6  }
0x238: {  	s15 =	sadd.s32 $0x6, s14;
	p0 =	sne.s32 s29, $0x20;
	s31 =	sadd.s32 s3, s6  }
0x239: {  	[hbm4b:s31+s4] =	stream.linear.scatter [tilespmem:s0], [sflag:s15], $0x2000, $0x38;
	[tilespmem:$0x1D000] =	vst v63  }
0x23a: {  	s0 =	sadd.s32 $0x3000, s30;
	s15 =	sadd.s32 $0x7, s14;
	s31 =	sadd.s32 s6, s11  }
0x23b: {  	[hbm4b:s31+s4] =	stream.linear.scatter [tilespmem:s0], [sflag:s15], $0x2000, $0x38;
	[tilespmem:$0x1D000] =	vst v63  }
.Ltmp3:
0x23c: {  	_ = 	snop;
	(pc) =	sbr.rel @p0 .LBB2_2-.Ltmp3, $4  }
0x23d: {  	s0 =	sadd.s32 $0x5000, s30;
	s15 =	sadd.s32 $0x8, s14;
	s31 =	sadd.s32 s6, s12  }
0x23e: {  	[hbm4b:s31+s4] =	stream.linear.scatter [tilespmem:s0], [sflag:s15], $0x2000, $0x38;
	[tilespmem:$0x1D000] =	vst v63  }
0x23f: {  	s14 =	sadd.s32 $0x9, s14;
	s6 =	sadd.s32 s6, s13;
	s31 =	sadd.s32 $0x7000, s30  }
0x240: {  	[hbm4b:s6+s4] =	stream.linear.scatter [tilespmem:s31], [sflag:s14], $0x2000, $0x38;
	[tilespmem:$0x1D000] =	vst v63  }
0x241: {  	_ =	swait.ge [sflag:s1], $0x2000  }
0x242: {  	[sflag:s1] =	ssyncset.done $0x0  }
0x243: {  	[sflag:s1] =	ssyncadd.s32 $0xFFFFE000  }
0x244: {  	_ =	swait.ge [sflag:s16], $0x2000  }
0x245: {  	[sflag:s16] =	ssyncset.done $0x0  }
0x246: {  	[sflag:s16] =	ssyncadd.s32 $0xFFFFE000  }
0x247: {  	_ =	swait.ge [sflag:s17], $0x2000  }
0x248: {  	[sflag:s17] =	ssyncset.done $0x0  }
0x249: {  	[sflag:s17] =	ssyncadd.s32 $0xFFFFE000  }
0x24a: {  	_ =	swait.ge [sflag:s18], $0x2000  }
0x24b: {  	[sflag:s18] =	ssyncset.done $0x0  }
0x24c: {  	[sflag:s18] =	ssyncadd.s32 $0xFFFFE000  }
0x24d: {  	_ =	swait.ge [sflag:s19], $0x2000  }
0x24e: {  	[sflag:s19] =	ssyncset.done $0x0  }
0x24f: {  	[sflag:s19] =	ssyncadd.s32 $0xFFFFE000  }
0x250: {  	_ =	swait.ge [sflag:s20], $0x2000  }
0x251: {  	[sflag:s20] =	ssyncset.done $0x0  }
0x252: {  	[sflag:s20] =	ssyncadd.s32 $0xFFFFE000  }
0x253: {  	_ =	swait.ge [sflag:s21], $0x2000  }
0x254: {  	[sflag:s21] =	ssyncset.done $0x0  }
0x255: {  	[sflag:s21] =	ssyncadd.s32 $0xFFFFE000  }
0x256: {  	_ =	swait.ge [sflag:s22], $0x2000  }
0x257: {  	[sflag:s22] =	ssyncset.done $0x0  }
0x258: {  	[sflag:s22] =	ssyncadd.s32 $0xFFFFE000  }
0x259: {  	_ =	swait.ge [sflag:s23], $0x2000  }
0x25a: {  	[sflag:s23] =	ssyncset.done $0x0  }
0x25b: {  	[sflag:s23] =	ssyncadd.s32 $0xFFFFE000  }
0x25c: {  	_ =	swait.ge [sflag:s24], $0x2000  }
0x25d: {  	[sflag:s24] =	ssyncset.done $0x0  }
0x25e: {  	[sflag:s24] =	ssyncadd.s32 $0xFFFFE000  }
0x25f: {  	_ =	swait.ge [sflag:s25], $0x2000  }
0x260: {  	[sflag:s25] =	ssyncset.done $0x0  }
0x261: {  	[sflag:s25] =	ssyncadd.s32 $0xFFFFE000  }
0x262: {  	_ =	swait.ge [sflag:s26], $0x2000  }
0x263: {  	s28 =	sadd.s32 $0x1, s28;
	s0 =	rddreg [dreg:$0x6]  }
0x264: {  	p0 =	sne.s32 s28, s0  }
.Ltmp4:
0x265: {  	_ = 	snop;
	(pc) =	sbr.rel @p0 .LBB2_1-.Ltmp4, $3  }
0x266: {  	_ =	sdelay $0x1  }
0x267: {  	[sflag:s26] =	ssyncset.done $0x0  }
0x268: {  	[sflag:s26] =	ssyncadd.s32 $0xFFFFE000  }
0x269: {  	_ =	sfence.sel $0x180000  }
0x26a: {  	[bflag:$0x0] =	sbarrier.arrive $0xFFFF  }
0x26b: {  	_ =	strace $0x90000047  }
0x26c: {  	s0 =	stileid.u32;
	[bflag:$0x2] =	sbarrier.arrive $0xFFFF  }
0x26d: {  	p0 =	sne.s32 s0, $0x0;
	s0 =	rddreg [dreg:$0x4]  }
0x26e: {  	s0 =	sadd.s32 @!p0 $0x100000, s0  }
0x26f: {  	[sflag:s0] =	ssyncadd.tile.s32 @!p0 $0x1;
	_ =	shalt  }
.Lfunc_end2:
_tile_overlayer_lowered:
.L_overlay_start_2:
0x270: {  	(tag) =	ssettag $0x2  }
0x271: {  	s0 =	rddreg [dreg:$0x0];
	s2 =	stileid.u32  }
0x272: {  	s1 =	rddreg [dreg:$0x1];
	p0 =	sne.s32 s2, $0x0  }
0x273: {  	s3 =	rddreg [dreg:$0x2];
	[bflag:$0x3] =	sbarrier.arrive $0xFFFF;
	s2 =	simm.s32 @!p0 $0x1C12  }
0x274: {  	[timem:s3], [sflag:s2] =	dma.local @!p0 [hbm:s0], s1  }
0x275: {  	s0 =	simm.s32 @!p0 $0x12  }
0x276: {  	_ =	swait.ge @!p0 [sflag:s0], s1  }
0x277: {  	s1 =	ssub.s32 @!p0 $0x0, s1;
	[sflag:s0] =	ssyncset.done @!p0 $0x0  }
0x278: {  	[sflag:s0] =	ssyncadd.s32 @!p0 s1  }
0x279: {  	[bflag:$0x3] =	sbarrier.arrive $0xFFFF  }
0x27a: {  	_ =	shalt  }

</sc_bundles>
